<compile_context>
chip_gen: v7x
topology: tpu7x:2x2x1
jax: 0.10.2.dev20260603
libtpu: 0.0.44.dev20260713+nightly
codegen_flags: <defaults>
</compile_context>

<pallas_src>
import functools

import jax
import jax.numpy as jnp
from jax import lax
from jax.experimental import pallas as pl
from jax.experimental.pallas import tpu as pltpu
from jax.experimental.pallas import tpu_sc as plsc

N = 100000
E = 3200000
NC, NS, L = 2, 16, 16
NW = NC * NS
SUB = 128
EPT = 100352
E_PAD = EPT * NW
N_ACC = 100352
RPT = N_ACC // NS
NROW = 3584
NGRID = 28


@functools.cache
def _mesh():
    return plsc.VectorSubcoreMesh(core_axis_name="c", subcore_axis_name="s",
                                  num_cores=NC, num_subcores=NS)


def _leaky02(x):
    return jnp.where(x > 0, x, 0.2 * x)


def _compute_group1(gs, gd, dpv, contrib, abv, g):
    rowv = lax.iota(jnp.int32, L) + g * L
    cols = [jnp.full((L,), f, jnp.int32) for f in range(16)]
    g1 = [plsc.load_gather(gs, [dpv, rowv, cols[f]]) for f in range(12)]
    g2 = [plsc.load_gather(gd, [dpv, rowv, cols[f]]) for f in range(12)]
    e = [_leaky02(g1[f] + g2[f]) for f in range(12)]
    la0 = abv[0] * e[0]
    la1 = abv[1] * e[1]
    ld0 = abv[2] * e[2]
    for f in range(3, 7):
        ld0 = ld0 + abv[f] * e[f]
    ld1 = abv[7] * e[7]
    for f in range(8, 12):
        ld1 = ld1 + abv[f] * e[f]
    wa0 = jnp.exp(la0)
    wa1 = jnp.exp(la1)
    wd0 = jnp.exp(ld0)
    wd1 = jnp.exp(ld1)
    out = [wa0, wa1, wa0 * g1[0], wa1 * g1[1], wd0, wd1]
    out += [wd0 * g1[2 + f] for f in range(5)]
    out += [wd1 * g1[7 + f] for f in range(5)]
    for ci in range(16):
        plsc.store_scatter(contrib, [rowv, cols[ci]], out[ci])


def _compute_group2(gs, gd, dpv, contrib, abv, g):
    rowv = lax.iota(jnp.int32, L) + g * L
    cols = [jnp.full((L,), f, jnp.int32) for f in range(8)]
    g1 = [plsc.load_gather(gs, [dpv, rowv, cols[f]]) for f in range(4)]
    g2 = [plsc.load_gather(gd, [dpv, rowv, cols[4 + f]]) for f in range(4)]
    e = [_leaky02(g1[f] + g2[f]) for f in range(4)]
    l0 = abv[0] * e[0] + abv[1] * e[1]
    l1 = abv[2] * e[2] + abv[3] * e[3]
    w0 = jnp.exp(l0)
    w1 = jnp.exp(l1)
    zero = jnp.zeros((L,), jnp.float32)
    out = [w0, w1, w0 * g1[0], w0 * g1[1], w1 * g1[2], w1 * g1[3],
           zero, zero]
    for ci in range(8):
        plsc.store_scatter(contrib, [rowv, cols[ci]], out[ci])


def _edge_body(W, compute_group, BLK, NSUB, NBLK):

    def body(tsrc_hbm, tdst_hbm, idx_hbm, ab_hbm, z_hbm, out_hbm,
             ib, gs, gd, contrib, abv, acc, isem, gsem, ssem):
        c = lax.axis_index("c")
        s = lax.axis_index("s")
        wid = c * NS + s

        pltpu.sync_copy(z_hbm, acc.at[pl.ds(s * RPT, RPT)])
        pltpu.sync_copy(ab_hbm, abv)
        plsc.subcore_barrier()
        base_row = wid * (EPT // SUB)
        pltpu.sync_copy(idx_hbm.at[pl.ds(base_row, NSUB)], ib.at[0])

        def drain_idx():
            pltpu.make_async_copy(
                idx_hbm.at[pl.ds(0, NSUB)], ib.at[0], isem).wait()

        def drain_gathers():
            pltpu.make_async_copy(
                tsrc_hbm.at[pl.ds(0, BLK)], gs.at[0], gsem).wait()
            pltpu.make_async_copy(
                tsrc_hbm.at[pl.ds(0, BLK)], gd.at[0], gsem).wait()

        def drain_scatters():
            pltpu.make_async_copy(
                tsrc_hbm.at[pl.ds(0, BLK)], contrib, ssem).wait()

        def step(i, carry):
            dp = lax.rem(i, 2)
            sl_cur = lax.rem(i, 3)
            sl_nxt = lax.rem(i + 1, 3)
            sl_prv = lax.rem(i + 2, 3)

            @pl.when(i >= 2)
            def _():
                drain_scatters()

            @pl.when(i >= 1)
            def _():
                drain_gathers()

            @pl.when(i <= NBLK - 1)
            def _():
                @pl.when(i >= 1)
                def _():
                    drain_idx()

                rown = base_row + jnp.minimum(i + 1, NBLK - 1) * NSUB
                pltpu.async_copy(idx_hbm.at[pl.ds(rown, NSUB)],
                                 ib.at[sl_nxt], isem)
                for q in range(NSUB):
                    pltpu.async_copy(
                        tsrc_hbm.at[ib.at[sl_cur, q, 0]],
                        gs.at[dp].at[pl.ds(q * SUB, SUB)], gsem)
                    pltpu.async_copy(
                        tdst_hbm.at[ib.at[sl_cur, q, 1]],
                        gd.at[dp].at[pl.ds(q * SUB, SUB)], gsem)

            @pl.when(i >= 1)
            def _():
                dpv = jnp.full((L,), 1 - dp, jnp.int32)

                def grp(g, cc):
                    compute_group(gs, gd, dpv, contrib, abv, g)
                    return cc

                for q in range(NSUB):
                    lax.fori_loop(q * (SUB // L), (q + 1) * (SUB // L),
                                  grp, 0)
                    pltpu.async_copy(contrib.at[pl.ds(q * SUB, SUB)],
                                     acc.at[ib.at[sl_prv, q, 1]], ssem,
                                     add=True)

            return carry

        lax.fori_loop(0, NBLK + 1, step, 0)
        drain_scatters()
        drain_idx()
        plsc.subcore_barrier()
        pltpu.sync_copy(acc.at[pl.ds(s * RPT, RPT)],
                        out_hbm.at[c].at[pl.ds(s * RPT, RPT)])

    return body


@functools.cache
def _sc_pass_kernel(W, nab, pass_id, blk):
    compute_group = _compute_group1 if pass_id == 1 else _compute_group2
    BLK, NSUB, NBLK = blk, blk // SUB, EPT // blk
    return pl.kernel(
        _edge_body(W, compute_group, BLK, NSUB, NBLK),
        out_type=jax.ShapeDtypeStruct((NC, N_ACC, W), jnp.float32),
        mesh=_mesh(),
        scratch_types=[
            pltpu.VMEM((3, NSUB, 2, SUB), jnp.int32),
            pltpu.VMEM((2, BLK, W), jnp.float32),
            pltpu.VMEM((2, BLK, W), jnp.float32),
            pltpu.VMEM((BLK, W), jnp.float32),
            pltpu.VMEM((nab, 16), jnp.float32),
            pltpu.VMEM_SHARED((N_ACC, W), jnp.float32),
            pltpu.SemaphoreType.DMA,
            pltpu.SemaphoreType.DMA,
            pltpu.SemaphoreType.DMA,
        ],
        compiler_params=pltpu.CompilerParams(
            needs_layout_passes=False, use_tc_tiling_on_sc=False),
    )


def _sc_pass1(tsrc, tdst, idx_sd, ab, z):
    return _sc_pass_kernel(16, 12, 1, 256)(tsrc, tdst, idx_sd, ab, z)


def _sc_pass2(t2, idx_sd, ab, z):
    return _sc_pass_kernel(8, 4, 2, 1024)(t2, t2, idx_sd, ab, z)


def _t1_body(x_ref, ws_ref, bs_ref, wd_ref, bd_ref, wr_ref, br_ref,
             tsrc_ref, tdst_ref, res_ref):
    x5 = x_ref[:, :5]
    tsrc_ref[...] = jnp.dot(x5, ws_ref[...],
                            preferred_element_type=jnp.float32) + bs_ref[...]
    tdst_ref[...] = jnp.dot(x5, wd_ref[...],
                            preferred_element_type=jnp.float32) + bd_ref[...]
    res_ref[...] = jnp.dot(x5, wr_ref[...],
                           preferred_element_type=jnp.float32) + br_ref[...]


def _elu(x):
    return jnp.where(x > 0, x, jnp.exp(x) - 1.0)


def _t2_body(p_ref, res_ref, wc_ref, bc_ref, hatt_ref, t2_ref, res2_ref):
    pa = p_ref[0] + p_ref[1]
    den_a = pa[:, 0:2] + 1e-9
    rst_a = pa[:, 2:4]
    den_d = pa[:, 4:6] + 1e-9
    rst_d = pa[:, 6:16]
    h_att = _elu(rst_a / den_a + res_ref[:, 0:2])
    den_dx = jnp.concatenate(
        [jnp.broadcast_to(den_d[:, 0:1], (NROW, 5)),
         jnp.broadcast_to(den_d[:, 1:2], (NROW, 5))], axis=1)
    h_def = _elu(rst_d / den_dx + res_ref[:, 2:12])
    hw = jnp.dot(h_def, wc_ref[...],
                 preferred_element_type=jnp.float32) + bc_ref[...]
    hatt_ref[...] = h_att
    t2_ref[...] = hw[:, 0:8]
    res2_ref[...] = hw[:, 8:12]


def _t3_body(p_ref, res2_ref, hatt_ref, x_ref,
             w1_ref, b1_ref, w2_ref, b2_ref, w3_ref, b3_ref, w4_ref, b4_ref,
             out_ref):
    pa = p_ref[0] + p_ref[1]
    den = pa[:, 0:2] + 1e-9
    rst = pa[:, 2:6]
    den_x = jnp.concatenate(
        [jnp.broadcast_to(den[:, 0:1], (NROW, 2)),
         jnp.broadcast_to(den[:, 1:2], (NROW, 2))], axis=1)
    h_def2 = _elu(rst / den_x + res2_ref[...])
    z = jnp.concatenate(
        [hatt_ref[...], h_def2, x_ref[...],
         jnp.zeros((NROW, 2), jnp.float32)], axis=1)

    def lk(v):
        return jnp.where(v > 0, v, 0.01 * v)

    h = lk(jnp.dot(z, w1_ref[...],
                   preferred_element_type=jnp.float32) + b1_ref[...])
    h = lk(jnp.dot(h, w2_ref[...],
                   preferred_element_type=jnp.float32) + b2_ref[...])
    h = lk(jnp.dot(h, w3_ref[...],
                   preferred_element_type=jnp.float32) + b3_ref[...])
    o = jnp.dot(h, w4_ref[...],
                preferred_element_type=jnp.float32) + b4_ref[...]
    out_ref[...] = 1.0 / (1.0 + jnp.exp(-o[:, 0:1]))


def _row_spec(w):
    return pl.BlockSpec((NROW, w), lambda i: (i, 0))


def _full_spec(shape):
    return pl.BlockSpec(shape, lambda i: tuple(0 for _ in shape))


def kernel(inputs, edge_index, params):
    p = params
    f32 = jnp.float32

    src = edge_index[0].astype(jnp.int32)
    dst = edge_index[1].astype(jnp.int32)
    pad = E_PAD - E
    src_r = jnp.concatenate([src, jnp.zeros((pad,), jnp.int32)]
                            ).reshape(E_PAD // SUB, SUB)
    dst_r = jnp.concatenate([dst, jnp.full((pad,), N, jnp.int32)]
                            ).reshape(E_PAD // SUB, SUB)
    idx_sd = jnp.stack([src_r, dst_r], axis=1)

    ws1 = jnp.concatenate([p['Ws_a'], p['Ws_d1'],
                           jnp.zeros((5, 4), f32)], axis=1)
    bs1 = jnp.concatenate([p['bs_a'], p['bs_d1'],
                           jnp.zeros((4,), f32)]).reshape(1, 16)
    wd1 = jnp.concatenate([p['Wd_a'], p['Wd_d1'],
                           jnp.zeros((5, 4), f32)], axis=1)
    bd1 = jnp.concatenate([p['bd_a'], p['bd_d1'],
                           jnp.zeros((4,), f32)]).reshape(1, 16)
    wr1 = jnp.concatenate([p['Wr_a'], p['Wr_d1']], axis=1)
    br1 = jnp.concatenate([p['br_a'], p['br_d1']]).reshape(1, 12)

    ab1 = jnp.concatenate([p['attn_a'].reshape(-1),
                           p['attn_d1'].reshape(-1)])
    ab1 = jnp.broadcast_to(ab1[:, None], (12, 16)).astype(f32)
    ab2 = jnp.broadcast_to(p['attn_d2'].reshape(-1)[:, None], (4, 16))

    wc = jnp.concatenate([p['Ws_d2'], p['Wd_d2'], p['Wr_d2']], axis=1)
    bc = jnp.concatenate([p['bs_d2'], p['bd_d2'], p['br_d2']]).reshape(1, 12)

    w1p = jnp.zeros((16, 256), f32).at[:14, :196].set(p['W1'])
    b1p = jnp.zeros((1, 256), f32).at[0, :196].set(p['b1'])
    w2p = jnp.zeros((256, 256), f32).at[:196, :196].set(p['W2'])
    b2p = jnp.zeros((1, 256), f32).at[0, :196].set(p['b2'])
    w3p = jnp.zeros((256, 16), f32).at[:196, :14].set(p['W3'])
    b3p = jnp.zeros((1, 16), f32).at[0, :14].set(p['b3'])
    w4p = jnp.zeros((16, 8), f32).at[:14, 0:1].set(p['W4'])
    b4p = jnp.zeros((1, 8), f32).at[0, 0:1].set(p['b4'])

    z16 = jnp.zeros((RPT, 16), f32)
    z8 = jnp.zeros((RPT, 8), f32)

    tsrc, tdst, res1 = pl.pallas_call(
        _t1_body,
        grid=(NGRID,),
        in_specs=[_row_spec(8), _full_spec((5, 16)), _full_spec((1, 16)),
                  _full_spec((5, 16)), _full_spec((1, 16)),
                  _full_spec((5, 12)), _full_spec((1, 12))],
        out_specs=[_row_spec(16), _row_spec(16), _row_spec(12)],
        out_shape=[jax.ShapeDtypeStruct((N_ACC, 16), f32),
                   jax.ShapeDtypeStruct((N_ACC, 16), f32),
                   jax.ShapeDtypeStruct((N, 12), f32)],
    )(inputs, ws1, bs1, wd1, bd1, wr1, br1)

    p1 = _sc_pass1(tsrc, tdst, idx_sd, ab1, z16)

    hatt, t2, res2 = pl.pallas_call(
        _t2_body,
        grid=(NGRID,),
        in_specs=[pl.BlockSpec((NC, NROW, 16), lambda i: (0, i, 0)),
                  _row_spec(12), _full_spec((10, 12)), _full_spec((1, 12))],
        out_specs=[_row_spec(2), _row_spec(8), _row_spec(4)],
        out_shape=[jax.ShapeDtypeStruct((N, 2), f32),
                   jax.ShapeDtypeStruct((N_ACC, 8), f32),
                   jax.ShapeDtypeStruct((N, 4), f32)],
    )(p1, res1, wc, bc)

    p2 = _sc_pass2(t2, idx_sd, ab2, z8)

    out = pl.pallas_call(
        _t3_body,
        grid=(NGRID,),
        in_specs=[pl.BlockSpec((NC, NROW, 8), lambda i: (0, i, 0)),
                  _row_spec(4), _row_spec(2), _row_spec(8),
                  _full_spec((16, 256)), _full_spec((1, 256)),
                  _full_spec((256, 256)), _full_spec((1, 256)),
                  _full_spec((256, 16)), _full_spec((1, 16)),
                  _full_spec((16, 8)), _full_spec((1, 8))],
        out_specs=[_row_spec(1)],
        out_shape=[jax.ShapeDtypeStruct((N, 1), f32)],
    )(p2, res2, hatt, inputs, w1p, b1p, w2p, b2p, w3p, b3p, w4p, b4p)

    return out[0]

# --- scband reference (transcript-rebuilt; emitter-appended) ---
"""Pipeline reference for scband-gat-47321949667761 (READ-ONLY COPY).

The authoritative reference and input builder live on the scoring server;
editing this copy changes nothing except your own understanding.
"""

import jax, jax.numpy as jnp
import numpy as np

N_NODES = 100000
N_EDGES = 3200000


def _gatv2(x, src, dst, Ws, bs, Wd, bd, attn, Wr, br, H, F):
    # Faithful DGL GATv2Conv: e_ij = attn . leaky_relu(Wsrc x_i + Wdst x_j),
    # edge_softmax over incoming edges per dst, residual via res_fc, elu activation.
    N = x.shape[0]
    fs = (x @ Ws + bs).reshape(-1, H, F)
    fd = (x @ Wd + bd).reshape(-1, H, F)
    e = jax.nn.leaky_relu(fs[src] + fd[dst], negative_slope=0.2)  # [E,H,F]
    logits = (e * attn[None, :, :]).sum(-1)  # [E,H]
    m = jax.ops.segment_max(logits, dst, num_segments=N)
    m = jax.lax.stop_gradient(jnp.where(jnp.isfinite(m), m, 0.0))
    ex = jnp.exp(logits - m[dst])
    den = jax.ops.segment_sum(ex, dst, num_segments=N)
    a = ex / (den[dst] + 1e-9)  # [E,H]
    rst = jax.ops.segment_sum(fs[src] * a[:, :, None], dst, num_segments=N)  # [N,H,F]
    rst = rst + (x @ Wr + br).reshape(-1, H, F)  # residual (in != H*out -> linear res_fc)
    return jax.nn.elu(rst)


def _init_params(key):
    ks = list(jax.random.split(key, 32))
    def lin(k, i, o):
        s = 1.0 / np.sqrt(i)
        return jax.random.uniform(k, (i, o), minval=-s, maxval=s, dtype=jnp.float32)
    def vec(k, shape, i):
        s = 1.0 / np.sqrt(i)
        return jax.random.uniform(k, shape, minval=-s, maxval=s, dtype=jnp.float32)
    p = {}
    # gat_att1: in=5, out=1, heads=2
    p['Ws_a'] = lin(ks[0], 5, 2);  p['bs_a'] = vec(ks[1], (2,), 5)
    p['Wd_a'] = lin(ks[2], 5, 2);  p['bd_a'] = vec(ks[3], (2,), 5)
    p['attn_a'] = jax.random.normal(ks[4], (2, 1), dtype=jnp.float32) * 0.5
    p['Wr_a'] = lin(ks[5], 5, 2);  p['br_a'] = vec(ks[6], (2,), 5)
    # gat_def1: in=5, out=5, heads=2
    p['Ws_d1'] = lin(ks[7], 5, 10);  p['bs_d1'] = vec(ks[8], (10,), 5)
    p['Wd_d1'] = lin(ks[9], 5, 10);  p['bd_d1'] = vec(ks[10], (10,), 5)
    p['attn_d1'] = jax.random.normal(ks[11], (2, 5), dtype=jnp.float32) * 0.5
    p['Wr_d1'] = lin(ks[12], 5, 10);  p['br_d1'] = vec(ks[13], (10,), 5)
    # gat_def2: in=10, out=2, heads=2
    p['Ws_d2'] = lin(ks[14], 10, 4);  p['bs_d2'] = vec(ks[15], (4,), 10)
    p['Wd_d2'] = lin(ks[16], 10, 4);  p['bd_d2'] = vec(ks[17], (4,), 10)
    p['attn_d2'] = jax.random.normal(ks[18], (2, 2), dtype=jnp.float32) * 0.5
    p['Wr_d2'] = lin(ks[19], 10, 4);  p['br_d2'] = vec(ks[20], (4,), 10)
    # MLP: input_features = 2 + 4 + 8 = 14, hidden = 196
    p['W1'] = lin(ks[21], 14, 196);  p['b1'] = vec(ks[22], (196,), 14)
    p['W2'] = lin(ks[23], 196, 196); p['b2'] = vec(ks[24], (196,), 196)
    p['W3'] = lin(ks[25], 196, 14);  p['b3'] = vec(ks[26], (14,), 196)
    p['W4'] = lin(ks[27], 14, 1);    p['b4'] = vec(ks[28], (1,), 14)
    return p


def setup_inputs(seed: int = 0) -> dict:
    key = jax.random.key(seed)
    k1, k2, k3 = jax.random.split(key, 3)
    inputs = jax.random.normal(k1, (N_NODES, 8), dtype=jnp.float32)
    edge_index = jax.random.randint(k2, (2, N_EDGES), 0, N_NODES, dtype=jnp.int64)
    params = _init_params(k3)
    return {'inputs': inputs, 'edge_index': edge_index, 'params': params}


def reference(inputs, edge_index, params):
    p = params
    src = edge_index[0]
    dst = edge_index[1]
    gat_in = inputs[:, :5]
    h_att = _gatv2(gat_in, src, dst, p['Ws_a'], p['bs_a'], p['Wd_a'], p['bd_a'], p['attn_a'], p['Wr_a'], p['br_a'], 2, 1).reshape(-1, 2)
    h_def = _gatv2(gat_in, src, dst, p['Ws_d1'], p['bs_d1'], p['Wd_d1'], p['bd_d1'], p['attn_d1'], p['Wr_d1'], p['br_d1'], 2, 5).reshape(-1, 10)
    h_def = _gatv2(h_def, src, dst, p['Ws_d2'], p['bs_d2'], p['Wd_d2'], p['bd_d2'], p['attn_d2'], p['Wr_d2'], p['br_d2'], 2, 2).reshape(-1, 4)
    z = jnp.concatenate([h_att, h_def, inputs], axis=1)  # [N,14]
    h = jax.nn.leaky_relu(z @ p['W1'] + p['b1'], negative_slope=0.01)
    h = jax.nn.leaky_relu(h @ p['W2'] + p['b2'], negative_slope=0.01)
    h = jax.nn.leaky_relu(h @ p['W3'] + p['b3'], negative_slope=0.01)
    # dropout(0.2) is identity in eval mode
    h = jax.nn.sigmoid(h @ p['W4'] + p['b4'])
    return h

if __name__ == "__main__":
    import jax
    _d = setup_inputs()
    print(jax.jit(kernel)(*tuple(_d.values())))

</pallas_src>

<mosaic_0001>
#map = affine_map<(d0, d1) -> (0, 0)>
#map1 = affine_map<(d0, d1) -> (0, 0, 0)>
module attributes {stable_mosaic.version = 14 : i64} {
  func.func @body(%arg0: i32, %arg1: i32, %arg2: memref<100352x16xf32, #tpu.memory_space<hbm>>, %arg3: memref<100352x16xf32, #tpu.memory_space<hbm>>, %arg4: memref<25088x2x128xi32, #tpu.memory_space<hbm>>, %arg5: memref<12x16xf32, #tpu.memory_space<hbm>>, %arg6: memref<6272x16xf32, #tpu.memory_space<hbm>>, %arg7: memref<2x100352x16xf32, #tpu.memory_space<hbm>>, %arg8: memref<3x2x2x128xi32, #tpu.memory_space<vmem>>, %arg9: memref<2x256x16xf32, #tpu.memory_space<vmem>>, %arg10: memref<2x256x16xf32, #tpu.memory_space<vmem>>, %arg11: memref<256x16xf32, #tpu.memory_space<vmem>>, %arg12: memref<12x16xf32, #tpu.memory_space<vmem>>, %arg13: memref<100352x16xf32, #tpu.memory_space<vmem_shared>>, %arg14: memref<!tpu.dma_semaphore, #tpu.memory_space<semaphore_mem>>, %arg15: memref<!tpu.dma_semaphore, #tpu.memory_space<semaphore_mem>>, %arg16: memref<!tpu.dma_semaphore, #tpu.memory_space<semaphore_mem>>) attributes {dimension_semantics = [#tpu.dimension_semantics<core_parallel>, #tpu.dimension_semantics<subcore_parallel>], iteration_bounds = array<i64: 2, 16>, scalar_prefetch = 0 : i64, scratch_operands = 9 : i64, tpu.core_type = #tpu.core_type<sc_vector_subcore>, window_params = [{transform_indices = #map}, {transform_indices = #map}, {transform_indices = #map1}, {transform_indices = #map}, {transform_indices = #map}, {transform_indices = #map1}]} {
    %mul3A = arith.constant 16 : i32
    %mul3A_0 = arith.muli %arg0, %mul3A : i32
    %add3A = arith.addi %mul3A_0, %arg1 : i32
    %mul3A_1 = arith.constant 6272 : i32
    %mul3A_2 = arith.muli %arg1, %mul3A_1 : i32
    "tpu.region"() ({
      %run_scoped3A_39 = tpu.sem_alloc : memref<!tpu.dma_semaphore, #tpu.memory_space<semaphore_mem>>
      %dma_start3A = arith.constant 0 : i32
      %dma_start3A_40 = tpu.memref_slice %arg13[%mul3A_2, %dma_start3A] : memref<100352x16xf32, #tpu.memory_space<vmem_shared>> -> memref<6272x16xf32, #tpu.memory_space<vmem_shared>>
      tpu.enqueue_dma source(%arg6 : memref<6272x16xf32, #tpu.memory_space<hbm>>) target(%dma_start3A_40 : memref<6272x16xf32, #tpu.memory_space<vmem_shared>>) target_semaphore(%run_scoped3A_39 : memref<!tpu.dma_semaphore, #tpu.memory_space<semaphore_mem>>)
      %dma_wait3A_41 = arith.constant 0 : i32
      %dma_wait3A_42 = tpu.memref_slice %arg13[%mul3A_2, %dma_wait3A_41] : memref<100352x16xf32, #tpu.memory_space<vmem_shared>> -> memref<6272x16xf32, #tpu.memory_space<vmem_shared>>
      tpu.wait_dma2 semaphore(%run_scoped3A_39 : memref<!tpu.dma_semaphore, #tpu.memory_space<semaphore_mem>>) src(%arg6 : memref<6272x16xf32, #tpu.memory_space<hbm>>) dst(%dma_wait3A_42 : memref<6272x16xf32, #tpu.memory_space<vmem_shared>>)
      tpu.yield
    }) : () -> ()
    "tpu.region"() ({
      %run_scoped3A_39 = tpu.sem_alloc : memref<!tpu.dma_semaphore, #tpu.memory_space<semaphore_mem>>
      tpu.enqueue_dma source(%arg5 : memref<12x16xf32, #tpu.memory_space<hbm>>) target(%arg12 : memref<12x16xf32, #tpu.memory_space<vmem>>) target_semaphore(%run_scoped3A_39 : memref<!tpu.dma_semaphore, #tpu.memory_space<semaphore_mem>>)
      tpu.wait_dma2 semaphore(%run_scoped3A_39 : memref<!tpu.dma_semaphore, #tpu.memory_space<semaphore_mem>>) src(%arg5 : memref<12x16xf32, #tpu.memory_space<hbm>>) dst(%arg12 : memref<12x16xf32, #tpu.memory_space<vmem>>)
      tpu.yield
    }) : () -> ()
    %barrier3A = arith.constant 0 : index
    tpu.barrier barrier_id(%barrier3A)
    %mul3A_3 = arith.constant 784 : i32
    %mul3A_4 = arith.muli %add3A, %mul3A_3 : i32
    %run_scoped3A = arith.constant 0 : i32
    "tpu.region"() ({
      %run_scoped3A_39 = tpu.sem_alloc : memref<!tpu.dma_semaphore, #tpu.memory_space<semaphore_mem>>
      %dma_start3A = arith.constant 0 : i32
      %dma_start3A_40 = arith.constant 0 : i32
      %dma_start3A_41 = arith.constant 0 : i32
      %dma_start3A_42 = tpu.memref_slice %arg8[%run_scoped3A, %dma_start3A, %dma_start3A_40, %dma_start3A_41] : memref<3x2x2x128xi32, #tpu.memory_space<vmem>> -> memref<1x2x2x128xi32, #tpu.memory_space<vmem>>
      %dma_start3A_43 = tpu.memref_squeeze %dma_start3A_42 : memref<1x2x2x128xi32, #tpu.memory_space<vmem>> -> memref<2x2x128xi32, #tpu.memory_space<vmem>>
      %dma_start3A_44 = arith.constant 0 : i32
      %dma_start3A_45 = arith.constant 0 : i32
      %dma_start3A_46 = tpu.memref_slice %arg4[%mul3A_4, %dma_start3A_44, %dma_start3A_45] : memref<25088x2x128xi32, #tpu.memory_space<hbm>> -> memref<2x2x128xi32, #tpu.memory_space<hbm>>
      %dma_start3A_47 = arith.constant 0 : i32
      %dma_start3A_48 = arith.constant 0 : i32
      %dma_start3A_49 = arith.constant 0 : i32
      %dma_start3A_50 = tpu.memref_slice %arg8[%run_scoped3A, %dma_start3A_47, %dma_start3A_48, %dma_start3A_49] : memref<3x2x2x128xi32, #tpu.memory_space<vmem>> -> memref<1x2x2x128xi32, #tpu.memory_space<vmem>>
      %dma_start3A_51 = tpu.memref_squeeze %dma_start3A_50 : memref<1x2x2x128xi32, #tpu.memory_space<vmem>> -> memref<2x2x128xi32, #tpu.memory_space<vmem>>
      %dma_start3A_52 = arith.constant 0 : i32
      %dma_start3A_53 = arith.constant 0 : i32
      %dma_start3A_54 = tpu.memref_slice %arg4[%mul3A_4, %dma_start3A_52, %dma_start3A_53] : memref<25088x2x128xi32, #tpu.memory_space<hbm>> -> memref<2x2x128xi32, #tpu.memory_space<hbm>>
      tpu.enqueue_dma source(%dma_start3A_54 : memref<2x2x128xi32, #tpu.memory_space<hbm>>) target(%dma_start3A_51 : memref<2x2x128xi32, #tpu.memory_space<vmem>>) target_semaphore(%run_scoped3A_39 : memref<!tpu.dma_semaphore, #tpu.memory_space<semaphore_mem>>)
      %dma_wait3A_55 = arith.constant 0 : i32
      %dma_wait3A_56 = arith.constant 0 : i32
      %dma_wait3A_57 = arith.constant 0 : i32
      %dma_wait3A_58 = tpu.memref_slice %arg8[%run_scoped3A, %dma_wait3A_55, %dma_wait3A_56, %dma_wait3A_57] : memref<3x2x2x128xi32, #tpu.memory_space<vmem>> -> memref<1x2x2x128xi32, #tpu.memory_space<vmem>>
      %dma_wait3A_59 = tpu.memref_squeeze %dma_wait3A_58 : memref<1x2x2x128xi32, #tpu.memory_space<vmem>> -> memref<2x2x128xi32, #tpu.memory_space<vmem>>
      %dma_wait3A_60 = arith.constant 0 : i32
      %dma_wait3A_61 = arith.constant 0 : i32
      %dma_wait3A_62 = tpu.memref_slice %arg4[%mul3A_4, %dma_wait3A_60, %dma_wait3A_61] : memref<25088x2x128xi32, #tpu.memory_space<hbm>> -> memref<2x2x128xi32, #tpu.memory_space<hbm>>
      %dma_wait3A_63 = arith.constant 0 : i32
      %dma_wait3A_64 = arith.constant 0 : i32
      %dma_wait3A_65 = arith.constant 0 : i32
      %dma_wait3A_66 = tpu.memref_slice %arg8[%run_scoped3A, %dma_wait3A_63, %dma_wait3A_64, %dma_wait3A_65] : memref<3x2x2x128xi32, #tpu.memory_space<vmem>> -> memref<1x2x2x128xi32, #tpu.memory_space<vmem>>
      %dma_wait3A_67 = tpu.memref_squeeze %dma_wait3A_66 : memref<1x2x2x128xi32, #tpu.memory_space<vmem>> -> memref<2x2x128xi32, #tpu.memory_space<vmem>>
      %dma_wait3A_68 = arith.constant 0 : i32
      %dma_wait3A_69 = arith.constant 0 : i32
      %dma_wait3A_70 = tpu.memref_slice %arg4[%mul3A_4, %dma_wait3A_68, %dma_wait3A_69] : memref<25088x2x128xi32, #tpu.memory_space<hbm>> -> memref<2x2x128xi32, #tpu.memory_space<hbm>>
      tpu.wait_dma2 semaphore(%run_scoped3A_39 : memref<!tpu.dma_semaphore, #tpu.memory_space<semaphore_mem>>) src(%dma_wait3A_70 : memref<2x2x128xi32, #tpu.memory_space<hbm>>) dst(%dma_wait3A_67 : memref<2x2x128xi32, #tpu.memory_space<vmem>>)
      tpu.yield
    }) : () -> ()
    %scan3A = arith.constant 0 : i32
    %scan3A_5 = arith.constant 0 : i32
    %scan3A_6 = arith.constant 393 : i32
    %scan3A_7 = arith.addi %scan3A_5, %scan3A_6 : i32
    %scan3A_8 = arith.constant 1 : i32
    scf.for %scan3A_39 = %scan3A_5 to %scan3A_7 step %scan3A_8  : i32 {
      %rem3A = arith.constant 2 : i32
      %rem3A_40 = arith.remsi %scan3A_39, %rem3A : i32
      %rem3A_41 = arith.constant 3 : i32
      %rem3A_42 = arith.remsi %scan3A_39, %rem3A_41 : i32
      %add3A_43 = arith.constant 1 : i32
      %add3A_44 = arith.addi %scan3A_39, %add3A_43 : i32
      %rem3A_45 = arith.constant 3 : i32
      %rem3A_46 = arith.remsi %add3A_44, %rem3A_45 : i32
      %add3A_47 = arith.constant 2 : i32
      %add3A_48 = arith.addi %scan3A_39, %add3A_47 : i32
      %rem3A_49 = arith.constant 3 : i32
      %rem3A_50 = arith.remsi %add3A_48, %rem3A_49 : i32
      %ge3A = arith.constant 2 : i32
      %ge3A_51 = arith.cmpi sge, %scan3A_39, %ge3A : i32
      %convert_element_type3A = arith.extui %ge3A_51 : i1 to i32
      %cond3A = arith.constant 0 : i32
      %cond3A_52 = arith.cmpi ne, %convert_element_type3A, %cond3A : i32
      scf.if %cond3A_52 {
        %dma_wait3A_67 = arith.constant 0 : i32
        %dma_wait3A_68 = arith.constant 0 : i32
        %dma_wait3A_69 = tpu.memref_slice %arg2[%dma_wait3A_67, %dma_wait3A_68] : memref<100352x16xf32, #tpu.memory_space<hbm>> -> memref<256x16xf32, #tpu.memory_space<hbm>>
        %dma_wait3A_70 = arith.constant 0 : i32
        %dma_wait3A_71 = arith.constant 0 : i32
        %dma_wait3A_72 = tpu.memref_slice %arg2[%dma_wait3A_70, %dma_wait3A_71] : memref<100352x16xf32, #tpu.memory_space<hbm>> -> memref<256x16xf32, #tpu.memory_space<hbm>>
        tpu.wait_dma2 semaphore(%arg16 : memref<!tpu.dma_semaphore, #tpu.memory_space<semaphore_mem>>) src(%dma_wait3A_72 : memref<256x16xf32, #tpu.memory_space<hbm>>) dst(%arg11 : memref<256x16xf32, #tpu.memory_space<vmem>>)
      } else {
      }
      %ge3A_53 = arith.constant 1 : i32
      %ge3A_54 = arith.cmpi sge, %scan3A_39, %ge3A_53 : i32
      %convert_element_type3A_55 = arith.extui %ge3A_54 : i1 to i32
      %cond3A_56 = arith.constant 0 : i32
      %cond3A_57 = arith.cmpi ne, %convert_element_type3A_55, %cond3A_56 : i32
      scf.if %cond3A_57 {
        %dma_wait3A_67 = arith.constant 0 : i32
        %dma_wait3A_68 = arith.constant 0 : i32
        %dma_wait3A_69 = arith.constant 0 : i32
        %dma_wait3A_70 = tpu.memref_slice %arg9[%dma_wait3A_67, %dma_wait3A_68, %dma_wait3A_69] : memref<2x256x16xf32, #tpu.memory_space<vmem>> -> memref<1x256x16xf32, #tpu.memory_space<vmem>>
        %dma_wait3A_71 = tpu.memref_squeeze %dma_wait3A_70 : memref<1x256x16xf32, #tpu.memory_space<vmem>> -> memref<256x16xf32, #tpu.memory_space<vmem>>
        %dma_wait3A_72 = arith.constant 0 : i32
        %dma_wait3A_73 = arith.constant 0 : i32
        %dma_wait3A_74 = tpu.memref_slice %arg2[%dma_wait3A_72, %dma_wait3A_73] : memref<100352x16xf32, #tpu.memory_space<hbm>> -> memref<256x16xf32, #tpu.memory_space<hbm>>
        %dma_wait3A_75 = arith.constant 0 : i32
        %dma_wait3A_76 = arith.constant 0 : i32
        %dma_wait3A_77 = tpu.memref_slice %arg9[%dma_wait3A_67, %dma_wait3A_75, %dma_wait3A_76] : memref<2x256x16xf32, #tpu.memory_space<vmem>> -> memref<1x256x16xf32, #tpu.memory_space<vmem>>
        %dma_wait3A_78 = tpu.memref_squeeze %dma_wait3A_77 : memref<1x256x16xf32, #tpu.memory_space<vmem>> -> memref<256x16xf32, #tpu.memory_space<vmem>>
        %dma_wait3A_79 = arith.constant 0 : i32
        %dma_wait3A_80 = arith.constant 0 : i32
        %dma_wait3A_81 = tpu.memref_slice %arg2[%dma_wait3A_79, %dma_wait3A_80] : memref<100352x16xf32, #tpu.memory_space<hbm>> -> memref<256x16xf32, #tpu.memory_space<hbm>>
        tpu.wait_dma2 semaphore(%arg15 : memref<!tpu.dma_semaphore, #tpu.memory_space<semaphore_mem>>) src(%dma_wait3A_81 : memref<256x16xf32, #tpu.memory_space<hbm>>) dst(%dma_wait3A_78 : memref<256x16xf32, #tpu.memory_space<vmem>>)
        %dma_wait3A_82 = arith.constant 0 : i32
        %dma_wait3A_83 = arith.constant 0 : i32
        %dma_wait3A_84 = arith.constant 0 : i32
        %dma_wait3A_85 = tpu.memref_slice %arg10[%dma_wait3A_82, %dma_wait3A_83, %dma_wait3A_84] : memref<2x256x16xf32, #tpu.memory_space<vmem>> -> memref<1x256x16xf32, #tpu.memory_space<vmem>>
        %dma_wait3A_86 = tpu.memref_squeeze %dma_wait3A_85 : memref<1x256x16xf32, #tpu.memory_space<vmem>> -> memref<256x16xf32, #tpu.memory_space<vmem>>
        %dma_wait3A_87 = arith.constant 0 : i32
        %dma_wait3A_88 = arith.constant 0 : i32
        %dma_wait3A_89 = tpu.memref_slice %arg2[%dma_wait3A_87, %dma_wait3A_88] : memref<100352x16xf32, #tpu.memory_space<hbm>> -> memref<256x16xf32, #tpu.memory_space<hbm>>
        %dma_wait3A_90 = arith.constant 0 : i32
        %dma_wait3A_91 = arith.constant 0 : i32
        %dma_wait3A_92 = tpu.memref_slice %arg10[%dma_wait3A_82, %dma_wait3A_90, %dma_wait3A_91] : memref<2x256x16xf32, #tpu.memory_space<vmem>> -> memref<1x256x16xf32, #tpu.memory_space<vmem>>
        %dma_wait3A_93 = tpu.memref_squeeze %dma_wait3A_92 : memref<1x256x16xf32, #tpu.memory_space<vmem>> -> memref<256x16xf32, #tpu.memory_space<vmem>>
        %dma_wait3A_94 = arith.constant 0 : i32
        %dma_wait3A_95 = arith.constant 0 : i32
        %dma_wait3A_96 = tpu.memref_slice %arg2[%dma_wait3A_94, %dma_wait3A_95] : memref<100352x16xf32, #tpu.memory_space<hbm>> -> memref<256x16xf32, #tpu.memory_space<hbm>>
        tpu.wait_dma2 semaphore(%arg15 : memref<!tpu.dma_semaphore, #tpu.memory_space<semaphore_mem>>) src(%dma_wait3A_96 : memref<256x16xf32, #tpu.memory_space<hbm>>) dst(%dma_wait3A_93 : memref<256x16xf32, #tpu.memory_space<vmem>>)
      } else {
      }
      %le3A = arith.constant 391 : i32
      %le3A_58 = arith.cmpi sle, %scan3A_39, %le3A : i32
      %convert_element_type3A_59 = arith.extui %le3A_58 : i1 to i32
      %cond3A_60 = arith.constant 0 : i32
      %cond3A_61 = arith.cmpi ne, %convert_element_type3A_59, %cond3A_60 : i32
      scf.if %cond3A_61 {
        %ge3A_67 = arith.constant 1 : i32
        %ge3A_68 = arith.cmpi sge, %scan3A_39, %ge3A_67 : i32
        %convert_element_type3A_69 = arith.extui %ge3A_68 : i1 to i32
        %cond3A_70 = arith.constant 0 : i32
        %cond3A_71 = arith.cmpi ne, %convert_element_type3A_69, %cond3A_70 : i32
        scf.if %cond3A_71 {
          %dma_wait3A_153 = arith.constant 0 : i32
          %dma_wait3A_154 = arith.constant 0 : i32
          %dma_wait3A_155 = arith.constant 0 : i32
          %dma_wait3A_156 = arith.constant 0 : i32
          %dma_wait3A_157 = tpu.memref_slice %arg8[%dma_wait3A_153, %dma_wait3A_154, %dma_wait3A_155, %dma_wait3A_156] : memref<3x2x2x128xi32, #tpu.memory_space<vmem>> -> memref<1x2x2x128xi32, #tpu.memory_space<vmem>>
          %dma_wait3A_158 = tpu.memref_squeeze %dma_wait3A_157 : memref<1x2x2x128xi32, #tpu.memory_space<vmem>> -> memref<2x2x128xi32, #tpu.memory_space<vmem>>
          %dma_wait3A_159 = arith.constant 0 : i32
          %dma_wait3A_160 = arith.constant 0 : i32
          %dma_wait3A_161 = arith.constant 0 : i32
          %dma_wait3A_162 = tpu.memref_slice %arg4[%dma_wait3A_159, %dma_wait3A_160, %dma_wait3A_161] : memref<25088x2x128xi32, #tpu.memory_space<hbm>> -> memref<2x2x128xi32, #tpu.memory_space<hbm>>
          %dma_wait3A_163 = arith.constant 0 : i32
          %dma_wait3A_164 = arith.constant 0 : i32
          %dma_wait3A_165 = arith.constant 0 : i32
          %dma_wait3A_166 = tpu.memref_slice %arg8[%dma_wait3A_153, %dma_wait3A_163, %dma_wait3A_164, %dma_wait3A_165] : memref<3x2x2x128xi32, #tpu.memory_space<vmem>> -> memref<1x2x2x128xi32, #tpu.memory_space<vmem>>
          %dma_wait3A_167 = tpu.memref_squeeze %dma_wait3A_166 : memref<1x2x2x128xi32, #tpu.memory_space<vmem>> -> memref<2x2x128xi32, #tpu.memory_space<vmem>>
          %dma_wait3A_168 = arith.constant 0 : i32
          %dma_wait3A_169 = arith.constant 0 : i32
          %dma_wait3A_170 = arith.constant 0 : i32
          %dma_wait3A_171 = tpu.memref_slice %arg4[%dma_wait3A_168, %dma_wait3A_169, %dma_wait3A_170] : memref<25088x2x128xi32, #tpu.memory_space<hbm>> -> memref<2x2x128xi32, #tpu.memory_space<hbm>>
          tpu.wait_dma2 semaphore(%arg14 : memref<!tpu.dma_semaphore, #tpu.memory_space<semaphore_mem>>) src(%dma_wait3A_171 : memref<2x2x128xi32, #tpu.memory_space<hbm>>) dst(%dma_wait3A_167 : memref<2x2x128xi32, #tpu.memory_space<vmem>>)
        } else {
        }
        %add3A_72 = arith.constant 1 : i32
        %add3A_73 = arith.addi %scan3A_39, %add3A_72 : i32
        %min3A = arith.constant 391 : i32
        %min3A_74 = arith.minsi %add3A_73, %min3A : i32
        %mul3A_75 = arith.constant 2 : i32
        %mul3A_76 = arith.muli %min3A_74, %mul3A_75 : i32
        %add3A_77 = arith.addi %mul3A_4, %mul3A_76 : i32
        %dma_start3A = arith.constant 0 : i32
        %dma_start3A_78 = arith.constant 0 : i32
        %dma_start3A_79 = arith.constant 0 : i32
        %dma_start3A_80 = tpu.memref_slice %arg8[%rem3A_46, %dma_start3A, %dma_start3A_78, %dma_start3A_79] : memref<3x2x2x128xi32, #tpu.memory_space<vmem>> -> memref<1x2x2x128xi32, #tpu.memory_space<vmem>>
        %dma_start3A_81 = tpu.memref_squeeze %dma_start3A_80 : memref<1x2x2x128xi32, #tpu.memory_space<vmem>> -> memref<2x2x128xi32, #tpu.memory_space<vmem>>
        %dma_start3A_82 = arith.constant 0 : i32
        %dma_start3A_83 = arith.constant 0 : i32
        %dma_start3A_84 = tpu.memref_slice %arg4[%add3A_77, %dma_start3A_82, %dma_start3A_83] : memref<25088x2x128xi32, #tpu.memory_space<hbm>> -> memref<2x2x128xi32, #tpu.memory_space<hbm>>
        %dma_start3A_85 = arith.constant 0 : i32
        %dma_start3A_86 = arith.constant 0 : i32
        %dma_start3A_87 = arith.constant 0 : i32
        %dma_start3A_88 = tpu.memref_slice %arg8[%rem3A_46, %dma_start3A_85, %dma_start3A_86, %dma_start3A_87] : memref<3x2x2x128xi32, #tpu.memory_space<vmem>> -> memref<1x2x2x128xi32, #tpu.memory_space<vmem>>
        %dma_start3A_89 = tpu.memref_squeeze %dma_start3A_88 : memref<1x2x2x128xi32, #tpu.memory_space<vmem>> -> memref<2x2x128xi32, #tpu.memory_space<vmem>>
        %dma_start3A_90 = arith.constant 0 : i32
        %dma_start3A_91 = arith.constant 0 : i32
        %dma_start3A_92 = tpu.memref_slice %arg4[%add3A_77, %dma_start3A_90, %dma_start3A_91] : memref<25088x2x128xi32, #tpu.memory_space<hbm>> -> memref<2x2x128xi32, #tpu.memory_space<hbm>>
        tpu.enqueue_dma source(%dma_start3A_92 : memref<2x2x128xi32, #tpu.memory_space<hbm>>) target(%dma_start3A_89 : memref<2x2x128xi32, #tpu.memory_space<vmem>>) target_semaphore(%arg14 : memref<!tpu.dma_semaphore, #tpu.memory_space<semaphore_mem>>)
        %dma_start3A_93 = arith.constant 0 : i32
        %dma_start3A_94 = arith.constant 0 : i32
        %dma_start3A_95 = arith.constant 0 : i32
        %dma_start3A_96 = arith.constant 0 : i32
        %dma_start3A_97 = tpu.memref_slice %arg9[%rem3A_40, %dma_start3A_95, %dma_start3A_96] : memref<2x256x16xf32, #tpu.memory_space<vmem>> -> memref<1x256x16xf32, #tpu.memory_space<vmem>>
        %dma_start3A_98 = tpu.memref_squeeze %dma_start3A_97 : memref<1x256x16xf32, #tpu.memory_space<vmem>> -> memref<256x16xf32, #tpu.memory_space<vmem>>
        %dma_start3A_99 = arith.constant 0 : i32
        %dma_start3A_100 = arith.constant 0 : i32
        %dma_start3A_101 = tpu.memref_slice %dma_start3A_98[%dma_start3A_99, %dma_start3A_100] : memref<256x16xf32, #tpu.memory_space<vmem>> -> memref<128x16xf32, #tpu.memory_space<vmem>>
        %dma_start3A_102 = arith.constant 0 : i32
        %dma_start3A_103 = tpu.memref_slice %arg8[%rem3A_42, %dma_start3A_93, %dma_start3A_94, %dma_start3A_102] : memref<3x2x2x128xi32, #tpu.memory_space<vmem>> -> memref<1x1x1x128xi32, #tpu.memory_space<vmem>>
        %dma_start3A_104 = tpu.memref_squeeze %dma_start3A_103 : memref<1x1x1x128xi32, #tpu.memory_space<vmem>> -> memref<128xi32, #tpu.memory_space<vmem>>
        %dma_start3A_105 = arith.constant 0 : i32
        %dma_start3A_106 = arith.constant 0 : i32
        %dma_start3A_107 = tpu.memref_slice %arg2[%dma_start3A_105, %dma_start3A_106] : memref<100352x16xf32, #tpu.memory_space<hbm>> -> memref<100352x16xf32, #tpu.memory_space<hbm>>
        tpu.enqueue_indirect_dma source(%dma_start3A_107 : memref<100352x16xf32, #tpu.memory_space<hbm>>) target(%dma_start3A_101 : memref<128x16xf32, #tpu.memory_space<vmem>>) offsets(%dma_start3A_104 : memref<128xi32, #tpu.memory_space<vmem>>) semaphore(%arg15 : memref<!tpu.dma_semaphore, #tpu.memory_space<semaphore_mem>>)
        %dma_start3A_108 = arith.constant 0 : i32
        %dma_start3A_109 = arith.constant 1 : i32
        %dma_start3A_110 = arith.constant 0 : i32
        %dma_start3A_111 = arith.constant 0 : i32
        %dma_start3A_112 = tpu.memref_slice %arg10[%rem3A_40, %dma_start3A_110, %dma_start3A_111] : memref<2x256x16xf32, #tpu.memory_space<vmem>> -> memref<1x256x16xf32, #tpu.memory_space<vmem>>
        %dma_start3A_113 = tpu.memref_squeeze %dma_start3A_112 : memref<1x256x16xf32, #tpu.memory_space<vmem>> -> memref<256x16xf32, #tpu.memory_space<vmem>>
        %dma_start3A_114 = arith.constant 0 : i32
        %dma_start3A_115 = arith.constant 0 : i32
        %dma_start3A_116 = tpu.memref_slice %dma_start3A_113[%dma_start3A_114, %dma_start3A_115] : memref<256x16xf32, #tpu.memory_space<vmem>> -> memref<128x16xf32, #tpu.memory_space<vmem>>
        %dma_start3A_117 = arith.constant 0 : i32
        %dma_start3A_118 = tpu.memref_slice %arg8[%rem3A_42, %dma_start3A_108, %dma_start3A_109, %dma_start3A_117] : memref<3x2x2x128xi32, #tpu.memory_space<vmem>> -> memref<1x1x1x128xi32, #tpu.memory_space<vmem>>
        %dma_start3A_119 = tpu.memref_squeeze %dma_start3A_118 : memref<1x1x1x128xi32, #tpu.memory_space<vmem>> -> memref<128xi32, #tpu.memory_space<vmem>>
        %dma_start3A_120 = arith.constant 0 : i32
        %dma_start3A_121 = arith.constant 0 : i32
        %dma_start3A_122 = tpu.memref_slice %arg3[%dma_start3A_120, %dma_start3A_121] : memref<100352x16xf32, #tpu.memory_space<hbm>> -> memref<100352x16xf32, #tpu.memory_space<hbm>>
        tpu.enqueue_indirect_dma source(%dma_start3A_122 : memref<100352x16xf32, #tpu.memory_space<hbm>>) target(%dma_start3A_116 : memref<128x16xf32, #tpu.memory_space<vmem>>) offsets(%dma_start3A_119 : memref<128xi32, #tpu.memory_space<vmem>>) semaphore(%arg15 : memref<!tpu.dma_semaphore, #tpu.memory_space<semaphore_mem>>)
        %dma_start3A_123 = arith.constant 1 : i32
        %dma_start3A_124 = arith.constant 0 : i32
        %dma_start3A_125 = arith.constant 0 : i32
        %dma_start3A_126 = arith.constant 0 : i32
        %dma_start3A_127 = tpu.memref_slice %arg9[%rem3A_40, %dma_start3A_125, %dma_start3A_126] : memref<2x256x16xf32, #tpu.memory_space<vmem>> -> memref<1x256x16xf32, #tpu.memory_space<vmem>>
        %dma_start3A_128 = tpu.memref_squeeze %dma_start3A_127 : memref<1x256x16xf32, #tpu.memory_space<vmem>> -> memref<256x16xf32, #tpu.memory_space<vmem>>
        %dma_start3A_129 = arith.constant 128 : i32
        %dma_start3A_130 = arith.constant 0 : i32
        %dma_start3A_131 = tpu.memref_slice %dma_start3A_128[%dma_start3A_129, %dma_start3A_130] : memref<256x16xf32, #tpu.memory_space<vmem>> -> memref<128x16xf32, #tpu.memory_space<vmem>>
        %dma_start3A_132 = arith.constant 0 : i32
        %dma_start3A_133 = tpu.memref_slice %arg8[%rem3A_42, %dma_start3A_123, %dma_start3A_124, %dma_start3A_132] : memref<3x2x2x128xi32, #tpu.memory_space<vmem>> -> memref<1x1x1x128xi32, #tpu.memory_space<vmem>>
        %dma_start3A_134 = tpu.memref_squeeze %dma_start3A_133 : memref<1x1x1x128xi32, #tpu.memory_space<vmem>> -> memref<128xi32, #tpu.memory_space<vmem>>
        %dma_start3A_135 = arith.constant 0 : i32
        %dma_start3A_136 = arith.constant 0 : i32
        %dma_start3A_137 = tpu.memref_slice %arg2[%dma_start3A_135, %dma_start3A_136] : memref<100352x16xf32, #tpu.memory_space<hbm>> -> memref<100352x16xf32, #tpu.memory_space<hbm>>
        tpu.enqueue_indirect_dma source(%dma_start3A_137 : memref<100352x16xf32, #tpu.memory_space<hbm>>) target(%dma_start3A_131 : memref<128x16xf32, #tpu.memory_space<vmem>>) offsets(%dma_start3A_134 : memref<128xi32, #tpu.memory_space<vmem>>) semaphore(%arg15 : memref<!tpu.dma_semaphore, #tpu.memory_space<semaphore_mem>>)
        %dma_start3A_138 = arith.constant 1 : i32
        %dma_start3A_139 = arith.constant 1 : i32
        %dma_start3A_140 = arith.constant 0 : i32
        %dma_start3A_141 = arith.constant 0 : i32
        %dma_start3A_142 = tpu.memref_slice %arg10[%rem3A_40, %dma_start3A_140, %dma_start3A_141] : memref<2x256x16xf32, #tpu.memory_space<vmem>> -> memref<1x256x16xf32, #tpu.memory_space<vmem>>
        %dma_start3A_143 = tpu.memref_squeeze %dma_start3A_142 : memref<1x256x16xf32, #tpu.memory_space<vmem>> -> memref<256x16xf32, #tpu.memory_space<vmem>>
        %dma_start3A_144 = arith.constant 128 : i32
        %dma_start3A_145 = arith.constant 0 : i32
        %dma_start3A_146 = tpu.memref_slice %dma_start3A_143[%dma_start3A_144, %dma_start3A_145] : memref<256x16xf32, #tpu.memory_space<vmem>> -> memref<128x16xf32, #tpu.memory_space<vmem>>
        %dma_start3A_147 = arith.constant 0 : i32
        %dma_start3A_148 = tpu.memref_slice %arg8[%rem3A_42, %dma_start3A_138, %dma_start3A_139, %dma_start3A_147] : memref<3x2x2x128xi32, #tpu.memory_space<vmem>> -> memref<1x1x1x128xi32, #tpu.memory_space<vmem>>
        %dma_start3A_149 = tpu.memref_squeeze %dma_start3A_148 : memref<1x1x1x128xi32, #tpu.memory_space<vmem>> -> memref<128xi32, #tpu.memory_space<vmem>>
        %dma_start3A_150 = arith.constant 0 : i32
        %dma_start3A_151 = arith.constant 0 : i32
        %dma_start3A_152 = tpu.memref_slice %arg3[%dma_start3A_150, %dma_start3A_151] : memref<100352x16xf32, #tpu.memory_space<hbm>> -> memref<100352x16xf32, #tpu.memory_space<hbm>>
        tpu.enqueue_indirect_dma source(%dma_start3A_152 : memref<100352x16xf32, #tpu.memory_space<hbm>>) target(%dma_start3A_146 : memref<128x16xf32, #tpu.memory_space<vmem>>) offsets(%dma_start3A_149 : memref<128xi32, #tpu.memory_space<vmem>>) semaphore(%arg15 : memref<!tpu.dma_semaphore, #tpu.memory_space<semaphore_mem>>)
      } else {
      }
      %ge3A_62 = arith.constant 1 : i32
      %ge3A_63 = arith.cmpi sge, %scan3A_39, %ge3A_62 : i32
      %convert_element_type3A_64 = arith.extui %ge3A_63 : i1 to i32
      %cond3A_65 = arith.constant 0 : i32
      %cond3A_66 = arith.cmpi ne, %convert_element_type3A_64, %cond3A_65 : i32
      scf.if %cond3A_66 {
        %sub3A = arith.constant 1 : i32
        %sub3A_67 = arith.subi %sub3A, %rem3A_40 : i32
        %broadcast_in_dim3A = vector.broadcast %sub3A_67 : i32 to vector<16xi32>
        %scan3A_68 = arith.constant 0 : i32
        %scan3A_69 = arith.constant 0 : i32
        %scan3A_70 = arith.constant 8 : i32
        %scan3A_71 = arith.addi %scan3A_69, %scan3A_70 : i32
        %scan3A_72 = arith.constant 1 : i32
        scf.for %scan3A_101 = %scan3A_69 to %scan3A_71 step %scan3A_72  : i32 {
          %iota3A = tpu.iota {dimensions = array<i32: 0>} : vector<16xi32>
          %mul3A_102 = arith.constant 16 : i32
          %mul3A_103 = arith.muli %scan3A_101, %mul3A_102 : i32
          %add3A_104 = vector.broadcast %mul3A_103 : i32 to vector<16xi32>
          %add3A_105 = arith.addi %iota3A, %add3A_104 : vector<16xi32>
          %broadcast_in_dim3A_106 = arith.constant 0 : i32
          %broadcast_in_dim3A_107 = vector.broadcast %broadcast_in_dim3A_106 : i32 to vector<16xi32>
          %broadcast_in_dim3A_108 = arith.constant 1 : i32
          %broadcast_in_dim3A_109 = vector.broadcast %broadcast_in_dim3A_108 : i32 to vector<16xi32>
          %broadcast_in_dim3A_110 = arith.constant 2 : i32
          %broadcast_in_dim3A_111 = vector.broadcast %broadcast_in_dim3A_110 : i32 to vector<16xi32>
          %broadcast_in_dim3A_112 = arith.constant 3 : i32
          %broadcast_in_dim3A_113 = vector.broadcast %broadcast_in_dim3A_112 : i32 to vector<16xi32>
          %broadcast_in_dim3A_114 = arith.constant 4 : i32
          %broadcast_in_dim3A_115 = vector.broadcast %broadcast_in_dim3A_114 : i32 to vector<16xi32>
          %broadcast_in_dim3A_116 = arith.constant 5 : i32
          %broadcast_in_dim3A_117 = vector.broadcast %broadcast_in_dim3A_116 : i32 to vector<16xi32>
          %broadcast_in_dim3A_118 = arith.constant 6 : i32
          %broadcast_in_dim3A_119 = vector.broadcast %broadcast_in_dim3A_118 : i32 to vector<16xi32>
          %broadcast_in_dim3A_120 = arith.constant 7 : i32
          %broadcast_in_dim3A_121 = vector.broadcast %broadcast_in_dim3A_120 : i32 to vector<16xi32>
          %broadcast_in_dim3A_122 = arith.constant 8 : i32
          %broadcast_in_dim3A_123 = vector.broadcast %broadcast_in_dim3A_122 : i32 to vector<16xi32>
          %broadcast_in_dim3A_124 = arith.constant 9 : i32
          %broadcast_in_dim3A_125 = vector.broadcast %broadcast_in_dim3A_124 : i32 to vector<16xi32>
          %broadcast_in_dim3A_126 = arith.constant 10 : i32
          %broadcast_in_dim3A_127 = vector.broadcast %broadcast_in_dim3A_126 : i32 to vector<16xi32>
          %broadcast_in_dim3A_128 = arith.constant 11 : i32
          %broadcast_in_dim3A_129 = vector.broadcast %broadcast_in_dim3A_128 : i32 to vector<16xi32>
          %broadcast_in_dim3A_130 = arith.constant 12 : i32
          %broadcast_in_dim3A_131 = vector.broadcast %broadcast_in_dim3A_130 : i32 to vector<16xi32>
          %broadcast_in_dim3A_132 = arith.constant 13 : i32
          %broadcast_in_dim3A_133 = vector.broadcast %broadcast_in_dim3A_132 : i32 to vector<16xi32>
          %broadcast_in_dim3A_134 = arith.constant 14 : i32
          %broadcast_in_dim3A_135 = vector.broadcast %broadcast_in_dim3A_134 : i32 to vector<16xi32>
          %broadcast_in_dim3A_136 = arith.constant 15 : i32
          %broadcast_in_dim3A_137 = vector.broadcast %broadcast_in_dim3A_136 : i32 to vector<16xi32>
          %gather3A = tpu.vector_load_idx %arg9[%broadcast_in_dim3A, %add3A_105, %broadcast_in_dim3A_107] : memref<2x256x16xf32, #tpu.memory_space<vmem>>[vector<16xi32>, vector<16xi32>, vector<16xi32>], vector<16xf32>,
          %gather3A_138 = tpu.vector_load_idx %arg9[%broadcast_in_dim3A, %add3A_105, %broadcast_in_dim3A_109] : memref<2x256x16xf32, #tpu.memory_space<vmem>>[vector<16xi32>, vector<16xi32>, vector<16xi32>], vector<16xf32>,
          %gather3A_139 = tpu.vector_load_idx %arg9[%broadcast_in_dim3A, %add3A_105, %broadcast_in_dim3A_111] : memref<2x256x16xf32, #tpu.memory_space<vmem>>[vector<16xi32>, vector<16xi32>, vector<16xi32>], vector<16xf32>,
          %gather3A_140 = tpu.vector_load_idx %arg9[%broadcast_in_dim3A, %add3A_105, %broadcast_in_dim3A_113] : memref<2x256x16xf32, #tpu.memory_space<vmem>>[vector<16xi32>, vector<16xi32>, vector<16xi32>], vector<16xf32>,
          %gather3A_141 = tpu.vector_load_idx %arg9[%broadcast_in_dim3A, %add3A_105, %broadcast_in_dim3A_115] : memref<2x256x16xf32, #tpu.memory_space<vmem>>[vector<16xi32>, vector<16xi32>, vector<16xi32>], vector<16xf32>,
          %gather3A_142 = tpu.vector_load_idx %arg9[%broadcast_in_dim3A, %add3A_105, %broadcast_in_dim3A_117] : memref<2x256x16xf32, #tpu.memory_space<vmem>>[vector<16xi32>, vector<16xi32>, vector<16xi32>], vector<16xf32>,
          %gather3A_143 = tpu.vector_load_idx %arg9[%broadcast_in_dim3A, %add3A_105, %broadcast_in_dim3A_119] : memref<2x256x16xf32, #tpu.memory_space<vmem>>[vector<16xi32>, vector<16xi32>, vector<16xi32>], vector<16xf32>,
          %gather3A_144 = tpu.vector_load_idx %arg9[%broadcast_in_dim3A, %add3A_105, %broadcast_in_dim3A_121] : memref<2x256x16xf32, #tpu.memory_space<vmem>>[vector<16xi32>, vector<16xi32>, vector<16xi32>], vector<16xf32>,
          %gather3A_145 = tpu.vector_load_idx %arg9[%broadcast_in_dim3A, %add3A_105, %broadcast_in_dim3A_123] : memref<2x256x16xf32, #tpu.memory_space<vmem>>[vector<16xi32>, vector<16xi32>, vector<16xi32>], vector<16xf32>,
          %gather3A_146 = tpu.vector_load_idx %arg9[%broadcast_in_dim3A, %add3A_105, %broadcast_in_dim3A_125] : memref<2x256x16xf32, #tpu.memory_space<vmem>>[vector<16xi32>, vector<16xi32>, vector<16xi32>], vector<16xf32>,
          %gather3A_147 = tpu.vector_load_idx %arg9[%broadcast_in_dim3A, %add3A_105, %broadcast_in_dim3A_127] : memref<2x256x16xf32, #tpu.memory_space<vmem>>[vector<16xi32>, vector<16xi32>, vector<16xi32>], vector<16xf32>,
          %gather3A_148 = tpu.vector_load_idx %arg9[%broadcast_in_dim3A, %add3A_105, %broadcast_in_dim3A_129] : memref<2x256x16xf32, #tpu.memory_space<vmem>>[vector<16xi32>, vector<16xi32>, vector<16xi32>], vector<16xf32>,
          %gather3A_149 = tpu.vector_load_idx %arg10[%broadcast_in_dim3A, %add3A_105, %broadcast_in_dim3A_107] : memref<2x256x16xf32, #tpu.memory_space<vmem>>[vector<16xi32>, vector<16xi32>, vector<16xi32>], vector<16xf32>,
          %gather3A_150 = tpu.vector_load_idx %arg10[%broadcast_in_dim3A, %add3A_105, %broadcast_in_dim3A_109] : memref<2x256x16xf32, #tpu.memory_space<vmem>>[vector<16xi32>, vector<16xi32>, vector<16xi32>], vector<16xf32>,
          %gather3A_151 = tpu.vector_load_idx %arg10[%broadcast_in_dim3A, %add3A_105, %broadcast_in_dim3A_111] : memref<2x256x16xf32, #tpu.memory_space<vmem>>[vector<16xi32>, vector<16xi32>, vector<16xi32>], vector<16xf32>,
          %gather3A_152 = tpu.vector_load_idx %arg10[%broadcast_in_dim3A, %add3A_105, %broadcast_in_dim3A_113] : memref<2x256x16xf32, #tpu.memory_space<vmem>>[vector<16xi32>, vector<16xi32>, vector<16xi32>], vector<16xf32>,
          %gather3A_153 = tpu.vector_load_idx %arg10[%broadcast_in_dim3A, %add3A_105, %broadcast_in_dim3A_115] : memref<2x256x16xf32, #tpu.memory_space<vmem>>[vector<16xi32>, vector<16xi32>, vector<16xi32>], vector<16xf32>,
          %gather3A_154 = tpu.vector_load_idx %arg10[%broadcast_in_dim3A, %add3A_105, %broadcast_in_dim3A_117] : memref<2x256x16xf32, #tpu.memory_space<vmem>>[vector<16xi32>, vector<16xi32>, vector<16xi32>], vector<16xf32>,
          %gather3A_155 = tpu.vector_load_idx %arg10[%broadcast_in_dim3A, %add3A_105, %broadcast_in_dim3A_119] : memref<2x256x16xf32, #tpu.memory_space<vmem>>[vector<16xi32>, vector<16xi32>, vector<16xi32>], vector<16xf32>,
          %gather3A_156 = tpu.vector_load_idx %arg10[%broadcast_in_dim3A, %add3A_105, %broadcast_in_dim3A_121] : memref<2x256x16xf32, #tpu.memory_space<vmem>>[vector<16xi32>, vector<16xi32>, vector<16xi32>], vector<16xf32>,
          %gather3A_157 = tpu.vector_load_idx %arg10[%broadcast_in_dim3A, %add3A_105, %broadcast_in_dim3A_123] : memref<2x256x16xf32, #tpu.memory_space<vmem>>[vector<16xi32>, vector<16xi32>, vector<16xi32>], vector<16xf32>,
          %gather3A_158 = tpu.vector_load_idx %arg10[%broadcast_in_dim3A, %add3A_105, %broadcast_in_dim3A_125] : memref<2x256x16xf32, #tpu.memory_space<vmem>>[vector<16xi32>, vector<16xi32>, vector<16xi32>], vector<16xf32>,
          %gather3A_159 = tpu.vector_load_idx %arg10[%broadcast_in_dim3A, %add3A_105, %broadcast_in_dim3A_127] : memref<2x256x16xf32, #tpu.memory_space<vmem>>[vector<16xi32>, vector<16xi32>, vector<16xi32>], vector<16xf32>,
          %gather3A_160 = tpu.vector_load_idx %arg10[%broadcast_in_dim3A, %add3A_105, %broadcast_in_dim3A_129] : memref<2x256x16xf32, #tpu.memory_space<vmem>>[vector<16xi32>, vector<16xi32>, vector<16xi32>], vector<16xf32>,
          %add3A_161 = arith.addf %gather3A, %gather3A_149 : vector<16xf32>
          %gt3A = arith.constant 0.000000e+00 : f32
          %gt3A_162 = vector.broadcast %gt3A : f32 to vector<16xf32>
          %gt3A_163 = arith.cmpf ogt, %add3A_161, %gt3A_162 : vector<16xf32>
          %mul3A_164 = arith.constant 2.000000e-01 : f32
          %mul3A_165 = vector.broadcast %mul3A_164 : f32 to vector<16xf32>
          %mul3A_166 = arith.mulf %mul3A_165, %add3A_161 : vector<16xf32>
          %select_n3A = arith.select %gt3A_163, %add3A_161, %mul3A_166 : vector<16xi1>, vector<16xf32>
          %add3A_167 = arith.addf %gather3A_138, %gather3A_150 : vector<16xf32>
          %gt3A_168 = arith.constant 0.000000e+00 : f32
          %gt3A_169 = vector.broadcast %gt3A_168 : f32 to vector<16xf32>
          %gt3A_170 = arith.cmpf ogt, %add3A_167, %gt3A_169 : vector<16xf32>
          %mul3A_171 = arith.constant 2.000000e-01 : f32
          %mul3A_172 = vector.broadcast %mul3A_171 : f32 to vector<16xf32>
          %mul3A_173 = arith.mulf %mul3A_172, %add3A_167 : vector<16xf32>
          %select_n3A_174 = arith.select %gt3A_170, %add3A_167, %mul3A_173 : vector<16xi1>, vector<16xf32>
          %add3A_175 = arith.addf %gather3A_139, %gather3A_151 : vector<16xf32>
          %gt3A_176 = arith.constant 0.000000e+00 : f32
          %gt3A_177 = vector.broadcast %gt3A_176 : f32 to vector<16xf32>
          %gt3A_178 = arith.cmpf ogt, %add3A_175, %gt3A_177 : vector<16xf32>
          %mul3A_179 = arith.constant 2.000000e-01 : f32
          %mul3A_180 = vector.broadcast %mul3A_179 : f32 to vector<16xf32>
          %mul3A_181 = arith.mulf %mul3A_180, %add3A_175 : vector<16xf32>
          %select_n3A_182 = arith.select %gt3A_178, %add3A_175, %mul3A_181 : vector<16xi1>, vector<16xf32>
          %add3A_183 = arith.addf %gather3A_140, %gather3A_152 : vector<16xf32>
          %gt3A_184 = arith.constant 0.000000e+00 : f32
          %gt3A_185 = vector.broadcast %gt3A_184 : f32 to vector<16xf32>
          %gt3A_186 = arith.cmpf ogt, %add3A_183, %gt3A_185 : vector<16xf32>
          %mul3A_187 = arith.constant 2.000000e-01 : f32
          %mul3A_188 = vector.broadcast %mul3A_187 : f32 to vector<16xf32>
          %mul3A_189 = arith.mulf %mul3A_188, %add3A_183 : vector<16xf32>
          %select_n3A_190 = arith.select %gt3A_186, %add3A_183, %mul3A_189 : vector<16xi1>, vector<16xf32>
          %add3A_191 = arith.addf %gather3A_141, %gather3A_153 : vector<16xf32>
          %gt3A_192 = arith.constant 0.000000e+00 : f32
          %gt3A_193 = vector.broadcast %gt3A_192 : f32 to vector<16xf32>
          %gt3A_194 = arith.cmpf ogt, %add3A_191, %gt3A_193 : vector<16xf32>
          %mul3A_195 = arith.constant 2.000000e-01 : f32
          %mul3A_196 = vector.broadcast %mul3A_195 : f32 to vector<16xf32>
          %mul3A_197 = arith.mulf %mul3A_196, %add3A_191 : vector<16xf32>
          %select_n3A_198 = arith.select %gt3A_194, %add3A_191, %mul3A_197 : vector<16xi1>, vector<16xf32>
          %add3A_199 = arith.addf %gather3A_142, %gather3A_154 : vector<16xf32>
          %gt3A_200 = arith.constant 0.000000e+00 : f32
          %gt3A_201 = vector.broadcast %gt3A_200 : f32 to vector<16xf32>
          %gt3A_202 = arith.cmpf ogt, %add3A_199, %gt3A_201 : vector<16xf32>
          %mul3A_203 = arith.constant 2.000000e-01 : f32
          %mul3A_204 = vector.broadcast %mul3A_203 : f32 to vector<16xf32>
          %mul3A_205 = arith.mulf %mul3A_204, %add3A_199 : vector<16xf32>
          %select_n3A_206 = arith.select %gt3A_202, %add3A_199, %mul3A_205 : vector<16xi1>, vector<16xf32>
          %add3A_207 = arith.addf %gather3A_143, %gather3A_155 : vector<16xf32>
          %gt3A_208 = arith.constant 0.000000e+00 : f32
          %gt3A_209 = vector.broadcast %gt3A_208 : f32 to vector<16xf32>
          %gt3A_210 = arith.cmpf ogt, %add3A_207, %gt3A_209 : vector<16xf32>
          %mul3A_211 = arith.constant 2.000000e-01 : f32
          %mul3A_212 = vector.broadcast %mul3A_211 : f32 to vector<16xf32>
          %mul3A_213 = arith.mulf %mul3A_212, %add3A_207 : vector<16xf32>
          %select_n3A_214 = arith.select %gt3A_210, %add3A_207, %mul3A_213 : vector<16xi1>, vector<16xf32>
          %add3A_215 = arith.addf %gather3A_144, %gather3A_156 : vector<16xf32>
          %gt3A_216 = arith.constant 0.000000e+00 : f32
          %gt3A_217 = vector.broadcast %gt3A_216 : f32 to vector<16xf32>
          %gt3A_218 = arith.cmpf ogt, %add3A_215, %gt3A_217 : vector<16xf32>
          %mul3A_219 = arith.constant 2.000000e-01 : f32
          %mul3A_220 = vector.broadcast %mul3A_219 : f32 to vector<16xf32>
          %mul3A_221 = arith.mulf %mul3A_220, %add3A_215 : vector<16xf32>
          %select_n3A_222 = arith.select %gt3A_218, %add3A_215, %mul3A_221 : vector<16xi1>, vector<16xf32>
          %add3A_223 = arith.addf %gather3A_145, %gather3A_157 : vector<16xf32>
          %gt3A_224 = arith.constant 0.000000e+00 : f32
          %gt3A_225 = vector.broadcast %gt3A_224 : f32 to vector<16xf32>
          %gt3A_226 = arith.cmpf ogt, %add3A_223, %gt3A_225 : vector<16xf32>
          %mul3A_227 = arith.constant 2.000000e-01 : f32
          %mul3A_228 = vector.broadcast %mul3A_227 : f32 to vector<16xf32>
          %mul3A_229 = arith.mulf %mul3A_228, %add3A_223 : vector<16xf32>
          %select_n3A_230 = arith.select %gt3A_226, %add3A_223, %mul3A_229 : vector<16xi1>, vector<16xf32>
          %add3A_231 = arith.addf %gather3A_146, %gather3A_158 : vector<16xf32>
          %gt3A_232 = arith.constant 0.000000e+00 : f32
          %gt3A_233 = vector.broadcast %gt3A_232 : f32 to vector<16xf32>
          %gt3A_234 = arith.cmpf ogt, %add3A_231, %gt3A_233 : vector<16xf32>
          %mul3A_235 = arith.constant 2.000000e-01 : f32
          %mul3A_236 = vector.broadcast %mul3A_235 : f32 to vector<16xf32>
          %mul3A_237 = arith.mulf %mul3A_236, %add3A_231 : vector<16xf32>
          %select_n3A_238 = arith.select %gt3A_234, %add3A_231, %mul3A_237 : vector<16xi1>, vector<16xf32>
          %add3A_239 = arith.addf %gather3A_147, %gather3A_159 : vector<16xf32>
          %gt3A_240 = arith.constant 0.000000e+00 : f32
          %gt3A_241 = vector.broadcast %gt3A_240 : f32 to vector<16xf32>
          %gt3A_242 = arith.cmpf ogt, %add3A_239, %gt3A_241 : vector<16xf32>
          %mul3A_243 = arith.constant 2.000000e-01 : f32
          %mul3A_244 = vector.broadcast %mul3A_243 : f32 to vector<16xf32>
          %mul3A_245 = arith.mulf %mul3A_244, %add3A_239 : vector<16xf32>
          %select_n3A_246 = arith.select %gt3A_242, %add3A_239, %mul3A_245 : vector<16xi1>, vector<16xf32>
          %add3A_247 = arith.addf %gather3A_148, %gather3A_160 : vector<16xf32>
          %gt3A_248 = arith.constant 0.000000e+00 : f32
          %gt3A_249 = vector.broadcast %gt3A_248 : f32 to vector<16xf32>
          %gt3A_250 = arith.cmpf ogt, %add3A_247, %gt3A_249 : vector<16xf32>
          %mul3A_251 = arith.constant 2.000000e-01 : f32
          %mul3A_252 = vector.broadcast %mul3A_251 : f32 to vector<16xf32>
          %mul3A_253 = arith.mulf %mul3A_252, %add3A_247 : vector<16xf32>
          %select_n3A_254 = arith.select %gt3A_250, %add3A_247, %mul3A_253 : vector<16xi1>, vector<16xf32>
          %get3A = arith.constant 0 : i32
          %get3A_255 = arith.index_cast %get3A : i32 to index
          %get3A_256 = arith.constant 0 : index
          %get3A_257 = tpu.vector_load %arg12[%get3A_255, %get3A_256] {strides = array<i32>} : memref<12x16xf32, #tpu.memory_space<vmem>>, vector<16xf32>,
          %mul3A_258 = arith.mulf %get3A_257, %select_n3A : vector<16xf32>
          %get3A_259 = arith.constant 1 : i32
          %get3A_260 = arith.index_cast %get3A_259 : i32 to index
          %get3A_261 = arith.constant 0 : index
          %get3A_262 = tpu.vector_load %arg12[%get3A_260, %get3A_261] {strides = array<i32>} : memref<12x16xf32, #tpu.memory_space<vmem>>, vector<16xf32>,
          %mul3A_263 = arith.mulf %get3A_262, %select_n3A_174 : vector<16xf32>
          %get3A_264 = arith.constant 2 : i32
          %get3A_265 = arith.index_cast %get3A_264 : i32 to index
          %get3A_266 = arith.constant 0 : index
          %get3A_267 = tpu.vector_load %arg12[%get3A_265, %get3A_266] {strides = array<i32>} : memref<12x16xf32, #tpu.memory_space<vmem>>, vector<16xf32>,
          %mul3A_268 = arith.mulf %get3A_267, %select_n3A_182 : vector<16xf32>
          %get3A_269 = arith.constant 3 : i32
          %get3A_270 = arith.index_cast %get3A_269 : i32 to index
          %get3A_271 = arith.constant 0 : index
          %get3A_272 = tpu.vector_load %arg12[%get3A_270, %get3A_271] {strides = array<i32>} : memref<12x16xf32, #tpu.memory_space<vmem>>, vector<16xf32>,
          %mul3A_273 = arith.mulf %get3A_272, %select_n3A_190 : vector<16xf32>
          %add3A_274 = arith.addf %mul3A_268, %mul3A_273 : vector<16xf32>
          %get3A_275 = arith.constant 4 : i32
          %get3A_276 = arith.index_cast %get3A_275 : i32 to index
          %get3A_277 = arith.constant 0 : index
          %get3A_278 = tpu.vector_load %arg12[%get3A_276, %get3A_277] {strides = array<i32>} : memref<12x16xf32, #tpu.memory_space<vmem>>, vector<16xf32>,
          %mul3A_279 = arith.mulf %get3A_278, %select_n3A_198 : vector<16xf32>
          %add3A_280 = arith.addf %add3A_274, %mul3A_279 : vector<16xf32>
          %get3A_281 = arith.constant 5 : i32
          %get3A_282 = arith.index_cast %get3A_281 : i32 to index
          %get3A_283 = arith.constant 0 : index
          %get3A_284 = tpu.vector_load %arg12[%get3A_282, %get3A_283] {strides = array<i32>} : memref<12x16xf32, #tpu.memory_space<vmem>>, vector<16xf32>,
          %mul3A_285 = arith.mulf %get3A_284, %select_n3A_206 : vector<16xf32>
          %add3A_286 = arith.addf %add3A_280, %mul3A_285 : vector<16xf32>
          %get3A_287 = arith.constant 6 : i32
          %get3A_288 = arith.index_cast %get3A_287 : i32 to index
          %get3A_289 = arith.constant 0 : index
          %get3A_290 = tpu.vector_load %arg12[%get3A_288, %get3A_289] {strides = array<i32>} : memref<12x16xf32, #tpu.memory_space<vmem>>, vector<16xf32>,
          %mul3A_291 = arith.mulf %get3A_290, %select_n3A_214 : vector<16xf32>
          %add3A_292 = arith.addf %add3A_286, %mul3A_291 : vector<16xf32>
          %get3A_293 = arith.constant 7 : i32
          %get3A_294 = arith.index_cast %get3A_293 : i32 to index
          %get3A_295 = arith.constant 0 : index
          %get3A_296 = tpu.vector_load %arg12[%get3A_294, %get3A_295] {strides = array<i32>} : memref<12x16xf32, #tpu.memory_space<vmem>>, vector<16xf32>,
          %mul3A_297 = arith.mulf %get3A_296, %select_n3A_222 : vector<16xf32>
          %get3A_298 = arith.constant 8 : i32
          %get3A_299 = arith.index_cast %get3A_298 : i32 to index
          %get3A_300 = arith.constant 0 : index
          %get3A_301 = tpu.vector_load %arg12[%get3A_299, %get3A_300] {strides = array<i32>} : memref<12x16xf32, #tpu.memory_space<vmem>>, vector<16xf32>,
          %mul3A_302 = arith.mulf %get3A_301, %select_n3A_230 : vector<16xf32>
          %add3A_303 = arith.addf %mul3A_297, %mul3A_302 : vector<16xf32>
          %get3A_304 = arith.constant 9 : i32
          %get3A_305 = arith.index_cast %get3A_304 : i32 to index
          %get3A_306 = arith.constant 0 : index
          %get3A_307 = tpu.vector_load %arg12[%get3A_305, %get3A_306] {strides = array<i32>} : memref<12x16xf32, #tpu.memory_space<vmem>>, vector<16xf32>,
          %mul3A_308 = arith.mulf %get3A_307, %select_n3A_238 : vector<16xf32>
          %add3A_309 = arith.addf %add3A_303, %mul3A_308 : vector<16xf32>
          %get3A_310 = arith.constant 10 : i32
          %get3A_311 = arith.index_cast %get3A_310 : i32 to index
          %get3A_312 = arith.constant 0 : index
          %get3A_313 = tpu.vector_load %arg12[%get3A_311, %get3A_312] {strides = array<i32>} : memref<12x16xf32, #tpu.memory_space<vmem>>, vector<16xf32>,
          %mul3A_314 = arith.mulf %get3A_313, %select_n3A_246 : vector<16xf32>
          %add3A_315 = arith.addf %add3A_309, %mul3A_314 : vector<16xf32>
          %get3A_316 = arith.constant 11 : i32
          %get3A_317 = arith.index_cast %get3A_316 : i32 to index
          %get3A_318 = arith.constant 0 : index
          %get3A_319 = tpu.vector_load %arg12[%get3A_317, %get3A_318] {strides = array<i32>} : memref<12x16xf32, #tpu.memory_space<vmem>>, vector<16xf32>,
          %mul3A_320 = arith.mulf %get3A_319, %select_n3A_254 : vector<16xf32>
          %add3A_321 = arith.addf %add3A_315, %mul3A_320 : vector<16xf32>
          %exp3A = math.exp %mul3A_258 : vector<16xf32>
          %exp3A_322 = math.exp %mul3A_263 : vector<16xf32>
          %exp3A_323 = math.exp %add3A_292 : vector<16xf32>
          %exp3A_324 = math.exp %add3A_321 : vector<16xf32>
          %mul3A_325 = arith.mulf %exp3A, %gather3A : vector<16xf32>
          %mul3A_326 = arith.mulf %exp3A_322, %gather3A_138 : vector<16xf32>
          %mul3A_327 = arith.mulf %exp3A_323, %gather3A_139 : vector<16xf32>
          %mul3A_328 = arith.mulf %exp3A_323, %gather3A_140 : vector<16xf32>
          %mul3A_329 = arith.mulf %exp3A_323, %gather3A_141 : vector<16xf32>
          %mul3A_330 = arith.mulf %exp3A_323, %gather3A_142 : vector<16xf32>
          %mul3A_331 = arith.mulf %exp3A_323, %gather3A_143 : vector<16xf32>
          %mul3A_332 = arith.mulf %exp3A_324, %gather3A_144 : vector<16xf32>
          %mul3A_333 = arith.mulf %exp3A_324, %gather3A_145 : vector<16xf32>
          %mul3A_334 = arith.mulf %exp3A_324, %gather3A_146 : vector<16xf32>
          %mul3A_335 = arith.mulf %exp3A_324, %gather3A_147 : vector<16xf32>
          %mul3A_336 = arith.mulf %exp3A_324, %gather3A_148 : vector<16xf32>
          tpu.vector_store_idx %arg11[%add3A_105, %broadcast_in_dim3A_107], %exp3A : memref<256x16xf32, #tpu.memory_space<vmem>>[vector<16xi32>, vector<16xi32>], vector<16xf32>,
          tpu.vector_store_idx %arg11[%add3A_105, %broadcast_in_dim3A_109], %exp3A_322 : memref<256x16xf32, #tpu.memory_space<vmem>>[vector<16xi32>, vector<16xi32>], vector<16xf32>,
          tpu.vector_store_idx %arg11[%add3A_105, %broadcast_in_dim3A_111], %mul3A_325 : memref<256x16xf32, #tpu.memory_space<vmem>>[vector<16xi32>, vector<16xi32>], vector<16xf32>,
          tpu.vector_store_idx %arg11[%add3A_105, %broadcast_in_dim3A_113], %mul3A_326 : memref<256x16xf32, #tpu.memory_space<vmem>>[vector<16xi32>, vector<16xi32>], vector<16xf32>,
          tpu.vector_store_idx %arg11[%add3A_105, %broadcast_in_dim3A_115], %exp3A_323 : memref<256x16xf32, #tpu.memory_space<vmem>>[vector<16xi32>, vector<16xi32>], vector<16xf32>,
          tpu.vector_store_idx %arg11[%add3A_105, %broadcast_in_dim3A_117], %exp3A_324 : memref<256x16xf32, #tpu.memory_space<vmem>>[vector<16xi32>, vector<16xi32>], vector<16xf32>,
          tpu.vector_store_idx %arg11[%add3A_105, %broadcast_in_dim3A_119], %mul3A_327 : memref<256x16xf32, #tpu.memory_space<vmem>>[vector<16xi32>, vector<16xi32>], vector<16xf32>,
          tpu.vector_store_idx %arg11[%add3A_105, %broadcast_in_dim3A_121], %mul3A_328 : memref<256x16xf32, #tpu.memory_space<vmem>>[vector<16xi32>, vector<16xi32>], vector<16xf32>,
          tpu.vector_store_idx %arg11[%add3A_105, %broadcast_in_dim3A_123], %mul3A_329 : memref<256x16xf32, #tpu.memory_space<vmem>>[vector<16xi32>, vector<16xi32>], vector<16xf32>,
          tpu.vector_store_idx %arg11[%add3A_105, %broadcast_in_dim3A_125], %mul3A_330 : memref<256x16xf32, #tpu.memory_space<vmem>>[vector<16xi32>, vector<16xi32>], vector<16xf32>,
          tpu.vector_store_idx %arg11[%add3A_105, %broadcast_in_dim3A_127], %mul3A_331 : memref<256x16xf32, #tpu.memory_space<vmem>>[vector<16xi32>, vector<16xi32>], vector<16xf32>,
          tpu.vector_store_idx %arg11[%add3A_105, %broadcast_in_dim3A_129], %mul3A_332 : memref<256x16xf32, #tpu.memory_space<vmem>>[vector<16xi32>, vector<16xi32>], vector<16xf32>,
          tpu.vector_store_idx %arg11[%add3A_105, %broadcast_in_dim3A_131], %mul3A_333 : memref<256x16xf32, #tpu.memory_space<vmem>>[vector<16xi32>, vector<16xi32>], vector<16xf32>,
          tpu.vector_store_idx %arg11[%add3A_105, %broadcast_in_dim3A_133], %mul3A_334 : memref<256x16xf32, #tpu.memory_space<vmem>>[vector<16xi32>, vector<16xi32>], vector<16xf32>,
          tpu.vector_store_idx %arg11[%add3A_105, %broadcast_in_dim3A_135], %mul3A_335 : memref<256x16xf32, #tpu.memory_space<vmem>>[vector<16xi32>, vector<16xi32>], vector<16xf32>,
          tpu.vector_store_idx %arg11[%add3A_105, %broadcast_in_dim3A_137], %mul3A_336 : memref<256x16xf32, #tpu.memory_space<vmem>>[vector<16xi32>, vector<16xi32>], vector<16xf32>,
        }
        %scan3A_73 = arith.constant 8 : i32
        %dma_start3A = arith.constant 0 : i32
        %dma_start3A_74 = arith.constant 1 : i32
        %dma_start3A_75 = arith.constant 0 : i32
        %dma_start3A_76 = arith.constant 0 : i32
        %dma_start3A_77 = tpu.memref_slice %arg11[%dma_start3A_75, %dma_start3A_76] : memref<256x16xf32, #tpu.memory_space<vmem>> -> memref<128x16xf32, #tpu.memory_space<vmem>>
        %dma_start3A_78 = arith.constant 0 : i32
        %dma_start3A_79 = tpu.memref_slice %arg8[%rem3A_50, %dma_start3A, %dma_start3A_74, %dma_start3A_78] : memref<3x2x2x128xi32, #tpu.memory_space<vmem>> -> memref<1x1x1x128xi32, #tpu.memory_space<vmem>>
        %dma_start3A_80 = tpu.memref_squeeze %dma_start3A_79 : memref<1x1x1x128xi32, #tpu.memory_space<vmem>> -> memref<128xi32, #tpu.memory_space<vmem>>
        %dma_start3A_81 = arith.constant 0 : i32
        %dma_start3A_82 = arith.constant 0 : i32
        %dma_start3A_83 = tpu.memref_slice %arg13[%dma_start3A_81, %dma_start3A_82] : memref<100352x16xf32, #tpu.memory_space<vmem_shared>> -> memref<100352x16xf32, #tpu.memory_space<vmem_shared>>
        tpu.enqueue_indirect_dma source(%dma_start3A_77 : memref<128x16xf32, #tpu.memory_space<vmem>>) target(%dma_start3A_83 : memref<100352x16xf32, #tpu.memory_space<vmem_shared>>) offsets(%dma_start3A_80 : memref<128xi32, #tpu.memory_space<vmem>>) semaphore(%arg16 : memref<!tpu.dma_semaphore, #tpu.memory_space<semaphore_mem>>) {add = true}
        %scan3A_84 = arith.constant 0 : i32
        %scan3A_85 = arith.constant 8 : i32
        %scan3A_86 = arith.constant 8 : i32
        %scan3A_87 = arith.addi %scan3A_85, %scan3A_86 : i32
        %scan3A_88 = arith.constant 1 : i32
        scf.for %scan3A_101 = %scan3A_85 to %scan3A_87 step %scan3A_88  : i32 {
          %iota3A = tpu.iota {dimensions = array<i32: 0>} : vector<16xi32>
          %mul3A_102 = arith.constant 16 : i32
          %mul3A_103 = arith.muli %scan3A_101, %mul3A_102 : i32
          %add3A_104 = vector.broadcast %mul3A_103 : i32 to vector<16xi32>
          %add3A_105 = arith.addi %iota3A, %add3A_104 : vector<16xi32>
          %broadcast_in_dim3A_106 = arith.constant 0 : i32
          %broadcast_in_dim3A_107 = vector.broadcast %broadcast_in_dim3A_106 : i32 to vector<16xi32>
          %broadcast_in_dim3A_108 = arith.constant 1 : i32
          %broadcast_in_dim3A_109 = vector.broadcast %broadcast_in_dim3A_108 : i32 to vector<16xi32>
          %broadcast_in_dim3A_110 = arith.constant 2 : i32
          %broadcast_in_dim3A_111 = vector.broadcast %broadcast_in_dim3A_110 : i32 to vector<16xi32>
          %broadcast_in_dim3A_112 = arith.constant 3 : i32
          %broadcast_in_dim3A_113 = vector.broadcast %broadcast_in_dim3A_112 : i32 to vector<16xi32>
          %broadcast_in_dim3A_114 = arith.constant 4 : i32
          %broadcast_in_dim3A_115 = vector.broadcast %broadcast_in_dim3A_114 : i32 to vector<16xi32>
          %broadcast_in_dim3A_116 = arith.constant 5 : i32
          %broadcast_in_dim3A_117 = vector.broadcast %broadcast_in_dim3A_116 : i32 to vector<16xi32>
          %broadcast_in_dim3A_118 = arith.constant 6 : i32
          %broadcast_in_dim3A_119 = vector.broadcast %broadcast_in_dim3A_118 : i32 to vector<16xi32>
          %broadcast_in_dim3A_120 = arith.constant 7 : i32
          %broadcast_in_dim3A_121 = vector.broadcast %broadcast_in_dim3A_120 : i32 to vector<16xi32>
          %broadcast_in_dim3A_122 = arith.constant 8 : i32
          %broadcast_in_dim3A_123 = vector.broadcast %broadcast_in_dim3A_122 : i32 to vector<16xi32>
          %broadcast_in_dim3A_124 = arith.constant 9 : i32
          %broadcast_in_dim3A_125 = vector.broadcast %broadcast_in_dim3A_124 : i32 to vector<16xi32>
          %broadcast_in_dim3A_126 = arith.constant 10 : i32
          %broadcast_in_dim3A_127 = vector.broadcast %broadcast_in_dim3A_126 : i32 to vector<16xi32>
          %broadcast_in_dim3A_128 = arith.constant 11 : i32
          %broadcast_in_dim3A_129 = vector.broadcast %broadcast_in_dim3A_128 : i32 to vector<16xi32>
          %broadcast_in_dim3A_130 = arith.constant 12 : i32
          %broadcast_in_dim3A_131 = vector.broadcast %broadcast_in_dim3A_130 : i32 to vector<16xi32>
          %broadcast_in_dim3A_132 = arith.constant 13 : i32
          %broadcast_in_dim3A_133 = vector.broadcast %broadcast_in_dim3A_132 : i32 to vector<16xi32>
          %broadcast_in_dim3A_134 = arith.constant 14 : i32
          %broadcast_in_dim3A_135 = vector.broadcast %broadcast_in_dim3A_134 : i32 to vector<16xi32>
          %broadcast_in_dim3A_136 = arith.constant 15 : i32
          %broadcast_in_dim3A_137 = vector.broadcast %broadcast_in_dim3A_136 : i32 to vector<16xi32>
          %gather3A = tpu.vector_load_idx %arg9[%broadcast_in_dim3A, %add3A_105, %broadcast_in_dim3A_107] : memref<2x256x16xf32, #tpu.memory_space<vmem>>[vector<16xi32>, vector<16xi32>, vector<16xi32>], vector<16xf32>,
          %gather3A_138 = tpu.vector_load_idx %arg9[%broadcast_in_dim3A, %add3A_105, %broadcast_in_dim3A_109] : memref<2x256x16xf32, #tpu.memory_space<vmem>>[vector<16xi32>, vector<16xi32>, vector<16xi32>], vector<16xf32>,
          %gather3A_139 = tpu.vector_load_idx %arg9[%broadcast_in_dim3A, %add3A_105, %broadcast_in_dim3A_111] : memref<2x256x16xf32, #tpu.memory_space<vmem>>[vector<16xi32>, vector<16xi32>, vector<16xi32>], vector<16xf32>,
          %gather3A_140 = tpu.vector_load_idx %arg9[%broadcast_in_dim3A, %add3A_105, %broadcast_in_dim3A_113] : memref<2x256x16xf32, #tpu.memory_space<vmem>>[vector<16xi32>, vector<16xi32>, vector<16xi32>], vector<16xf32>,
          %gather3A_141 = tpu.vector_load_idx %arg9[%broadcast_in_dim3A, %add3A_105, %broadcast_in_dim3A_115] : memref<2x256x16xf32, #tpu.memory_space<vmem>>[vector<16xi32>, vector<16xi32>, vector<16xi32>], vector<16xf32>,
          %gather3A_142 = tpu.vector_load_idx %arg9[%broadcast_in_dim3A, %add3A_105, %broadcast_in_dim3A_117] : memref<2x256x16xf32, #tpu.memory_space<vmem>>[vector<16xi32>, vector<16xi32>, vector<16xi32>], vector<16xf32>,
          %gather3A_143 = tpu.vector_load_idx %arg9[%broadcast_in_dim3A, %add3A_105, %broadcast_in_dim3A_119] : memref<2x256x16xf32, #tpu.memory_space<vmem>>[vector<16xi32>, vector<16xi32>, vector<16xi32>], vector<16xf32>,
          %gather3A_144 = tpu.vector_load_idx %arg9[%broadcast_in_dim3A, %add3A_105, %broadcast_in_dim3A_121] : memref<2x256x16xf32, #tpu.memory_space<vmem>>[vector<16xi32>, vector<16xi32>, vector<16xi32>], vector<16xf32>,
          %gather3A_145 = tpu.vector_load_idx %arg9[%broadcast_in_dim3A, %add3A_105, %broadcast_in_dim3A_123] : memref<2x256x16xf32, #tpu.memory_space<vmem>>[vector<16xi32>, vector<16xi32>, vector<16xi32>], vector<16xf32>,
          %gather3A_146 = tpu.vector_load_idx %arg9[%broadcast_in_dim3A, %add3A_105, %broadcast_in_dim3A_125] : memref<2x256x16xf32, #tpu.memory_space<vmem>>[vector<16xi32>, vector<16xi32>, vector<16xi32>], vector<16xf32>,
          %gather3A_147 = tpu.vector_load_idx %arg9[%broadcast_in_dim3A, %add3A_105, %broadcast_in_dim3A_127] : memref<2x256x16xf32, #tpu.memory_space<vmem>>[vector<16xi32>, vector<16xi32>, vector<16xi32>], vector<16xf32>,
          %gather3A_148 = tpu.vector_load_idx %arg9[%broadcast_in_dim3A, %add3A_105, %broadcast_in_dim3A_129] : memref<2x256x16xf32, #tpu.memory_space<vmem>>[vector<16xi32>, vector<16xi32>, vector<16xi32>], vector<16xf32>,
          %gather3A_149 = tpu.vector_load_idx %arg10[%broadcast_in_dim3A, %add3A_105, %broadcast_in_dim3A_107] : memref<2x256x16xf32, #tpu.memory_space<vmem>>[vector<16xi32>, vector<16xi32>, vector<16xi32>], vector<16xf32>,
          %gather3A_150 = tpu.vector_load_idx %arg10[%broadcast_in_dim3A, %add3A_105, %broadcast_in_dim3A_109] : memref<2x256x16xf32, #tpu.memory_space<vmem>>[vector<16xi32>, vector<16xi32>, vector<16xi32>], vector<16xf32>,
          %gather3A_151 = tpu.vector_load_idx %arg10[%broadcast_in_dim3A, %add3A_105, %broadcast_in_dim3A_111] : memref<2x256x16xf32, #tpu.memory_space<vmem>>[vector<16xi32>, vector<16xi32>, vector<16xi32>], vector<16xf32>,
          %gather3A_152 = tpu.vector_load_idx %arg10[%broadcast_in_dim3A, %add3A_105, %broadcast_in_dim3A_113] : memref<2x256x16xf32, #tpu.memory_space<vmem>>[vector<16xi32>, vector<16xi32>, vector<16xi32>], vector<16xf32>,
          %gather3A_153 = tpu.vector_load_idx %arg10[%broadcast_in_dim3A, %add3A_105, %broadcast_in_dim3A_115] : memref<2x256x16xf32, #tpu.memory_space<vmem>>[vector<16xi32>, vector<16xi32>, vector<16xi32>], vector<16xf32>,
          %gather3A_154 = tpu.vector_load_idx %arg10[%broadcast_in_dim3A, %add3A_105, %broadcast_in_dim3A_117] : memref<2x256x16xf32, #tpu.memory_space<vmem>>[vector<16xi32>, vector<16xi32>, vector<16xi32>], vector<16xf32>,
          %gather3A_155 = tpu.vector_load_idx %arg10[%broadcast_in_dim3A, %add3A_105, %broadcast_in_dim3A_119] : memref<2x256x16xf32, #tpu.memory_space<vmem>>[vector<16xi32>, vector<16xi32>, vector<16xi32>], vector<16xf32>,
          %gather3A_156 = tpu.vector_load_idx %arg10[%broadcast_in_dim3A, %add3A_105, %broadcast_in_dim3A_121] : memref<2x256x16xf32, #tpu.memory_space<vmem>>[vector<16xi32>, vector<16xi32>, vector<16xi32>], vector<16xf32>,
          %gather3A_157 = tpu.vector_load_idx %arg10[%broadcast_in_dim3A, %add3A_105, %broadcast_in_dim3A_123] : memref<2x256x16xf32, #tpu.memory_space<vmem>>[vector<16xi32>, vector<16xi32>, vector<16xi32>], vector<16xf32>,
          %gather3A_158 = tpu.vector_load_idx %arg10[%broadcast_in_dim3A, %add3A_105, %broadcast_in_dim3A_125] : memref<2x256x16xf32, #tpu.memory_space<vmem>>[vector<16xi32>, vector<16xi32>, vector<16xi32>], vector<16xf32>,
          %gather3A_159 = tpu.vector_load_idx %arg10[%broadcast_in_dim3A, %add3A_105, %broadcast_in_dim3A_127] : memref<2x256x16xf32, #tpu.memory_space<vmem>>[vector<16xi32>, vector<16xi32>, vector<16xi32>], vector<16xf32>,
          %gather3A_160 = tpu.vector_load_idx %arg10[%broadcast_in_dim3A, %add3A_105, %broadcast_in_dim3A_129] : memref<2x256x16xf32, #tpu.memory_space<vmem>>[vector<16xi32>, vector<16xi32>, vector<16xi32>], vector<16xf32>,
          %add3A_161 = arith.addf %gather3A, %gather3A_149 : vector<16xf32>
          %gt3A = arith.constant 0.000000e+00 : f32
          %gt3A_162 = vector.broadcast %gt3A : f32 to vector<16xf32>
          %gt3A_163 = arith.cmpf ogt, %add3A_161, %gt3A_162 : vector<16xf32>
          %mul3A_164 = arith.constant 2.000000e-01 : f32
          %mul3A_165 = vector.broadcast %mul3A_164 : f32 to vector<16xf32>
          %mul3A_166 = arith.mulf %mul3A_165, %add3A_161 : vector<16xf32>
          %select_n3A = arith.select %gt3A_163, %add3A_161, %mul3A_166 : vector<16xi1>, vector<16xf32>
          %add3A_167 = arith.addf %gather3A_138, %gather3A_150 : vector<16xf32>
          %gt3A_168 = arith.constant 0.000000e+00 : f32
          %gt3A_169 = vector.broadcast %gt3A_168 : f32 to vector<16xf32>
          %gt3A_170 = arith.cmpf ogt, %add3A_167, %gt3A_169 : vector<16xf32>
          %mul3A_171 = arith.constant 2.000000e-01 : f32
          %mul3A_172 = vector.broadcast %mul3A_171 : f32 to vector<16xf32>
          %mul3A_173 = arith.mulf %mul3A_172, %add3A_167 : vector<16xf32>
          %select_n3A_174 = arith.select %gt3A_170, %add3A_167, %mul3A_173 : vector<16xi1>, vector<16xf32>
          %add3A_175 = arith.addf %gather3A_139, %gather3A_151 : vector<16xf32>
          %gt3A_176 = arith.constant 0.000000e+00 : f32
          %gt3A_177 = vector.broadcast %gt3A_176 : f32 to vector<16xf32>
          %gt3A_178 = arith.cmpf ogt, %add3A_175, %gt3A_177 : vector<16xf32>
          %mul3A_179 = arith.constant 2.000000e-01 : f32
          %mul3A_180 = vector.broadcast %mul3A_179 : f32 to vector<16xf32>
          %mul3A_181 = arith.mulf %mul3A_180, %add3A_175 : vector<16xf32>
          %select_n3A_182 = arith.select %gt3A_178, %add3A_175, %mul3A_181 : vector<16xi1>, vector<16xf32>
          %add3A_183 = arith.addf %gather3A_140, %gather3A_152 : vector<16xf32>
          %gt3A_184 = arith.constant 0.000000e+00 : f32
          %gt3A_185 = vector.broadcast %gt3A_184 : f32 to vector<16xf32>
          %gt3A_186 = arith.cmpf ogt, %add3A_183, %gt3A_185 : vector<16xf32>
          %mul3A_187 = arith.constant 2.000000e-01 : f32
          %mul3A_188 = vector.broadcast %mul3A_187 : f32 to vector<16xf32>
          %mul3A_189 = arith.mulf %mul3A_188, %add3A_183 : vector<16xf32>
          %select_n3A_190 = arith.select %gt3A_186, %add3A_183, %mul3A_189 : vector<16xi1>, vector<16xf32>
          %add3A_191 = arith.addf %gather3A_141, %gather3A_153 : vector<16xf32>
          %gt3A_192 = arith.constant 0.000000e+00 : f32
          %gt3A_193 = vector.broadcast %gt3A_192 : f32 to vector<16xf32>
          %gt3A_194 = arith.cmpf ogt, %add3A_191, %gt3A_193 : vector<16xf32>
          %mul3A_195 = arith.constant 2.000000e-01 : f32
          %mul3A_196 = vector.broadcast %mul3A_195 : f32 to vector<16xf32>
          %mul3A_197 = arith.mulf %mul3A_196, %add3A_191 : vector<16xf32>
          %select_n3A_198 = arith.select %gt3A_194, %add3A_191, %mul3A_197 : vector<16xi1>, vector<16xf32>
          %add3A_199 = arith.addf %gather3A_142, %gather3A_154 : vector<16xf32>
          %gt3A_200 = arith.constant 0.000000e+00 : f32
          %gt3A_201 = vector.broadcast %gt3A_200 : f32 to vector<16xf32>
          %gt3A_202 = arith.cmpf ogt, %add3A_199, %gt3A_201 : vector<16xf32>
          %mul3A_203 = arith.constant 2.000000e-01 : f32
          %mul3A_204 = vector.broadcast %mul3A_203 : f32 to vector<16xf32>
          %mul3A_205 = arith.mulf %mul3A_204, %add3A_199 : vector<16xf32>
          %select_n3A_206 = arith.select %gt3A_202, %add3A_199, %mul3A_205 : vector<16xi1>, vector<16xf32>
          %add3A_207 = arith.addf %gather3A_143, %gather3A_155 : vector<16xf32>
          %gt3A_208 = arith.constant 0.000000e+00 : f32
          %gt3A_209 = vector.broadcast %gt3A_208 : f32 to vector<16xf32>
          %gt3A_210 = arith.cmpf ogt, %add3A_207, %gt3A_209 : vector<16xf32>
          %mul3A_211 = arith.constant 2.000000e-01 : f32
          %mul3A_212 = vector.broadcast %mul3A_211 : f32 to vector<16xf32>
          %mul3A_213 = arith.mulf %mul3A_212, %add3A_207 : vector<16xf32>
          %select_n3A_214 = arith.select %gt3A_210, %add3A_207, %mul3A_213 : vector<16xi1>, vector<16xf32>
          %add3A_215 = arith.addf %gather3A_144, %gather3A_156 : vector<16xf32>
          %gt3A_216 = arith.constant 0.000000e+00 : f32
          %gt3A_217 = vector.broadcast %gt3A_216 : f32 to vector<16xf32>
          %gt3A_218 = arith.cmpf ogt, %add3A_215, %gt3A_217 : vector<16xf32>
          %mul3A_219 = arith.constant 2.000000e-01 : f32
          %mul3A_220 = vector.broadcast %mul3A_219 : f32 to vector<16xf32>
          %mul3A_221 = arith.mulf %mul3A_220, %add3A_215 : vector<16xf32>
          %select_n3A_222 = arith.select %gt3A_218, %add3A_215, %mul3A_221 : vector<16xi1>, vector<16xf32>
          %add3A_223 = arith.addf %gather3A_145, %gather3A_157 : vector<16xf32>
          %gt3A_224 = arith.constant 0.000000e+00 : f32
          %gt3A_225 = vector.broadcast %gt3A_224 : f32 to vector<16xf32>
          %gt3A_226 = arith.cmpf ogt, %add3A_223, %gt3A_225 : vector<16xf32>
          %mul3A_227 = arith.constant 2.000000e-01 : f32
          %mul3A_228 = vector.broadcast %mul3A_227 : f32 to vector<16xf32>
          %mul3A_229 = arith.mulf %mul3A_228, %add3A_223 : vector<16xf32>
          %select_n3A_230 = arith.select %gt3A_226, %add3A_223, %mul3A_229 : vector<16xi1>, vector<16xf32>
          %add3A_231 = arith.addf %gather3A_146, %gather3A_158 : vector<16xf32>
          %gt3A_232 = arith.constant 0.000000e+00 : f32
          %gt3A_233 = vector.broadcast %gt3A_232 : f32 to vector<16xf32>
          %gt3A_234 = arith.cmpf ogt, %add3A_231, %gt3A_233 : vector<16xf32>
          %mul3A_235 = arith.constant 2.000000e-01 : f32
          %mul3A_236 = vector.broadcast %mul3A_235 : f32 to vector<16xf32>
          %mul3A_237 = arith.mulf %mul3A_236, %add3A_231 : vector<16xf32>
          %select_n3A_238 = arith.select %gt3A_234, %add3A_231, %mul3A_237 : vector<16xi1>, vector<16xf32>
          %add3A_239 = arith.addf %gather3A_147, %gather3A_159 : vector<16xf32>
          %gt3A_240 = arith.constant 0.000000e+00 : f32
          %gt3A_241 = vector.broadcast %gt3A_240 : f32 to vector<16xf32>
          %gt3A_242 = arith.cmpf ogt, %add3A_239, %gt3A_241 : vector<16xf32>
          %mul3A_243 = arith.constant 2.000000e-01 : f32
          %mul3A_244 = vector.broadcast %mul3A_243 : f32 to vector<16xf32>
          %mul3A_245 = arith.mulf %mul3A_244, %add3A_239 : vector<16xf32>
          %select_n3A_246 = arith.select %gt3A_242, %add3A_239, %mul3A_245 : vector<16xi1>, vector<16xf32>
          %add3A_247 = arith.addf %gather3A_148, %gather3A_160 : vector<16xf32>
          %gt3A_248 = arith.constant 0.000000e+00 : f32
          %gt3A_249 = vector.broadcast %gt3A_248 : f32 to vector<16xf32>
          %gt3A_250 = arith.cmpf ogt, %add3A_247, %gt3A_249 : vector<16xf32>
          %mul3A_251 = arith.constant 2.000000e-01 : f32
          %mul3A_252 = vector.broadcast %mul3A_251 : f32 to vector<16xf32>
          %mul3A_253 = arith.mulf %mul3A_252, %add3A_247 : vector<16xf32>
          %select_n3A_254 = arith.select %gt3A_250, %add3A_247, %mul3A_253 : vector<16xi1>, vector<16xf32>
          %get3A = arith.constant 0 : i32
          %get3A_255 = arith.index_cast %get3A : i32 to index
          %get3A_256 = arith.constant 0 : index
          %get3A_257 = tpu.vector_load %arg12[%get3A_255, %get3A_256] {strides = array<i32>} : memref<12x16xf32, #tpu.memory_space<vmem>>, vector<16xf32>,
          %mul3A_258 = arith.mulf %get3A_257, %select_n3A : vector<16xf32>
          %get3A_259 = arith.constant 1 : i32
          %get3A_260 = arith.index_cast %get3A_259 : i32 to index
          %get3A_261 = arith.constant 0 : index
          %get3A_262 = tpu.vector_load %arg12[%get3A_260, %get3A_261] {strides = array<i32>} : memref<12x16xf32, #tpu.memory_space<vmem>>, vector<16xf32>,
          %mul3A_263 = arith.mulf %get3A_262, %select_n3A_174 : vector<16xf32>
          %get3A_264 = arith.constant 2 : i32
          %get3A_265 = arith.index_cast %get3A_264 : i32 to index
          %get3A_266 = arith.constant 0 : index
          %get3A_267 = tpu.vector_load %arg12[%get3A_265, %get3A_266] {strides = array<i32>} : memref<12x16xf32, #tpu.memory_space<vmem>>, vector<16xf32>,
          %mul3A_268 = arith.mulf %get3A_267, %select_n3A_182 : vector<16xf32>
          %get3A_269 = arith.constant 3 : i32
          %get3A_270 = arith.index_cast %get3A_269 : i32 to index
          %get3A_271 = arith.constant 0 : index
          %get3A_272 = tpu.vector_load %arg12[%get3A_270, %get3A_271] {strides = array<i32>} : memref<12x16xf32, #tpu.memory_space<vmem>>, vector<16xf32>,
          %mul3A_273 = arith.mulf %get3A_272, %select_n3A_190 : vector<16xf32>
          %add3A_274 = arith.addf %mul3A_268, %mul3A_273 : vector<16xf32>
          %get3A_275 = arith.constant 4 : i32
          %get3A_276 = arith.index_cast %get3A_275 : i32 to index
          %get3A_277 = arith.constant 0 : index
          %get3A_278 = tpu.vector_load %arg12[%get3A_276, %get3A_277] {strides = array<i32>} : memref<12x16xf32, #tpu.memory_space<vmem>>, vector<16xf32>,
          %mul3A_279 = arith.mulf %get3A_278, %select_n3A_198 : vector<16xf32>
          %add3A_280 = arith.addf %add3A_274, %mul3A_279 : vector<16xf32>
          %get3A_281 = arith.constant 5 : i32
          %get3A_282 = arith.index_cast %get3A_281 : i32 to index
          %get3A_283 = arith.constant 0 : index
          %get3A_284 = tpu.vector_load %arg12[%get3A_282, %get3A_283] {strides = array<i32>} : memref<12x16xf32, #tpu.memory_space<vmem>>, vector<16xf32>,
          %mul3A_285 = arith.mulf %get3A_284, %select_n3A_206 : vector<16xf32>
          %add3A_286 = arith.addf %add3A_280, %mul3A_285 : vector<16xf32>
          %get3A_287 = arith.constant 6 : i32
          %get3A_288 = arith.index_cast %get3A_287 : i32 to index
          %get3A_289 = arith.constant 0 : index
          %get3A_290 = tpu.vector_load %arg12[%get3A_288, %get3A_289] {strides = array<i32>} : memref<12x16xf32, #tpu.memory_space<vmem>>, vector<16xf32>,
          %mul3A_291 = arith.mulf %get3A_290, %select_n3A_214 : vector<16xf32>
          %add3A_292 = arith.addf %add3A_286, %mul3A_291 : vector<16xf32>
          %get3A_293 = arith.constant 7 : i32
          %get3A_294 = arith.index_cast %get3A_293 : i32 to index
          %get3A_295 = arith.constant 0 : index
          %get3A_296 = tpu.vector_load %arg12[%get3A_294, %get3A_295] {strides = array<i32>} : memref<12x16xf32, #tpu.memory_space<vmem>>, vector<16xf32>,
          %mul3A_297 = arith.mulf %get3A_296, %select_n3A_222 : vector<16xf32>
          %get3A_298 = arith.constant 8 : i32
          %get3A_299 = arith.index_cast %get3A_298 : i32 to index
          %get3A_300 = arith.constant 0 : index
          %get3A_301 = tpu.vector_load %arg12[%get3A_299, %get3A_300] {strides = array<i32>} : memref<12x16xf32, #tpu.memory_space<vmem>>, vector<16xf32>,
          %mul3A_302 = arith.mulf %get3A_301, %select_n3A_230 : vector<16xf32>
          %add3A_303 = arith.addf %mul3A_297, %mul3A_302 : vector<16xf32>
          %get3A_304 = arith.constant 9 : i32
          %get3A_305 = arith.index_cast %get3A_304 : i32 to index
          %get3A_306 = arith.constant 0 : index
          %get3A_307 = tpu.vector_load %arg12[%get3A_305, %get3A_306] {strides = array<i32>} : memref<12x16xf32, #tpu.memory_space<vmem>>, vector<16xf32>,
          %mul3A_308 = arith.mulf %get3A_307, %select_n3A_238 : vector<16xf32>
          %add3A_309 = arith.addf %add3A_303, %mul3A_308 : vector<16xf32>
          %get3A_310 = arith.constant 10 : i32
          %get3A_311 = arith.index_cast %get3A_310 : i32 to index
          %get3A_312 = arith.constant 0 : index
          %get3A_313 = tpu.vector_load %arg12[%get3A_311, %get3A_312] {strides = array<i32>} : memref<12x16xf32, #tpu.memory_space<vmem>>, vector<16xf32>,
          %mul3A_314 = arith.mulf %get3A_313, %select_n3A_246 : vector<16xf32>
          %add3A_315 = arith.addf %add3A_309, %mul3A_314 : vector<16xf32>
          %get3A_316 = arith.constant 11 : i32
          %get3A_317 = arith.index_cast %get3A_316 : i32 to index
          %get3A_318 = arith.constant 0 : index
          %get3A_319 = tpu.vector_load %arg12[%get3A_317, %get3A_318] {strides = array<i32>} : memref<12x16xf32, #tpu.memory_space<vmem>>, vector<16xf32>,
          %mul3A_320 = arith.mulf %get3A_319, %select_n3A_254 : vector<16xf32>
          %add3A_321 = arith.addf %add3A_315, %mul3A_320 : vector<16xf32>
          %exp3A = math.exp %mul3A_258 : vector<16xf32>
          %exp3A_322 = math.exp %mul3A_263 : vector<16xf32>
          %exp3A_323 = math.exp %add3A_292 : vector<16xf32>
          %exp3A_324 = math.exp %add3A_321 : vector<16xf32>
          %mul3A_325 = arith.mulf %exp3A, %gather3A : vector<16xf32>
          %mul3A_326 = arith.mulf %exp3A_322, %gather3A_138 : vector<16xf32>
          %mul3A_327 = arith.mulf %exp3A_323, %gather3A_139 : vector<16xf32>
          %mul3A_328 = arith.mulf %exp3A_323, %gather3A_140 : vector<16xf32>
          %mul3A_329 = arith.mulf %exp3A_323, %gather3A_141 : vector<16xf32>
          %mul3A_330 = arith.mulf %exp3A_323, %gather3A_142 : vector<16xf32>
          %mul3A_331 = arith.mulf %exp3A_323, %gather3A_143 : vector<16xf32>
          %mul3A_332 = arith.mulf %exp3A_324, %gather3A_144 : vector<16xf32>
          %mul3A_333 = arith.mulf %exp3A_324, %gather3A_145 : vector<16xf32>
          %mul3A_334 = arith.mulf %exp3A_324, %gather3A_146 : vector<16xf32>
          %mul3A_335 = arith.mulf %exp3A_324, %gather3A_147 : vector<16xf32>
          %mul3A_336 = arith.mulf %exp3A_324, %gather3A_148 : vector<16xf32>
          tpu.vector_store_idx %arg11[%add3A_105, %broadcast_in_dim3A_107], %exp3A : memref<256x16xf32, #tpu.memory_space<vmem>>[vector<16xi32>, vector<16xi32>], vector<16xf32>,
          tpu.vector_store_idx %arg11[%add3A_105, %broadcast_in_dim3A_109], %exp3A_322 : memref<256x16xf32, #tpu.memory_space<vmem>>[vector<16xi32>, vector<16xi32>], vector<16xf32>,
          tpu.vector_store_idx %arg11[%add3A_105, %broadcast_in_dim3A_111], %mul3A_325 : memref<256x16xf32, #tpu.memory_space<vmem>>[vector<16xi32>, vector<16xi32>], vector<16xf32>,
          tpu.vector_store_idx %arg11[%add3A_105, %broadcast_in_dim3A_113], %mul3A_326 : memref<256x16xf32, #tpu.memory_space<vmem>>[vector<16xi32>, vector<16xi32>], vector<16xf32>,
          tpu.vector_store_idx %arg11[%add3A_105, %broadcast_in_dim3A_115], %exp3A_323 : memref<256x16xf32, #tpu.memory_space<vmem>>[vector<16xi32>, vector<16xi32>], vector<16xf32>,
          tpu.vector_store_idx %arg11[%add3A_105, %broadcast_in_dim3A_117], %exp3A_324 : memref<256x16xf32, #tpu.memory_space<vmem>>[vector<16xi32>, vector<16xi32>], vector<16xf32>,
          tpu.vector_store_idx %arg11[%add3A_105, %broadcast_in_dim3A_119], %mul3A_327 : memref<256x16xf32, #tpu.memory_space<vmem>>[vector<16xi32>, vector<16xi32>], vector<16xf32>,
          tpu.vector_store_idx %arg11[%add3A_105, %broadcast_in_dim3A_121], %mul3A_328 : memref<256x16xf32, #tpu.memory_space<vmem>>[vector<16xi32>, vector<16xi32>], vector<16xf32>,
          tpu.vector_store_idx %arg11[%add3A_105, %broadcast_in_dim3A_123], %mul3A_329 : memref<256x16xf32, #tpu.memory_space<vmem>>[vector<16xi32>, vector<16xi32>], vector<16xf32>,
          tpu.vector_store_idx %arg11[%add3A_105, %broadcast_in_dim3A_125], %mul3A_330 : memref<256x16xf32, #tpu.memory_space<vmem>>[vector<16xi32>, vector<16xi32>], vector<16xf32>,
          tpu.vector_store_idx %arg11[%add3A_105, %broadcast_in_dim3A_127], %mul3A_331 : memref<256x16xf32, #tpu.memory_space<vmem>>[vector<16xi32>, vector<16xi32>], vector<16xf32>,
          tpu.vector_store_idx %arg11[%add3A_105, %broadcast_in_dim3A_129], %mul3A_332 : memref<256x16xf32, #tpu.memory_space<vmem>>[vector<16xi32>, vector<16xi32>], vector<16xf32>,
          tpu.vector_store_idx %arg11[%add3A_105, %broadcast_in_dim3A_131], %mul3A_333 : memref<256x16xf32, #tpu.memory_space<vmem>>[vector<16xi32>, vector<16xi32>], vector<16xf32>,
          tpu.vector_store_idx %arg11[%add3A_105, %broadcast_in_dim3A_133], %mul3A_334 : memref<256x16xf32, #tpu.memory_space<vmem>>[vector<16xi32>, vector<16xi32>], vector<16xf32>,
          tpu.vector_store_idx %arg11[%add3A_105, %broadcast_in_dim3A_135], %mul3A_335 : memref<256x16xf32, #tpu.memory_space<vmem>>[vector<16xi32>, vector<16xi32>], vector<16xf32>,
          tpu.vector_store_idx %arg11[%add3A_105, %broadcast_in_dim3A_137], %mul3A_336 : memref<256x16xf32, #tpu.memory_space<vmem>>[vector<16xi32>, vector<16xi32>], vector<16xf32>,
        }
        %scan3A_89 = arith.constant 8 : i32
        %dma_start3A_90 = arith.constant 1 : i32
        %dma_start3A_91 = arith.constant 1 : i32
        %dma_start3A_92 = arith.constant 128 : i32
        %dma_start3A_93 = arith.constant 0 : i32
        %dma_start3A_94 = tpu.memref_slice %arg11[%dma_start3A_92, %dma_start3A_93] : memref<256x16xf32, #tpu.memory_space<vmem>> -> memref<128x16xf32, #tpu.memory_space<vmem>>
        %dma_start3A_95 = arith.constant 0 : i32
        %dma_start3A_96 = tpu.memref_slice %arg8[%rem3A_50, %dma_start3A_90, %dma_start3A_91, %dma_start3A_95] : memref<3x2x2x128xi32, #tpu.memory_space<vmem>> -> memref<1x1x1x128xi32, #tpu.memory_space<vmem>>
        %dma_start3A_97 = tpu.memref_squeeze %dma_start3A_96 : memref<1x1x1x128xi32, #tpu.memory_space<vmem>> -> memref<128xi32, #tpu.memory_space<vmem>>
        %dma_start3A_98 = arith.constant 0 : i32
        %dma_start3A_99 = arith.constant 0 : i32
        %dma_start3A_100 = tpu.memref_slice %arg13[%dma_start3A_98, %dma_start3A_99] : memref<100352x16xf32, #tpu.memory_space<vmem_shared>> -> memref<100352x16xf32, #tpu.memory_space<vmem_shared>>
        tpu.enqueue_indirect_dma source(%dma_start3A_94 : memref<128x16xf32, #tpu.memory_space<vmem>>) target(%dma_start3A_100 : memref<100352x16xf32, #tpu.memory_space<vmem_shared>>) offsets(%dma_start3A_97 : memref<128xi32, #tpu.memory_space<vmem>>) semaphore(%arg16 : memref<!tpu.dma_semaphore, #tpu.memory_space<semaphore_mem>>) {add = true}
      } else {
      }
    }
    %scan3A_9 = arith.constant 393 : i32
    %dma_wait3A = arith.constant 0 : i32
    %dma_wait3A_10 = arith.constant 0 : i32
    %dma_wait3A_11 = tpu.memref_slice %arg2[%dma_wait3A, %dma_wait3A_10] : memref<100352x16xf32, #tpu.memory_space<hbm>> -> memref<256x16xf32, #tpu.memory_space<hbm>>
    %dma_wait3A_12 = arith.constant 0 : i32
    %dma_wait3A_13 = arith.constant 0 : i32
    %dma_wait3A_14 = tpu.memref_slice %arg2[%dma_wait3A_12, %dma_wait3A_13] : memref<100352x16xf32, #tpu.memory_space<hbm>> -> memref<256x16xf32, #tpu.memory_space<hbm>>
    tpu.wait_dma2 semaphore(%arg16 : memref<!tpu.dma_semaphore, #tpu.memory_space<semaphore_mem>>) src(%dma_wait3A_14 : memref<256x16xf32, #tpu.memory_space<hbm>>) dst(%arg11 : memref<256x16xf32, #tpu.memory_space<vmem>>)
    %dma_wait3A_15 = arith.constant 0 : i32
    %dma_wait3A_16 = arith.constant 0 : i32
    %dma_wait3A_17 = arith.constant 0 : i32
    %dma_wait3A_18 = arith.constant 0 : i32
    %dma_wait3A_19 = tpu.memref_slice %arg8[%dma_wait3A_15, %dma_wait3A_16, %dma_wait3A_17, %dma_wait3A_18] : memref<3x2x2x128xi32, #tpu.memory_space<vmem>> -> memref<1x2x2x128xi32, #tpu.memory_space<vmem>>
    %dma_wait3A_20 = tpu.memref_squeeze %dma_wait3A_19 : memref<1x2x2x128xi32, #tpu.memory_space<vmem>> -> memref<2x2x128xi32, #tpu.memory_space<vmem>>
    %dma_wait3A_21 = arith.constant 0 : i32
    %dma_wait3A_22 = arith.constant 0 : i32
    %dma_wait3A_23 = arith.constant 0 : i32
    %dma_wait3A_24 = tpu.memref_slice %arg4[%dma_wait3A_21, %dma_wait3A_22, %dma_wait3A_23] : memref<25088x2x128xi32, #tpu.memory_space<hbm>> -> memref<2x2x128xi32, #tpu.memory_space<hbm>>
    %dma_wait3A_25 = arith.constant 0 : i32
    %dma_wait3A_26 = arith.constant 0 : i32
    %dma_wait3A_27 = arith.constant 0 : i32
    %dma_wait3A_28 = tpu.memref_slice %arg8[%dma_wait3A_15, %dma_wait3A_25, %dma_wait3A_26, %dma_wait3A_27] : memref<3x2x2x128xi32, #tpu.memory_space<vmem>> -> memref<1x2x2x128xi32, #tpu.memory_space<vmem>>
    %dma_wait3A_29 = tpu.memref_squeeze %dma_wait3A_28 : memref<1x2x2x128xi32, #tpu.memory_space<vmem>> -> memref<2x2x128xi32, #tpu.memory_space<vmem>>
    %dma_wait3A_30 = arith.constant 0 : i32
    %dma_wait3A_31 = arith.constant 0 : i32
    %dma_wait3A_32 = arith.constant 0 : i32
    %dma_wait3A_33 = tpu.memref_slice %arg4[%dma_wait3A_30, %dma_wait3A_31, %dma_wait3A_32] : memref<25088x2x128xi32, #tpu.memory_space<hbm>> -> memref<2x2x128xi32, #tpu.memory_space<hbm>>
    tpu.wait_dma2 semaphore(%arg14 : memref<!tpu.dma_semaphore, #tpu.memory_space<semaphore_mem>>) src(%dma_wait3A_33 : memref<2x2x128xi32, #tpu.memory_space<hbm>>) dst(%dma_wait3A_29 : memref<2x2x128xi32, #tpu.memory_space<vmem>>)
    %barrier3A_34 = arith.constant 0 : index
    tpu.barrier barrier_id(%barrier3A_34)
    %mul3A_35 = arith.constant 6272 : i32
    %mul3A_36 = arith.muli %arg1, %mul3A_35 : i32
    %mul3A_37 = arith.constant 6272 : i32
    %mul3A_38 = arith.muli %arg1, %mul3A_37 : i32
    "tpu.region"() ({
      %run_scoped3A_39 = tpu.sem_alloc : memref<!tpu.dma_semaphore, #tpu.memory_space<semaphore_mem>>
      %dma_start3A = arith.constant 0 : i32
      %dma_start3A_40 = arith.constant 0 : i32
      %dma_start3A_41 = tpu.memref_slice %arg7[%arg0, %dma_start3A, %dma_start3A_40] : memref<2x100352x16xf32, #tpu.memory_space<hbm>> -> memref<1x100352x16xf32, #tpu.memory_space<hbm>>
      %dma_start3A_42 = tpu.memref_squeeze %dma_start3A_41 : memref<1x100352x16xf32, #tpu.memory_space<hbm>> -> memref<100352x16xf32, #tpu.memory_space<hbm>>
      %dma_start3A_43 = arith.constant 0 : i32
      %dma_start3A_44 = tpu.memref_slice %dma_start3A_42[%mul3A_38, %dma_start3A_43] : memref<100352x16xf32, #tpu.memory_space<hbm>> -> memref<6272x16xf32, #tpu.memory_space<hbm>>
      %dma_start3A_45 = arith.constant 0 : i32
      %dma_start3A_46 = tpu.memref_slice %arg13[%mul3A_36, %dma_start3A_45] : memref<100352x16xf32, #tpu.memory_space<vmem_shared>> -> memref<6272x16xf32, #tpu.memory_space<vmem_shared>>
      tpu.enqueue_dma source(%dma_start3A_46 : memref<6272x16xf32, #tpu.memory_space<vmem_shared>>) target(%dma_start3A_44 : memref<6272x16xf32, #tpu.memory_space<hbm>>) target_semaphore(%run_scoped3A_39 : memref<!tpu.dma_semaphore, #tpu.memory_space<semaphore_mem>>)
      %dma_wait3A_47 = arith.constant 0 : i32
      %dma_wait3A_48 = arith.constant 0 : i32
      %dma_wait3A_49 = tpu.memref_slice %arg7[%arg0, %dma_wait3A_47, %dma_wait3A_48] : memref<2x100352x16xf32, #tpu.memory_space<hbm>> -> memref<1x100352x16xf32, #tpu.memory_space<hbm>>
      %dma_wait3A_50 = tpu.memref_squeeze %dma_wait3A_49 : memref<1x100352x16xf32, #tpu.memory_space<hbm>> -> memref<100352x16xf32, #tpu.memory_space<hbm>>
      %dma_wait3A_51 = arith.constant 0 : i32
      %dma_wait3A_52 = tpu.memref_slice %dma_wait3A_50[%mul3A_38, %dma_wait3A_51] : memref<100352x16xf32, #tpu.memory_space<hbm>> -> memref<6272x16xf32, #tpu.memory_space<hbm>>
      %dma_wait3A_53 = arith.constant 0 : i32
      %dma_wait3A_54 = tpu.memref_slice %arg13[%mul3A_36, %dma_wait3A_53] : memref<100352x16xf32, #tpu.memory_space<vmem_shared>> -> memref<6272x16xf32, #tpu.memory_space<vmem_shared>>
      tpu.wait_dma2 semaphore(%run_scoped3A_39 : memref<!tpu.dma_semaphore, #tpu.memory_space<semaphore_mem>>) src(%dma_wait3A_54 : memref<6272x16xf32, #tpu.memory_space<vmem_shared>>) dst(%dma_wait3A_52 : memref<6272x16xf32, #tpu.memory_space<hbm>>)
      tpu.yield
    }) : () -> ()
    return
  }
}

#map = affine_map<(d0, d1) -> (0, 0)>
#map1 = affine_map<(d0, d1) -> (0, 0, 0)>
module attributes {stable_mosaic.version = 14 : i64} {
  func.func @body(%arg0: i32, %arg1: i32, %arg2: memref<100352x8xf32, #tpu.memory_space<hbm>>, %arg3: memref<100352x8xf32, #tpu.memory_space<hbm>>, %arg4: memref<25088x2x128xi32, #tpu.memory_space<hbm>>, %arg5: memref<4x16xf32, #tpu.memory_space<hbm>>, %arg6: memref<6272x8xf32, #tpu.memory_space<hbm>>, %arg7: memref<2x100352x8xf32, #tpu.memory_space<hbm>>, %arg8: memref<3x8x2x128xi32, #tpu.memory_space<vmem>>, %arg9: memref<2x1024x8xf32, #tpu.memory_space<vmem>>, %arg10: memref<2x1024x8xf32, #tpu.memory_space<vmem>>, %arg11: memref<1024x8xf32, #tpu.memory_space<vmem>>, %arg12: memref<4x16xf32, #tpu.memory_space<vmem>>, %arg13: memref<100352x8xf32, #tpu.memory_space<vmem_shared>>, %arg14: memref<!tpu.dma_semaphore, #tpu.memory_space<semaphore_mem>>, %arg15: memref<!tpu.dma_semaphore, #tpu.memory_space<semaphore_mem>>, %arg16: memref<!tpu.dma_semaphore, #tpu.memory_space<semaphore_mem>>) attributes {dimension_semantics = [#tpu.dimension_semantics<core_parallel>, #tpu.dimension_semantics<subcore_parallel>], iteration_bounds = array<i64: 2, 16>, scalar_prefetch = 0 : i64, scratch_operands = 9 : i64, tpu.core_type = #tpu.core_type<sc_vector_subcore>, window_params = [{transform_indices = #map}, {transform_indices = #map}, {transform_indices = #map1}, {transform_indices = #map}, {transform_indices = #map}, {transform_indices = #map1}]} {
    %mul3A = arith.constant 16 : i32
    %mul3A_0 = arith.muli %arg0, %mul3A : i32
    %add3A = arith.addi %mul3A_0, %arg1 : i32
    %mul3A_1 = arith.constant 6272 : i32
    %mul3A_2 = arith.muli %arg1, %mul3A_1 : i32
    "tpu.region"() ({
      %run_scoped3A_39 = tpu.sem_alloc : memref<!tpu.dma_semaphore, #tpu.memory_space<semaphore_mem>>
      %dma_start3A = arith.constant 0 : i32
      %dma_start3A_40 = tpu.memref_slice %arg13[%mul3A_2, %dma_start3A] : memref<100352x8xf32, #tpu.memory_space<vmem_shared>> -> memref<6272x8xf32, #tpu.memory_space<vmem_shared>>
      tpu.enqueue_dma source(%arg6 : memref<6272x8xf32, #tpu.memory_space<hbm>>) target(%dma_start3A_40 : memref<6272x8xf32, #tpu.memory_space<vmem_shared>>) target_semaphore(%run_scoped3A_39 : memref<!tpu.dma_semaphore, #tpu.memory_space<semaphore_mem>>)
      %dma_wait3A_41 = arith.constant 0 : i32
      %dma_wait3A_42 = tpu.memref_slice %arg13[%mul3A_2, %dma_wait3A_41] : memref<100352x8xf32, #tpu.memory_space<vmem_shared>> -> memref<6272x8xf32, #tpu.memory_space<vmem_shared>>
      tpu.wait_dma2 semaphore(%run_scoped3A_39 : memref<!tpu.dma_semaphore, #tpu.memory_space<semaphore_mem>>) src(%arg6 : memref<6272x8xf32, #tpu.memory_space<hbm>>) dst(%dma_wait3A_42 : memref<6272x8xf32, #tpu.memory_space<vmem_shared>>)
      tpu.yield
    }) : () -> ()
    "tpu.region"() ({
      %run_scoped3A_39 = tpu.sem_alloc : memref<!tpu.dma_semaphore, #tpu.memory_space<semaphore_mem>>
      tpu.enqueue_dma source(%arg5 : memref<4x16xf32, #tpu.memory_space<hbm>>) target(%arg12 : memref<4x16xf32, #tpu.memory_space<vmem>>) target_semaphore(%run_scoped3A_39 : memref<!tpu.dma_semaphore, #tpu.memory_space<semaphore_mem>>)
      tpu.wait_dma2 semaphore(%run_scoped3A_39 : memref<!tpu.dma_semaphore, #tpu.memory_space<semaphore_mem>>) src(%arg5 : memref<4x16xf32, #tpu.memory_space<hbm>>) dst(%arg12 : memref<4x16xf32, #tpu.memory_space<vmem>>)
      tpu.yield
    }) : () -> ()
    %barrier3A = arith.constant 0 : index
    tpu.barrier barrier_id(%barrier3A)
    %mul3A_3 = arith.constant 784 : i32
    %mul3A_4 = arith.muli %add3A, %mul3A_3 : i32
    %run_scoped3A = arith.constant 0 : i32
    "tpu.region"() ({
      %run_scoped3A_39 = tpu.sem_alloc : memref<!tpu.dma_semaphore, #tpu.memory_space<semaphore_mem>>
      %dma_start3A = arith.constant 0 : i32
      %dma_start3A_40 = arith.constant 0 : i32
      %dma_start3A_41 = arith.constant 0 : i32
      %dma_start3A_42 = tpu.memref_slice %arg8[%run_scoped3A, %dma_start3A, %dma_start3A_40, %dma_start3A_41] : memref<3x8x2x128xi32, #tpu.memory_space<vmem>> -> memref<1x8x2x128xi32, #tpu.memory_space<vmem>>
      %dma_start3A_43 = tpu.memref_squeeze %dma_start3A_42 : memref<1x8x2x128xi32, #tpu.memory_space<vmem>> -> memref<8x2x128xi32, #tpu.memory_space<vmem>>
      %dma_start3A_44 = arith.constant 0 : i32
      %dma_start3A_45 = arith.constant 0 : i32
      %dma_start3A_46 = tpu.memref_slice %arg4[%mul3A_4, %dma_start3A_44, %dma_start3A_45] : memref<25088x2x128xi32, #tpu.memory_space<hbm>> -> memref<8x2x128xi32, #tpu.memory_space<hbm>>
      %dma_start3A_47 = arith.constant 0 : i32
      %dma_start3A_48 = arith.constant 0 : i32
      %dma_start3A_49 = arith.constant 0 : i32
      %dma_start3A_50 = tpu.memref_slice %arg8[%run_scoped3A, %dma_start3A_47, %dma_start3A_48, %dma_start3A_49] : memref<3x8x2x128xi32, #tpu.memory_space<vmem>> -> memref<1x8x2x128xi32, #tpu.memory_space<vmem>>
      %dma_start3A_51 = tpu.memref_squeeze %dma_start3A_50 : memref<1x8x2x128xi32, #tpu.memory_space<vmem>> -> memref<8x2x128xi32, #tpu.memory_space<vmem>>
      %dma_start3A_52 = arith.constant 0 : i32
      %dma_start3A_53 = arith.constant 0 : i32
      %dma_start3A_54 = tpu.memref_slice %arg4[%mul3A_4, %dma_start3A_52, %dma_start3A_53] : memref<25088x2x128xi32, #tpu.memory_space<hbm>> -> memref<8x2x128xi32, #tpu.memory_space<hbm>>
      tpu.enqueue_dma source(%dma_start3A_54 : memref<8x2x128xi32, #tpu.memory_space<hbm>>) target(%dma_start3A_51 : memref<8x2x128xi32, #tpu.memory_space<vmem>>) target_semaphore(%run_scoped3A_39 : memref<!tpu.dma_semaphore, #tpu.memory_space<semaphore_mem>>)
      %dma_wait3A_55 = arith.constant 0 : i32
      %dma_wait3A_56 = arith.constant 0 : i32
      %dma_wait3A_57 = arith.constant 0 : i32
      %dma_wait3A_58 = tpu.memref_slice %arg8[%run_scoped3A, %dma_wait3A_55, %dma_wait3A_56, %dma_wait3A_57] : memref<3x8x2x128xi32, #tpu.memory_space<vmem>> -> memref<1x8x2x128xi32, #tpu.memory_space<vmem>>
      %dma_wait3A_59 = tpu.memref_squeeze %dma_wait3A_58 : memref<1x8x2x128xi32, #tpu.memory_space<vmem>> -> memref<8x2x128xi32, #tpu.memory_space<vmem>>
      %dma_wait3A_60 = arith.constant 0 : i32
      %dma_wait3A_61 = arith.constant 0 : i32
      %dma_wait3A_62 = tpu.memref_slice %arg4[%mul3A_4, %dma_wait3A_60, %dma_wait3A_61] : memref<25088x2x128xi32, #tpu.memory_space<hbm>> -> memref<8x2x128xi32, #tpu.memory_space<hbm>>
      %dma_wait3A_63 = arith.constant 0 : i32
      %dma_wait3A_64 = arith.constant 0 : i32
      %dma_wait3A_65 = arith.constant 0 : i32
      %dma_wait3A_66 = tpu.memref_slice %arg8[%run_scoped3A, %dma_wait3A_63, %dma_wait3A_64, %dma_wait3A_65] : memref<3x8x2x128xi32, #tpu.memory_space<vmem>> -> memref<1x8x2x128xi32, #tpu.memory_space<vmem>>
      %dma_wait3A_67 = tpu.memref_squeeze %dma_wait3A_66 : memref<1x8x2x128xi32, #tpu.memory_space<vmem>> -> memref<8x2x128xi32, #tpu.memory_space<vmem>>
      %dma_wait3A_68 = arith.constant 0 : i32
      %dma_wait3A_69 = arith.constant 0 : i32
      %dma_wait3A_70 = tpu.memref_slice %arg4[%mul3A_4, %dma_wait3A_68, %dma_wait3A_69] : memref<25088x2x128xi32, #tpu.memory_space<hbm>> -> memref<8x2x128xi32, #tpu.memory_space<hbm>>
      tpu.wait_dma2 semaphore(%run_scoped3A_39 : memref<!tpu.dma_semaphore, #tpu.memory_space<semaphore_mem>>) src(%dma_wait3A_70 : memref<8x2x128xi32, #tpu.memory_space<hbm>>) dst(%dma_wait3A_67 : memref<8x2x128xi32, #tpu.memory_space<vmem>>)
      tpu.yield
    }) : () -> ()
    %scan3A = arith.constant 0 : i32
    %scan3A_5 = arith.constant 0 : i32
    %scan3A_6 = arith.constant 99 : i32
    %scan3A_7 = arith.addi %scan3A_5, %scan3A_6 : i32
    %scan3A_8 = arith.constant 1 : i32
    scf.for %scan3A_39 = %scan3A_5 to %scan3A_7 step %scan3A_8  : i32 {
      %rem3A = arith.constant 2 : i32
      %rem3A_40 = arith.remsi %scan3A_39, %rem3A : i32
      %rem3A_41 = arith.constant 3 : i32
      %rem3A_42 = arith.remsi %scan3A_39, %rem3A_41 : i32
      %add3A_43 = arith.constant 1 : i32
      %add3A_44 = arith.addi %scan3A_39, %add3A_43 : i32
      %rem3A_45 = arith.constant 3 : i32
      %rem3A_46 = arith.remsi %add3A_44, %rem3A_45 : i32
      %add3A_47 = arith.constant 2 : i32
      %add3A_48 = arith.addi %scan3A_39, %add3A_47 : i32
      %rem3A_49 = arith.constant 3 : i32
      %rem3A_50 = arith.remsi %add3A_48, %rem3A_49 : i32
      %ge3A = arith.constant 2 : i32
      %ge3A_51 = arith.cmpi sge, %scan3A_39, %ge3A : i32
      %convert_element_type3A = arith.extui %ge3A_51 : i1 to i32
      %cond3A = arith.constant 0 : i32
      %cond3A_52 = arith.cmpi ne, %convert_element_type3A, %cond3A : i32
      scf.if %cond3A_52 {
        %dma_wait3A_67 = arith.constant 0 : i32
        %dma_wait3A_68 = arith.constant 0 : i32
        %dma_wait3A_69 = tpu.memref_slice %arg2[%dma_wait3A_67, %dma_wait3A_68] : memref<100352x8xf32, #tpu.memory_space<hbm>> -> memref<1024x8xf32, #tpu.memory_space<hbm>>
        %dma_wait3A_70 = arith.constant 0 : i32
        %dma_wait3A_71 = arith.constant 0 : i32
        %dma_wait3A_72 = tpu.memref_slice %arg2[%dma_wait3A_70, %dma_wait3A_71] : memref<100352x8xf32, #tpu.memory_space<hbm>> -> memref<1024x8xf32, #tpu.memory_space<hbm>>
        tpu.wait_dma2 semaphore(%arg16 : memref<!tpu.dma_semaphore, #tpu.memory_space<semaphore_mem>>) src(%dma_wait3A_72 : memref<1024x8xf32, #tpu.memory_space<hbm>>) dst(%arg11 : memref<1024x8xf32, #tpu.memory_space<vmem>>)
      } else {
      }
      %ge3A_53 = arith.constant 1 : i32
      %ge3A_54 = arith.cmpi sge, %scan3A_39, %ge3A_53 : i32
      %convert_element_type3A_55 = arith.extui %ge3A_54 : i1 to i32
      %cond3A_56 = arith.constant 0 : i32
      %cond3A_57 = arith.cmpi ne, %convert_element_type3A_55, %cond3A_56 : i32
      scf.if %cond3A_57 {
        %dma_wait3A_67 = arith.constant 0 : i32
        %dma_wait3A_68 = arith.constant 0 : i32
        %dma_wait3A_69 = arith.constant 0 : i32
        %dma_wait3A_70 = tpu.memref_slice %arg9[%dma_wait3A_67, %dma_wait3A_68, %dma_wait3A_69] : memref<2x1024x8xf32, #tpu.memory_space<vmem>> -> memref<1x1024x8xf32, #tpu.memory_space<vmem>>
        %dma_wait3A_71 = tpu.memref_squeeze %dma_wait3A_70 : memref<1x1024x8xf32, #tpu.memory_space<vmem>> -> memref<1024x8xf32, #tpu.memory_space<vmem>>
        %dma_wait3A_72 = arith.constant 0 : i32
        %dma_wait3A_73 = arith.constant 0 : i32
        %dma_wait3A_74 = tpu.memref_slice %arg2[%dma_wait3A_72, %dma_wait3A_73] : memref<100352x8xf32, #tpu.memory_space<hbm>> -> memref<1024x8xf32, #tpu.memory_space<hbm>>
        %dma_wait3A_75 = arith.constant 0 : i32
        %dma_wait3A_76 = arith.constant 0 : i32
        %dma_wait3A_77 = tpu.memref_slice %arg9[%dma_wait3A_67, %dma_wait3A_75, %dma_wait3A_76] : memref<2x1024x8xf32, #tpu.memory_space<vmem>> -> memref<1x1024x8xf32, #tpu.memory_space<vmem>>
        %dma_wait3A_78 = tpu.memref_squeeze %dma_wait3A_77 : memref<1x1024x8xf32, #tpu.memory_space<vmem>> -> memref<1024x8xf32, #tpu.memory_space<vmem>>
        %dma_wait3A_79 = arith.constant 0 : i32
        %dma_wait3A_80 = arith.constant 0 : i32
        %dma_wait3A_81 = tpu.memref_slice %arg2[%dma_wait3A_79, %dma_wait3A_80] : memref<100352x8xf32, #tpu.memory_space<hbm>> -> memref<1024x8xf32, #tpu.memory_space<hbm>>
        tpu.wait_dma2 semaphore(%arg15 : memref<!tpu.dma_semaphore, #tpu.memory_space<semaphore_mem>>) src(%dma_wait3A_81 : memref<1024x8xf32, #tpu.memory_space<hbm>>) dst(%dma_wait3A_78 : memref<1024x8xf32, #tpu.memory_space<vmem>>)
        %dma_wait3A_82 = arith.constant 0 : i32
        %dma_wait3A_83 = arith.constant 0 : i32
        %dma_wait3A_84 = arith.constant 0 : i32
        %dma_wait3A_85 = tpu.memref_slice %arg10[%dma_wait3A_82, %dma_wait3A_83, %dma_wait3A_84] : memref<2x1024x8xf32, #tpu.memory_space<vmem>> -> memref<1x1024x8xf32, #tpu.memory_space<vmem>>
        %dma_wait3A_86 = tpu.memref_squeeze %dma_wait3A_85 : memref<1x1024x8xf32, #tpu.memory_space<vmem>> -> memref<1024x8xf32, #tpu.memory_space<vmem>>
        %dma_wait3A_87 = arith.constant 0 : i32
        %dma_wait3A_88 = arith.constant 0 : i32
        %dma_wait3A_89 = tpu.memref_slice %arg2[%dma_wait3A_87, %dma_wait3A_88] : memref<100352x8xf32, #tpu.memory_space<hbm>> -> memref<1024x8xf32, #tpu.memory_space<hbm>>
        %dma_wait3A_90 = arith.constant 0 : i32
        %dma_wait3A_91 = arith.constant 0 : i32
        %dma_wait3A_92 = tpu.memref_slice %arg10[%dma_wait3A_82, %dma_wait3A_90, %dma_wait3A_91] : memref<2x1024x8xf32, #tpu.memory_space<vmem>> -> memref<1x1024x8xf32, #tpu.memory_space<vmem>>
        %dma_wait3A_93 = tpu.memref_squeeze %dma_wait3A_92 : memref<1x1024x8xf32, #tpu.memory_space<vmem>> -> memref<1024x8xf32, #tpu.memory_space<vmem>>
        %dma_wait3A_94 = arith.constant 0 : i32
        %dma_wait3A_95 = arith.constant 0 : i32
        %dma_wait3A_96 = tpu.memref_slice %arg2[%dma_wait3A_94, %dma_wait3A_95] : memref<100352x8xf32, #tpu.memory_space<hbm>> -> memref<1024x8xf32, #tpu.memory_space<hbm>>
        tpu.wait_dma2 semaphore(%arg15 : memref<!tpu.dma_semaphore, #tpu.memory_space<semaphore_mem>>) src(%dma_wait3A_96 : memref<1024x8xf32, #tpu.memory_space<hbm>>) dst(%dma_wait3A_93 : memref<1024x8xf32, #tpu.memory_space<vmem>>)
      } else {
      }
      %le3A = arith.constant 97 : i32
      %le3A_58 = arith.cmpi sle, %scan3A_39, %le3A : i32
      %convert_element_type3A_59 = arith.extui %le3A_58 : i1 to i32
      %cond3A_60 = arith.constant 0 : i32
      %cond3A_61 = arith.cmpi ne, %convert_element_type3A_59, %cond3A_60 : i32
      scf.if %cond3A_61 {
        %ge3A_67 = arith.constant 1 : i32
        %ge3A_68 = arith.cmpi sge, %scan3A_39, %ge3A_67 : i32
        %convert_element_type3A_69 = arith.extui %ge3A_68 : i1 to i32
        %cond3A_70 = arith.constant 0 : i32
        %cond3A_71 = arith.cmpi ne, %convert_element_type3A_69, %cond3A_70 : i32
        scf.if %cond3A_71 {
          %dma_wait3A_333 = arith.constant 0 : i32
          %dma_wait3A_334 = arith.constant 0 : i32
          %dma_wait3A_335 = arith.constant 0 : i32
          %dma_wait3A_336 = arith.constant 0 : i32
          %dma_wait3A_337 = tpu.memref_slice %arg8[%dma_wait3A_333, %dma_wait3A_334, %dma_wait3A_335, %dma_wait3A_336] : memref<3x8x2x128xi32, #tpu.memory_space<vmem>> -> memref<1x8x2x128xi32, #tpu.memory_space<vmem>>
          %dma_wait3A_338 = tpu.memref_squeeze %dma_wait3A_337 : memref<1x8x2x128xi32, #tpu.memory_space<vmem>> -> memref<8x2x128xi32, #tpu.memory_space<vmem>>
          %dma_wait3A_339 = arith.constant 0 : i32
          %dma_wait3A_340 = arith.constant 0 : i32
          %dma_wait3A_341 = arith.constant 0 : i32
          %dma_wait3A_342 = tpu.memref_slice %arg4[%dma_wait3A_339, %dma_wait3A_340, %dma_wait3A_341] : memref<25088x2x128xi32, #tpu.memory_space<hbm>> -> memref<8x2x128xi32, #tpu.memory_space<hbm>>
          %dma_wait3A_343 = arith.constant 0 : i32
          %dma_wait3A_344 = arith.constant 0 : i32
          %dma_wait3A_345 = arith.constant 0 : i32
          %dma_wait3A_346 = tpu.memref_slice %arg8[%dma_wait3A_333, %dma_wait3A_343, %dma_wait3A_344, %dma_wait3A_345] : memref<3x8x2x128xi32, #tpu.memory_space<vmem>> -> memref<1x8x2x128xi32, #tpu.memory_space<vmem>>
          %dma_wait3A_347 = tpu.memref_squeeze %dma_wait3A_346 : memref<1x8x2x128xi32, #tpu.memory_space<vmem>> -> memref<8x2x128xi32, #tpu.memory_space<vmem>>
          %dma_wait3A_348 = arith.constant 0 : i32
          %dma_wait3A_349 = arith.constant 0 : i32
          %dma_wait3A_350 = arith.constant 0 : i32
          %dma_wait3A_351 = tpu.memref_slice %arg4[%dma_wait3A_348, %dma_wait3A_349, %dma_wait3A_350] : memref<25088x2x128xi32, #tpu.memory_space<hbm>> -> memref<8x2x128xi32, #tpu.memory_space<hbm>>
          tpu.wait_dma2 semaphore(%arg14 : memref<!tpu.dma_semaphore, #tpu.memory_space<semaphore_mem>>) src(%dma_wait3A_351 : memref<8x2x128xi32, #tpu.memory_space<hbm>>) dst(%dma_wait3A_347 : memref<8x2x128xi32, #tpu.memory_space<vmem>>)
        } else {
        }
        %add3A_72 = arith.constant 1 : i32
        %add3A_73 = arith.addi %scan3A_39, %add3A_72 : i32
        %min3A = arith.constant 97 : i32
        %min3A_74 = arith.minsi %add3A_73, %min3A : i32
        %mul3A_75 = arith.constant 8 : i32
        %mul3A_76 = arith.muli %min3A_74, %mul3A_75 : i32
        %add3A_77 = arith.addi %mul3A_4, %mul3A_76 : i32
        %dma_start3A = arith.constant 0 : i32
        %dma_start3A_78 = arith.constant 0 : i32
        %dma_start3A_79 = arith.constant 0 : i32
        %dma_start3A_80 = tpu.memref_slice %arg8[%rem3A_46, %dma_start3A, %dma_start3A_78, %dma_start3A_79] : memref<3x8x2x128xi32, #tpu.memory_space<vmem>> -> memref<1x8x2x128xi32, #tpu.memory_space<vmem>>
        %dma_start3A_81 = tpu.memref_squeeze %dma_start3A_80 : memref<1x8x2x128xi32, #tpu.memory_space<vmem>> -> memref<8x2x128xi32, #tpu.memory_space<vmem>>
        %dma_start3A_82 = arith.constant 0 : i32
        %dma_start3A_83 = arith.constant 0 : i32
        %dma_start3A_84 = tpu.memref_slice %arg4[%add3A_77, %dma_start3A_82, %dma_start3A_83] : memref<25088x2x128xi32, #tpu.memory_space<hbm>> -> memref<8x2x128xi32, #tpu.memory_space<hbm>>
        %dma_start3A_85 = arith.constant 0 : i32
        %dma_start3A_86 = arith.constant 0 : i32
        %dma_start3A_87 = arith.constant 0 : i32
        %dma_start3A_88 = tpu.memref_slice %arg8[%rem3A_46, %dma_start3A_85, %dma_start3A_86, %dma_start3A_87] : memref<3x8x2x128xi32, #tpu.memory_space<vmem>> -> memref<1x8x2x128xi32, #tpu.memory_space<vmem>>
        %dma_start3A_89 = tpu.memref_squeeze %dma_start3A_88 : memref<1x8x2x128xi32, #tpu.memory_space<vmem>> -> memref<8x2x128xi32, #tpu.memory_space<vmem>>
        %dma_start3A_90 = arith.constant 0 : i32
        %dma_start3A_91 = arith.constant 0 : i32
        %dma_start3A_92 = tpu.memref_slice %arg4[%add3A_77, %dma_start3A_90, %dma_start3A_91] : memref<25088x2x128xi32, #tpu.memory_space<hbm>> -> memref<8x2x128xi32, #tpu.memory_space<hbm>>
        tpu.enqueue_dma source(%dma_start3A_92 : memref<8x2x128xi32, #tpu.memory_space<hbm>>) target(%dma_start3A_89 : memref<8x2x128xi32, #tpu.memory_space<vmem>>) target_semaphore(%arg14 : memref<!tpu.dma_semaphore, #tpu.memory_space<semaphore_mem>>)
        %dma_start3A_93 = arith.constant 0 : i32
        %dma_start3A_94 = arith.constant 0 : i32
        %dma_start3A_95 = arith.constant 0 : i32
        %dma_start3A_96 = arith.constant 0 : i32
        %dma_start3A_97 = tpu.memref_slice %arg9[%rem3A_40, %dma_start3A_95, %dma_start3A_96] : memref<2x1024x8xf32, #tpu.memory_space<vmem>> -> memref<1x1024x8xf32, #tpu.memory_space<vmem>>
        %dma_start3A_98 = tpu.memref_squeeze %dma_start3A_97 : memref<1x1024x8xf32, #tpu.memory_space<vmem>> -> memref<1024x8xf32, #tpu.memory_space<vmem>>
        %dma_start3A_99 = arith.constant 0 : i32
        %dma_start3A_100 = arith.constant 0 : i32
        %dma_start3A_101 = tpu.memref_slice %dma_start3A_98[%dma_start3A_99, %dma_start3A_100] : memref<1024x8xf32, #tpu.memory_space<vmem>> -> memref<128x8xf32, #tpu.memory_space<vmem>>
        %dma_start3A_102 = arith.constant 0 : i32
        %dma_start3A_103 = tpu.memref_slice %arg8[%rem3A_42, %dma_start3A_93, %dma_start3A_94, %dma_start3A_102] : memref<3x8x2x128xi32, #tpu.memory_space<vmem>> -> memref<1x1x1x128xi32, #tpu.memory_space<vmem>>
        %dma_start3A_104 = tpu.memref_squeeze %dma_start3A_103 : memref<1x1x1x128xi32, #tpu.memory_space<vmem>> -> memref<128xi32, #tpu.memory_space<vmem>>
        %dma_start3A_105 = arith.constant 0 : i32
        %dma_start3A_106 = arith.constant 0 : i32
        %dma_start3A_107 = tpu.memref_slice %arg2[%dma_start3A_105, %dma_start3A_106] : memref<100352x8xf32, #tpu.memory_space<hbm>> -> memref<100352x8xf32, #tpu.memory_space<hbm>>
        tpu.enqueue_indirect_dma source(%dma_start3A_107 : memref<100352x8xf32, #tpu.memory_space<hbm>>) target(%dma_start3A_101 : memref<128x8xf32, #tpu.memory_space<vmem>>) offsets(%dma_start3A_104 : memref<128xi32, #tpu.memory_space<vmem>>) semaphore(%arg15 : memref<!tpu.dma_semaphore, #tpu.memory_space<semaphore_mem>>)
        %dma_start3A_108 = arith.constant 0 : i32
        %dma_start3A_109 = arith.constant 1 : i32
        %dma_start3A_110 = arith.constant 0 : i32
        %dma_start3A_111 = arith.constant 0 : i32
        %dma_start3A_112 = tpu.memref_slice %arg10[%rem3A_40, %dma_start3A_110, %dma_start3A_111] : memref<2x1024x8xf32, #tpu.memory_space<vmem>> -> memref<1x1024x8xf32, #tpu.memory_space<vmem>>
        %dma_start3A_113 = tpu.memref_squeeze %dma_start3A_112 : memref<1x1024x8xf32, #tpu.memory_space<vmem>> -> memref<1024x8xf32, #tpu.memory_space<vmem>>
        %dma_start3A_114 = arith.constant 0 : i32
        %dma_start3A_115 = arith.constant 0 : i32
        %dma_start3A_116 = tpu.memref_slice %dma_start3A_113[%dma_start3A_114, %dma_start3A_115] : memref<1024x8xf32, #tpu.memory_space<vmem>> -> memref<128x8xf32, #tpu.memory_space<vmem>>
        %dma_start3A_117 = arith.constant 0 : i32
        %dma_start3A_118 = tpu.memref_slice %arg8[%rem3A_42, %dma_start3A_108, %dma_start3A_109, %dma_start3A_117] : memref<3x8x2x128xi32, #tpu.memory_space<vmem>> -> memref<1x1x1x128xi32, #tpu.memory_space<vmem>>
        %dma_start3A_119 = tpu.memref_squeeze %dma_start3A_118 : memref<1x1x1x128xi32, #tpu.memory_space<vmem>> -> memref<128xi32, #tpu.memory_space<vmem>>
        %dma_start3A_120 = arith.constant 0 : i32
        %dma_start3A_121 = arith.constant 0 : i32
        %dma_start3A_122 = tpu.memref_slice %arg3[%dma_start3A_120, %dma_start3A_121] : memref<100352x8xf32, #tpu.memory_space<hbm>> -> memref<100352x8xf32, #tpu.memory_space<hbm>>
        tpu.enqueue_indirect_dma source(%dma_start3A_122 : memref<100352x8xf32, #tpu.memory_space<hbm>>) target(%dma_start3A_116 : memref<128x8xf32, #tpu.memory_space<vmem>>) offsets(%dma_start3A_119 : memref<128xi32, #tpu.memory_space<vmem>>) semaphore(%arg15 : memref<!tpu.dma_semaphore, #tpu.memory_space<semaphore_mem>>)
        %dma_start3A_123 = arith.constant 1 : i32
        %dma_start3A_124 = arith.constant 0 : i32
        %dma_start3A_125 = arith.constant 0 : i32
        %dma_start3A_126 = arith.constant 0 : i32
        %dma_start3A_127 = tpu.memref_slice %arg9[%rem3A_40, %dma_start3A_125, %dma_start3A_126] : memref<2x1024x8xf32, #tpu.memory_space<vmem>> -> memref<1x1024x8xf32, #tpu.memory_space<vmem>>
        %dma_start3A_128 = tpu.memref_squeeze %dma_start3A_127 : memref<1x1024x8xf32, #tpu.memory_space<vmem>> -> memref<1024x8xf32, #tpu.memory_space<vmem>>
        %dma_start3A_129 = arith.constant 128 : i32
        %dma_start3A_130 = arith.constant 0 : i32
        %dma_start3A_131 = tpu.memref_slice %dma_start3A_128[%dma_start3A_129, %dma_start3A_130] : memref<1024x8xf32, #tpu.memory_space<vmem>> -> memref<128x8xf32, #tpu.memory_space<vmem>>
        %dma_start3A_132 = arith.constant 0 : i32
        %dma_start3A_133 = tpu.memref_slice %arg8[%rem3A_42, %dma_start3A_123, %dma_start3A_124, %dma_start3A_132] : memref<3x8x2x128xi32, #tpu.memory_space<vmem>> -> memref<1x1x1x128xi32, #tpu.memory_space<vmem>>
        %dma_start3A_134 = tpu.memref_squeeze %dma_start3A_133 : memref<1x1x1x128xi32, #tpu.memory_space<vmem>> -> memref<128xi32, #tpu.memory_space<vmem>>
        %dma_start3A_135 = arith.constant 0 : i32
        %dma_start3A_136 = arith.constant 0 : i32
        %dma_start3A_137 = tpu.memref_slice %arg2[%dma_start3A_135, %dma_start3A_136] : memref<100352x8xf32, #tpu.memory_space<hbm>> -> memref<100352x8xf32, #tpu.memory_space<hbm>>
        tpu.enqueue_indirect_dma source(%dma_start3A_137 : memref<100352x8xf32, #tpu.memory_space<hbm>>) target(%dma_start3A_131 : memref<128x8xf32, #tpu.memory_space<vmem>>) offsets(%dma_start3A_134 : memref<128xi32, #tpu.memory_space<vmem>>) semaphore(%arg15 : memref<!tpu.dma_semaphore, #tpu.memory_space<semaphore_mem>>)
        %dma_start3A_138 = arith.constant 1 : i32
        %dma_start3A_139 = arith.constant 1 : i32
        %dma_start3A_140 = arith.constant 0 : i32
        %dma_start3A_141 = arith.constant 0 : i32
        %dma_start3A_142 = tpu.memref_slice %arg10[%rem3A_40, %dma_start3A_140, %dma_start3A_141] : memref<2x1024x8xf32, #tpu.memory_space<vmem>> -> memref<1x1024x8xf32, #tpu.memory_space<vmem>>
        %dma_start3A_143 = tpu.memref_squeeze %dma_start3A_142 : memref<1x1024x8xf32, #tpu.memory_space<vmem>> -> memref<1024x8xf32, #tpu.memory_space<vmem>>
        %dma_start3A_144 = arith.constant 128 : i32
        %dma_start3A_145 = arith.constant 0 : i32
        %dma_start3A_146 = tpu.memref_slice %dma_start3A_143[%dma_start3A_144, %dma_start3A_145] : memref<1024x8xf32, #tpu.memory_space<vmem>> -> memref<128x8xf32, #tpu.memory_space<vmem>>
        %dma_start3A_147 = arith.constant 0 : i32
        %dma_start3A_148 = tpu.memref_slice %arg8[%rem3A_42, %dma_start3A_138, %dma_start3A_139, %dma_start3A_147] : memref<3x8x2x128xi32, #tpu.memory_space<vmem>> -> memref<1x1x1x128xi32, #tpu.memory_space<vmem>>
        %dma_start3A_149 = tpu.memref_squeeze %dma_start3A_148 : memref<1x1x1x128xi32, #tpu.memory_space<vmem>> -> memref<128xi32, #tpu.memory_space<vmem>>
        %dma_start3A_150 = arith.constant 0 : i32
        %dma_start3A_151 = arith.constant 0 : i32
        %dma_start3A_152 = tpu.memref_slice %arg3[%dma_start3A_150, %dma_start3A_151] : memref<100352x8xf32, #tpu.memory_space<hbm>> -> memref<100352x8xf32, #tpu.memory_space<hbm>>
        tpu.enqueue_indirect_dma source(%dma_start3A_152 : memref<100352x8xf32, #tpu.memory_space<hbm>>) target(%dma_start3A_146 : memref<128x8xf32, #tpu.memory_space<vmem>>) offsets(%dma_start3A_149 : memref<128xi32, #tpu.memory_space<vmem>>) semaphore(%arg15 : memref<!tpu.dma_semaphore, #tpu.memory_space<semaphore_mem>>)
        %dma_start3A_153 = arith.constant 2 : i32
        %dma_start3A_154 = arith.constant 0 : i32
        %dma_start3A_155 = arith.constant 0 : i32
        %dma_start3A_156 = arith.constant 0 : i32
        %dma_start3A_157 = tpu.memref_slice %arg9[%rem3A_40, %dma_start3A_155, %dma_start3A_156] : memref<2x1024x8xf32, #tpu.memory_space<vmem>> -> memref<1x1024x8xf32, #tpu.memory_space<vmem>>
        %dma_start3A_158 = tpu.memref_squeeze %dma_start3A_157 : memref<1x1024x8xf32, #tpu.memory_space<vmem>> -> memref<1024x8xf32, #tpu.memory_space<vmem>>
        %dma_start3A_159 = arith.constant 256 : i32
        %dma_start3A_160 = arith.constant 0 : i32
        %dma_start3A_161 = tpu.memref_slice %dma_start3A_158[%dma_start3A_159, %dma_start3A_160] : memref<1024x8xf32, #tpu.memory_space<vmem>> -> memref<128x8xf32, #tpu.memory_space<vmem>>
        %dma_start3A_162 = arith.constant 0 : i32
        %dma_start3A_163 = tpu.memref_slice %arg8[%rem3A_42, %dma_start3A_153, %dma_start3A_154, %dma_start3A_162] : memref<3x8x2x128xi32, #tpu.memory_space<vmem>> -> memref<1x1x1x128xi32, #tpu.memory_space<vmem>>
        %dma_start3A_164 = tpu.memref_squeeze %dma_start3A_163 : memref<1x1x1x128xi32, #tpu.memory_space<vmem>> -> memref<128xi32, #tpu.memory_space<vmem>>
        %dma_start3A_165 = arith.constant 0 : i32
        %dma_start3A_166 = arith.constant 0 : i32
        %dma_start3A_167 = tpu.memref_slice %arg2[%dma_start3A_165, %dma_start3A_166] : memref<100352x8xf32, #tpu.memory_space<hbm>> -> memref<100352x8xf32, #tpu.memory_space<hbm>>
        tpu.enqueue_indirect_dma source(%dma_start3A_167 : memref<100352x8xf32, #tpu.memory_space<hbm>>) target(%dma_start3A_161 : memref<128x8xf32, #tpu.memory_space<vmem>>) offsets(%dma_start3A_164 : memref<128xi32, #tpu.memory_space<vmem>>) semaphore(%arg15 : memref<!tpu.dma_semaphore, #tpu.memory_space<semaphore_mem>>)
        %dma_start3A_168 = arith.constant 2 : i32
        %dma_start3A_169 = arith.constant 1 : i32
        %dma_start3A_170 = arith.constant 0 : i32
        %dma_start3A_171 = arith.constant 0 : i32
        %dma_start3A_172 = tpu.memref_slice %arg10[%rem3A_40, %dma_start3A_170, %dma_start3A_171] : memref<2x1024x8xf32, #tpu.memory_space<vmem>> -> memref<1x1024x8xf32, #tpu.memory_space<vmem>>
        %dma_start3A_173 = tpu.memref_squeeze %dma_start3A_172 : memref<1x1024x8xf32, #tpu.memory_space<vmem>> -> memref<1024x8xf32, #tpu.memory_space<vmem>>
        %dma_start3A_174 = arith.constant 256 : i32
        %dma_start3A_175 = arith.constant 0 : i32
        %dma_start3A_176 = tpu.memref_slice %dma_start3A_173[%dma_start3A_174, %dma_start3A_175] : memref<1024x8xf32, #tpu.memory_space<vmem>> -> memref<128x8xf32, #tpu.memory_space<vmem>>
        %dma_start3A_177 = arith.constant 0 : i32
        %dma_start3A_178 = tpu.memref_slice %arg8[%rem3A_42, %dma_start3A_168, %dma_start3A_169, %dma_start3A_177] : memref<3x8x2x128xi32, #tpu.memory_space<vmem>> -> memref<1x1x1x128xi32, #tpu.memory_space<vmem>>
        %dma_start3A_179 = tpu.memref_squeeze %dma_start3A_178 : memref<1x1x1x128xi32, #tpu.memory_space<vmem>> -> memref<128xi32, #tpu.memory_space<vmem>>
        %dma_start3A_180 = arith.constant 0 : i32
        %dma_start3A_181 = arith.constant 0 : i32
        %dma_start3A_182 = tpu.memref_slice %arg3[%dma_start3A_180, %dma_start3A_181] : memref<100352x8xf32, #tpu.memory_space<hbm>> -> memref<100352x8xf32, #tpu.memory_space<hbm>>
        tpu.enqueue_indirect_dma source(%dma_start3A_182 : memref<100352x8xf32, #tpu.memory_space<hbm>>) target(%dma_start3A_176 : memref<128x8xf32, #tpu.memory_space<vmem>>) offsets(%dma_start3A_179 : memref<128xi32, #tpu.memory_space<vmem>>) semaphore(%arg15 : memref<!tpu.dma_semaphore, #tpu.memory_space<semaphore_mem>>)
        %dma_start3A_183 = arith.constant 3 : i32
        %dma_start3A_184 = arith.constant 0 : i32
        %dma_start3A_185 = arith.constant 0 : i32
        %dma_start3A_186 = arith.constant 0 : i32
        %dma_start3A_187 = tpu.memref_slice %arg9[%rem3A_40, %dma_start3A_185, %dma_start3A_186] : memref<2x1024x8xf32, #tpu.memory_space<vmem>> -> memref<1x1024x8xf32, #tpu.memory_space<vmem>>
        %dma_start3A_188 = tpu.memref_squeeze %dma_start3A_187 : memref<1x1024x8xf32, #tpu.memory_space<vmem>> -> memref<1024x8xf32, #tpu.memory_space<vmem>>
        %dma_start3A_189 = arith.constant 384 : i32
        %dma_start3A_190 = arith.constant 0 : i32
        %dma_start3A_191 = tpu.memref_slice %dma_start3A_188[%dma_start3A_189, %dma_start3A_190] : memref<1024x8xf32, #tpu.memory_space<vmem>> -> memref<128x8xf32, #tpu.memory_space<vmem>>
        %dma_start3A_192 = arith.constant 0 : i32
        %dma_start3A_193 = tpu.memref_slice %arg8[%rem3A_42, %dma_start3A_183, %dma_start3A_184, %dma_start3A_192] : memref<3x8x2x128xi32, #tpu.memory_space<vmem>> -> memref<1x1x1x128xi32, #tpu.memory_space<vmem>>
        %dma_start3A_194 = tpu.memref_squeeze %dma_start3A_193 : memref<1x1x1x128xi32, #tpu.memory_space<vmem>> -> memref<128xi32, #tpu.memory_space<vmem>>
        %dma_start3A_195 = arith.constant 0 : i32
        %dma_start3A_196 = arith.constant 0 : i32
        %dma_start3A_197 = tpu.memref_slice %arg2[%dma_start3A_195, %dma_start3A_196] : memref<100352x8xf32, #tpu.memory_space<hbm>> -> memref<100352x8xf32, #tpu.memory_space<hbm>>
        tpu.enqueue_indirect_dma source(%dma_start3A_197 : memref<100352x8xf32, #tpu.memory_space<hbm>>) target(%dma_start3A_191 : memref<128x8xf32, #tpu.memory_space<vmem>>) offsets(%dma_start3A_194 : memref<128xi32, #tpu.memory_space<vmem>>) semaphore(%arg15 : memref<!tpu.dma_semaphore, #tpu.memory_space<semaphore_mem>>)
        %dma_start3A_198 = arith.constant 3 : i32
        %dma_start3A_199 = arith.constant 1 : i32
        %dma_start3A_200 = arith.constant 0 : i32
        %dma_start3A_201 = arith.constant 0 : i32
        %dma_start3A_202 = tpu.memref_slice %arg10[%rem3A_40, %dma_start3A_200, %dma_start3A_201] : memref<2x1024x8xf32, #tpu.memory_space<vmem>> -> memref<1x1024x8xf32, #tpu.memory_space<vmem>>
        %dma_start3A_203 = tpu.memref_squeeze %dma_start3A_202 : memref<1x1024x8xf32, #tpu.memory_space<vmem>> -> memref<1024x8xf32, #tpu.memory_space<vmem>>
        %dma_start3A_204 = arith.constant 384 : i32
        %dma_start3A_205 = arith.constant 0 : i32
        %dma_start3A_206 = tpu.memref_slice %dma_start3A_203[%dma_start3A_204, %dma_start3A_205] : memref<1024x8xf32, #tpu.memory_space<vmem>> -> memref<128x8xf32, #tpu.memory_space<vmem>>
        %dma_start3A_207 = arith.constant 0 : i32
        %dma_start3A_208 = tpu.memref_slice %arg8[%rem3A_42, %dma_start3A_198, %dma_start3A_199, %dma_start3A_207] : memref<3x8x2x128xi32, #tpu.memory_space<vmem>> -> memref<1x1x1x128xi32, #tpu.memory_space<vmem>>
        %dma_start3A_209 = tpu.memref_squeeze %dma_start3A_208 : memref<1x1x1x128xi32, #tpu.memory_space<vmem>> -> memref<128xi32, #tpu.memory_space<vmem>>
        %dma_start3A_210 = arith.constant 0 : i32
        %dma_start3A_211 = arith.constant 0 : i32
        %dma_start3A_212 = tpu.memref_slice %arg3[%dma_start3A_210, %dma_start3A_211] : memref<100352x8xf32, #tpu.memory_space<hbm>> -> memref<100352x8xf32, #tpu.memory_space<hbm>>
        tpu.enqueue_indirect_dma source(%dma_start3A_212 : memref<100352x8xf32, #tpu.memory_space<hbm>>) target(%dma_start3A_206 : memref<128x8xf32, #tpu.memory_space<vmem>>) offsets(%dma_start3A_209 : memref<128xi32, #tpu.memory_space<vmem>>) semaphore(%arg15 : memref<!tpu.dma_semaphore, #tpu.memory_space<semaphore_mem>>)
        %dma_start3A_213 = arith.constant 4 : i32
        %dma_start3A_214 = arith.constant 0 : i32
        %dma_start3A_215 = arith.constant 0 : i32
        %dma_start3A_216 = arith.constant 0 : i32
        %dma_start3A_217 = tpu.memref_slice %arg9[%rem3A_40, %dma_start3A_215, %dma_start3A_216] : memref<2x1024x8xf32, #tpu.memory_space<vmem>> -> memref<1x1024x8xf32, #tpu.memory_space<vmem>>
        %dma_start3A_218 = tpu.memref_squeeze %dma_start3A_217 : memref<1x1024x8xf32, #tpu.memory_space<vmem>> -> memref<1024x8xf32, #tpu.memory_space<vmem>>
        %dma_start3A_219 = arith.constant 512 : i32
        %dma_start3A_220 = arith.constant 0 : i32
        %dma_start3A_221 = tpu.memref_slice %dma_start3A_218[%dma_start3A_219, %dma_start3A_220] : memref<1024x8xf32, #tpu.memory_space<vmem>> -> memref<128x8xf32, #tpu.memory_space<vmem>>
        %dma_start3A_222 = arith.constant 0 : i32
        %dma_start3A_223 = tpu.memref_slice %arg8[%rem3A_42, %dma_start3A_213, %dma_start3A_214, %dma_start3A_222] : memref<3x8x2x128xi32, #tpu.memory_space<vmem>> -> memref<1x1x1x128xi32, #tpu.memory_space<vmem>>
        %dma_start3A_224 = tpu.memref_squeeze %dma_start3A_223 : memref<1x1x1x128xi32, #tpu.memory_space<vmem>> -> memref<128xi32, #tpu.memory_space<vmem>>
        %dma_start3A_225 = arith.constant 0 : i32
        %dma_start3A_226 = arith.constant 0 : i32
        %dma_start3A_227 = tpu.memref_slice %arg2[%dma_start3A_225, %dma_start3A_226] : memref<100352x8xf32, #tpu.memory_space<hbm>> -> memref<100352x8xf32, #tpu.memory_space<hbm>>
        tpu.enqueue_indirect_dma source(%dma_start3A_227 : memref<100352x8xf32, #tpu.memory_space<hbm>>) target(%dma_start3A_221 : memref<128x8xf32, #tpu.memory_space<vmem>>) offsets(%dma_start3A_224 : memref<128xi32, #tpu.memory_space<vmem>>) semaphore(%arg15 : memref<!tpu.dma_semaphore, #tpu.memory_space<semaphore_mem>>)
        %dma_start3A_228 = arith.constant 4 : i32
        %dma_start3A_229 = arith.constant 1 : i32
        %dma_start3A_230 = arith.constant 0 : i32
        %dma_start3A_231 = arith.constant 0 : i32
        %dma_start3A_232 = tpu.memref_slice %arg10[%rem3A_40, %dma_start3A_230, %dma_start3A_231] : memref<2x1024x8xf32, #tpu.memory_space<vmem>> -> memref<1x1024x8xf32, #tpu.memory_space<vmem>>
        %dma_start3A_233 = tpu.memref_squeeze %dma_start3A_232 : memref<1x1024x8xf32, #tpu.memory_space<vmem>> -> memref<1024x8xf32, #tpu.memory_space<vmem>>
        %dma_start3A_234 = arith.constant 512 : i32
        %dma_start3A_235 = arith.constant 0 : i32
        %dma_start3A_236 = tpu.memref_slice %dma_start3A_233[%dma_start3A_234, %dma_start3A_235] : memref<1024x8xf32, #tpu.memory_space<vmem>> -> memref<128x8xf32, #tpu.memory_space<vmem>>
        %dma_start3A_237 = arith.constant 0 : i32
        %dma_start3A_238 = tpu.memref_slice %arg8[%rem3A_42, %dma_start3A_228, %dma_start3A_229, %dma_start3A_237] : memref<3x8x2x128xi32, #tpu.memory_space<vmem>> -> memref<1x1x1x128xi32, #tpu.memory_space<vmem>>
        %dma_start3A_239 = tpu.memref_squeeze %dma_start3A_238 : memref<1x1x1x128xi32, #tpu.memory_space<vmem>> -> memref<128xi32, #tpu.memory_space<vmem>>
        %dma_start3A_240 = arith.constant 0 : i32
        %dma_start3A_241 = arith.constant 0 : i32
        %dma_start3A_242 = tpu.memref_slice %arg3[%dma_start3A_240, %dma_start3A_241] : memref<100352x8xf32, #tpu.memory_space<hbm>> -> memref<100352x8xf32, #tpu.memory_space<hbm>>
        tpu.enqueue_indirect_dma source(%dma_start3A_242 : memref<100352x8xf32, #tpu.memory_space<hbm>>) target(%dma_start3A_236 : memref<128x8xf32, #tpu.memory_space<vmem>>) offsets(%dma_start3A_239 : memref<128xi32, #tpu.memory_space<vmem>>) semaphore(%arg15 : memref<!tpu.dma_semaphore, #tpu.memory_space<semaphore_mem>>)
        %dma_start3A_243 = arith.constant 5 : i32
        %dma_start3A_244 = arith.constant 0 : i32
        %dma_start3A_245 = arith.constant 0 : i32
        %dma_start3A_246 = arith.constant 0 : i32
        %dma_start3A_247 = tpu.memref_slice %arg9[%rem3A_40, %dma_start3A_245, %dma_start3A_246] : memref<2x1024x8xf32, #tpu.memory_space<vmem>> -> memref<1x1024x8xf32, #tpu.memory_space<vmem>>
        %dma_start3A_248 = tpu.memref_squeeze %dma_start3A_247 : memref<1x1024x8xf32, #tpu.memory_space<vmem>> -> memref<1024x8xf32, #tpu.memory_space<vmem>>
        %dma_start3A_249 = arith.constant 640 : i32
        %dma_start3A_250 = arith.constant 0 : i32
        %dma_start3A_251 = tpu.memref_slice %dma_start3A_248[%dma_start3A_249, %dma_start3A_250] : memref<1024x8xf32, #tpu.memory_space<vmem>> -> memref<128x8xf32, #tpu.memory_space<vmem>>
        %dma_start3A_252 = arith.constant 0 : i32
        %dma_start3A_253 = tpu.memref_slice %arg8[%rem3A_42, %dma_start3A_243, %dma_start3A_244, %dma_start3A_252] : memref<3x8x2x128xi32, #tpu.memory_space<vmem>> -> memref<1x1x1x128xi32, #tpu.memory_space<vmem>>
        %dma_start3A_254 = tpu.memref_squeeze %dma_start3A_253 : memref<1x1x1x128xi32, #tpu.memory_space<vmem>> -> memref<128xi32, #tpu.memory_space<vmem>>
        %dma_start3A_255 = arith.constant 0 : i32
        %dma_start3A_256 = arith.constant 0 : i32
        %dma_start3A_257 = tpu.memref_slice %arg2[%dma_start3A_255, %dma_start3A_256] : memref<100352x8xf32, #tpu.memory_space<hbm>> -> memref<100352x8xf32, #tpu.memory_space<hbm>>
        tpu.enqueue_indirect_dma source(%dma_start3A_257 : memref<100352x8xf32, #tpu.memory_space<hbm>>) target(%dma_start3A_251 : memref<128x8xf32, #tpu.memory_space<vmem>>) offsets(%dma_start3A_254 : memref<128xi32, #tpu.memory_space<vmem>>) semaphore(%arg15 : memref<!tpu.dma_semaphore, #tpu.memory_space<semaphore_mem>>)
        %dma_start3A_258 = arith.constant 5 : i32
        %dma_start3A_259 = arith.constant 1 : i32
        %dma_start3A_260 = arith.constant 0 : i32
        %dma_start3A_261 = arith.constant 0 : i32
        %dma_start3A_262 = tpu.memref_slice %arg10[%rem3A_40, %dma_start3A_260, %dma_start3A_261] : memref<2x1024x8xf32, #tpu.memory_space<vmem>> -> memref<1x1024x8xf32, #tpu.memory_space<vmem>>
        %dma_start3A_263 = tpu.memref_squeeze %dma_start3A_262 : memref<1x1024x8xf32, #tpu.memory_space<vmem>> -> memref<1024x8xf32, #tpu.memory_space<vmem>>
        %dma_start3A_264 = arith.constant 640 : i32
        %dma_start3A_265 = arith.constant 0 : i32
        %dma_start3A_266 = tpu.memref_slice %dma_start3A_263[%dma_start3A_264, %dma_start3A_265] : memref<1024x8xf32, #tpu.memory_space<vmem>> -> memref<128x8xf32, #tpu.memory_space<vmem>>
        %dma_start3A_267 = arith.constant 0 : i32
        %dma_start3A_268 = tpu.memref_slice %arg8[%rem3A_42, %dma_start3A_258, %dma_start3A_259, %dma_start3A_267] : memref<3x8x2x128xi32, #tpu.memory_space<vmem>> -> memref<1x1x1x128xi32, #tpu.memory_space<vmem>>
        %dma_start3A_269 = tpu.memref_squeeze %dma_start3A_268 : memref<1x1x1x128xi32, #tpu.memory_space<vmem>> -> memref<128xi32, #tpu.memory_space<vmem>>
        %dma_start3A_270 = arith.constant 0 : i32
        %dma_start3A_271 = arith.constant 0 : i32
        %dma_start3A_272 = tpu.memref_slice %arg3[%dma_start3A_270, %dma_start3A_271] : memref<100352x8xf32, #tpu.memory_space<hbm>> -> memref<100352x8xf32, #tpu.memory_space<hbm>>
        tpu.enqueue_indirect_dma source(%dma_start3A_272 : memref<100352x8xf32, #tpu.memory_space<hbm>>) target(%dma_start3A_266 : memref<128x8xf32, #tpu.memory_space<vmem>>) offsets(%dma_start3A_269 : memref<128xi32, #tpu.memory_space<vmem>>) semaphore(%arg15 : memref<!tpu.dma_semaphore, #tpu.memory_space<semaphore_mem>>)
        %dma_start3A_273 = arith.constant 6 : i32
        %dma_start3A_274 = arith.constant 0 : i32
        %dma_start3A_275 = arith.constant 0 : i32
        %dma_start3A_276 = arith.constant 0 : i32
        %dma_start3A_277 = tpu.memref_slice %arg9[%rem3A_40, %dma_start3A_275, %dma_start3A_276] : memref<2x1024x8xf32, #tpu.memory_space<vmem>> -> memref<1x1024x8xf32, #tpu.memory_space<vmem>>
        %dma_start3A_278 = tpu.memref_squeeze %dma_start3A_277 : memref<1x1024x8xf32, #tpu.memory_space<vmem>> -> memref<1024x8xf32, #tpu.memory_space<vmem>>
        %dma_start3A_279 = arith.constant 768 : i32
        %dma_start3A_280 = arith.constant 0 : i32
        %dma_start3A_281 = tpu.memref_slice %dma_start3A_278[%dma_start3A_279, %dma_start3A_280] : memref<1024x8xf32, #tpu.memory_space<vmem>> -> memref<128x8xf32, #tpu.memory_space<vmem>>
        %dma_start3A_282 = arith.constant 0 : i32
        %dma_start3A_283 = tpu.memref_slice %arg8[%rem3A_42, %dma_start3A_273, %dma_start3A_274, %dma_start3A_282] : memref<3x8x2x128xi32, #tpu.memory_space<vmem>> -> memref<1x1x1x128xi32, #tpu.memory_space<vmem>>
        %dma_start3A_284 = tpu.memref_squeeze %dma_start3A_283 : memref<1x1x1x128xi32, #tpu.memory_space<vmem>> -> memref<128xi32, #tpu.memory_space<vmem>>
        %dma_start3A_285 = arith.constant 0 : i32
        %dma_start3A_286 = arith.constant 0 : i32
        %dma_start3A_287 = tpu.memref_slice %arg2[%dma_start3A_285, %dma_start3A_286] : memref<100352x8xf32, #tpu.memory_space<hbm>> -> memref<100352x8xf32, #tpu.memory_space<hbm>>
        tpu.enqueue_indirect_dma source(%dma_start3A_287 : memref<100352x8xf32, #tpu.memory_space<hbm>>) target(%dma_start3A_281 : memref<128x8xf32, #tpu.memory_space<vmem>>) offsets(%dma_start3A_284 : memref<128xi32, #tpu.memory_space<vmem>>) semaphore(%arg15 : memref<!tpu.dma_semaphore, #tpu.memory_space<semaphore_mem>>)
        %dma_start3A_288 = arith.constant 6 : i32
        %dma_start3A_289 = arith.constant 1 : i32
        %dma_start3A_290 = arith.constant 0 : i32
        %dma_start3A_291 = arith.constant 0 : i32
        %dma_start3A_292 = tpu.memref_slice %arg10[%rem3A_40, %dma_start3A_290, %dma_start3A_291] : memref<2x1024x8xf32, #tpu.memory_space<vmem>> -> memref<1x1024x8xf32, #tpu.memory_space<vmem>>
        %dma_start3A_293 = tpu.memref_squeeze %dma_start3A_292 : memref<1x1024x8xf32, #tpu.memory_space<vmem>> -> memref<1024x8xf32, #tpu.memory_space<vmem>>
        %dma_start3A_294 = arith.constant 768 : i32
        %dma_start3A_295 = arith.constant 0 : i32
        %dma_start3A_296 = tpu.memref_slice %dma_start3A_293[%dma_start3A_294, %dma_start3A_295] : memref<1024x8xf32, #tpu.memory_space<vmem>> -> memref<128x8xf32, #tpu.memory_space<vmem>>
        %dma_start3A_297 = arith.constant 0 : i32
        %dma_start3A_298 = tpu.memref_slice %arg8[%rem3A_42, %dma_start3A_288, %dma_start3A_289, %dma_start3A_297] : memref<3x8x2x128xi32, #tpu.memory_space<vmem>> -> memref<1x1x1x128xi32, #tpu.memory_space<vmem>>
        %dma_start3A_299 = tpu.memref_squeeze %dma_start3A_298 : memref<1x1x1x128xi32, #tpu.memory_space<vmem>> -> memref<128xi32, #tpu.memory_space<vmem>>
        %dma_start3A_300 = arith.constant 0 : i32
        %dma_start3A_301 = arith.constant 0 : i32
        %dma_start3A_302 = tpu.memref_slice %arg3[%dma_start3A_300, %dma_start3A_301] : memref<100352x8xf32, #tpu.memory_space<hbm>> -> memref<100352x8xf32, #tpu.memory_space<hbm>>
        tpu.enqueue_indirect_dma source(%dma_start3A_302 : memref<100352x8xf32, #tpu.memory_space<hbm>>) target(%dma_start3A_296 : memref<128x8xf32, #tpu.memory_space<vmem>>) offsets(%dma_start3A_299 : memref<128xi32, #tpu.memory_space<vmem>>) semaphore(%arg15 : memref<!tpu.dma_semaphore, #tpu.memory_space<semaphore_mem>>)
        %dma_start3A_303 = arith.constant 7 : i32
        %dma_start3A_304 = arith.constant 0 : i32
        %dma_start3A_305 = arith.constant 0 : i32
        %dma_start3A_306 = arith.constant 0 : i32
        %dma_start3A_307 = tpu.memref_slice %arg9[%rem3A_40, %dma_start3A_305, %dma_start3A_306] : memref<2x1024x8xf32, #tpu.memory_space<vmem>> -> memref<1x1024x8xf32, #tpu.memory_space<vmem>>
        %dma_start3A_308 = tpu.memref_squeeze %dma_start3A_307 : memref<1x1024x8xf32, #tpu.memory_space<vmem>> -> memref<1024x8xf32, #tpu.memory_space<vmem>>
        %dma_start3A_309 = arith.constant 896 : i32
        %dma_start3A_310 = arith.constant 0 : i32
        %dma_start3A_311 = tpu.memref_slice %dma_start3A_308[%dma_start3A_309, %dma_start3A_310] : memref<1024x8xf32, #tpu.memory_space<vmem>> -> memref<128x8xf32, #tpu.memory_space<vmem>>
        %dma_start3A_312 = arith.constant 0 : i32
        %dma_start3A_313 = tpu.memref_slice %arg8[%rem3A_42, %dma_start3A_303, %dma_start3A_304, %dma_start3A_312] : memref<3x8x2x128xi32, #tpu.memory_space<vmem>> -> memref<1x1x1x128xi32, #tpu.memory_space<vmem>>
        %dma_start3A_314 = tpu.memref_squeeze %dma_start3A_313 : memref<1x1x1x128xi32, #tpu.memory_space<vmem>> -> memref<128xi32, #tpu.memory_space<vmem>>
        %dma_start3A_315 = arith.constant 0 : i32
        %dma_start3A_316 = arith.constant 0 : i32
        %dma_start3A_317 = tpu.memref_slice %arg2[%dma_start3A_315, %dma_start3A_316] : memref<100352x8xf32, #tpu.memory_space<hbm>> -> memref<100352x8xf32, #tpu.memory_space<hbm>>
        tpu.enqueue_indirect_dma source(%dma_start3A_317 : memref<100352x8xf32, #tpu.memory_space<hbm>>) target(%dma_start3A_311 : memref<128x8xf32, #tpu.memory_space<vmem>>) offsets(%dma_start3A_314 : memref<128xi32, #tpu.memory_space<vmem>>) semaphore(%arg15 : memref<!tpu.dma_semaphore, #tpu.memory_space<semaphore_mem>>)
        %dma_start3A_318 = arith.constant 7 : i32
        %dma_start3A_319 = arith.constant 1 : i32
        %dma_start3A_320 = arith.constant 0 : i32
        %dma_start3A_321 = arith.constant 0 : i32
        %dma_start3A_322 = tpu.memref_slice %arg10[%rem3A_40, %dma_start3A_320, %dma_start3A_321] : memref<2x1024x8xf32, #tpu.memory_space<vmem>> -> memref<1x1024x8xf32, #tpu.memory_space<vmem>>
        %dma_start3A_323 = tpu.memref_squeeze %dma_start3A_322 : memref<1x1024x8xf32, #tpu.memory_space<vmem>> -> memref<1024x8xf32, #tpu.memory_space<vmem>>
        %dma_start3A_324 = arith.constant 896 : i32
        %dma_start3A_325 = arith.constant 0 : i32
        %dma_start3A_326 = tpu.memref_slice %dma_start3A_323[%dma_start3A_324, %dma_start3A_325] : memref<1024x8xf32, #tpu.memory_space<vmem>> -> memref<128x8xf32, #tpu.memory_space<vmem>>
        %dma_start3A_327 = arith.constant 0 : i32
        %dma_start3A_328 = tpu.memref_slice %arg8[%rem3A_42, %dma_start3A_318, %dma_start3A_319, %dma_start3A_327] : memref<3x8x2x128xi32, #tpu.memory_space<vmem>> -> memref<1x1x1x128xi32, #tpu.memory_space<vmem>>
        %dma_start3A_329 = tpu.memref_squeeze %dma_start3A_328 : memref<1x1x1x128xi32, #tpu.memory_space<vmem>> -> memref<128xi32, #tpu.memory_space<vmem>>
        %dma_start3A_330 = arith.constant 0 : i32
        %dma_start3A_331 = arith.constant 0 : i32
        %dma_start3A_332 = tpu.memref_slice %arg3[%dma_start3A_330, %dma_start3A_331] : memref<100352x8xf32, #tpu.memory_space<hbm>> -> memref<100352x8xf32, #tpu.memory_space<hbm>>
        tpu.enqueue_indirect_dma source(%dma_start3A_332 : memref<100352x8xf32, #tpu.memory_space<hbm>>) target(%dma_start3A_326 : memref<128x8xf32, #tpu.memory_space<vmem>>) offsets(%dma_start3A_329 : memref<128xi32, #tpu.memory_space<vmem>>) semaphore(%arg15 : memref<!tpu.dma_semaphore, #tpu.memory_space<semaphore_mem>>)
      } else {
      }
      %ge3A_62 = arith.constant 1 : i32
      %ge3A_63 = arith.cmpi sge, %scan3A_39, %ge3A_62 : i32
      %convert_element_type3A_64 = arith.extui %ge3A_63 : i1 to i32
      %cond3A_65 = arith.constant 0 : i32
      %cond3A_66 = arith.cmpi ne, %convert_element_type3A_64, %cond3A_65 : i32
      scf.if %cond3A_66 {
        %sub3A = arith.constant 1 : i32
        %sub3A_67 = arith.subi %sub3A, %rem3A_40 : i32
        %broadcast_in_dim3A = vector.broadcast %sub3A_67 : i32 to vector<16xi32>
        %scan3A_68 = arith.constant 0 : i32
        %scan3A_69 = arith.constant 0 : i32
        %scan3A_70 = arith.constant 8 : i32
        %scan3A_71 = arith.addi %scan3A_69, %scan3A_70 : i32
        %scan3A_72 = arith.constant 1 : i32
        scf.for %scan3A_203 = %scan3A_69 to %scan3A_71 step %scan3A_72  : i32 {
          %iota3A = tpu.iota {dimensions = array<i32: 0>} : vector<16xi32>
          %mul3A_204 = arith.constant 16 : i32
          %mul3A_205 = arith.muli %scan3A_203, %mul3A_204 : i32
          %add3A_206 = vector.broadcast %mul3A_205 : i32 to vector<16xi32>
          %add3A_207 = arith.addi %iota3A, %add3A_206 : vector<16xi32>
          %broadcast_in_dim3A_208 = arith.constant 0 : i32
          %broadcast_in_dim3A_209 = vector.broadcast %broadcast_in_dim3A_208 : i32 to vector<16xi32>
          %broadcast_in_dim3A_210 = arith.constant 1 : i32
          %broadcast_in_dim3A_211 = vector.broadcast %broadcast_in_dim3A_210 : i32 to vector<16xi32>
          %broadcast_in_dim3A_212 = arith.constant 2 : i32
          %broadcast_in_dim3A_213 = vector.broadcast %broadcast_in_dim3A_212 : i32 to vector<16xi32>
          %broadcast_in_dim3A_214 = arith.constant 3 : i32
          %broadcast_in_dim3A_215 = vector.broadcast %broadcast_in_dim3A_214 : i32 to vector<16xi32>
          %broadcast_in_dim3A_216 = arith.constant 4 : i32
          %broadcast_in_dim3A_217 = vector.broadcast %broadcast_in_dim3A_216 : i32 to vector<16xi32>
          %broadcast_in_dim3A_218 = arith.constant 5 : i32
          %broadcast_in_dim3A_219 = vector.broadcast %broadcast_in_dim3A_218 : i32 to vector<16xi32>
          %broadcast_in_dim3A_220 = arith.constant 6 : i32
          %broadcast_in_dim3A_221 = vector.broadcast %broadcast_in_dim3A_220 : i32 to vector<16xi32>
          %broadcast_in_dim3A_222 = arith.constant 7 : i32
          %broadcast_in_dim3A_223 = vector.broadcast %broadcast_in_dim3A_222 : i32 to vector<16xi32>
          %gather3A = tpu.vector_load_idx %arg9[%broadcast_in_dim3A, %add3A_207, %broadcast_in_dim3A_209] : memref<2x1024x8xf32, #tpu.memory_space<vmem>>[vector<16xi32>, vector<16xi32>, vector<16xi32>], vector<16xf32>,
          %gather3A_224 = tpu.vector_load_idx %arg9[%broadcast_in_dim3A, %add3A_207, %broadcast_in_dim3A_211] : memref<2x1024x8xf32, #tpu.memory_space<vmem>>[vector<16xi32>, vector<16xi32>, vector<16xi32>], vector<16xf32>,
          %gather3A_225 = tpu.vector_load_idx %arg9[%broadcast_in_dim3A, %add3A_207, %broadcast_in_dim3A_213] : memref<2x1024x8xf32, #tpu.memory_space<vmem>>[vector<16xi32>, vector<16xi32>, vector<16xi32>], vector<16xf32>,
          %gather3A_226 = tpu.vector_load_idx %arg9[%broadcast_in_dim3A, %add3A_207, %broadcast_in_dim3A_215] : memref<2x1024x8xf32, #tpu.memory_space<vmem>>[vector<16xi32>, vector<16xi32>, vector<16xi32>], vector<16xf32>,
          %gather3A_227 = tpu.vector_load_idx %arg10[%broadcast_in_dim3A, %add3A_207, %broadcast_in_dim3A_217] : memref<2x1024x8xf32, #tpu.memory_space<vmem>>[vector<16xi32>, vector<16xi32>, vector<16xi32>], vector<16xf32>,
          %gather3A_228 = tpu.vector_load_idx %arg10[%broadcast_in_dim3A, %add3A_207, %broadcast_in_dim3A_219] : memref<2x1024x8xf32, #tpu.memory_space<vmem>>[vector<16xi32>, vector<16xi32>, vector<16xi32>], vector<16xf32>,
          %gather3A_229 = tpu.vector_load_idx %arg10[%broadcast_in_dim3A, %add3A_207, %broadcast_in_dim3A_221] : memref<2x1024x8xf32, #tpu.memory_space<vmem>>[vector<16xi32>, vector<16xi32>, vector<16xi32>], vector<16xf32>,
          %gather3A_230 = tpu.vector_load_idx %arg10[%broadcast_in_dim3A, %add3A_207, %broadcast_in_dim3A_223] : memref<2x1024x8xf32, #tpu.memory_space<vmem>>[vector<16xi32>, vector<16xi32>, vector<16xi32>], vector<16xf32>,
          %add3A_231 = arith.addf %gather3A, %gather3A_227 : vector<16xf32>
          %gt3A = arith.constant 0.000000e+00 : f32
          %gt3A_232 = vector.broadcast %gt3A : f32 to vector<16xf32>
          %gt3A_233 = arith.cmpf ogt, %add3A_231, %gt3A_232 : vector<16xf32>
          %mul3A_234 = arith.constant 2.000000e-01 : f32
          %mul3A_235 = vector.broadcast %mul3A_234 : f32 to vector<16xf32>
          %mul3A_236 = arith.mulf %mul3A_235, %add3A_231 : vector<16xf32>
          %select_n3A = arith.select %gt3A_233, %add3A_231, %mul3A_236 : vector<16xi1>, vector<16xf32>
          %add3A_237 = arith.addf %gather3A_224, %gather3A_228 : vector<16xf32>
          %gt3A_238 = arith.constant 0.000000e+00 : f32
          %gt3A_239 = vector.broadcast %gt3A_238 : f32 to vector<16xf32>
          %gt3A_240 = arith.cmpf ogt, %add3A_237, %gt3A_239 : vector<16xf32>
          %mul3A_241 = arith.constant 2.000000e-01 : f32
          %mul3A_242 = vector.broadcast %mul3A_241 : f32 to vector<16xf32>
          %mul3A_243 = arith.mulf %mul3A_242, %add3A_237 : vector<16xf32>
          %select_n3A_244 = arith.select %gt3A_240, %add3A_237, %mul3A_243 : vector<16xi1>, vector<16xf32>
          %add3A_245 = arith.addf %gather3A_225, %gather3A_229 : vector<16xf32>
          %gt3A_246 = arith.constant 0.000000e+00 : f32
          %gt3A_247 = vector.broadcast %gt3A_246 : f32 to vector<16xf32>
          %gt3A_248 = arith.cmpf ogt, %add3A_245, %gt3A_247 : vector<16xf32>
          %mul3A_249 = arith.constant 2.000000e-01 : f32
          %mul3A_250 = vector.broadcast %mul3A_249 : f32 to vector<16xf32>
          %mul3A_251 = arith.mulf %mul3A_250, %add3A_245 : vector<16xf32>
          %select_n3A_252 = arith.select %gt3A_248, %add3A_245, %mul3A_251 : vector<16xi1>, vector<16xf32>
          %add3A_253 = arith.addf %gather3A_226, %gather3A_230 : vector<16xf32>
          %gt3A_254 = arith.constant 0.000000e+00 : f32
          %gt3A_255 = vector.broadcast %gt3A_254 : f32 to vector<16xf32>
          %gt3A_256 = arith.cmpf ogt, %add3A_253, %gt3A_255 : vector<16xf32>
          %mul3A_257 = arith.constant 2.000000e-01 : f32
          %mul3A_258 = vector.broadcast %mul3A_257 : f32 to vector<16xf32>
          %mul3A_259 = arith.mulf %mul3A_258, %add3A_253 : vector<16xf32>
          %select_n3A_260 = arith.select %gt3A_256, %add3A_253, %mul3A_259 : vector<16xi1>, vector<16xf32>
          %get3A = arith.constant 0 : i32
          %get3A_261 = arith.index_cast %get3A : i32 to index
          %get3A_262 = arith.constant 0 : index
          %get3A_263 = tpu.vector_load %arg12[%get3A_261, %get3A_262] {strides = array<i32>} : memref<4x16xf32, #tpu.memory_space<vmem>>, vector<16xf32>,
          %mul3A_264 = arith.mulf %get3A_263, %select_n3A : vector<16xf32>
          %get3A_265 = arith.constant 1 : i32
          %get3A_266 = arith.index_cast %get3A_265 : i32 to index
          %get3A_267 = arith.constant 0 : index
          %get3A_268 = tpu.vector_load %arg12[%get3A_266, %get3A_267] {strides = array<i32>} : memref<4x16xf32, #tpu.memory_space<vmem>>, vector<16xf32>,
          %mul3A_269 = arith.mulf %get3A_268, %select_n3A_244 : vector<16xf32>
          %add3A_270 = arith.addf %mul3A_264, %mul3A_269 : vector<16xf32>
          %get3A_271 = arith.constant 2 : i32
          %get3A_272 = arith.index_cast %get3A_271 : i32 to index
          %get3A_273 = arith.constant 0 : index
          %get3A_274 = tpu.vector_load %arg12[%get3A_272, %get3A_273] {strides = array<i32>} : memref<4x16xf32, #tpu.memory_space<vmem>>, vector<16xf32>,
          %mul3A_275 = arith.mulf %get3A_274, %select_n3A_252 : vector<16xf32>
          %get3A_276 = arith.constant 3 : i32
          %get3A_277 = arith.index_cast %get3A_276 : i32 to index
          %get3A_278 = arith.constant 0 : index
          %get3A_279 = tpu.vector_load %arg12[%get3A_277, %get3A_278] {strides = array<i32>} : memref<4x16xf32, #tpu.memory_space<vmem>>, vector<16xf32>,
          %mul3A_280 = arith.mulf %get3A_279, %select_n3A_260 : vector<16xf32>
          %add3A_281 = arith.addf %mul3A_275, %mul3A_280 : vector<16xf32>
          %exp3A = math.exp %add3A_270 : vector<16xf32>
          %exp3A_282 = math.exp %add3A_281 : vector<16xf32>
          %broadcast_in_dim3A_283 = arith.constant 0.000000e+00 : f32
          %broadcast_in_dim3A_284 = vector.broadcast %broadcast_in_dim3A_283 : f32 to vector<16xf32>
          %mul3A_285 = arith.mulf %exp3A, %gather3A : vector<16xf32>
          %mul3A_286 = arith.mulf %exp3A, %gather3A_224 : vector<16xf32>
          %mul3A_287 = arith.mulf %exp3A_282, %gather3A_225 : vector<16xf32>
          %mul3A_288 = arith.mulf %exp3A_282, %gather3A_226 : vector<16xf32>
          tpu.vector_store_idx %arg11[%add3A_207, %broadcast_in_dim3A_209], %exp3A : memref<1024x8xf32, #tpu.memory_space<vmem>>[vector<16xi32>, vector<16xi32>], vector<16xf32>,
          tpu.vector_store_idx %arg11[%add3A_207, %broadcast_in_dim3A_211], %exp3A_282 : memref<1024x8xf32, #tpu.memory_space<vmem>>[vector<16xi32>, vector<16xi32>], vector<16xf32>,
          tpu.vector_store_idx %arg11[%add3A_207, %broadcast_in_dim3A_213], %mul3A_285 : memref<1024x8xf32, #tpu.memory_space<vmem>>[vector<16xi32>, vector<16xi32>], vector<16xf32>,
          tpu.vector_store_idx %arg11[%add3A_207, %broadcast_in_dim3A_215], %mul3A_286 : memref<1024x8xf32, #tpu.memory_space<vmem>>[vector<16xi32>, vector<16xi32>], vector<16xf32>,
          tpu.vector_store_idx %arg11[%add3A_207, %broadcast_in_dim3A_217], %mul3A_287 : memref<1024x8xf32, #tpu.memory_space<vmem>>[vector<16xi32>, vector<16xi32>], vector<16xf32>,
          tpu.vector_store_idx %arg11[%add3A_207, %broadcast_in_dim3A_219], %mul3A_288 : memref<1024x8xf32, #tpu.memory_space<vmem>>[vector<16xi32>, vector<16xi32>], vector<16xf32>,
          tpu.vector_store_idx %arg11[%add3A_207, %broadcast_in_dim3A_221], %broadcast_in_dim3A_284 : memref<1024x8xf32, #tpu.memory_space<vmem>>[vector<16xi32>, vector<16xi32>], vector<16xf32>,
          tpu.vector_store_idx %arg11[%add3A_207, %broadcast_in_dim3A_223], %broadcast_in_dim3A_284 : memref<1024x8xf32, #tpu.memory_space<vmem>>[vector<16xi32>, vector<16xi32>], vector<16xf32>,
        }
        %scan3A_73 = arith.constant 8 : i32
        %dma_start3A = arith.constant 0 : i32
        %dma_start3A_74 = arith.constant 1 : i32
        %dma_start3A_75 = arith.constant 0 : i32
        %dma_start3A_76 = arith.constant 0 : i32
        %dma_start3A_77 = tpu.memref_slice %arg11[%dma_start3A_75, %dma_start3A_76] : memref<1024x8xf32, #tpu.memory_space<vmem>> -> memref<128x8xf32, #tpu.memory_space<vmem>>
        %dma_start3A_78 = arith.constant 0 : i32
        %dma_start3A_79 = tpu.memref_slice %arg8[%rem3A_50, %dma_start3A, %dma_start3A_74, %dma_start3A_78] : memref<3x8x2x128xi32, #tpu.memory_space<vmem>> -> memref<1x1x1x128xi32, #tpu.memory_space<vmem>>
        %dma_start3A_80 = tpu.memref_squeeze %dma_start3A_79 : memref<1x1x1x128xi32, #tpu.memory_space<vmem>> -> memref<128xi32, #tpu.memory_space<vmem>>
        %dma_start3A_81 = arith.constant 0 : i32
        %dma_start3A_82 = arith.constant 0 : i32
        %dma_start3A_83 = tpu.memref_slice %arg13[%dma_start3A_81, %dma_start3A_82] : memref<100352x8xf32, #tpu.memory_space<vmem_shared>> -> memref<100352x8xf32, #tpu.memory_space<vmem_shared>>
        tpu.enqueue_indirect_dma source(%dma_start3A_77 : memref<128x8xf32, #tpu.memory_space<vmem>>) target(%dma_start3A_83 : memref<100352x8xf32, #tpu.memory_space<vmem_shared>>) offsets(%dma_start3A_80 : memref<128xi32, #tpu.memory_space<vmem>>) semaphore(%arg16 : memref<!tpu.dma_semaphore, #tpu.memory_space<semaphore_mem>>) {add = true}
        %scan3A_84 = arith.constant 0 : i32
        %scan3A_85 = arith.constant 8 : i32
        %scan3A_86 = arith.constant 8 : i32
        %scan3A_87 = arith.addi %scan3A_85, %scan3A_86 : i32
        %scan3A_88 = arith.constant 1 : i32
        scf.for %scan3A_203 = %scan3A_85 to %scan3A_87 step %scan3A_88  : i32 {
          %iota3A = tpu.iota {dimensions = array<i32: 0>} : vector<16xi32>
          %mul3A_204 = arith.constant 16 : i32
          %mul3A_205 = arith.muli %scan3A_203, %mul3A_204 : i32
          %add3A_206 = vector.broadcast %mul3A_205 : i32 to vector<16xi32>
          %add3A_207 = arith.addi %iota3A, %add3A_206 : vector<16xi32>
          %broadcast_in_dim3A_208 = arith.constant 0 : i32
          %broadcast_in_dim3A_209 = vector.broadcast %broadcast_in_dim3A_208 : i32 to vector<16xi32>
          %broadcast_in_dim3A_210 = arith.constant 1 : i32
          %broadcast_in_dim3A_211 = vector.broadcast %broadcast_in_dim3A_210 : i32 to vector<16xi32>
          %broadcast_in_dim3A_212 = arith.constant 2 : i32
          %broadcast_in_dim3A_213 = vector.broadcast %broadcast_in_dim3A_212 : i32 to vector<16xi32>
          %broadcast_in_dim3A_214 = arith.constant 3 : i32
          %broadcast_in_dim3A_215 = vector.broadcast %broadcast_in_dim3A_214 : i32 to vector<16xi32>
          %broadcast_in_dim3A_216 = arith.constant 4 : i32
          %broadcast_in_dim3A_217 = vector.broadcast %broadcast_in_dim3A_216 : i32 to vector<16xi32>
          %broadcast_in_dim3A_218 = arith.constant 5 : i32
          %broadcast_in_dim3A_219 = vector.broadcast %broadcast_in_dim3A_218 : i32 to vector<16xi32>
          %broadcast_in_dim3A_220 = arith.constant 6 : i32
          %broadcast_in_dim3A_221 = vector.broadcast %broadcast_in_dim3A_220 : i32 to vector<16xi32>
          %broadcast_in_dim3A_222 = arith.constant 7 : i32
          %broadcast_in_dim3A_223 = vector.broadcast %broadcast_in_dim3A_222 : i32 to vector<16xi32>
          %gather3A = tpu.vector_load_idx %arg9[%broadcast_in_dim3A, %add3A_207, %broadcast_in_dim3A_209] : memref<2x1024x8xf32, #tpu.memory_space<vmem>>[vector<16xi32>, vector<16xi32>, vector<16xi32>], vector<16xf32>,
          %gather3A_224 = tpu.vector_load_idx %arg9[%broadcast_in_dim3A, %add3A_207, %broadcast_in_dim3A_211] : memref<2x1024x8xf32, #tpu.memory_space<vmem>>[vector<16xi32>, vector<16xi32>, vector<16xi32>], vector<16xf32>,
          %gather3A_225 = tpu.vector_load_idx %arg9[%broadcast_in_dim3A, %add3A_207, %broadcast_in_dim3A_213] : memref<2x1024x8xf32, #tpu.memory_space<vmem>>[vector<16xi32>, vector<16xi32>, vector<16xi32>], vector<16xf32>,
          %gather3A_226 = tpu.vector_load_idx %arg9[%broadcast_in_dim3A, %add3A_207, %broadcast_in_dim3A_215] : memref<2x1024x8xf32, #tpu.memory_space<vmem>>[vector<16xi32>, vector<16xi32>, vector<16xi32>], vector<16xf32>,
          %gather3A_227 = tpu.vector_load_idx %arg10[%broadcast_in_dim3A, %add3A_207, %broadcast_in_dim3A_217] : memref<2x1024x8xf32, #tpu.memory_space<vmem>>[vector<16xi32>, vector<16xi32>, vector<16xi32>], vector<16xf32>,
          %gather3A_228 = tpu.vector_load_idx %arg10[%broadcast_in_dim3A, %add3A_207, %broadcast_in_dim3A_219] : memref<2x1024x8xf32, #tpu.memory_space<vmem>>[vector<16xi32>, vector<16xi32>, vector<16xi32>], vector<16xf32>,
          %gather3A_229 = tpu.vector_load_idx %arg10[%broadcast_in_dim3A, %add3A_207, %broadcast_in_dim3A_221] : memref<2x1024x8xf32, #tpu.memory_space<vmem>>[vector<16xi32>, vector<16xi32>, vector<16xi32>], vector<16xf32>,
          %gather3A_230 = tpu.vector_load_idx %arg10[%broadcast_in_dim3A, %add3A_207, %broadcast_in_dim3A_223] : memref<2x1024x8xf32, #tpu.memory_space<vmem>>[vector<16xi32>, vector<16xi32>, vector<16xi32>], vector<16xf32>,
          %add3A_231 = arith.addf %gather3A, %gather3A_227 : vector<16xf32>
          %gt3A = arith.constant 0.000000e+00 : f32
          %gt3A_232 = vector.broadcast %gt3A : f32 to vector<16xf32>
          %gt3A_233 = arith.cmpf ogt, %add3A_231, %gt3A_232 : vector<16xf32>
          %mul3A_234 = arith.constant 2.000000e-01 : f32
          %mul3A_235 = vector.broadcast %mul3A_234 : f32 to vector<16xf32>
          %mul3A_236 = arith.mulf %mul3A_235, %add3A_231 : vector<16xf32>
          %select_n3A = arith.select %gt3A_233, %add3A_231, %mul3A_236 : vector<16xi1>, vector<16xf32>
          %add3A_237 = arith.addf %gather3A_224, %gather3A_228 : vector<16xf32>
          %gt3A_238 = arith.constant 0.000000e+00 : f32
          %gt3A_239 = vector.broadcast %gt3A_238 : f32 to vector<16xf32>
          %gt3A_240 = arith.cmpf ogt, %add3A_237, %gt3A_239 : vector<16xf32>
          %mul3A_241 = arith.constant 2.000000e-01 : f32
          %mul3A_242 = vector.broadcast %mul3A_241 : f32 to vector<16xf32>
          %mul3A_243 = arith.mulf %mul3A_242, %add3A_237 : vector<16xf32>
          %select_n3A_244 = arith.select %gt3A_240, %add3A_237, %mul3A_243 : vector<16xi1>, vector<16xf32>
          %add3A_245 = arith.addf %gather3A_225, %gather3A_229 : vector<16xf32>
          %gt3A_246 = arith.constant 0.000000e+00 : f32
          %gt3A_247 = vector.broadcast %gt3A_246 : f32 to vector<16xf32>
          %gt3A_248 = arith.cmpf ogt, %add3A_245, %gt3A_247 : vector<16xf32>
          %mul3A_249 = arith.constant 2.000000e-01 : f32
          %mul3A_250 = vector.broadcast %mul3A_249 : f32 to vector<16xf32>
          %mul3A_251 = arith.mulf %mul3A_250, %add3A_245 : vector<16xf32>
          %select_n3A_252 = arith.select %gt3A_248, %add3A_245, %mul3A_251 : vector<16xi1>, vector<16xf32>
          %add3A_253 = arith.addf %gather3A_226, %gather3A_230 : vector<16xf32>
          %gt3A_254 = arith.constant 0.000000e+00 : f32
          %gt3A_255 = vector.broadcast %gt3A_254 : f32 to vector<16xf32>
          %gt3A_256 = arith.cmpf ogt, %add3A_253, %gt3A_255 : vector<16xf32>
          %mul3A_257 = arith.constant 2.000000e-01 : f32
          %mul3A_258 = vector.broadcast %mul3A_257 : f32 to vector<16xf32>
          %mul3A_259 = arith.mulf %mul3A_258, %add3A_253 : vector<16xf32>
          %select_n3A_260 = arith.select %gt3A_256, %add3A_253, %mul3A_259 : vector<16xi1>, vector<16xf32>
          %get3A = arith.constant 0 : i32
          %get3A_261 = arith.index_cast %get3A : i32 to index
          %get3A_262 = arith.constant 0 : index
          %get3A_263 = tpu.vector_load %arg12[%get3A_261, %get3A_262] {strides = array<i32>} : memref<4x16xf32, #tpu.memory_space<vmem>>, vector<16xf32>,
          %mul3A_264 = arith.mulf %get3A_263, %select_n3A : vector<16xf32>
          %get3A_265 = arith.constant 1 : i32
          %get3A_266 = arith.index_cast %get3A_265 : i32 to index
          %get3A_267 = arith.constant 0 : index
          %get3A_268 = tpu.vector_load %arg12[%get3A_266, %get3A_267] {strides = array<i32>} : memref<4x16xf32, #tpu.memory_space<vmem>>, vector<16xf32>,
          %mul3A_269 = arith.mulf %get3A_268, %select_n3A_244 : vector<16xf32>
          %add3A_270 = arith.addf %mul3A_264, %mul3A_269 : vector<16xf32>
          %get3A_271 = arith.constant 2 : i32
          %get3A_272 = arith.index_cast %get3A_271 : i32 to index
          %get3A_273 = arith.constant 0 : index
          %get3A_274 = tpu.vector_load %arg12[%get3A_272, %get3A_273] {strides = array<i32>} : memref<4x16xf32, #tpu.memory_space<vmem>>, vector<16xf32>,
          %mul3A_275 = arith.mulf %get3A_274, %select_n3A_252 : vector<16xf32>
          %get3A_276 = arith.constant 3 : i32
          %get3A_277 = arith.index_cast %get3A_276 : i32 to index
          %get3A_278 = arith.constant 0 : index
          %get3A_279 = tpu.vector_load %arg12[%get3A_277, %get3A_278] {strides = array<i32>} : memref<4x16xf32, #tpu.memory_space<vmem>>, vector<16xf32>,
          %mul3A_280 = arith.mulf %get3A_279, %select_n3A_260 : vector<16xf32>
          %add3A_281 = arith.addf %mul3A_275, %mul3A_280 : vector<16xf32>
          %exp3A = math.exp %add3A_270 : vector<16xf32>
          %exp3A_282 = math.exp %add3A_281 : vector<16xf32>
          %broadcast_in_dim3A_283 = arith.constant 0.000000e+00 : f32
          %broadcast_in_dim3A_284 = vector.broadcast %broadcast_in_dim3A_283 : f32 to vector<16xf32>
          %mul3A_285 = arith.mulf %exp3A, %gather3A : vector<16xf32>
          %mul3A_286 = arith.mulf %exp3A, %gather3A_224 : vector<16xf32>
          %mul3A_287 = arith.mulf %exp3A_282, %gather3A_225 : vector<16xf32>
          %mul3A_288 = arith.mulf %exp3A_282, %gather3A_226 : vector<16xf32>
          tpu.vector_store_idx %arg11[%add3A_207, %broadcast_in_dim3A_209], %exp3A : memref<1024x8xf32, #tpu.memory_space<vmem>>[vector<16xi32>, vector<16xi32>], vector<16xf32>,
          tpu.vector_store_idx %arg11[%add3A_207, %broadcast_in_dim3A_211], %exp3A_282 : memref<1024x8xf32, #tpu.memory_space<vmem>>[vector<16xi32>, vector<16xi32>], vector<16xf32>,
          tpu.vector_store_idx %arg11[%add3A_207, %broadcast_in_dim3A_213], %mul3A_285 : memref<1024x8xf32, #tpu.memory_space<vmem>>[vector<16xi32>, vector<16xi32>], vector<16xf32>,
          tpu.vector_store_idx %arg11[%add3A_207, %broadcast_in_dim3A_215], %mul3A_286 : memref<1024x8xf32, #tpu.memory_space<vmem>>[vector<16xi32>, vector<16xi32>], vector<16xf32>,
          tpu.vector_store_idx %arg11[%add3A_207, %broadcast_in_dim3A_217], %mul3A_287 : memref<1024x8xf32, #tpu.memory_space<vmem>>[vector<16xi32>, vector<16xi32>], vector<16xf32>,
          tpu.vector_store_idx %arg11[%add3A_207, %broadcast_in_dim3A_219], %mul3A_288 : memref<1024x8xf32, #tpu.memory_space<vmem>>[vector<16xi32>, vector<16xi32>], vector<16xf32>,
          tpu.vector_store_idx %arg11[%add3A_207, %broadcast_in_dim3A_221], %broadcast_in_dim3A_284 : memref<1024x8xf32, #tpu.memory_space<vmem>>[vector<16xi32>, vector<16xi32>], vector<16xf32>,
          tpu.vector_store_idx %arg11[%add3A_207, %broadcast_in_dim3A_223], %broadcast_in_dim3A_284 : memref<1024x8xf32, #tpu.memory_space<vmem>>[vector<16xi32>, vector<16xi32>], vector<16xf32>,
        }
        %scan3A_89 = arith.constant 8 : i32
        %dma_start3A_90 = arith.constant 1 : i32
        %dma_start3A_91 = arith.constant 1 : i32
        %dma_start3A_92 = arith.constant 128 : i32
        %dma_start3A_93 = arith.constant 0 : i32
        %dma_start3A_94 = tpu.memref_slice %arg11[%dma_start3A_92, %dma_start3A_93] : memref<1024x8xf32, #tpu.memory_space<vmem>> -> memref<128x8xf32, #tpu.memory_space<vmem>>
        %dma_start3A_95 = arith.constant 0 : i32
        %dma_start3A_96 = tpu.memref_slice %arg8[%rem3A_50, %dma_start3A_90, %dma_start3A_91, %dma_start3A_95] : memref<3x8x2x128xi32, #tpu.memory_space<vmem>> -> memref<1x1x1x128xi32, #tpu.memory_space<vmem>>
        %dma_start3A_97 = tpu.memref_squeeze %dma_start3A_96 : memref<1x1x1x128xi32, #tpu.memory_space<vmem>> -> memref<128xi32, #tpu.memory_space<vmem>>
        %dma_start3A_98 = arith.constant 0 : i32
        %dma_start3A_99 = arith.constant 0 : i32
        %dma_start3A_100 = tpu.memref_slice %arg13[%dma_start3A_98, %dma_start3A_99] : memref<100352x8xf32, #tpu.memory_space<vmem_shared>> -> memref<100352x8xf32, #tpu.memory_space<vmem_shared>>
        tpu.enqueue_indirect_dma source(%dma_start3A_94 : memref<128x8xf32, #tpu.memory_space<vmem>>) target(%dma_start3A_100 : memref<100352x8xf32, #tpu.memory_space<vmem_shared>>) offsets(%dma_start3A_97 : memref<128xi32, #tpu.memory_space<vmem>>) semaphore(%arg16 : memref<!tpu.dma_semaphore, #tpu.memory_space<semaphore_mem>>) {add = true}
        %scan3A_101 = arith.constant 0 : i32
        %scan3A_102 = arith.constant 16 : i32
        %scan3A_103 = arith.constant 8 : i32
        %scan3A_104 = arith.addi %scan3A_102, %scan3A_103 : i32
        %scan3A_105 = arith.constant 1 : i32
        scf.for %scan3A_203 = %scan3A_102 to %scan3A_104 step %scan3A_105  : i32 {
          %iota3A = tpu.iota {dimensions = array<i32: 0>} : vector<16xi32>
          %mul3A_204 = arith.constant 16 : i32
          %mul3A_205 = arith.muli %scan3A_203, %mul3A_204 : i32
          %add3A_206 = vector.broadcast %mul3A_205 : i32 to vector<16xi32>
          %add3A_207 = arith.addi %iota3A, %add3A_206 : vector<16xi32>
          %broadcast_in_dim3A_208 = arith.constant 0 : i32
          %broadcast_in_dim3A_209 = vector.broadcast %broadcast_in_dim3A_208 : i32 to vector<16xi32>
          %broadcast_in_dim3A_210 = arith.constant 1 : i32
          %broadcast_in_dim3A_211 = vector.broadcast %broadcast_in_dim3A_210 : i32 to vector<16xi32>
          %broadcast_in_dim3A_212 = arith.constant 2 : i32
          %broadcast_in_dim3A_213 = vector.broadcast %broadcast_in_dim3A_212 : i32 to vector<16xi32>
          %broadcast_in_dim3A_214 = arith.constant 3 : i32
          %broadcast_in_dim3A_215 = vector.broadcast %broadcast_in_dim3A_214 : i32 to vector<16xi32>
          %broadcast_in_dim3A_216 = arith.constant 4 : i32
          %broadcast_in_dim3A_217 = vector.broadcast %broadcast_in_dim3A_216 : i32 to vector<16xi32>
          %broadcast_in_dim3A_218 = arith.constant 5 : i32
          %broadcast_in_dim3A_219 = vector.broadcast %broadcast_in_dim3A_218 : i32 to vector<16xi32>
          %broadcast_in_dim3A_220 = arith.constant 6 : i32
          %broadcast_in_dim3A_221 = vector.broadcast %broadcast_in_dim3A_220 : i32 to vector<16xi32>
          %broadcast_in_dim3A_222 = arith.constant 7 : i32
          %broadcast_in_dim3A_223 = vector.broadcast %broadcast_in_dim3A_222 : i32 to vector<16xi32>
          %gather3A = tpu.vector_load_idx %arg9[%broadcast_in_dim3A, %add3A_207, %broadcast_in_dim3A_209] : memref<2x1024x8xf32, #tpu.memory_space<vmem>>[vector<16xi32>, vector<16xi32>, vector<16xi32>], vector<16xf32>,
          %gather3A_224 = tpu.vector_load_idx %arg9[%broadcast_in_dim3A, %add3A_207, %broadcast_in_dim3A_211] : memref<2x1024x8xf32, #tpu.memory_space<vmem>>[vector<16xi32>, vector<16xi32>, vector<16xi32>], vector<16xf32>,
          %gather3A_225 = tpu.vector_load_idx %arg9[%broadcast_in_dim3A, %add3A_207, %broadcast_in_dim3A_213] : memref<2x1024x8xf32, #tpu.memory_space<vmem>>[vector<16xi32>, vector<16xi32>, vector<16xi32>], vector<16xf32>,
          %gather3A_226 = tpu.vector_load_idx %arg9[%broadcast_in_dim3A, %add3A_207, %broadcast_in_dim3A_215] : memref<2x1024x8xf32, #tpu.memory_space<vmem>>[vector<16xi32>, vector<16xi32>, vector<16xi32>], vector<16xf32>,
          %gather3A_227 = tpu.vector_load_idx %arg10[%broadcast_in_dim3A, %add3A_207, %broadcast_in_dim3A_217] : memref<2x1024x8xf32, #tpu.memory_space<vmem>>[vector<16xi32>, vector<16xi32>, vector<16xi32>], vector<16xf32>,
          %gather3A_228 = tpu.vector_load_idx %arg10[%broadcast_in_dim3A, %add3A_207, %broadcast_in_dim3A_219] : memref<2x1024x8xf32, #tpu.memory_space<vmem>>[vector<16xi32>, vector<16xi32>, vector<16xi32>], vector<16xf32>,
          %gather3A_229 = tpu.vector_load_idx %arg10[%broadcast_in_dim3A, %add3A_207, %broadcast_in_dim3A_221] : memref<2x1024x8xf32, #tpu.memory_space<vmem>>[vector<16xi32>, vector<16xi32>, vector<16xi32>], vector<16xf32>,
          %gather3A_230 = tpu.vector_load_idx %arg10[%broadcast_in_dim3A, %add3A_207, %broadcast_in_dim3A_223] : memref<2x1024x8xf32, #tpu.memory_space<vmem>>[vector<16xi32>, vector<16xi32>, vector<16xi32>], vector<16xf32>,
          %add3A_231 = arith.addf %gather3A, %gather3A_227 : vector<16xf32>
          %gt3A = arith.constant 0.000000e+00 : f32
          %gt3A_232 = vector.broadcast %gt3A : f32 to vector<16xf32>
          %gt3A_233 = arith.cmpf ogt, %add3A_231, %gt3A_232 : vector<16xf32>
          %mul3A_234 = arith.constant 2.000000e-01 : f32
          %mul3A_235 = vector.broadcast %mul3A_234 : f32 to vector<16xf32>
          %mul3A_236 = arith.mulf %mul3A_235, %add3A_231 : vector<16xf32>
          %select_n3A = arith.select %gt3A_233, %add3A_231, %mul3A_236 : vector<16xi1>, vector<16xf32>
          %add3A_237 = arith.addf %gather3A_224, %gather3A_228 : vector<16xf32>
          %gt3A_238 = arith.constant 0.000000e+00 : f32
          %gt3A_239 = vector.broadcast %gt3A_238 : f32 to vector<16xf32>
          %gt3A_240 = arith.cmpf ogt, %add3A_237, %gt3A_239 : vector<16xf32>
          %mul3A_241 = arith.constant 2.000000e-01 : f32
          %mul3A_242 = vector.broadcast %mul3A_241 : f32 to vector<16xf32>
          %mul3A_243 = arith.mulf %mul3A_242, %add3A_237 : vector<16xf32>
          %select_n3A_244 = arith.select %gt3A_240, %add3A_237, %mul3A_243 : vector<16xi1>, vector<16xf32>
          %add3A_245 = arith.addf %gather3A_225, %gather3A_229 : vector<16xf32>
          %gt3A_246 = arith.constant 0.000000e+00 : f32
          %gt3A_247 = vector.broadcast %gt3A_246 : f32 to vector<16xf32>
          %gt3A_248 = arith.cmpf ogt, %add3A_245, %gt3A_247 : vector<16xf32>
          %mul3A_249 = arith.constant 2.000000e-01 : f32
          %mul3A_250 = vector.broadcast %mul3A_249 : f32 to vector<16xf32>
          %mul3A_251 = arith.mulf %mul3A_250, %add3A_245 : vector<16xf32>
          %select_n3A_252 = arith.select %gt3A_248, %add3A_245, %mul3A_251 : vector<16xi1>, vector<16xf32>
          %add3A_253 = arith.addf %gather3A_226, %gather3A_230 : vector<16xf32>
          %gt3A_254 = arith.constant 0.000000e+00 : f32
          %gt3A_255 = vector.broadcast %gt3A_254 : f32 to vector<16xf32>
          %gt3A_256 = arith.cmpf ogt, %add3A_253, %gt3A_255 : vector<16xf32>
          %mul3A_257 = arith.constant 2.000000e-01 : f32
          %mul3A_258 = vector.broadcast %mul3A_257 : f32 to vector<16xf32>
          %mul3A_259 = arith.mulf %mul3A_258, %add3A_253 : vector<16xf32>
          %select_n3A_260 = arith.select %gt3A_256, %add3A_253, %mul3A_259 : vector<16xi1>, vector<16xf32>
          %get3A = arith.constant 0 : i32
          %get3A_261 = arith.index_cast %get3A : i32 to index
          %get3A_262 = arith.constant 0 : index
          %get3A_263 = tpu.vector_load %arg12[%get3A_261, %get3A_262] {strides = array<i32>} : memref<4x16xf32, #tpu.memory_space<vmem>>, vector<16xf32>,
          %mul3A_264 = arith.mulf %get3A_263, %select_n3A : vector<16xf32>
          %get3A_265 = arith.constant 1 : i32
          %get3A_266 = arith.index_cast %get3A_265 : i32 to index
          %get3A_267 = arith.constant 0 : index
          %get3A_268 = tpu.vector_load %arg12[%get3A_266, %get3A_267] {strides = array<i32>} : memref<4x16xf32, #tpu.memory_space<vmem>>, vector<16xf32>,
          %mul3A_269 = arith.mulf %get3A_268, %select_n3A_244 : vector<16xf32>
          %add3A_270 = arith.addf %mul3A_264, %mul3A_269 : vector<16xf32>
          %get3A_271 = arith.constant 2 : i32
          %get3A_272 = arith.index_cast %get3A_271 : i32 to index
          %get3A_273 = arith.constant 0 : index
          %get3A_274 = tpu.vector_load %arg12[%get3A_272, %get3A_273] {strides = array<i32>} : memref<4x16xf32, #tpu.memory_space<vmem>>, vector<16xf32>,
          %mul3A_275 = arith.mulf %get3A_274, %select_n3A_252 : vector<16xf32>
          %get3A_276 = arith.constant 3 : i32
          %get3A_277 = arith.index_cast %get3A_276 : i32 to index
          %get3A_278 = arith.constant 0 : index
          %get3A_279 = tpu.vector_load %arg12[%get3A_277, %get3A_278] {strides = array<i32>} : memref<4x16xf32, #tpu.memory_space<vmem>>, vector<16xf32>,
          %mul3A_280 = arith.mulf %get3A_279, %select_n3A_260 : vector<16xf32>
          %add3A_281 = arith.addf %mul3A_275, %mul3A_280 : vector<16xf32>
          %exp3A = math.exp %add3A_270 : vector<16xf32>
          %exp3A_282 = math.exp %add3A_281 : vector<16xf32>
          %broadcast_in_dim3A_283 = arith.constant 0.000000e+00 : f32
          %broadcast_in_dim3A_284 = vector.broadcast %broadcast_in_dim3A_283 : f32 to vector<16xf32>
          %mul3A_285 = arith.mulf %exp3A, %gather3A : vector<16xf32>
          %mul3A_286 = arith.mulf %exp3A, %gather3A_224 : vector<16xf32>
          %mul3A_287 = arith.mulf %exp3A_282, %gather3A_225 : vector<16xf32>
          %mul3A_288 = arith.mulf %exp3A_282, %gather3A_226 : vector<16xf32>
          tpu.vector_store_idx %arg11[%add3A_207, %broadcast_in_dim3A_209], %exp3A : memref<1024x8xf32, #tpu.memory_space<vmem>>[vector<16xi32>, vector<16xi32>], vector<16xf32>,
          tpu.vector_store_idx %arg11[%add3A_207, %broadcast_in_dim3A_211], %exp3A_282 : memref<1024x8xf32, #tpu.memory_space<vmem>>[vector<16xi32>, vector<16xi32>], vector<16xf32>,
          tpu.vector_store_idx %arg11[%add3A_207, %broadcast_in_dim3A_213], %mul3A_285 : memref<1024x8xf32, #tpu.memory_space<vmem>>[vector<16xi32>, vector<16xi32>], vector<16xf32>,
          tpu.vector_store_idx %arg11[%add3A_207, %broadcast_in_dim3A_215], %mul3A_286 : memref<1024x8xf32, #tpu.memory_space<vmem>>[vector<16xi32>, vector<16xi32>], vector<16xf32>,
          tpu.vector_store_idx %arg11[%add3A_207, %broadcast_in_dim3A_217], %mul3A_287 : memref<1024x8xf32, #tpu.memory_space<vmem>>[vector<16xi32>, vector<16xi32>], vector<16xf32>,
          tpu.vector_store_idx %arg11[%add3A_207, %broadcast_in_dim3A_219], %mul3A_288 : memref<1024x8xf32, #tpu.memory_space<vmem>>[vector<16xi32>, vector<16xi32>], vector<16xf32>,
          tpu.vector_store_idx %arg11[%add3A_207, %broadcast_in_dim3A_221], %broadcast_in_dim3A_284 : memref<1024x8xf32, #tpu.memory_space<vmem>>[vector<16xi32>, vector<16xi32>], vector<16xf32>,
          tpu.vector_store_idx %arg11[%add3A_207, %broadcast_in_dim3A_223], %broadcast_in_dim3A_284 : memref<1024x8xf32, #tpu.memory_space<vmem>>[vector<16xi32>, vector<16xi32>], vector<16xf32>,
        }
        %scan3A_106 = arith.constant 8 : i32
        %dma_start3A_107 = arith.constant 2 : i32
        %dma_start3A_108 = arith.constant 1 : i32
        %dma_start3A_109 = arith.constant 256 : i32
        %dma_start3A_110 = arith.constant 0 : i32
        %dma_start3A_111 = tpu.memref_slice %arg11[%dma_start3A_109, %dma_start3A_110] : memref<1024x8xf32, #tpu.memory_space<vmem>> -> memref<128x8xf32, #tpu.memory_space<vmem>>
        %dma_start3A_112 = arith.constant 0 : i32
        %dma_start3A_113 = tpu.memref_slice %arg8[%rem3A_50, %dma_start3A_107, %dma_start3A_108, %dma_start3A_112] : memref<3x8x2x128xi32, #tpu.memory_space<vmem>> -> memref<1x1x1x128xi32, #tpu.memory_space<vmem>>
        %dma_start3A_114 = tpu.memref_squeeze %dma_start3A_113 : memref<1x1x1x128xi32, #tpu.memory_space<vmem>> -> memref<128xi32, #tpu.memory_space<vmem>>
        %dma_start3A_115 = arith.constant 0 : i32
        %dma_start3A_116 = arith.constant 0 : i32
        %dma_start3A_117 = tpu.memref_slice %arg13[%dma_start3A_115, %dma_start3A_116] : memref<100352x8xf32, #tpu.memory_space<vmem_shared>> -> memref<100352x8xf32, #tpu.memory_space<vmem_shared>>
        tpu.enqueue_indirect_dma source(%dma_start3A_111 : memref<128x8xf32, #tpu.memory_space<vmem>>) target(%dma_start3A_117 : memref<100352x8xf32, #tpu.memory_space<vmem_shared>>) offsets(%dma_start3A_114 : memref<128xi32, #tpu.memory_space<vmem>>) semaphore(%arg16 : memref<!tpu.dma_semaphore, #tpu.memory_space<semaphore_mem>>) {add = true}
        %scan3A_118 = arith.constant 0 : i32
        %scan3A_119 = arith.constant 24 : i32
        %scan3A_120 = arith.constant 8 : i32
        %scan3A_121 = arith.addi %scan3A_119, %scan3A_120 : i32
        %scan3A_122 = arith.constant 1 : i32
        scf.for %scan3A_203 = %scan3A_119 to %scan3A_121 step %scan3A_122  : i32 {
          %iota3A = tpu.iota {dimensions = array<i32: 0>} : vector<16xi32>
          %mul3A_204 = arith.constant 16 : i32
          %mul3A_205 = arith.muli %scan3A_203, %mul3A_204 : i32
          %add3A_206 = vector.broadcast %mul3A_205 : i32 to vector<16xi32>
          %add3A_207 = arith.addi %iota3A, %add3A_206 : vector<16xi32>
          %broadcast_in_dim3A_208 = arith.constant 0 : i32
          %broadcast_in_dim3A_209 = vector.broadcast %broadcast_in_dim3A_208 : i32 to vector<16xi32>
          %broadcast_in_dim3A_210 = arith.constant 1 : i32
          %broadcast_in_dim3A_211 = vector.broadcast %broadcast_in_dim3A_210 : i32 to vector<16xi32>
          %broadcast_in_dim3A_212 = arith.constant 2 : i32
          %broadcast_in_dim3A_213 = vector.broadcast %broadcast_in_dim3A_212 : i32 to vector<16xi32>
          %broadcast_in_dim3A_214 = arith.constant 3 : i32
          %broadcast_in_dim3A_215 = vector.broadcast %broadcast_in_dim3A_214 : i32 to vector<16xi32>
          %broadcast_in_dim3A_216 = arith.constant 4 : i32
          %broadcast_in_dim3A_217 = vector.broadcast %broadcast_in_dim3A_216 : i32 to vector<16xi32>
          %broadcast_in_dim3A_218 = arith.constant 5 : i32
          %broadcast_in_dim3A_219 = vector.broadcast %broadcast_in_dim3A_218 : i32 to vector<16xi32>
          %broadcast_in_dim3A_220 = arith.constant 6 : i32
          %broadcast_in_dim3A_221 = vector.broadcast %broadcast_in_dim3A_220 : i32 to vector<16xi32>
          %broadcast_in_dim3A_222 = arith.constant 7 : i32
          %broadcast_in_dim3A_223 = vector.broadcast %broadcast_in_dim3A_222 : i32 to vector<16xi32>
          %gather3A = tpu.vector_load_idx %arg9[%broadcast_in_dim3A, %add3A_207, %broadcast_in_dim3A_209] : memref<2x1024x8xf32, #tpu.memory_space<vmem>>[vector<16xi32>, vector<16xi32>, vector<16xi32>], vector<16xf32>,
          %gather3A_224 = tpu.vector_load_idx %arg9[%broadcast_in_dim3A, %add3A_207, %broadcast_in_dim3A_211] : memref<2x1024x8xf32, #tpu.memory_space<vmem>>[vector<16xi32>, vector<16xi32>, vector<16xi32>], vector<16xf32>,
          %gather3A_225 = tpu.vector_load_idx %arg9[%broadcast_in_dim3A, %add3A_207, %broadcast_in_dim3A_213] : memref<2x1024x8xf32, #tpu.memory_space<vmem>>[vector<16xi32>, vector<16xi32>, vector<16xi32>], vector<16xf32>,
          %gather3A_226 = tpu.vector_load_idx %arg9[%broadcast_in_dim3A, %add3A_207, %broadcast_in_dim3A_215] : memref<2x1024x8xf32, #tpu.memory_space<vmem>>[vector<16xi32>, vector<16xi32>, vector<16xi32>], vector<16xf32>,
          %gather3A_227 = tpu.vector_load_idx %arg10[%broadcast_in_dim3A, %add3A_207, %broadcast_in_dim3A_217] : memref<2x1024x8xf32, #tpu.memory_space<vmem>>[vector<16xi32>, vector<16xi32>, vector<16xi32>], vector<16xf32>,
          %gather3A_228 = tpu.vector_load_idx %arg10[%broadcast_in_dim3A, %add3A_207, %broadcast_in_dim3A_219] : memref<2x1024x8xf32, #tpu.memory_space<vmem>>[vector<16xi32>, vector<16xi32>, vector<16xi32>], vector<16xf32>,
          %gather3A_229 = tpu.vector_load_idx %arg10[%broadcast_in_dim3A, %add3A_207, %broadcast_in_dim3A_221] : memref<2x1024x8xf32, #tpu.memory_space<vmem>>[vector<16xi32>, vector<16xi32>, vector<16xi32>], vector<16xf32>,
          %gather3A_230 = tpu.vector_load_idx %arg10[%broadcast_in_dim3A, %add3A_207, %broadcast_in_dim3A_223] : memref<2x1024x8xf32, #tpu.memory_space<vmem>>[vector<16xi32>, vector<16xi32>, vector<16xi32>], vector<16xf32>,
          %add3A_231 = arith.addf %gather3A, %gather3A_227 : vector<16xf32>
          %gt3A = arith.constant 0.000000e+00 : f32
          %gt3A_232 = vector.broadcast %gt3A : f32 to vector<16xf32>
          %gt3A_233 = arith.cmpf ogt, %add3A_231, %gt3A_232 : vector<16xf32>
          %mul3A_234 = arith.constant 2.000000e-01 : f32
          %mul3A_235 = vector.broadcast %mul3A_234 : f32 to vector<16xf32>
          %mul3A_236 = arith.mulf %mul3A_235, %add3A_231 : vector<16xf32>
          %select_n3A = arith.select %gt3A_233, %add3A_231, %mul3A_236 : vector<16xi1>, vector<16xf32>
          %add3A_237 = arith.addf %gather3A_224, %gather3A_228 : vector<16xf32>
          %gt3A_238 = arith.constant 0.000000e+00 : f32
          %gt3A_239 = vector.broadcast %gt3A_238 : f32 to vector<16xf32>
          %gt3A_240 = arith.cmpf ogt, %add3A_237, %gt3A_239 : vector<16xf32>
          %mul3A_241 = arith.constant 2.000000e-01 : f32
          %mul3A_242 = vector.broadcast %mul3A_241 : f32 to vector<16xf32>
          %mul3A_243 = arith.mulf %mul3A_242, %add3A_237 : vector<16xf32>
          %select_n3A_244 = arith.select %gt3A_240, %add3A_237, %mul3A_243 : vector<16xi1>, vector<16xf32>
          %add3A_245 = arith.addf %gather3A_225, %gather3A_229 : vector<16xf32>
          %gt3A_246 = arith.constant 0.000000e+00 : f32
          %gt3A_247 = vector.broadcast %gt3A_246 : f32 to vector<16xf32>
          %gt3A_248 = arith.cmpf ogt, %add3A_245, %gt3A_247 : vector<16xf32>
          %mul3A_249 = arith.constant 2.000000e-01 : f32
          %mul3A_250 = vector.broadcast %mul3A_249 : f32 to vector<16xf32>
          %mul3A_251 = arith.mulf %mul3A_250, %add3A_245 : vector<16xf32>
          %select_n3A_252 = arith.select %gt3A_248, %add3A_245, %mul3A_251 : vector<16xi1>, vector<16xf32>
          %add3A_253 = arith.addf %gather3A_226, %gather3A_230 : vector<16xf32>
          %gt3A_254 = arith.constant 0.000000e+00 : f32
          %gt3A_255 = vector.broadcast %gt3A_254 : f32 to vector<16xf32>
          %gt3A_256 = arith.cmpf ogt, %add3A_253, %gt3A_255 : vector<16xf32>
          %mul3A_257 = arith.constant 2.000000e-01 : f32
          %mul3A_258 = vector.broadcast %mul3A_257 : f32 to vector<16xf32>
          %mul3A_259 = arith.mulf %mul3A_258, %add3A_253 : vector<16xf32>
          %select_n3A_260 = arith.select %gt3A_256, %add3A_253, %mul3A_259 : vector<16xi1>, vector<16xf32>
          %get3A = arith.constant 0 : i32
          %get3A_261 = arith.index_cast %get3A : i32 to index
          %get3A_262 = arith.constant 0 : index
          %get3A_263 = tpu.vector_load %arg12[%get3A_261, %get3A_262] {strides = array<i32>} : memref<4x16xf32, #tpu.memory_space<vmem>>, vector<16xf32>,
          %mul3A_264 = arith.mulf %get3A_263, %select_n3A : vector<16xf32>
          %get3A_265 = arith.constant 1 : i32
          %get3A_266 = arith.index_cast %get3A_265 : i32 to index
          %get3A_267 = arith.constant 0 : index
          %get3A_268 = tpu.vector_load %arg12[%get3A_266, %get3A_267] {strides = array<i32>} : memref<4x16xf32, #tpu.memory_space<vmem>>, vector<16xf32>,
          %mul3A_269 = arith.mulf %get3A_268, %select_n3A_244 : vector<16xf32>
          %add3A_270 = arith.addf %mul3A_264, %mul3A_269 : vector<16xf32>
          %get3A_271 = arith.constant 2 : i32
          %get3A_272 = arith.index_cast %get3A_271 : i32 to index
          %get3A_273 = arith.constant 0 : index
          %get3A_274 = tpu.vector_load %arg12[%get3A_272, %get3A_273] {strides = array<i32>} : memref<4x16xf32, #tpu.memory_space<vmem>>, vector<16xf32>,
          %mul3A_275 = arith.mulf %get3A_274, %select_n3A_252 : vector<16xf32>
          %get3A_276 = arith.constant 3 : i32
          %get3A_277 = arith.index_cast %get3A_276 : i32 to index
          %get3A_278 = arith.constant 0 : index
          %get3A_279 = tpu.vector_load %arg12[%get3A_277, %get3A_278] {strides = array<i32>} : memref<4x16xf32, #tpu.memory_space<vmem>>, vector<16xf32>,
          %mul3A_280 = arith.mulf %get3A_279, %select_n3A_260 : vector<16xf32>
          %add3A_281 = arith.addf %mul3A_275, %mul3A_280 : vector<16xf32>
          %exp3A = math.exp %add3A_270 : vector<16xf32>
          %exp3A_282 = math.exp %add3A_281 : vector<16xf32>
          %broadcast_in_dim3A_283 = arith.constant 0.000000e+00 : f32
          %broadcast_in_dim3A_284 = vector.broadcast %broadcast_in_dim3A_283 : f32 to vector<16xf32>
          %mul3A_285 = arith.mulf %exp3A, %gather3A : vector<16xf32>
          %mul3A_286 = arith.mulf %exp3A, %gather3A_224 : vector<16xf32>
          %mul3A_287 = arith.mulf %exp3A_282, %gather3A_225 : vector<16xf32>
          %mul3A_288 = arith.mulf %exp3A_282, %gather3A_226 : vector<16xf32>
          tpu.vector_store_idx %arg11[%add3A_207, %broadcast_in_dim3A_209], %exp3A : memref<1024x8xf32, #tpu.memory_space<vmem>>[vector<16xi32>, vector<16xi32>], vector<16xf32>,
          tpu.vector_store_idx %arg11[%add3A_207, %broadcast_in_dim3A_211], %exp3A_282 : memref<1024x8xf32, #tpu.memory_space<vmem>>[vector<16xi32>, vector<16xi32>], vector<16xf32>,
          tpu.vector_store_idx %arg11[%add3A_207, %broadcast_in_dim3A_213], %mul3A_285 : memref<1024x8xf32, #tpu.memory_space<vmem>>[vector<16xi32>, vector<16xi32>], vector<16xf32>,
          tpu.vector_store_idx %arg11[%add3A_207, %broadcast_in_dim3A_215], %mul3A_286 : memref<1024x8xf32, #tpu.memory_space<vmem>>[vector<16xi32>, vector<16xi32>], vector<16xf32>,
          tpu.vector_store_idx %arg11[%add3A_207, %broadcast_in_dim3A_217], %mul3A_287 : memref<1024x8xf32, #tpu.memory_space<vmem>>[vector<16xi32>, vector<16xi32>], vector<16xf32>,
          tpu.vector_store_idx %arg11[%add3A_207, %broadcast_in_dim3A_219], %mul3A_288 : memref<1024x8xf32, #tpu.memory_space<vmem>>[vector<16xi32>, vector<16xi32>], vector<16xf32>,
          tpu.vector_store_idx %arg11[%add3A_207, %broadcast_in_dim3A_221], %broadcast_in_dim3A_284 : memref<1024x8xf32, #tpu.memory_space<vmem>>[vector<16xi32>, vector<16xi32>], vector<16xf32>,
          tpu.vector_store_idx %arg11[%add3A_207, %broadcast_in_dim3A_223], %broadcast_in_dim3A_284 : memref<1024x8xf32, #tpu.memory_space<vmem>>[vector<16xi32>, vector<16xi32>], vector<16xf32>,
        }
        %scan3A_123 = arith.constant 8 : i32
        %dma_start3A_124 = arith.constant 3 : i32
        %dma_start3A_125 = arith.constant 1 : i32
        %dma_start3A_126 = arith.constant 384 : i32
        %dma_start3A_127 = arith.constant 0 : i32
        %dma_start3A_128 = tpu.memref_slice %arg11[%dma_start3A_126, %dma_start3A_127] : memref<1024x8xf32, #tpu.memory_space<vmem>> -> memref<128x8xf32, #tpu.memory_space<vmem>>
        %dma_start3A_129 = arith.constant 0 : i32
        %dma_start3A_130 = tpu.memref_slice %arg8[%rem3A_50, %dma_start3A_124, %dma_start3A_125, %dma_start3A_129] : memref<3x8x2x128xi32, #tpu.memory_space<vmem>> -> memref<1x1x1x128xi32, #tpu.memory_space<vmem>>
        %dma_start3A_131 = tpu.memref_squeeze %dma_start3A_130 : memref<1x1x1x128xi32, #tpu.memory_space<vmem>> -> memref<128xi32, #tpu.memory_space<vmem>>
        %dma_start3A_132 = arith.constant 0 : i32
        %dma_start3A_133 = arith.constant 0 : i32
        %dma_start3A_134 = tpu.memref_slice %arg13[%dma_start3A_132, %dma_start3A_133] : memref<100352x8xf32, #tpu.memory_space<vmem_shared>> -> memref<100352x8xf32, #tpu.memory_space<vmem_shared>>
        tpu.enqueue_indirect_dma source(%dma_start3A_128 : memref<128x8xf32, #tpu.memory_space<vmem>>) target(%dma_start3A_134 : memref<100352x8xf32, #tpu.memory_space<vmem_shared>>) offsets(%dma_start3A_131 : memref<128xi32, #tpu.memory_space<vmem>>) semaphore(%arg16 : memref<!tpu.dma_semaphore, #tpu.memory_space<semaphore_mem>>) {add = true}
        %scan3A_135 = arith.constant 0 : i32
        %scan3A_136 = arith.constant 32 : i32
        %scan3A_137 = arith.constant 8 : i32
        %scan3A_138 = arith.addi %scan3A_136, %scan3A_137 : i32
        %scan3A_139 = arith.constant 1 : i32
        scf.for %scan3A_203 = %scan3A_136 to %scan3A_138 step %scan3A_139  : i32 {
          %iota3A = tpu.iota {dimensions = array<i32: 0>} : vector<16xi32>
          %mul3A_204 = arith.constant 16 : i32
          %mul3A_205 = arith.muli %scan3A_203, %mul3A_204 : i32
          %add3A_206 = vector.broadcast %mul3A_205 : i32 to vector<16xi32>
          %add3A_207 = arith.addi %iota3A, %add3A_206 : vector<16xi32>
          %broadcast_in_dim3A_208 = arith.constant 0 : i32
          %broadcast_in_dim3A_209 = vector.broadcast %broadcast_in_dim3A_208 : i32 to vector<16xi32>
          %broadcast_in_dim3A_210 = arith.constant 1 : i32
          %broadcast_in_dim3A_211 = vector.broadcast %broadcast_in_dim3A_210 : i32 to vector<16xi32>
          %broadcast_in_dim3A_212 = arith.constant 2 : i32
          %broadcast_in_dim3A_213 = vector.broadcast %broadcast_in_dim3A_212 : i32 to vector<16xi32>
          %broadcast_in_dim3A_214 = arith.constant 3 : i32
          %broadcast_in_dim3A_215 = vector.broadcast %broadcast_in_dim3A_214 : i32 to vector<16xi32>
          %broadcast_in_dim3A_216 = arith.constant 4 : i32
          %broadcast_in_dim3A_217 = vector.broadcast %broadcast_in_dim3A_216 : i32 to vector<16xi32>
          %broadcast_in_dim3A_218 = arith.constant 5 : i32
          %broadcast_in_dim3A_219 = vector.broadcast %broadcast_in_dim3A_218 : i32 to vector<16xi32>
          %broadcast_in_dim3A_220 = arith.constant 6 : i32
          %broadcast_in_dim3A_221 = vector.broadcast %broadcast_in_dim3A_220 : i32 to vector<16xi32>
          %broadcast_in_dim3A_222 = arith.constant 7 : i32
          %broadcast_in_dim3A_223 = vector.broadcast %broadcast_in_dim3A_222 : i32 to vector<16xi32>
          %gather3A = tpu.vector_load_idx %arg9[%broadcast_in_dim3A, %add3A_207, %broadcast_in_dim3A_209] : memref<2x1024x8xf32, #tpu.memory_space<vmem>>[vector<16xi32>, vector<16xi32>, vector<16xi32>], vector<16xf32>,
          %gather3A_224 = tpu.vector_load_idx %arg9[%broadcast_in_dim3A, %add3A_207, %broadcast_in_dim3A_211] : memref<2x1024x8xf32, #tpu.memory_space<vmem>>[vector<16xi32>, vector<16xi32>, vector<16xi32>], vector<16xf32>,
          %gather3A_225 = tpu.vector_load_idx %arg9[%broadcast_in_dim3A, %add3A_207, %broadcast_in_dim3A_213] : memref<2x1024x8xf32, #tpu.memory_space<vmem>>[vector<16xi32>, vector<16xi32>, vector<16xi32>], vector<16xf32>,
          %gather3A_226 = tpu.vector_load_idx %arg9[%broadcast_in_dim3A, %add3A_207, %broadcast_in_dim3A_215] : memref<2x1024x8xf32, #tpu.memory_space<vmem>>[vector<16xi32>, vector<16xi32>, vector<16xi32>], vector<16xf32>,
          %gather3A_227 = tpu.vector_load_idx %arg10[%broadcast_in_dim3A, %add3A_207, %broadcast_in_dim3A_217] : memref<2x1024x8xf32, #tpu.memory_space<vmem>>[vector<16xi32>, vector<16xi32>, vector<16xi32>], vector<16xf32>,
          %gather3A_228 = tpu.vector_load_idx %arg10[%broadcast_in_dim3A, %add3A_207, %broadcast_in_dim3A_219] : memref<2x1024x8xf32, #tpu.memory_space<vmem>>[vector<16xi32>, vector<16xi32>, vector<16xi32>], vector<16xf32>,
          %gather3A_229 = tpu.vector_load_idx %arg10[%broadcast_in_dim3A, %add3A_207, %broadcast_in_dim3A_221] : memref<2x1024x8xf32, #tpu.memory_space<vmem>>[vector<16xi32>, vector<16xi32>, vector<16xi32>], vector<16xf32>,
          %gather3A_230 = tpu.vector_load_idx %arg10[%broadcast_in_dim3A, %add3A_207, %broadcast_in_dim3A_223] : memref<2x1024x8xf32, #tpu.memory_space<vmem>>[vector<16xi32>, vector<16xi32>, vector<16xi32>], vector<16xf32>,
          %add3A_231 = arith.addf %gather3A, %gather3A_227 : vector<16xf32>
          %gt3A = arith.constant 0.000000e+00 : f32
          %gt3A_232 = vector.broadcast %gt3A : f32 to vector<16xf32>
          %gt3A_233 = arith.cmpf ogt, %add3A_231, %gt3A_232 : vector<16xf32>
          %mul3A_234 = arith.constant 2.000000e-01 : f32
          %mul3A_235 = vector.broadcast %mul3A_234 : f32 to vector<16xf32>
          %mul3A_236 = arith.mulf %mul3A_235, %add3A_231 : vector<16xf32>
          %select_n3A = arith.select %gt3A_233, %add3A_231, %mul3A_236 : vector<16xi1>, vector<16xf32>
          %add3A_237 = arith.addf %gather3A_224, %gather3A_228 : vector<16xf32>
          %gt3A_238 = arith.constant 0.000000e+00 : f32
          %gt3A_239 = vector.broadcast %gt3A_238 : f32 to vector<16xf32>
          %gt3A_240 = arith.cmpf ogt, %add3A_237, %gt3A_239 : vector<16xf32>
          %mul3A_241 = arith.constant 2.000000e-01 : f32
          %mul3A_242 = vector.broadcast %mul3A_241 : f32 to vector<16xf32>
          %mul3A_243 = arith.mulf %mul3A_242, %add3A_237 : vector<16xf32>
          %select_n3A_244 = arith.select %gt3A_240, %add3A_237, %mul3A_243 : vector<16xi1>, vector<16xf32>
          %add3A_245 = arith.addf %gather3A_225, %gather3A_229 : vector<16xf32>
          %gt3A_246 = arith.constant 0.000000e+00 : f32
          %gt3A_247 = vector.broadcast %gt3A_246 : f32 to vector<16xf32>
          %gt3A_248 = arith.cmpf ogt, %add3A_245, %gt3A_247 : vector<16xf32>
          %mul3A_249 = arith.constant 2.000000e-01 : f32
          %mul3A_250 = vector.broadcast %mul3A_249 : f32 to vector<16xf32>
          %mul3A_251 = arith.mulf %mul3A_250, %add3A_245 : vector<16xf32>
          %select_n3A_252 = arith.select %gt3A_248, %add3A_245, %mul3A_251 : vector<16xi1>, vector<16xf32>
          %add3A_253 = arith.addf %gather3A_226, %gather3A_230 : vector<16xf32>
          %gt3A_254 = arith.constant 0.000000e+00 : f32
          %gt3A_255 = vector.broadcast %gt3A_254 : f32 to vector<16xf32>
          %gt3A_256 = arith.cmpf ogt, %add3A_253, %gt3A_255 : vector<16xf32>
          %mul3A_257 = arith.constant 2.000000e-01 : f32
          %mul3A_258 = vector.broadcast %mul3A_257 : f32 to vector<16xf32>
          %mul3A_259 = arith.mulf %mul3A_258, %add3A_253 : vector<16xf32>
          %select_n3A_260 = arith.select %gt3A_256, %add3A_253, %mul3A_259 : vector<16xi1>, vector<16xf32>
          %get3A = arith.constant 0 : i32
          %get3A_261 = arith.index_cast %get3A : i32 to index
          %get3A_262 = arith.constant 0 : index
          %get3A_263 = tpu.vector_load %arg12[%get3A_261, %get3A_262] {strides = array<i32>} : memref<4x16xf32, #tpu.memory_space<vmem>>, vector<16xf32>,
          %mul3A_264 = arith.mulf %get3A_263, %select_n3A : vector<16xf32>
          %get3A_265 = arith.constant 1 : i32
          %get3A_266 = arith.index_cast %get3A_265 : i32 to index
          %get3A_267 = arith.constant 0 : index
          %get3A_268 = tpu.vector_load %arg12[%get3A_266, %get3A_267] {strides = array<i32>} : memref<4x16xf32, #tpu.memory_space<vmem>>, vector<16xf32>,
          %mul3A_269 = arith.mulf %get3A_268, %select_n3A_244 : vector<16xf32>
          %add3A_270 = arith.addf %mul3A_264, %mul3A_269 : vector<16xf32>
          %get3A_271 = arith.constant 2 : i32
          %get3A_272 = arith.index_cast %get3A_271 : i32 to index
          %get3A_273 = arith.constant 0 : index
          %get3A_274 = tpu.vector_load %arg12[%get3A_272, %get3A_273] {strides = array<i32>} : memref<4x16xf32, #tpu.memory_space<vmem>>, vector<16xf32>,
          %mul3A_275 = arith.mulf %get3A_274, %select_n3A_252 : vector<16xf32>
          %get3A_276 = arith.constant 3 : i32
          %get3A_277 = arith.index_cast %get3A_276 : i32 to index
          %get3A_278 = arith.constant 0 : index
          %get3A_279 = tpu.vector_load %arg12[%get3A_277, %get3A_278] {strides = array<i32>} : memref<4x16xf32, #tpu.memory_space<vmem>>, vector<16xf32>,
          %mul3A_280 = arith.mulf %get3A_279, %select_n3A_260 : vector<16xf32>
          %add3A_281 = arith.addf %mul3A_275, %mul3A_280 : vector<16xf32>
          %exp3A = math.exp %add3A_270 : vector<16xf32>
          %exp3A_282 = math.exp %add3A_281 : vector<16xf32>
          %broadcast_in_dim3A_283 = arith.constant 0.000000e+00 : f32
          %broadcast_in_dim3A_284 = vector.broadcast %broadcast_in_dim3A_283 : f32 to vector<16xf32>
          %mul3A_285 = arith.mulf %exp3A, %gather3A : vector<16xf32>
          %mul3A_286 = arith.mulf %exp3A, %gather3A_224 : vector<16xf32>
          %mul3A_287 = arith.mulf %exp3A_282, %gather3A_225 : vector<16xf32>
          %mul3A_288 = arith.mulf %exp3A_282, %gather3A_226 : vector<16xf32>
          tpu.vector_store_idx %arg11[%add3A_207, %broadcast_in_dim3A_209], %exp3A : memref<1024x8xf32, #tpu.memory_space<vmem>>[vector<16xi32>, vector<16xi32>], vector<16xf32>,
          tpu.vector_store_idx %arg11[%add3A_207, %broadcast_in_dim3A_211], %exp3A_282 : memref<1024x8xf32, #tpu.memory_space<vmem>>[vector<16xi32>, vector<16xi32>], vector<16xf32>,
          tpu.vector_store_idx %arg11[%add3A_207, %broadcast_in_dim3A_213], %mul3A_285 : memref<1024x8xf32, #tpu.memory_space<vmem>>[vector<16xi32>, vector<16xi32>], vector<16xf32>,
          tpu.vector_store_idx %arg11[%add3A_207, %broadcast_in_dim3A_215], %mul3A_286 : memref<1024x8xf32, #tpu.memory_space<vmem>>[vector<16xi32>, vector<16xi32>], vector<16xf32>,
          tpu.vector_store_idx %arg11[%add3A_207, %broadcast_in_dim3A_217], %mul3A_287 : memref<1024x8xf32, #tpu.memory_space<vmem>>[vector<16xi32>, vector<16xi32>], vector<16xf32>,
          tpu.vector_store_idx %arg11[%add3A_207, %broadcast_in_dim3A_219], %mul3A_288 : memref<1024x8xf32, #tpu.memory_space<vmem>>[vector<16xi32>, vector<16xi32>], vector<16xf32>,
          tpu.vector_store_idx %arg11[%add3A_207, %broadcast_in_dim3A_221], %broadcast_in_dim3A_284 : memref<1024x8xf32, #tpu.memory_space<vmem>>[vector<16xi32>, vector<16xi32>], vector<16xf32>,
          tpu.vector_store_idx %arg11[%add3A_207, %broadcast_in_dim3A_223], %broadcast_in_dim3A_284 : memref<1024x8xf32, #tpu.memory_space<vmem>>[vector<16xi32>, vector<16xi32>], vector<16xf32>,
        }
        %scan3A_140 = arith.constant 8 : i32
        %dma_start3A_141 = arith.constant 4 : i32
        %dma_start3A_142 = arith.constant 1 : i32
        %dma_start3A_143 = arith.constant 512 : i32
        %dma_start3A_144 = arith.constant 0 : i32
        %dma_start3A_145 = tpu.memref_slice %arg11[%dma_start3A_143, %dma_start3A_144] : memref<1024x8xf32, #tpu.memory_space<vmem>> -> memref<128x8xf32, #tpu.memory_space<vmem>>
        %dma_start3A_146 = arith.constant 0 : i32
        %dma_start3A_147 = tpu.memref_slice %arg8[%rem3A_50, %dma_start3A_141, %dma_start3A_142, %dma_start3A_146] : memref<3x8x2x128xi32, #tpu.memory_space<vmem>> -> memref<1x1x1x128xi32, #tpu.memory_space<vmem>>
        %dma_start3A_148 = tpu.memref_squeeze %dma_start3A_147 : memref<1x1x1x128xi32, #tpu.memory_space<vmem>> -> memref<128xi32, #tpu.memory_space<vmem>>
        %dma_start3A_149 = arith.constant 0 : i32
        %dma_start3A_150 = arith.constant 0 : i32
        %dma_start3A_151 = tpu.memref_slice %arg13[%dma_start3A_149, %dma_start3A_150] : memref<100352x8xf32, #tpu.memory_space<vmem_shared>> -> memref<100352x8xf32, #tpu.memory_space<vmem_shared>>
        tpu.enqueue_indirect_dma source(%dma_start3A_145 : memref<128x8xf32, #tpu.memory_space<vmem>>) target(%dma_start3A_151 : memref<100352x8xf32, #tpu.memory_space<vmem_shared>>) offsets(%dma_start3A_148 : memref<128xi32, #tpu.memory_space<vmem>>) semaphore(%arg16 : memref<!tpu.dma_semaphore, #tpu.memory_space<semaphore_mem>>) {add = true}
        %scan3A_152 = arith.constant 0 : i32
        %scan3A_153 = arith.constant 40 : i32
        %scan3A_154 = arith.constant 8 : i32
        %scan3A_155 = arith.addi %scan3A_153, %scan3A_154 : i32
        %scan3A_156 = arith.constant 1 : i32
        scf.for %scan3A_203 = %scan3A_153 to %scan3A_155 step %scan3A_156  : i32 {
          %iota3A = tpu.iota {dimensions = array<i32: 0>} : vector<16xi32>
          %mul3A_204 = arith.constant 16 : i32
          %mul3A_205 = arith.muli %scan3A_203, %mul3A_204 : i32
          %add3A_206 = vector.broadcast %mul3A_205 : i32 to vector<16xi32>
          %add3A_207 = arith.addi %iota3A, %add3A_206 : vector<16xi32>
          %broadcast_in_dim3A_208 = arith.constant 0 : i32
          %broadcast_in_dim3A_209 = vector.broadcast %broadcast_in_dim3A_208 : i32 to vector<16xi32>
          %broadcast_in_dim3A_210 = arith.constant 1 : i32
          %broadcast_in_dim3A_211 = vector.broadcast %broadcast_in_dim3A_210 : i32 to vector<16xi32>
          %broadcast_in_dim3A_212 = arith.constant 2 : i32
          %broadcast_in_dim3A_213 = vector.broadcast %broadcast_in_dim3A_212 : i32 to vector<16xi32>
          %broadcast_in_dim3A_214 = arith.constant 3 : i32
          %broadcast_in_dim3A_215 = vector.broadcast %broadcast_in_dim3A_214 : i32 to vector<16xi32>
          %broadcast_in_dim3A_216 = arith.constant 4 : i32
          %broadcast_in_dim3A_217 = vector.broadcast %broadcast_in_dim3A_216 : i32 to vector<16xi32>
          %broadcast_in_dim3A_218 = arith.constant 5 : i32
          %broadcast_in_dim3A_219 = vector.broadcast %broadcast_in_dim3A_218 : i32 to vector<16xi32>
          %broadcast_in_dim3A_220 = arith.constant 6 : i32
          %broadcast_in_dim3A_221 = vector.broadcast %broadcast_in_dim3A_220 : i32 to vector<16xi32>
          %broadcast_in_dim3A_222 = arith.constant 7 : i32
          %broadcast_in_dim3A_223 = vector.broadcast %broadcast_in_dim3A_222 : i32 to vector<16xi32>
          %gather3A = tpu.vector_load_idx %arg9[%broadcast_in_dim3A, %add3A_207, %broadcast_in_dim3A_209] : memref<2x1024x8xf32, #tpu.memory_space<vmem>>[vector<16xi32>, vector<16xi32>, vector<16xi32>], vector<16xf32>,
          %gather3A_224 = tpu.vector_load_idx %arg9[%broadcast_in_dim3A, %add3A_207, %broadcast_in_dim3A_211] : memref<2x1024x8xf32, #tpu.memory_space<vmem>>[vector<16xi32>, vector<16xi32>, vector<16xi32>], vector<16xf32>,
          %gather3A_225 = tpu.vector_load_idx %arg9[%broadcast_in_dim3A, %add3A_207, %broadcast_in_dim3A_213] : memref<2x1024x8xf32, #tpu.memory_space<vmem>>[vector<16xi32>, vector<16xi32>, vector<16xi32>], vector<16xf32>,
          %gather3A_226 = tpu.vector_load_idx %arg9[%broadcast_in_dim3A, %add3A_207, %broadcast_in_dim3A_215] : memref<2x1024x8xf32, #tpu.memory_space<vmem>>[vector<16xi32>, vector<16xi32>, vector<16xi32>], vector<16xf32>,
          %gather3A_227 = tpu.vector_load_idx %arg10[%broadcast_in_dim3A, %add3A_207, %broadcast_in_dim3A_217] : memref<2x1024x8xf32, #tpu.memory_space<vmem>>[vector<16xi32>, vector<16xi32>, vector<16xi32>], vector<16xf32>,
          %gather3A_228 = tpu.vector_load_idx %arg10[%broadcast_in_dim3A, %add3A_207, %broadcast_in_dim3A_219] : memref<2x1024x8xf32, #tpu.memory_space<vmem>>[vector<16xi32>, vector<16xi32>, vector<16xi32>], vector<16xf32>,
          %gather3A_229 = tpu.vector_load_idx %arg10[%broadcast_in_dim3A, %add3A_207, %broadcast_in_dim3A_221] : memref<2x1024x8xf32, #tpu.memory_space<vmem>>[vector<16xi32>, vector<16xi32>, vector<16xi32>], vector<16xf32>,
          %gather3A_230 = tpu.vector_load_idx %arg10[%broadcast_in_dim3A, %add3A_207, %broadcast_in_dim3A_223] : memref<2x1024x8xf32, #tpu.memory_space<vmem>>[vector<16xi32>, vector<16xi32>, vector<16xi32>], vector<16xf32>,
          %add3A_231 = arith.addf %gather3A, %gather3A_227 : vector<16xf32>
          %gt3A = arith.constant 0.000000e+00 : f32
          %gt3A_232 = vector.broadcast %gt3A : f32 to vector<16xf32>
          %gt3A_233 = arith.cmpf ogt, %add3A_231, %gt3A_232 : vector<16xf32>
          %mul3A_234 = arith.constant 2.000000e-01 : f32
          %mul3A_235 = vector.broadcast %mul3A_234 : f32 to vector<16xf32>
          %mul3A_236 = arith.mulf %mul3A_235, %add3A_231 : vector<16xf32>
          %select_n3A = arith.select %gt3A_233, %add3A_231, %mul3A_236 : vector<16xi1>, vector<16xf32>
          %add3A_237 = arith.addf %gather3A_224, %gather3A_228 : vector<16xf32>
          %gt3A_238 = arith.constant 0.000000e+00 : f32
          %gt3A_239 = vector.broadcast %gt3A_238 : f32 to vector<16xf32>
          %gt3A_240 = arith.cmpf ogt, %add3A_237, %gt3A_239 : vector<16xf32>
          %mul3A_241 = arith.constant 2.000000e-01 : f32
          %mul3A_242 = vector.broadcast %mul3A_241 : f32 to vector<16xf32>
          %mul3A_243 = arith.mulf %mul3A_242, %add3A_237 : vector<16xf32>
          %select_n3A_244 = arith.select %gt3A_240, %add3A_237, %mul3A_243 : vector<16xi1>, vector<16xf32>
          %add3A_245 = arith.addf %gather3A_225, %gather3A_229 : vector<16xf32>
          %gt3A_246 = arith.constant 0.000000e+00 : f32
          %gt3A_247 = vector.broadcast %gt3A_246 : f32 to vector<16xf32>
          %gt3A_248 = arith.cmpf ogt, %add3A_245, %gt3A_247 : vector<16xf32>
          %mul3A_249 = arith.constant 2.000000e-01 : f32
          %mul3A_250 = vector.broadcast %mul3A_249 : f32 to vector<16xf32>
          %mul3A_251 = arith.mulf %mul3A_250, %add3A_245 : vector<16xf32>
          %select_n3A_252 = arith.select %gt3A_248, %add3A_245, %mul3A_251 : vector<16xi1>, vector<16xf32>
          %add3A_253 = arith.addf %gather3A_226, %gather3A_230 : vector<16xf32>
          %gt3A_254 = arith.constant 0.000000e+00 : f32
          %gt3A_255 = vector.broadcast %gt3A_254 : f32 to vector<16xf32>
          %gt3A_256 = arith.cmpf ogt, %add3A_253, %gt3A_255 : vector<16xf32>
          %mul3A_257 = arith.constant 2.000000e-01 : f32
          %mul3A_258 = vector.broadcast %mul3A_257 : f32 to vector<16xf32>
          %mul3A_259 = arith.mulf %mul3A_258, %add3A_253 : vector<16xf32>
          %select_n3A_260 = arith.select %gt3A_256, %add3A_253, %mul3A_259 : vector<16xi1>, vector<16xf32>
          %get3A = arith.constant 0 : i32
          %get3A_261 = arith.index_cast %get3A : i32 to index
          %get3A_262 = arith.constant 0 : index
          %get3A_263 = tpu.vector_load %arg12[%get3A_261, %get3A_262] {strides = array<i32>} : memref<4x16xf32, #tpu.memory_space<vmem>>, vector<16xf32>,
          %mul3A_264 = arith.mulf %get3A_263, %select_n3A : vector<16xf32>
          %get3A_265 = arith.constant 1 : i32
          %get3A_266 = arith.index_cast %get3A_265 : i32 to index
          %get3A_267 = arith.constant 0 : index
          %get3A_268 = tpu.vector_load %arg12[%get3A_266, %get3A_267] {strides = array<i32>} : memref<4x16xf32, #tpu.memory_space<vmem>>, vector<16xf32>,
          %mul3A_269 = arith.mulf %get3A_268, %select_n3A_244 : vector<16xf32>
          %add3A_270 = arith.addf %mul3A_264, %mul3A_269 : vector<16xf32>
          %get3A_271 = arith.constant 2 : i32
          %get3A_272 = arith.index_cast %get3A_271 : i32 to index
          %get3A_273 = arith.constant 0 : index
          %get3A_274 = tpu.vector_load %arg12[%get3A_272, %get3A_273] {strides = array<i32>} : memref<4x16xf32, #tpu.memory_space<vmem>>, vector<16xf32>,
          %mul3A_275 = arith.mulf %get3A_274, %select_n3A_252 : vector<16xf32>
          %get3A_276 = arith.constant 3 : i32
          %get3A_277 = arith.index_cast %get3A_276 : i32 to index
          %get3A_278 = arith.constant 0 : index
          %get3A_279 = tpu.vector_load %arg12[%get3A_277, %get3A_278] {strides = array<i32>} : memref<4x16xf32, #tpu.memory_space<vmem>>, vector<16xf32>,
          %mul3A_280 = arith.mulf %get3A_279, %select_n3A_260 : vector<16xf32>
          %add3A_281 = arith.addf %mul3A_275, %mul3A_280 : vector<16xf32>
          %exp3A = math.exp %add3A_270 : vector<16xf32>
          %exp3A_282 = math.exp %add3A_281 : vector<16xf32>
          %broadcast_in_dim3A_283 = arith.constant 0.000000e+00 : f32
          %broadcast_in_dim3A_284 = vector.broadcast %broadcast_in_dim3A_283 : f32 to vector<16xf32>
          %mul3A_285 = arith.mulf %exp3A, %gather3A : vector<16xf32>
          %mul3A_286 = arith.mulf %exp3A, %gather3A_224 : vector<16xf32>
          %mul3A_287 = arith.mulf %exp3A_282, %gather3A_225 : vector<16xf32>
          %mul3A_288 = arith.mulf %exp3A_282, %gather3A_226 : vector<16xf32>
          tpu.vector_store_idx %arg11[%add3A_207, %broadcast_in_dim3A_209], %exp3A : memref<1024x8xf32, #tpu.memory_space<vmem>>[vector<16xi32>, vector<16xi32>], vector<16xf32>,
          tpu.vector_store_idx %arg11[%add3A_207, %broadcast_in_dim3A_211], %exp3A_282 : memref<1024x8xf32, #tpu.memory_space<vmem>>[vector<16xi32>, vector<16xi32>], vector<16xf32>,
          tpu.vector_store_idx %arg11[%add3A_207, %broadcast_in_dim3A_213], %mul3A_285 : memref<1024x8xf32, #tpu.memory_space<vmem>>[vector<16xi32>, vector<16xi32>], vector<16xf32>,
          tpu.vector_store_idx %arg11[%add3A_207, %broadcast_in_dim3A_215], %mul3A_286 : memref<1024x8xf32, #tpu.memory_space<vmem>>[vector<16xi32>, vector<16xi32>], vector<16xf32>,
          tpu.vector_store_idx %arg11[%add3A_207, %broadcast_in_dim3A_217], %mul3A_287 : memref<1024x8xf32, #tpu.memory_space<vmem>>[vector<16xi32>, vector<16xi32>], vector<16xf32>,
          tpu.vector_store_idx %arg11[%add3A_207, %broadcast_in_dim3A_219], %mul3A_288 : memref<1024x8xf32, #tpu.memory_space<vmem>>[vector<16xi32>, vector<16xi32>], vector<16xf32>,
          tpu.vector_store_idx %arg11[%add3A_207, %broadcast_in_dim3A_221], %broadcast_in_dim3A_284 : memref<1024x8xf32, #tpu.memory_space<vmem>>[vector<16xi32>, vector<16xi32>], vector<16xf32>,
          tpu.vector_store_idx %arg11[%add3A_207, %broadcast_in_dim3A_223], %broadcast_in_dim3A_284 : memref<1024x8xf32, #tpu.memory_space<vmem>>[vector<16xi32>, vector<16xi32>], vector<16xf32>,
        }
        %scan3A_157 = arith.constant 8 : i32
        %dma_start3A_158 = arith.constant 5 : i32
        %dma_start3A_159 = arith.constant 1 : i32
        %dma_start3A_160 = arith.constant 640 : i32
        %dma_start3A_161 = arith.constant 0 : i32
        %dma_start3A_162 = tpu.memref_slice %arg11[%dma_start3A_160, %dma_start3A_161] : memref<1024x8xf32, #tpu.memory_space<vmem>> -> memref<128x8xf32, #tpu.memory_space<vmem>>
        %dma_start3A_163 = arith.constant 0 : i32
        %dma_start3A_164 = tpu.memref_slice %arg8[%rem3A_50, %dma_start3A_158, %dma_start3A_159, %dma_start3A_163] : memref<3x8x2x128xi32, #tpu.memory_space<vmem>> -> memref<1x1x1x128xi32, #tpu.memory_space<vmem>>
        %dma_start3A_165 = tpu.memref_squeeze %dma_start3A_164 : memref<1x1x1x128xi32, #tpu.memory_space<vmem>> -> memref<128xi32, #tpu.memory_space<vmem>>
        %dma_start3A_166 = arith.constant 0 : i32
        %dma_start3A_167 = arith.constant 0 : i32
        %dma_start3A_168 = tpu.memref_slice %arg13[%dma_start3A_166, %dma_start3A_167] : memref<100352x8xf32, #tpu.memory_space<vmem_shared>> -> memref<100352x8xf32, #tpu.memory_space<vmem_shared>>
        tpu.enqueue_indirect_dma source(%dma_start3A_162 : memref<128x8xf32, #tpu.memory_space<vmem>>) target(%dma_start3A_168 : memref<100352x8xf32, #tpu.memory_space<vmem_shared>>) offsets(%dma_start3A_165 : memref<128xi32, #tpu.memory_space<vmem>>) semaphore(%arg16 : memref<!tpu.dma_semaphore, #tpu.memory_space<semaphore_mem>>) {add = true}
        %scan3A_169 = arith.constant 0 : i32
        %scan3A_170 = arith.constant 48 : i32
        %scan3A_171 = arith.constant 8 : i32
        %scan3A_172 = arith.addi %scan3A_170, %scan3A_171 : i32
        %scan3A_173 = arith.constant 1 : i32
        scf.for %scan3A_203 = %scan3A_170 to %scan3A_172 step %scan3A_173  : i32 {
          %iota3A = tpu.iota {dimensions = array<i32: 0>} : vector<16xi32>
          %mul3A_204 = arith.constant 16 : i32
          %mul3A_205 = arith.muli %scan3A_203, %mul3A_204 : i32
          %add3A_206 = vector.broadcast %mul3A_205 : i32 to vector<16xi32>
          %add3A_207 = arith.addi %iota3A, %add3A_206 : vector<16xi32>
          %broadcast_in_dim3A_208 = arith.constant 0 : i32
          %broadcast_in_dim3A_209 = vector.broadcast %broadcast_in_dim3A_208 : i32 to vector<16xi32>
          %broadcast_in_dim3A_210 = arith.constant 1 : i32
          %broadcast_in_dim3A_211 = vector.broadcast %broadcast_in_dim3A_210 : i32 to vector<16xi32>
          %broadcast_in_dim3A_212 = arith.constant 2 : i32
          %broadcast_in_dim3A_213 = vector.broadcast %broadcast_in_dim3A_212 : i32 to vector<16xi32>
          %broadcast_in_dim3A_214 = arith.constant 3 : i32
          %broadcast_in_dim3A_215 = vector.broadcast %broadcast_in_dim3A_214 : i32 to vector<16xi32>
          %broadcast_in_dim3A_216 = arith.constant 4 : i32
          %broadcast_in_dim3A_217 = vector.broadcast %broadcast_in_dim3A_216 : i32 to vector<16xi32>
          %broadcast_in_dim3A_218 = arith.constant 5 : i32
          %broadcast_in_dim3A_219 = vector.broadcast %broadcast_in_dim3A_218 : i32 to vector<16xi32>
          %broadcast_in_dim3A_220 = arith.constant 6 : i32
          %broadcast_in_dim3A_221 = vector.broadcast %broadcast_in_dim3A_220 : i32 to vector<16xi32>
          %broadcast_in_dim3A_222 = arith.constant 7 : i32
          %broadcast_in_dim3A_223 = vector.broadcast %broadcast_in_dim3A_222 : i32 to vector<16xi32>
          %gather3A = tpu.vector_load_idx %arg9[%broadcast_in_dim3A, %add3A_207, %broadcast_in_dim3A_209] : memref<2x1024x8xf32, #tpu.memory_space<vmem>>[vector<16xi32>, vector<16xi32>, vector<16xi32>], vector<16xf32>,
          %gather3A_224 = tpu.vector_load_idx %arg9[%broadcast_in_dim3A, %add3A_207, %broadcast_in_dim3A_211] : memref<2x1024x8xf32, #tpu.memory_space<vmem>>[vector<16xi32>, vector<16xi32>, vector<16xi32>], vector<16xf32>,
          %gather3A_225 = tpu.vector_load_idx %arg9[%broadcast_in_dim3A, %add3A_207, %broadcast_in_dim3A_213] : memref<2x1024x8xf32, #tpu.memory_space<vmem>>[vector<16xi32>, vector<16xi32>, vector<16xi32>], vector<16xf32>,
          %gather3A_226 = tpu.vector_load_idx %arg9[%broadcast_in_dim3A, %add3A_207, %broadcast_in_dim3A_215] : memref<2x1024x8xf32, #tpu.memory_space<vmem>>[vector<16xi32>, vector<16xi32>, vector<16xi32>], vector<16xf32>,
          %gather3A_227 = tpu.vector_load_idx %arg10[%broadcast_in_dim3A, %add3A_207, %broadcast_in_dim3A_217] : memref<2x1024x8xf32, #tpu.memory_space<vmem>>[vector<16xi32>, vector<16xi32>, vector<16xi32>], vector<16xf32>,
          %gather3A_228 = tpu.vector_load_idx %arg10[%broadcast_in_dim3A, %add3A_207, %broadcast_in_dim3A_219] : memref<2x1024x8xf32, #tpu.memory_space<vmem>>[vector<16xi32>, vector<16xi32>, vector<16xi32>], vector<16xf32>,
          %gather3A_229 = tpu.vector_load_idx %arg10[%broadcast_in_dim3A, %add3A_207, %broadcast_in_dim3A_221] : memref<2x1024x8xf32, #tpu.memory_space<vmem>>[vector<16xi32>, vector<16xi32>, vector<16xi32>], vector<16xf32>,
          %gather3A_230 = tpu.vector_load_idx %arg10[%broadcast_in_dim3A, %add3A_207, %broadcast_in_dim3A_223] : memref<2x1024x8xf32, #tpu.memory_space<vmem>>[vector<16xi32>, vector<16xi32>, vector<16xi32>], vector<16xf32>,
          %add3A_231 = arith.addf %gather3A, %gather3A_227 : vector<16xf32>
          %gt3A = arith.constant 0.000000e+00 : f32
          %gt3A_232 = vector.broadcast %gt3A : f32 to vector<16xf32>
          %gt3A_233 = arith.cmpf ogt, %add3A_231, %gt3A_232 : vector<16xf32>
          %mul3A_234 = arith.constant 2.000000e-01 : f32
          %mul3A_235 = vector.broadcast %mul3A_234 : f32 to vector<16xf32>
          %mul3A_236 = arith.mulf %mul3A_235, %add3A_231 : vector<16xf32>
          %select_n3A = arith.select %gt3A_233, %add3A_231, %mul3A_236 : vector<16xi1>, vector<16xf32>
          %add3A_237 = arith.addf %gather3A_224, %gather3A_228 : vector<16xf32>
          %gt3A_238 = arith.constant 0.000000e+00 : f32
          %gt3A_239 = vector.broadcast %gt3A_238 : f32 to vector<16xf32>
          %gt3A_240 = arith.cmpf ogt, %add3A_237, %gt3A_239 : vector<16xf32>
          %mul3A_241 = arith.constant 2.000000e-01 : f32
          %mul3A_242 = vector.broadcast %mul3A_241 : f32 to vector<16xf32>
          %mul3A_243 = arith.mulf %mul3A_242, %add3A_237 : vector<16xf32>
          %select_n3A_244 = arith.select %gt3A_240, %add3A_237, %mul3A_243 : vector<16xi1>, vector<16xf32>
          %add3A_245 = arith.addf %gather3A_225, %gather3A_229 : vector<16xf32>
          %gt3A_246 = arith.constant 0.000000e+00 : f32
          %gt3A_247 = vector.broadcast %gt3A_246 : f32 to vector<16xf32>
          %gt3A_248 = arith.cmpf ogt, %add3A_245, %gt3A_247 : vector<16xf32>
          %mul3A_249 = arith.constant 2.000000e-01 : f32
          %mul3A_250 = vector.broadcast %mul3A_249 : f32 to vector<16xf32>
          %mul3A_251 = arith.mulf %mul3A_250, %add3A_245 : vector<16xf32>
          %select_n3A_252 = arith.select %gt3A_248, %add3A_245, %mul3A_251 : vector<16xi1>, vector<16xf32>
          %add3A_253 = arith.addf %gather3A_226, %gather3A_230 : vector<16xf32>
          %gt3A_254 = arith.constant 0.000000e+00 : f32
          %gt3A_255 = vector.broadcast %gt3A_254 : f32 to vector<16xf32>
          %gt3A_256 = arith.cmpf ogt, %add3A_253, %gt3A_255 : vector<16xf32>
          %mul3A_257 = arith.constant 2.000000e-01 : f32
          %mul3A_258 = vector.broadcast %mul3A_257 : f32 to vector<16xf32>
          %mul3A_259 = arith.mulf %mul3A_258, %add3A_253 : vector<16xf32>
          %select_n3A_260 = arith.select %gt3A_256, %add3A_253, %mul3A_259 : vector<16xi1>, vector<16xf32>
          %get3A = arith.constant 0 : i32
          %get3A_261 = arith.index_cast %get3A : i32 to index
          %get3A_262 = arith.constant 0 : index
          %get3A_263 = tpu.vector_load %arg12[%get3A_261, %get3A_262] {strides = array<i32>} : memref<4x16xf32, #tpu.memory_space<vmem>>, vector<16xf32>,
          %mul3A_264 = arith.mulf %get3A_263, %select_n3A : vector<16xf32>
          %get3A_265 = arith.constant 1 : i32
          %get3A_266 = arith.index_cast %get3A_265 : i32 to index
          %get3A_267 = arith.constant 0 : index
          %get3A_268 = tpu.vector_load %arg12[%get3A_266, %get3A_267] {strides = array<i32>} : memref<4x16xf32, #tpu.memory_space<vmem>>, vector<16xf32>,
          %mul3A_269 = arith.mulf %get3A_268, %select_n3A_244 : vector<16xf32>
          %add3A_270 = arith.addf %mul3A_264, %mul3A_269 : vector<16xf32>
          %get3A_271 = arith.constant 2 : i32
          %get3A_272 = arith.index_cast %get3A_271 : i32 to index
          %get3A_273 = arith.constant 0 : index
          %get3A_274 = tpu.vector_load %arg12[%get3A_272, %get3A_273] {strides = array<i32>} : memref<4x16xf32, #tpu.memory_space<vmem>>, vector<16xf32>,
          %mul3A_275 = arith.mulf %get3A_274, %select_n3A_252 : vector<16xf32>
          %get3A_276 = arith.constant 3 : i32
          %get3A_277 = arith.index_cast %get3A_276 : i32 to index
          %get3A_278 = arith.constant 0 : index
          %get3A_279 = tpu.vector_load %arg12[%get3A_277, %get3A_278] {strides = array<i32>} : memref<4x16xf32, #tpu.memory_space<vmem>>, vector<16xf32>,
          %mul3A_280 = arith.mulf %get3A_279, %select_n3A_260 : vector<16xf32>
          %add3A_281 = arith.addf %mul3A_275, %mul3A_280 : vector<16xf32>
          %exp3A = math.exp %add3A_270 : vector<16xf32>
          %exp3A_282 = math.exp %add3A_281 : vector<16xf32>
          %broadcast_in_dim3A_283 = arith.constant 0.000000e+00 : f32
          %broadcast_in_dim3A_284 = vector.broadcast %broadcast_in_dim3A_283 : f32 to vector<16xf32>
          %mul3A_285 = arith.mulf %exp3A, %gather3A : vector<16xf32>
          %mul3A_286 = arith.mulf %exp3A, %gather3A_224 : vector<16xf32>
          %mul3A_287 = arith.mulf %exp3A_282, %gather3A_225 : vector<16xf32>
          %mul3A_288 = arith.mulf %exp3A_282, %gather3A_226 : vector<16xf32>
          tpu.vector_store_idx %arg11[%add3A_207, %broadcast_in_dim3A_209], %exp3A : memref<1024x8xf32, #tpu.memory_space<vmem>>[vector<16xi32>, vector<16xi32>], vector<16xf32>,
          tpu.vector_store_idx %arg11[%add3A_207, %broadcast_in_dim3A_211], %exp3A_282 : memref<1024x8xf32, #tpu.memory_space<vmem>>[vector<16xi32>, vector<16xi32>], vector<16xf32>,
          tpu.vector_store_idx %arg11[%add3A_207, %broadcast_in_dim3A_213], %mul3A_285 : memref<1024x8xf32, #tpu.memory_space<vmem>>[vector<16xi32>, vector<16xi32>], vector<16xf32>,
          tpu.vector_store_idx %arg11[%add3A_207, %broadcast_in_dim3A_215], %mul3A_286 : memref<1024x8xf32, #tpu.memory_space<vmem>>[vector<16xi32>, vector<16xi32>], vector<16xf32>,
          tpu.vector_store_idx %arg11[%add3A_207, %broadcast_in_dim3A_217], %mul3A_287 : memref<1024x8xf32, #tpu.memory_space<vmem>>[vector<16xi32>, vector<16xi32>], vector<16xf32>,
          tpu.vector_store_idx %arg11[%add3A_207, %broadcast_in_dim3A_219], %mul3A_288 : memref<1024x8xf32, #tpu.memory_space<vmem>>[vector<16xi32>, vector<16xi32>], vector<16xf32>,
          tpu.vector_store_idx %arg11[%add3A_207, %broadcast_in_dim3A_221], %broadcast_in_dim3A_284 : memref<1024x8xf32, #tpu.memory_space<vmem>>[vector<16xi32>, vector<16xi32>], vector<16xf32>,
          tpu.vector_store_idx %arg11[%add3A_207, %broadcast_in_dim3A_223], %broadcast_in_dim3A_284 : memref<1024x8xf32, #tpu.memory_space<vmem>>[vector<16xi32>, vector<16xi32>], vector<16xf32>,
        }
        %scan3A_174 = arith.constant 8 : i32
        %dma_start3A_175 = arith.constant 6 : i32
        %dma_start3A_176 = arith.constant 1 : i32
        %dma_start3A_177 = arith.constant 768 : i32
        %dma_start3A_178 = arith.constant 0 : i32
        %dma_start3A_179 = tpu.memref_slice %arg11[%dma_start3A_177, %dma_start3A_178] : memref<1024x8xf32, #tpu.memory_space<vmem>> -> memref<128x8xf32, #tpu.memory_space<vmem>>
        %dma_start3A_180 = arith.constant 0 : i32
        %dma_start3A_181 = tpu.memref_slice %arg8[%rem3A_50, %dma_start3A_175, %dma_start3A_176, %dma_start3A_180] : memref<3x8x2x128xi32, #tpu.memory_space<vmem>> -> memref<1x1x1x128xi32, #tpu.memory_space<vmem>>
        %dma_start3A_182 = tpu.memref_squeeze %dma_start3A_181 : memref<1x1x1x128xi32, #tpu.memory_space<vmem>> -> memref<128xi32, #tpu.memory_space<vmem>>
        %dma_start3A_183 = arith.constant 0 : i32
        %dma_start3A_184 = arith.constant 0 : i32
        %dma_start3A_185 = tpu.memref_slice %arg13[%dma_start3A_183, %dma_start3A_184] : memref<100352x8xf32, #tpu.memory_space<vmem_shared>> -> memref<100352x8xf32, #tpu.memory_space<vmem_shared>>
        tpu.enqueue_indirect_dma source(%dma_start3A_179 : memref<128x8xf32, #tpu.memory_space<vmem>>) target(%dma_start3A_185 : memref<100352x8xf32, #tpu.memory_space<vmem_shared>>) offsets(%dma_start3A_182 : memref<128xi32, #tpu.memory_space<vmem>>) semaphore(%arg16 : memref<!tpu.dma_semaphore, #tpu.memory_space<semaphore_mem>>) {add = true}
        %scan3A_186 = arith.constant 0 : i32
        %scan3A_187 = arith.constant 56 : i32
        %scan3A_188 = arith.constant 8 : i32
        %scan3A_189 = arith.addi %scan3A_187, %scan3A_188 : i32
        %scan3A_190 = arith.constant 1 : i32
        scf.for %scan3A_203 = %scan3A_187 to %scan3A_189 step %scan3A_190  : i32 {
          %iota3A = tpu.iota {dimensions = array<i32: 0>} : vector<16xi32>
          %mul3A_204 = arith.constant 16 : i32
          %mul3A_205 = arith.muli %scan3A_203, %mul3A_204 : i32
          %add3A_206 = vector.broadcast %mul3A_205 : i32 to vector<16xi32>
          %add3A_207 = arith.addi %iota3A, %add3A_206 : vector<16xi32>
          %broadcast_in_dim3A_208 = arith.constant 0 : i32
          %broadcast_in_dim3A_209 = vector.broadcast %broadcast_in_dim3A_208 : i32 to vector<16xi32>
          %broadcast_in_dim3A_210 = arith.constant 1 : i32
          %broadcast_in_dim3A_211 = vector.broadcast %broadcast_in_dim3A_210 : i32 to vector<16xi32>
          %broadcast_in_dim3A_212 = arith.constant 2 : i32
          %broadcast_in_dim3A_213 = vector.broadcast %broadcast_in_dim3A_212 : i32 to vector<16xi32>
          %broadcast_in_dim3A_214 = arith.constant 3 : i32
          %broadcast_in_dim3A_215 = vector.broadcast %broadcast_in_dim3A_214 : i32 to vector<16xi32>
          %broadcast_in_dim3A_216 = arith.constant 4 : i32
          %broadcast_in_dim3A_217 = vector.broadcast %broadcast_in_dim3A_216 : i32 to vector<16xi32>
          %broadcast_in_dim3A_218 = arith.constant 5 : i32
          %broadcast_in_dim3A_219 = vector.broadcast %broadcast_in_dim3A_218 : i32 to vector<16xi32>
          %broadcast_in_dim3A_220 = arith.constant 6 : i32
          %broadcast_in_dim3A_221 = vector.broadcast %broadcast_in_dim3A_220 : i32 to vector<16xi32>
          %broadcast_in_dim3A_222 = arith.constant 7 : i32
          %broadcast_in_dim3A_223 = vector.broadcast %broadcast_in_dim3A_222 : i32 to vector<16xi32>
          %gather3A = tpu.vector_load_idx %arg9[%broadcast_in_dim3A, %add3A_207, %broadcast_in_dim3A_209] : memref<2x1024x8xf32, #tpu.memory_space<vmem>>[vector<16xi32>, vector<16xi32>, vector<16xi32>], vector<16xf32>,
          %gather3A_224 = tpu.vector_load_idx %arg9[%broadcast_in_dim3A, %add3A_207, %broadcast_in_dim3A_211] : memref<2x1024x8xf32, #tpu.memory_space<vmem>>[vector<16xi32>, vector<16xi32>, vector<16xi32>], vector<16xf32>,
          %gather3A_225 = tpu.vector_load_idx %arg9[%broadcast_in_dim3A, %add3A_207, %broadcast_in_dim3A_213] : memref<2x1024x8xf32, #tpu.memory_space<vmem>>[vector<16xi32>, vector<16xi32>, vector<16xi32>], vector<16xf32>,
          %gather3A_226 = tpu.vector_load_idx %arg9[%broadcast_in_dim3A, %add3A_207, %broadcast_in_dim3A_215] : memref<2x1024x8xf32, #tpu.memory_space<vmem>>[vector<16xi32>, vector<16xi32>, vector<16xi32>], vector<16xf32>,
          %gather3A_227 = tpu.vector_load_idx %arg10[%broadcast_in_dim3A, %add3A_207, %broadcast_in_dim3A_217] : memref<2x1024x8xf32, #tpu.memory_space<vmem>>[vector<16xi32>, vector<16xi32>, vector<16xi32>], vector<16xf32>,
          %gather3A_228 = tpu.vector_load_idx %arg10[%broadcast_in_dim3A, %add3A_207, %broadcast_in_dim3A_219] : memref<2x1024x8xf32, #tpu.memory_space<vmem>>[vector<16xi32>, vector<16xi32>, vector<16xi32>], vector<16xf32>,
          %gather3A_229 = tpu.vector_load_idx %arg10[%broadcast_in_dim3A, %add3A_207, %broadcast_in_dim3A_221] : memref<2x1024x8xf32, #tpu.memory_space<vmem>>[vector<16xi32>, vector<16xi32>, vector<16xi32>], vector<16xf32>,
          %gather3A_230 = tpu.vector_load_idx %arg10[%broadcast_in_dim3A, %add3A_207, %broadcast_in_dim3A_223] : memref<2x1024x8xf32, #tpu.memory_space<vmem>>[vector<16xi32>, vector<16xi32>, vector<16xi32>], vector<16xf32>,
          %add3A_231 = arith.addf %gather3A, %gather3A_227 : vector<16xf32>
          %gt3A = arith.constant 0.000000e+00 : f32
          %gt3A_232 = vector.broadcast %gt3A : f32 to vector<16xf32>
          %gt3A_233 = arith.cmpf ogt, %add3A_231, %gt3A_232 : vector<16xf32>
          %mul3A_234 = arith.constant 2.000000e-01 : f32
          %mul3A_235 = vector.broadcast %mul3A_234 : f32 to vector<16xf32>
          %mul3A_236 = arith.mulf %mul3A_235, %add3A_231 : vector<16xf32>
          %select_n3A = arith.select %gt3A_233, %add3A_231, %mul3A_236 : vector<16xi1>, vector<16xf32>
          %add3A_237 = arith.addf %gather3A_224, %gather3A_228 : vector<16xf32>
          %gt3A_238 = arith.constant 0.000000e+00 : f32
          %gt3A_239 = vector.broadcast %gt3A_238 : f32 to vector<16xf32>
          %gt3A_240 = arith.cmpf ogt, %add3A_237, %gt3A_239 : vector<16xf32>
          %mul3A_241 = arith.constant 2.000000e-01 : f32
          %mul3A_242 = vector.broadcast %mul3A_241 : f32 to vector<16xf32>
          %mul3A_243 = arith.mulf %mul3A_242, %add3A_237 : vector<16xf32>
          %select_n3A_244 = arith.select %gt3A_240, %add3A_237, %mul3A_243 : vector<16xi1>, vector<16xf32>
          %add3A_245 = arith.addf %gather3A_225, %gather3A_229 : vector<16xf32>
          %gt3A_246 = arith.constant 0.000000e+00 : f32
          %gt3A_247 = vector.broadcast %gt3A_246 : f32 to vector<16xf32>
          %gt3A_248 = arith.cmpf ogt, %add3A_245, %gt3A_247 : vector<16xf32>
          %mul3A_249 = arith.constant 2.000000e-01 : f32
          %mul3A_250 = vector.broadcast %mul3A_249 : f32 to vector<16xf32>
          %mul3A_251 = arith.mulf %mul3A_250, %add3A_245 : vector<16xf32>
          %select_n3A_252 = arith.select %gt3A_248, %add3A_245, %mul3A_251 : vector<16xi1>, vector<16xf32>
          %add3A_253 = arith.addf %gather3A_226, %gather3A_230 : vector<16xf32>
          %gt3A_254 = arith.constant 0.000000e+00 : f32
          %gt3A_255 = vector.broadcast %gt3A_254 : f32 to vector<16xf32>
          %gt3A_256 = arith.cmpf ogt, %add3A_253, %gt3A_255 : vector<16xf32>
          %mul3A_257 = arith.constant 2.000000e-01 : f32
          %mul3A_258 = vector.broadcast %mul3A_257 : f32 to vector<16xf32>
          %mul3A_259 = arith.mulf %mul3A_258, %add3A_253 : vector<16xf32>
          %select_n3A_260 = arith.select %gt3A_256, %add3A_253, %mul3A_259 : vector<16xi1>, vector<16xf32>
          %get3A = arith.constant 0 : i32
          %get3A_261 = arith.index_cast %get3A : i32 to index
          %get3A_262 = arith.constant 0 : index
          %get3A_263 = tpu.vector_load %arg12[%get3A_261, %get3A_262] {strides = array<i32>} : memref<4x16xf32, #tpu.memory_space<vmem>>, vector<16xf32>,
          %mul3A_264 = arith.mulf %get3A_263, %select_n3A : vector<16xf32>
          %get3A_265 = arith.constant 1 : i32
          %get3A_266 = arith.index_cast %get3A_265 : i32 to index
          %get3A_267 = arith.constant 0 : index
          %get3A_268 = tpu.vector_load %arg12[%get3A_266, %get3A_267] {strides = array<i32>} : memref<4x16xf32, #tpu.memory_space<vmem>>, vector<16xf32>,
          %mul3A_269 = arith.mulf %get3A_268, %select_n3A_244 : vector<16xf32>
          %add3A_270 = arith.addf %mul3A_264, %mul3A_269 : vector<16xf32>
          %get3A_271 = arith.constant 2 : i32
          %get3A_272 = arith.index_cast %get3A_271 : i32 to index
          %get3A_273 = arith.constant 0 : index
          %get3A_274 = tpu.vector_load %arg12[%get3A_272, %get3A_273] {strides = array<i32>} : memref<4x16xf32, #tpu.memory_space<vmem>>, vector<16xf32>,
          %mul3A_275 = arith.mulf %get3A_274, %select_n3A_252 : vector<16xf32>
          %get3A_276 = arith.constant 3 : i32
          %get3A_277 = arith.index_cast %get3A_276 : i32 to index
          %get3A_278 = arith.constant 0 : index
          %get3A_279 = tpu.vector_load %arg12[%get3A_277, %get3A_278] {strides = array<i32>} : memref<4x16xf32, #tpu.memory_space<vmem>>, vector<16xf32>,
          %mul3A_280 = arith.mulf %get3A_279, %select_n3A_260 : vector<16xf32>
          %add3A_281 = arith.addf %mul3A_275, %mul3A_280 : vector<16xf32>
          %exp3A = math.exp %add3A_270 : vector<16xf32>
          %exp3A_282 = math.exp %add3A_281 : vector<16xf32>
          %broadcast_in_dim3A_283 = arith.constant 0.000000e+00 : f32
          %broadcast_in_dim3A_284 = vector.broadcast %broadcast_in_dim3A_283 : f32 to vector<16xf32>
          %mul3A_285 = arith.mulf %exp3A, %gather3A : vector<16xf32>
          %mul3A_286 = arith.mulf %exp3A, %gather3A_224 : vector<16xf32>
          %mul3A_287 = arith.mulf %exp3A_282, %gather3A_225 : vector<16xf32>
          %mul3A_288 = arith.mulf %exp3A_282, %gather3A_226 : vector<16xf32>
          tpu.vector_store_idx %arg11[%add3A_207, %broadcast_in_dim3A_209], %exp3A : memref<1024x8xf32, #tpu.memory_space<vmem>>[vector<16xi32>, vector<16xi32>], vector<16xf32>,
          tpu.vector_store_idx %arg11[%add3A_207, %broadcast_in_dim3A_211], %exp3A_282 : memref<1024x8xf32, #tpu.memory_space<vmem>>[vector<16xi32>, vector<16xi32>], vector<16xf32>,
          tpu.vector_store_idx %arg11[%add3A_207, %broadcast_in_dim3A_213], %mul3A_285 : memref<1024x8xf32, #tpu.memory_space<vmem>>[vector<16xi32>, vector<16xi32>], vector<16xf32>,
          tpu.vector_store_idx %arg11[%add3A_207, %broadcast_in_dim3A_215], %mul3A_286 : memref<1024x8xf32, #tpu.memory_space<vmem>>[vector<16xi32>, vector<16xi32>], vector<16xf32>,
          tpu.vector_store_idx %arg11[%add3A_207, %broadcast_in_dim3A_217], %mul3A_287 : memref<1024x8xf32, #tpu.memory_space<vmem>>[vector<16xi32>, vector<16xi32>], vector<16xf32>,
          tpu.vector_store_idx %arg11[%add3A_207, %broadcast_in_dim3A_219], %mul3A_288 : memref<1024x8xf32, #tpu.memory_space<vmem>>[vector<16xi32>, vector<16xi32>], vector<16xf32>,
          tpu.vector_store_idx %arg11[%add3A_207, %broadcast_in_dim3A_221], %broadcast_in_dim3A_284 : memref<1024x8xf32, #tpu.memory_space<vmem>>[vector<16xi32>, vector<16xi32>], vector<16xf32>,
          tpu.vector_store_idx %arg11[%add3A_207, %broadcast_in_dim3A_223], %broadcast_in_dim3A_284 : memref<1024x8xf32, #tpu.memory_space<vmem>>[vector<16xi32>, vector<16xi32>], vector<16xf32>,
        }
        %scan3A_191 = arith.constant 8 : i32
        %dma_start3A_192 = arith.constant 7 : i32
        %dma_start3A_193 = arith.constant 1 : i32
        %dma_start3A_194 = arith.constant 896 : i32
        %dma_start3A_195 = arith.constant 0 : i32
        %dma_start3A_196 = tpu.memref_slice %arg11[%dma_start3A_194, %dma_start3A_195] : memref<1024x8xf32, #tpu.memory_space<vmem>> -> memref<128x8xf32, #tpu.memory_space<vmem>>
        %dma_start3A_197 = arith.constant 0 : i32
        %dma_start3A_198 = tpu.memref_slice %arg8[%rem3A_50, %dma_start3A_192, %dma_start3A_193, %dma_start3A_197] : memref<3x8x2x128xi32, #tpu.memory_space<vmem>> -> memref<1x1x1x128xi32, #tpu.memory_space<vmem>>
        %dma_start3A_199 = tpu.memref_squeeze %dma_start3A_198 : memref<1x1x1x128xi32, #tpu.memory_space<vmem>> -> memref<128xi32, #tpu.memory_space<vmem>>
        %dma_start3A_200 = arith.constant 0 : i32
        %dma_start3A_201 = arith.constant 0 : i32
        %dma_start3A_202 = tpu.memref_slice %arg13[%dma_start3A_200, %dma_start3A_201] : memref<100352x8xf32, #tpu.memory_space<vmem_shared>> -> memref<100352x8xf32, #tpu.memory_space<vmem_shared>>
        tpu.enqueue_indirect_dma source(%dma_start3A_196 : memref<128x8xf32, #tpu.memory_space<vmem>>) target(%dma_start3A_202 : memref<100352x8xf32, #tpu.memory_space<vmem_shared>>) offsets(%dma_start3A_199 : memref<128xi32, #tpu.memory_space<vmem>>) semaphore(%arg16 : memref<!tpu.dma_semaphore, #tpu.memory_space<semaphore_mem>>) {add = true}
      } else {
      }
    }
    %scan3A_9 = arith.constant 99 : i32
    %dma_wait3A = arith.constant 0 : i32
    %dma_wait3A_10 = arith.constant 0 : i32
    %dma_wait3A_11 = tpu.memref_slice %arg2[%dma_wait3A, %dma_wait3A_10] : memref<100352x8xf32, #tpu.memory_space<hbm>> -> memref<1024x8xf32, #tpu.memory_space<hbm>>
    %dma_wait3A_12 = arith.constant 0 : i32
    %dma_wait3A_13 = arith.constant 0 : i32
    %dma_wait3A_14 = tpu.memref_slice %arg2[%dma_wait3A_12, %dma_wait3A_13] : memref<100352x8xf32, #tpu.memory_space<hbm>> -> memref<1024x8xf32, #tpu.memory_space<hbm>>
    tpu.wait_dma2 semaphore(%arg16 : memref<!tpu.dma_semaphore, #tpu.memory_space<semaphore_mem>>) src(%dma_wait3A_14 : memref<1024x8xf32, #tpu.memory_space<hbm>>) dst(%arg11 : memref<1024x8xf32, #tpu.memory_space<vmem>>)
    %dma_wait3A_15 = arith.constant 0 : i32
    %dma_wait3A_16 = arith.constant 0 : i32
    %dma_wait3A_17 = arith.constant 0 : i32
    %dma_wait3A_18 = arith.constant 0 : i32
    %dma_wait3A_19 = tpu.memref_slice %arg8[%dma_wait3A_15, %dma_wait3A_16, %dma_wait3A_17, %dma_wait3A_18] : memref<3x8x2x128xi32, #tpu.memory_space<vmem>> -> memref<1x8x2x128xi32, #tpu.memory_space<vmem>>
    %dma_wait3A_20 = tpu.memref_squeeze %dma_wait3A_19 : memref<1x8x2x128xi32, #tpu.memory_space<vmem>> -> memref<8x2x128xi32, #tpu.memory_space<vmem>>
    %dma_wait3A_21 = arith.constant 0 : i32
    %dma_wait3A_22 = arith.constant 0 : i32
    %dma_wait3A_23 = arith.constant 0 : i32
    %dma_wait3A_24 = tpu.memref_slice %arg4[%dma_wait3A_21, %dma_wait3A_22, %dma_wait3A_23] : memref<25088x2x128xi32, #tpu.memory_space<hbm>> -> memref<8x2x128xi32, #tpu.memory_space<hbm>>
    %dma_wait3A_25 = arith.constant 0 : i32
    %dma_wait3A_26 = arith.constant 0 : i32
    %dma_wait3A_27 = arith.constant 0 : i32
    %dma_wait3A_28 = tpu.memref_slice %arg8[%dma_wait3A_15, %dma_wait3A_25, %dma_wait3A_26, %dma_wait3A_27] : memref<3x8x2x128xi32, #tpu.memory_space<vmem>> -> memref<1x8x2x128xi32, #tpu.memory_space<vmem>>
    %dma_wait3A_29 = tpu.memref_squeeze %dma_wait3A_28 : memref<1x8x2x128xi32, #tpu.memory_space<vmem>> -> memref<8x2x128xi32, #tpu.memory_space<vmem>>
    %dma_wait3A_30 = arith.constant 0 : i32
    %dma_wait3A_31 = arith.constant 0 : i32
    %dma_wait3A_32 = arith.constant 0 : i32
    %dma_wait3A_33 = tpu.memref_slice %arg4[%dma_wait3A_30, %dma_wait3A_31, %dma_wait3A_32] : memref<25088x2x128xi32, #tpu.memory_space<hbm>> -> memref<8x2x128xi32, #tpu.memory_space<hbm>>
    tpu.wait_dma2 semaphore(%arg14 : memref<!tpu.dma_semaphore, #tpu.memory_space<semaphore_mem>>) src(%dma_wait3A_33 : memref<8x2x128xi32, #tpu.memory_space<hbm>>) dst(%dma_wait3A_29 : memref<8x2x128xi32, #tpu.memory_space<vmem>>)
    %barrier3A_34 = arith.constant 0 : index
    tpu.barrier barrier_id(%barrier3A_34)
    %mul3A_35 = arith.constant 6272 : i32
    %mul3A_36 = arith.muli %arg1, %mul3A_35 : i32
    %mul3A_37 = arith.constant 6272 : i32
    %mul3A_38 = arith.muli %arg1, %mul3A_37 : i32
    "tpu.region"() ({
      %run_scoped3A_39 = tpu.sem_alloc : memref<!tpu.dma_semaphore, #tpu.memory_space<semaphore_mem>>
      %dma_start3A = arith.constant 0 : i32
      %dma_start3A_40 = arith.constant 0 : i32
      %dma_start3A_41 = tpu.memref_slice %arg7[%arg0, %dma_start3A, %dma_start3A_40] : memref<2x100352x8xf32, #tpu.memory_space<hbm>> -> memref<1x100352x8xf32, #tpu.memory_space<hbm>>
      %dma_start3A_42 = tpu.memref_squeeze %dma_start3A_41 : memref<1x100352x8xf32, #tpu.memory_space<hbm>> -> memref<100352x8xf32, #tpu.memory_space<hbm>>
      %dma_start3A_43 = arith.constant 0 : i32
      %dma_start3A_44 = tpu.memref_slice %dma_start3A_42[%mul3A_38, %dma_start3A_43] : memref<100352x8xf32, #tpu.memory_space<hbm>> -> memref<6272x8xf32, #tpu.memory_space<hbm>>
      %dma_start3A_45 = arith.constant 0 : i32
      %dma_start3A_46 = tpu.memref_slice %arg13[%mul3A_36, %dma_start3A_45] : memref<100352x8xf32, #tpu.memory_space<vmem_shared>> -> memref<6272x8xf32, #tpu.memory_space<vmem_shared>>
      tpu.enqueue_dma source(%dma_start3A_46 : memref<6272x8xf32, #tpu.memory_space<vmem_shared>>) target(%dma_start3A_44 : memref<6272x8xf32, #tpu.memory_space<hbm>>) target_semaphore(%run_scoped3A_39 : memref<!tpu.dma_semaphore, #tpu.memory_space<semaphore_mem>>)
      %dma_wait3A_47 = arith.constant 0 : i32
      %dma_wait3A_48 = arith.constant 0 : i32
      %dma_wait3A_49 = tpu.memref_slice %arg7[%arg0, %dma_wait3A_47, %dma_wait3A_48] : memref<2x100352x8xf32, #tpu.memory_space<hbm>> -> memref<1x100352x8xf32, #tpu.memory_space<hbm>>
      %dma_wait3A_50 = tpu.memref_squeeze %dma_wait3A_49 : memref<1x100352x8xf32, #tpu.memory_space<hbm>> -> memref<100352x8xf32, #tpu.memory_space<hbm>>
      %dma_wait3A_51 = arith.constant 0 : i32
      %dma_wait3A_52 = tpu.memref_slice %dma_wait3A_50[%mul3A_38, %dma_wait3A_51] : memref<100352x8xf32, #tpu.memory_space<hbm>> -> memref<6272x8xf32, #tpu.memory_space<hbm>>
      %dma_wait3A_53 = arith.constant 0 : i32
      %dma_wait3A_54 = tpu.memref_slice %arg13[%mul3A_36, %dma_wait3A_53] : memref<100352x8xf32, #tpu.memory_space<vmem_shared>> -> memref<6272x8xf32, #tpu.memory_space<vmem_shared>>
      tpu.wait_dma2 semaphore(%run_scoped3A_39 : memref<!tpu.dma_semaphore, #tpu.memory_space<semaphore_mem>>) src(%dma_wait3A_54 : memref<6272x8xf32, #tpu.memory_space<vmem_shared>>) dst(%dma_wait3A_52 : memref<6272x8xf32, #tpu.memory_space<hbm>>)
      tpu.yield
    }) : () -> ()
    return
  }
}

module attributes {stable_mosaic.version = 14 : i64} {
  func.func @_t1_body(%arg0: i32, %arg1: memref<3584x8xf32, #tpu.memory_space<vmem>>, %arg2: memref<5x16xf32, #tpu.memory_space<vmem>>, %arg3: memref<1x16xf32, #tpu.memory_space<vmem>>, %arg4: memref<5x16xf32, #tpu.memory_space<vmem>>, %arg5: memref<1x16xf32, #tpu.memory_space<vmem>>, %arg6: memref<5x12xf32, #tpu.memory_space<vmem>>, %arg7: memref<1x12xf32, #tpu.memory_space<vmem>>, %arg8: memref<3584x16xf32, #tpu.memory_space<vmem>>, %arg9: memref<3584x16xf32, #tpu.memory_space<vmem>>, %arg10: memref<3584x12xf32, #tpu.memory_space<vmem>>) attributes {dimension_semantics = [#tpu.dimension_semantics<arbitrary>], iteration_bounds = array<i64: 28>, scalar_prefetch = 0 : i64, scratch_operands = 0 : i64, tpu.core_type = #tpu.core_type<tc>, window_params = [{transform_indices = @transform_0, window_bounds = array<i64: 3584, 8>}, {pipeline_mode = #tpu.pipeline_mode<synchronous>, transform_indices = @transform_1, window_bounds = array<i64: 5, 16>}, {pipeline_mode = #tpu.pipeline_mode<synchronous>, transform_indices = @transform_2, window_bounds = array<i64: 1, 16>}, {pipeline_mode = #tpu.pipeline_mode<synchronous>, transform_indices = @transform_3, window_bounds = array<i64: 5, 16>}, {pipeline_mode = #tpu.pipeline_mode<synchronous>, transform_indices = @transform_4, window_bounds = array<i64: 1, 16>}, {pipeline_mode = #tpu.pipeline_mode<synchronous>, transform_indices = @transform_5, window_bounds = array<i64: 5, 12>}, {pipeline_mode = #tpu.pipeline_mode<synchronous>, transform_indices = @transform_6, window_bounds = array<i64: 1, 12>}, {transform_indices = @transform_7, window_bounds = array<i64: 3584, 16>}, {transform_indices = @transform_8, window_bounds = array<i64: 3584, 16>}, {transform_indices = @transform_9, window_bounds = array<i64: 3584, 12>}]} {
    %get3A = arith.constant 0 : index
    %get3A_0 = arith.constant 0 : index
    %get3A_1 = vector.load %arg1[%get3A, %get3A_0] : memref<3584x8xf32, #tpu.memory_space<vmem>>, vector<3584x5xf32>
    %get3A_2 = arith.constant 0 : index
    %get3A_3 = arith.constant 0 : index
    %get3A_4 = vector.load %arg2[%get3A_2, %get3A_3] : memref<5x16xf32, #tpu.memory_space<vmem>>, vector<5x16xf32>
    %dot_general3A = arith.constant dense<0.000000e+00> : vector<3584x16xf32>
    %dot_general3A_5 = tpu.matmul %get3A_1, %get3A_4, %dot_general3A {dimension_numbers = #tpu.dot_dimension_numbers<[1], [0], [0], [1], [0, 0, 1, 1], [], []>, transpose_lhs_hint = false} : vector<3584x5xf32>, vector<5x16xf32>, vector<3584x16xf32> -> vector<3584x16xf32>
    %get3A_6 = arith.constant 0 : index
    %get3A_7 = arith.constant 0 : index
    %get3A_8 = vector.load %arg3[%get3A_6, %get3A_7] : memref<1x16xf32, #tpu.memory_space<vmem>>, vector<1x16xf32>
    %add3A = vector.broadcast %get3A_8 : vector<1x16xf32> to vector<3584x16xf32>
    %add3A_9 = arith.addf %dot_general3A_5, %add3A : vector<3584x16xf32>
    %swap3A = arith.constant 0 : index
    %swap3A_10 = arith.constant 0 : index
    %swap3A_11 = vector.load %arg8[%swap3A, %swap3A_10] : memref<3584x16xf32, #tpu.memory_space<vmem>>, vector<3584x16xf32>
    tpu.vector_store %arg8[%swap3A, %swap3A_10], %add3A_9 {strides = array<i32>} : memref<3584x16xf32, #tpu.memory_space<vmem>>, vector<3584x16xf32>,
    %get3A_12 = arith.constant 0 : index
    %get3A_13 = arith.constant 0 : index
    %get3A_14 = vector.load %arg4[%get3A_12, %get3A_13] : memref<5x16xf32, #tpu.memory_space<vmem>>, vector<5x16xf32>
    %dot_general3A_15 = arith.constant dense<0.000000e+00> : vector<3584x16xf32>
    %dot_general3A_16 = tpu.matmul %get3A_1, %get3A_14, %dot_general3A_15 {dimension_numbers = #tpu.dot_dimension_numbers<[1], [0], [0], [1], [0, 0, 1, 1], [], []>, transpose_lhs_hint = false} : vector<3584x5xf32>, vector<5x16xf32>, vector<3584x16xf32> -> vector<3584x16xf32>
    %get3A_17 = arith.constant 0 : index
    %get3A_18 = arith.constant 0 : index
    %get3A_19 = vector.load %arg5[%get3A_17, %get3A_18] : memref<1x16xf32, #tpu.memory_space<vmem>>, vector<1x16xf32>
    %add3A_20 = vector.broadcast %get3A_19 : vector<1x16xf32> to vector<3584x16xf32>
    %add3A_21 = arith.addf %dot_general3A_16, %add3A_20 : vector<3584x16xf32>
    %swap3A_22 = arith.constant 0 : index
    %swap3A_23 = arith.constant 0 : index
    %swap3A_24 = vector.load %arg9[%swap3A_22, %swap3A_23] : memref<3584x16xf32, #tpu.memory_space<vmem>>, vector<3584x16xf32>
    tpu.vector_store %arg9[%swap3A_22, %swap3A_23], %add3A_21 {strides = array<i32>} : memref<3584x16xf32, #tpu.memory_space<vmem>>, vector<3584x16xf32>,
    %get3A_25 = arith.constant 0 : index
    %get3A_26 = arith.constant 0 : index
    %get3A_27 = vector.load %arg6[%get3A_25, %get3A_26] : memref<5x12xf32, #tpu.memory_space<vmem>>, vector<5x12xf32>
    %dot_general3A_28 = arith.constant dense<0.000000e+00> : vector<3584x12xf32>
    %dot_general3A_29 = tpu.matmul %get3A_1, %get3A_27, %dot_general3A_28 {dimension_numbers = #tpu.dot_dimension_numbers<[1], [0], [0], [1], [0, 0, 1, 1], [], []>, transpose_lhs_hint = false} : vector<3584x5xf32>, vector<5x12xf32>, vector<3584x12xf32> -> vector<3584x12xf32>
    %get3A_30 = arith.constant 0 : index
    %get3A_31 = arith.constant 0 : index
    %get3A_32 = vector.load %arg7[%get3A_30, %get3A_31] : memref<1x12xf32, #tpu.memory_space<vmem>>, vector<1x12xf32>
    %add3A_33 = vector.broadcast %get3A_32 : vector<1x12xf32> to vector<3584x12xf32>
    %add3A_34 = arith.addf %dot_general3A_29, %add3A_33 : vector<3584x12xf32>
    %swap3A_35 = arith.constant 0 : index
    %swap3A_36 = arith.constant 0 : index
    %swap3A_37 = vector.load %arg10[%swap3A_35, %swap3A_36] : memref<3584x12xf32, #tpu.memory_space<vmem>>, vector<3584x12xf32>
    tpu.vector_store %arg10[%swap3A_35, %swap3A_36], %add3A_34 {strides = array<i32>} : memref<3584x12xf32, #tpu.memory_space<vmem>>, vector<3584x12xf32>,
    return
  }
  func.func @transform_0(%arg0: i32) -> (i32, i32) {
    %c0_i32 = arith.constant 0 : i32
    %c0_i32_0 = arith.constant 0 : i32
    return %arg0, %c0_i32 : i32, i32
  }
  func.func @transform_1(%arg0: i32) -> (i32, i32) {
    %c0_i32 = arith.constant 0 : i32
    %c0_i32_0 = arith.constant 0 : i32
    %c0_i32_1 = arith.constant 0 : i32
    return %c0_i32, %c0_i32_0 : i32, i32
  }
  func.func @transform_2(%arg0: i32) -> (i32, i32) {
    %c0_i32 = arith.constant 0 : i32
    %c0_i32_0 = arith.constant 0 : i32
    %c0_i32_1 = arith.constant 0 : i32
    return %c0_i32, %c0_i32_0 : i32, i32
  }
  func.func @transform_3(%arg0: i32) -> (i32, i32) {
    %c0_i32 = arith.constant 0 : i32
    %c0_i32_0 = arith.constant 0 : i32
    %c0_i32_1 = arith.constant 0 : i32
    return %c0_i32, %c0_i32_0 : i32, i32
  }
  func.func @transform_4(%arg0: i32) -> (i32, i32) {
    %c0_i32 = arith.constant 0 : i32
    %c0_i32_0 = arith.constant 0 : i32
    %c0_i32_1 = arith.constant 0 : i32
    return %c0_i32, %c0_i32_0 : i32, i32
  }
  func.func @transform_5(%arg0: i32) -> (i32, i32) {
    %c0_i32 = arith.constant 0 : i32
    %c0_i32_0 = arith.constant 0 : i32
    %c0_i32_1 = arith.constant 0 : i32
    return %c0_i32, %c0_i32_0 : i32, i32
  }
  func.func @transform_6(%arg0: i32) -> (i32, i32) {
    %c0_i32 = arith.constant 0 : i32
    %c0_i32_0 = arith.constant 0 : i32
    %c0_i32_1 = arith.constant 0 : i32
    return %c0_i32, %c0_i32_0 : i32, i32
  }
  func.func @transform_7(%arg0: i32) -> (i32, i32) {
    %c0_i32 = arith.constant 0 : i32
    %c0_i32_0 = arith.constant 0 : i32
    return %arg0, %c0_i32 : i32, i32
  }
  func.func @transform_8(%arg0: i32) -> (i32, i32) {
    %c0_i32 = arith.constant 0 : i32
    %c0_i32_0 = arith.constant 0 : i32
    return %arg0, %c0_i32 : i32, i32
  }
  func.func @transform_9(%arg0: i32) -> (i32, i32) {
    %c0_i32 = arith.constant 0 : i32
    %c0_i32_0 = arith.constant 0 : i32
    return %arg0, %c0_i32 : i32, i32
  }
}

module attributes {stable_mosaic.version = 14 : i64} {
  func.func @_t2_body(%arg0: i32, %arg1: memref<2x3584x16xf32, #tpu.memory_space<vmem>>, %arg2: memref<3584x12xf32, #tpu.memory_space<vmem>>, %arg3: memref<10x12xf32, #tpu.memory_space<vmem>>, %arg4: memref<1x12xf32, #tpu.memory_space<vmem>>, %arg5: memref<3584x2xf32, #tpu.memory_space<vmem>>, %arg6: memref<3584x8xf32, #tpu.memory_space<vmem>>, %arg7: memref<3584x4xf32, #tpu.memory_space<vmem>>) attributes {dimension_semantics = [#tpu.dimension_semantics<arbitrary>], iteration_bounds = array<i64: 28>, scalar_prefetch = 0 : i64, scratch_operands = 0 : i64, tpu.core_type = #tpu.core_type<tc>, window_params = [{transform_indices = @transform_0, window_bounds = array<i64: 2, 3584, 16>}, {transform_indices = @transform_1, window_bounds = array<i64: 3584, 12>}, {pipeline_mode = #tpu.pipeline_mode<synchronous>, transform_indices = @transform_2, window_bounds = array<i64: 10, 12>}, {pipeline_mode = #tpu.pipeline_mode<synchronous>, transform_indices = @transform_3, window_bounds = array<i64: 1, 12>}, {transform_indices = @transform_4, window_bounds = array<i64: 3584, 2>}, {transform_indices = @transform_5, window_bounds = array<i64: 3584, 8>}, {transform_indices = @transform_6, window_bounds = array<i64: 3584, 4>}]} {
    %get3A = arith.constant 0 : index
    %get3A_0 = arith.constant 0 : index
    %get3A_1 = arith.constant 0 : index
    %get3A_2 = vector.load %arg1[%get3A, %get3A_0, %get3A_1] : memref<2x3584x16xf32, #tpu.memory_space<vmem>>, vector<1x3584x16xf32>
    %get3A_3 = vector.shape_cast %get3A_2 : vector<1x3584x16xf32> to vector<3584x16xf32>
    %get3A_4 = arith.constant 1 : index
    %get3A_5 = arith.constant 0 : index
    %get3A_6 = arith.constant 0 : index
    %get3A_7 = vector.load %arg1[%get3A_4, %get3A_5, %get3A_6] : memref<2x3584x16xf32, #tpu.memory_space<vmem>>, vector<1x3584x16xf32>
    %get3A_8 = vector.shape_cast %get3A_7 : vector<1x3584x16xf32> to vector<3584x16xf32>
    %add3A = arith.addf %get3A_3, %get3A_8 : vector<3584x16xf32>
    %slice3A = vector.extract_strided_slice %add3A {offsets = [0, 0], sizes = [3584, 2], strides = [1, 1]} : vector<3584x16xf32> to vector<3584x2xf32>
    %add3A_9 = arith.constant 9.99999971E-10 : f32
    %add3A_10 = vector.broadcast %add3A_9 : f32 to vector<3584x2xf32>
    %add3A_11 = arith.addf %slice3A, %add3A_10 : vector<3584x2xf32>
    %slice3A_12 = vector.extract_strided_slice %add3A {offsets = [0, 2], sizes = [3584, 2], strides = [1, 1]} : vector<3584x16xf32> to vector<3584x2xf32>
    %slice3A_13 = vector.extract_strided_slice %add3A {offsets = [0, 4], sizes = [3584, 2], strides = [1, 1]} : vector<3584x16xf32> to vector<3584x2xf32>
    %add3A_14 = arith.constant 9.99999971E-10 : f32
    %add3A_15 = vector.broadcast %add3A_14 : f32 to vector<3584x2xf32>
    %add3A_16 = arith.addf %slice3A_13, %add3A_15 : vector<3584x2xf32>
    %slice3A_17 = vector.extract_strided_slice %add3A {offsets = [0, 6], sizes = [3584, 10], strides = [1, 1]} : vector<3584x16xf32> to vector<3584x10xf32>
    %div3A = arith.divf %slice3A_12, %add3A_11 : vector<3584x2xf32>
    %get3A_18 = arith.constant 0 : index
    %get3A_19 = arith.constant 0 : index
    %get3A_20 = vector.load %arg2[%get3A_18, %get3A_19] : memref<3584x12xf32, #tpu.memory_space<vmem>>, vector<3584x2xf32>
    %add3A_21 = arith.addf %div3A, %get3A_20 : vector<3584x2xf32>
    %gt3A = arith.constant 0.000000e+00 : f32
    %gt3A_22 = vector.broadcast %gt3A : f32 to vector<3584x2xf32>
    %gt3A_23 = arith.cmpf ogt, %add3A_21, %gt3A_22 : vector<3584x2xf32>
    %exp3A = math.exp %add3A_21 : vector<3584x2xf32>
    %sub3A = arith.constant 1.000000e+00 : f32
    %sub3A_24 = vector.broadcast %sub3A : f32 to vector<3584x2xf32>
    %sub3A_25 = arith.subf %exp3A, %sub3A_24 : vector<3584x2xf32>
    %select_n3A = arith.select %gt3A_23, %add3A_21, %sub3A_25 : vector<3584x2xi1>, vector<3584x2xf32>
    %slice3A_26 = vector.extract_strided_slice %add3A_16 {offsets = [0, 0], sizes = [3584, 1], strides = [1, 1]} : vector<3584x2xf32> to vector<3584x1xf32>
    %broadcast_in_dim3A = vector.shape_cast %slice3A_26 : vector<3584x1xf32> to vector<3584x1xf32>
    %broadcast_in_dim3A_27 = vector.broadcast %broadcast_in_dim3A : vector<3584x1xf32> to vector<3584x5xf32>
    %slice3A_28 = vector.extract_strided_slice %add3A_16 {offsets = [0, 1], sizes = [3584, 1], strides = [1, 1]} : vector<3584x2xf32> to vector<3584x1xf32>
    %broadcast_in_dim3A_29 = vector.shape_cast %slice3A_28 : vector<3584x1xf32> to vector<3584x1xf32>
    %broadcast_in_dim3A_30 = vector.broadcast %broadcast_in_dim3A_29 : vector<3584x1xf32> to vector<3584x5xf32>
    %concatenate3A = tpu.concatenate %broadcast_in_dim3A_27, %broadcast_in_dim3A_30 in 1 : vector<3584x5xf32>, vector<3584x5xf32> -> vector<3584x10xf32>
    %div3A_31 = arith.divf %slice3A_17, %concatenate3A : vector<3584x10xf32>
    %get3A_32 = arith.constant 0 : index
    %get3A_33 = arith.constant 2 : index
    %get3A_34 = vector.load %arg2[%get3A_32, %get3A_33] : memref<3584x12xf32, #tpu.memory_space<vmem>>, vector<3584x10xf32>
    %add3A_35 = arith.addf %div3A_31, %get3A_34 : vector<3584x10xf32>
    %gt3A_36 = arith.constant 0.000000e+00 : f32
    %gt3A_37 = vector.broadcast %gt3A_36 : f32 to vector<3584x10xf32>
    %gt3A_38 = arith.cmpf ogt, %add3A_35, %gt3A_37 : vector<3584x10xf32>
    %exp3A_39 = math.exp %add3A_35 : vector<3584x10xf32>
    %sub3A_40 = arith.constant 1.000000e+00 : f32
    %sub3A_41 = vector.broadcast %sub3A_40 : f32 to vector<3584x10xf32>
    %sub3A_42 = arith.subf %exp3A_39, %sub3A_41 : vector<3584x10xf32>
    %select_n3A_43 = arith.select %gt3A_38, %add3A_35, %sub3A_42 : vector<3584x10xi1>, vector<3584x10xf32>
    %get3A_44 = arith.constant 0 : index
    %get3A_45 = arith.constant 0 : index
    %get3A_46 = vector.load %arg3[%get3A_44, %get3A_45] : memref<10x12xf32, #tpu.memory_space<vmem>>, vector<10x12xf32>
    %dot_general3A = arith.constant dense<0.000000e+00> : vector<3584x12xf32>
    %dot_general3A_47 = tpu.matmul %select_n3A_43, %get3A_46, %dot_general3A {dimension_numbers = #tpu.dot_dimension_numbers<[1], [0], [0], [1], [0, 0, 1, 1], [], []>, transpose_lhs_hint = false} : vector<3584x10xf32>, vector<10x12xf32>, vector<3584x12xf32> -> vector<3584x12xf32>
    %get3A_48 = arith.constant 0 : index
    %get3A_49 = arith.constant 0 : index
    %get3A_50 = vector.load %arg4[%get3A_48, %get3A_49] : memref<1x12xf32, #tpu.memory_space<vmem>>, vector<1x12xf32>
    %add3A_51 = vector.broadcast %get3A_50 : vector<1x12xf32> to vector<3584x12xf32>
    %add3A_52 = arith.addf %dot_general3A_47, %add3A_51 : vector<3584x12xf32>
    %swap3A = arith.constant 0 : index
    %swap3A_53 = arith.constant 0 : index
    %swap3A_54 = vector.load %arg5[%swap3A, %swap3A_53] : memref<3584x2xf32, #tpu.memory_space<vmem>>, vector<3584x2xf32>
    tpu.vector_store %arg5[%swap3A, %swap3A_53], %select_n3A {strides = array<i32>} : memref<3584x2xf32, #tpu.memory_space<vmem>>, vector<3584x2xf32>,
    %slice3A_55 = vector.extract_strided_slice %add3A_52 {offsets = [0, 0], sizes = [3584, 8], strides = [1, 1]} : vector<3584x12xf32> to vector<3584x8xf32>
    %swap3A_56 = arith.constant 0 : index
    %swap3A_57 = arith.constant 0 : index
    %swap3A_58 = vector.load %arg6[%swap3A_56, %swap3A_57] : memref<3584x8xf32, #tpu.memory_space<vmem>>, vector<3584x8xf32>
    tpu.vector_store %arg6[%swap3A_56, %swap3A_57], %slice3A_55 {strides = array<i32>} : memref<3584x8xf32, #tpu.memory_space<vmem>>, vector<3584x8xf32>,
    %slice3A_59 = vector.extract_strided_slice %add3A_52 {offsets = [0, 8], sizes = [3584, 4], strides = [1, 1]} : vector<3584x12xf32> to vector<3584x4xf32>
    %swap3A_60 = arith.constant 0 : index
    %swap3A_61 = arith.constant 0 : index
    %swap3A_62 = vector.load %arg7[%swap3A_60, %swap3A_61] : memref<3584x4xf32, #tpu.memory_space<vmem>>, vector<3584x4xf32>
    tpu.vector_store %arg7[%swap3A_60, %swap3A_61], %slice3A_59 {strides = array<i32>} : memref<3584x4xf32, #tpu.memory_space<vmem>>, vector<3584x4xf32>,
    return
  }
  func.func @transform_0(%arg0: i32) -> (i32, i32, i32) {
    %c0_i32 = arith.constant 0 : i32
    %c0_i32_0 = arith.constant 0 : i32
    %c0_i32_1 = arith.constant 0 : i32
    return %c0_i32, %arg0, %c0_i32_0 : i32, i32, i32
  }
  func.func @transform_1(%arg0: i32) -> (i32, i32) {
    %c0_i32 = arith.constant 0 : i32
    %c0_i32_0 = arith.constant 0 : i32
    return %arg0, %c0_i32 : i32, i32
  }
  func.func @transform_2(%arg0: i32) -> (i32, i32) {
    %c0_i32 = arith.constant 0 : i32
    %c0_i32_0 = arith.constant 0 : i32
    %c0_i32_1 = arith.constant 0 : i32
    return %c0_i32, %c0_i32_0 : i32, i32
  }
  func.func @transform_3(%arg0: i32) -> (i32, i32) {
    %c0_i32 = arith.constant 0 : i32
    %c0_i32_0 = arith.constant 0 : i32
    %c0_i32_1 = arith.constant 0 : i32
    return %c0_i32, %c0_i32_0 : i32, i32
  }
  func.func @transform_4(%arg0: i32) -> (i32, i32) {
    %c0_i32 = arith.constant 0 : i32
    %c0_i32_0 = arith.constant 0 : i32
    return %arg0, %c0_i32 : i32, i32
  }
  func.func @transform_5(%arg0: i32) -> (i32, i32) {
    %c0_i32 = arith.constant 0 : i32
    %c0_i32_0 = arith.constant 0 : i32
    return %arg0, %c0_i32 : i32, i32
  }
  func.func @transform_6(%arg0: i32) -> (i32, i32) {
    %c0_i32 = arith.constant 0 : i32
    %c0_i32_0 = arith.constant 0 : i32
    return %arg0, %c0_i32 : i32, i32
  }
}

module attributes {stable_mosaic.version = 14 : i64} {
  func.func @_t3_body(%arg0: i32, %arg1: memref<2x3584x8xf32, #tpu.memory_space<vmem>>, %arg2: memref<3584x4xf32, #tpu.memory_space<vmem>>, %arg3: memref<3584x2xf32, #tpu.memory_space<vmem>>, %arg4: memref<3584x8xf32, #tpu.memory_space<vmem>>, %arg5: memref<16x256xf32, #tpu.memory_space<vmem>>, %arg6: memref<1x256xf32, #tpu.memory_space<vmem>>, %arg7: memref<256x256xf32, #tpu.memory_space<vmem>>, %arg8: memref<1x256xf32, #tpu.memory_space<vmem>>, %arg9: memref<256x16xf32, #tpu.memory_space<vmem>>, %arg10: memref<1x16xf32, #tpu.memory_space<vmem>>, %arg11: memref<16x8xf32, #tpu.memory_space<vmem>>, %arg12: memref<1x8xf32, #tpu.memory_space<vmem>>, %arg13: memref<3584x1xf32, #tpu.memory_space<vmem>>) attributes {dimension_semantics = [#tpu.dimension_semantics<arbitrary>], iteration_bounds = array<i64: 28>, scalar_prefetch = 0 : i64, scratch_operands = 0 : i64, tpu.core_type = #tpu.core_type<tc>, window_params = [{transform_indices = @transform_0, window_bounds = array<i64: 2, 3584, 8>}, {transform_indices = @transform_1, window_bounds = array<i64: 3584, 4>}, {transform_indices = @transform_2, window_bounds = array<i64: 3584, 2>}, {transform_indices = @transform_3, window_bounds = array<i64: 3584, 8>}, {pipeline_mode = #tpu.pipeline_mode<synchronous>, transform_indices = @transform_4, window_bounds = array<i64: 16, 256>}, {pipeline_mode = #tpu.pipeline_mode<synchronous>, transform_indices = @transform_5, window_bounds = array<i64: 1, 256>}, {pipeline_mode = #tpu.pipeline_mode<synchronous>, transform_indices = @transform_6, window_bounds = array<i64: 256, 256>}, {pipeline_mode = #tpu.pipeline_mode<synchronous>, transform_indices = @transform_7, window_bounds = array<i64: 1, 256>}, {pipeline_mode = #tpu.pipeline_mode<synchronous>, transform_indices = @transform_8, window_bounds = array<i64: 256, 16>}, {pipeline_mode = #tpu.pipeline_mode<synchronous>, transform_indices = @transform_9, window_bounds = array<i64: 1, 16>}, {pipeline_mode = #tpu.pipeline_mode<synchronous>, transform_indices = @transform_10, window_bounds = array<i64: 16, 8>}, {pipeline_mode = #tpu.pipeline_mode<synchronous>, transform_indices = @transform_11, window_bounds = array<i64: 1, 8>}, {transform_indices = @transform_12, window_bounds = array<i64: 3584, 1>}]} {
    %get3A = arith.constant 0 : index
    %get3A_0 = arith.constant 0 : index
    %get3A_1 = arith.constant 0 : index
    %get3A_2 = vector.load %arg1[%get3A, %get3A_0, %get3A_1] : memref<2x3584x8xf32, #tpu.memory_space<vmem>>, vector<1x3584x8xf32>
    %get3A_3 = vector.shape_cast %get3A_2 : vector<1x3584x8xf32> to vector<3584x8xf32>
    %get3A_4 = arith.constant 1 : index
    %get3A_5 = arith.constant 0 : index
    %get3A_6 = arith.constant 0 : index
    %get3A_7 = vector.load %arg1[%get3A_4, %get3A_5, %get3A_6] : memref<2x3584x8xf32, #tpu.memory_space<vmem>>, vector<1x3584x8xf32>
    %get3A_8 = vector.shape_cast %get3A_7 : vector<1x3584x8xf32> to vector<3584x8xf32>
    %add3A = arith.addf %get3A_3, %get3A_8 : vector<3584x8xf32>
    %slice3A = vector.extract_strided_slice %add3A {offsets = [0, 0], sizes = [3584, 2], strides = [1, 1]} : vector<3584x8xf32> to vector<3584x2xf32>
    %add3A_9 = arith.constant 9.99999971E-10 : f32
    %add3A_10 = vector.broadcast %add3A_9 : f32 to vector<3584x2xf32>
    %add3A_11 = arith.addf %slice3A, %add3A_10 : vector<3584x2xf32>
    %slice3A_12 = vector.extract_strided_slice %add3A {offsets = [0, 2], sizes = [3584, 4], strides = [1, 1]} : vector<3584x8xf32> to vector<3584x4xf32>
    %slice3A_13 = vector.extract_strided_slice %add3A_11 {offsets = [0, 0], sizes = [3584, 1], strides = [1, 1]} : vector<3584x2xf32> to vector<3584x1xf32>
    %broadcast_in_dim3A = vector.shape_cast %slice3A_13 : vector<3584x1xf32> to vector<3584x1xf32>
    %broadcast_in_dim3A_14 = vector.broadcast %broadcast_in_dim3A : vector<3584x1xf32> to vector<3584x2xf32>
    %slice3A_15 = vector.extract_strided_slice %add3A_11 {offsets = [0, 1], sizes = [3584, 1], strides = [1, 1]} : vector<3584x2xf32> to vector<3584x1xf32>
    %broadcast_in_dim3A_16 = vector.shape_cast %slice3A_15 : vector<3584x1xf32> to vector<3584x1xf32>
    %broadcast_in_dim3A_17 = vector.broadcast %broadcast_in_dim3A_16 : vector<3584x1xf32> to vector<3584x2xf32>
    %concatenate3A = tpu.concatenate %broadcast_in_dim3A_14, %broadcast_in_dim3A_17 in 1 : vector<3584x2xf32>, vector<3584x2xf32> -> vector<3584x4xf32>
    %div3A = arith.divf %slice3A_12, %concatenate3A : vector<3584x4xf32>
    %get3A_18 = arith.constant 0 : index
    %get3A_19 = arith.constant 0 : index
    %get3A_20 = vector.load %arg2[%get3A_18, %get3A_19] : memref<3584x4xf32, #tpu.memory_space<vmem>>, vector<3584x4xf32>
    %add3A_21 = arith.addf %div3A, %get3A_20 : vector<3584x4xf32>
    %gt3A = arith.constant 0.000000e+00 : f32
    %gt3A_22 = vector.broadcast %gt3A : f32 to vector<3584x4xf32>
    %gt3A_23 = arith.cmpf ogt, %add3A_21, %gt3A_22 : vector<3584x4xf32>
    %exp3A = math.exp %add3A_21 : vector<3584x4xf32>
    %sub3A = arith.constant 1.000000e+00 : f32
    %sub3A_24 = vector.broadcast %sub3A : f32 to vector<3584x4xf32>
    %sub3A_25 = arith.subf %exp3A, %sub3A_24 : vector<3584x4xf32>
    %select_n3A = arith.select %gt3A_23, %add3A_21, %sub3A_25 : vector<3584x4xi1>, vector<3584x4xf32>
    %get3A_26 = arith.constant 0 : index
    %get3A_27 = arith.constant 0 : index
    %get3A_28 = vector.load %arg3[%get3A_26, %get3A_27] : memref<3584x2xf32, #tpu.memory_space<vmem>>, vector<3584x2xf32>
    %get3A_29 = arith.constant 0 : index
    %get3A_30 = arith.constant 0 : index
    %get3A_31 = vector.load %arg4[%get3A_29, %get3A_30] : memref<3584x8xf32, #tpu.memory_space<vmem>>, vector<3584x8xf32>
    %broadcast_in_dim3A_32 = arith.constant 0.000000e+00 : f32
    %broadcast_in_dim3A_33 = vector.broadcast %broadcast_in_dim3A_32 : f32 to vector<3584x2xf32>
    %concatenate3A_34 = tpu.concatenate %get3A_28, %select_n3A, %get3A_31, %broadcast_in_dim3A_33 in 1 : vector<3584x2xf32>, vector<3584x4xf32>, vector<3584x8xf32>, vector<3584x2xf32> -> vector<3584x16xf32>
    %get3A_35 = arith.constant 0 : index
    %get3A_36 = arith.constant 0 : index
    %get3A_37 = vector.load %arg5[%get3A_35, %get3A_36] : memref<16x256xf32, #tpu.memory_space<vmem>>, vector<16x256xf32>
    %dot_general3A = arith.constant dense<0.000000e+00> : vector<3584x256xf32>
    %dot_general3A_38 = tpu.matmul %concatenate3A_34, %get3A_37, %dot_general3A {dimension_numbers = #tpu.dot_dimension_numbers<[1], [0], [0], [1], [0, 0, 1, 1], [], []>, transpose_lhs_hint = false} : vector<3584x16xf32>, vector<16x256xf32>, vector<3584x256xf32> -> vector<3584x256xf32>
    %get3A_39 = arith.constant 0 : index
    %get3A_40 = arith.constant 0 : index
    %get3A_41 = vector.load %arg6[%get3A_39, %get3A_40] : memref<1x256xf32, #tpu.memory_space<vmem>>, vector<1x256xf32>
    %add3A_42 = vector.broadcast %get3A_41 : vector<1x256xf32> to vector<3584x256xf32>
    %add3A_43 = arith.addf %dot_general3A_38, %add3A_42 : vector<3584x256xf32>
    %gt3A_44 = arith.constant 0.000000e+00 : f32
    %gt3A_45 = vector.broadcast %gt3A_44 : f32 to vector<3584x256xf32>
    %gt3A_46 = arith.cmpf ogt, %add3A_43, %gt3A_45 : vector<3584x256xf32>
    %mul3A = arith.constant 0.00999999977 : f32
    %mul3A_47 = vector.broadcast %mul3A : f32 to vector<3584x256xf32>
    %mul3A_48 = arith.mulf %mul3A_47, %add3A_43 : vector<3584x256xf32>
    %select_n3A_49 = arith.select %gt3A_46, %add3A_43, %mul3A_48 : vector<3584x256xi1>, vector<3584x256xf32>
    %get3A_50 = arith.constant 0 : index
    %get3A_51 = arith.constant 0 : index
    %get3A_52 = vector.load %arg7[%get3A_50, %get3A_51] : memref<256x256xf32, #tpu.memory_space<vmem>>, vector<256x256xf32>
    %dot_general3A_53 = arith.constant dense<0.000000e+00> : vector<3584x256xf32>
    %dot_general3A_54 = tpu.matmul %select_n3A_49, %get3A_52, %dot_general3A_53 {dimension_numbers = #tpu.dot_dimension_numbers<[1], [0], [0], [1], [0, 0, 1, 1], [], []>, transpose_lhs_hint = false} : vector<3584x256xf32>, vector<256x256xf32>, vector<3584x256xf32> -> vector<3584x256xf32>
    %get3A_55 = arith.constant 0 : index
    %get3A_56 = arith.constant 0 : index
    %get3A_57 = vector.load %arg8[%get3A_55, %get3A_56] : memref<1x256xf32, #tpu.memory_space<vmem>>, vector<1x256xf32>
    %add3A_58 = vector.broadcast %get3A_57 : vector<1x256xf32> to vector<3584x256xf32>
    %add3A_59 = arith.addf %dot_general3A_54, %add3A_58 : vector<3584x256xf32>
    %gt3A_60 = arith.constant 0.000000e+00 : f32
    %gt3A_61 = vector.broadcast %gt3A_60 : f32 to vector<3584x256xf32>
    %gt3A_62 = arith.cmpf ogt, %add3A_59, %gt3A_61 : vector<3584x256xf32>
    %mul3A_63 = arith.constant 0.00999999977 : f32
    %mul3A_64 = vector.broadcast %mul3A_63 : f32 to vector<3584x256xf32>
    %mul3A_65 = arith.mulf %mul3A_64, %add3A_59 : vector<3584x256xf32>
    %select_n3A_66 = arith.select %gt3A_62, %add3A_59, %mul3A_65 : vector<3584x256xi1>, vector<3584x256xf32>
    %get3A_67 = arith.constant 0 : index
    %get3A_68 = arith.constant 0 : index
    %get3A_69 = vector.load %arg9[%get3A_67, %get3A_68] : memref<256x16xf32, #tpu.memory_space<vmem>>, vector<256x16xf32>
    %dot_general3A_70 = arith.constant dense<0.000000e+00> : vector<3584x16xf32>
    %dot_general3A_71 = tpu.matmul %select_n3A_66, %get3A_69, %dot_general3A_70 {dimension_numbers = #tpu.dot_dimension_numbers<[1], [0], [0], [1], [0, 0, 1, 1], [], []>, transpose_lhs_hint = false} : vector<3584x256xf32>, vector<256x16xf32>, vector<3584x16xf32> -> vector<3584x16xf32>
    %get3A_72 = arith.constant 0 : index
    %get3A_73 = arith.constant 0 : index
    %get3A_74 = vector.load %arg10[%get3A_72, %get3A_73] : memref<1x16xf32, #tpu.memory_space<vmem>>, vector<1x16xf32>
    %add3A_75 = vector.broadcast %get3A_74 : vector<1x16xf32> to vector<3584x16xf32>
    %add3A_76 = arith.addf %dot_general3A_71, %add3A_75 : vector<3584x16xf32>
    %gt3A_77 = arith.constant 0.000000e+00 : f32
    %gt3A_78 = vector.broadcast %gt3A_77 : f32 to vector<3584x16xf32>
    %gt3A_79 = arith.cmpf ogt, %add3A_76, %gt3A_78 : vector<3584x16xf32>
    %mul3A_80 = arith.constant 0.00999999977 : f32
    %mul3A_81 = vector.broadcast %mul3A_80 : f32 to vector<3584x16xf32>
    %mul3A_82 = arith.mulf %mul3A_81, %add3A_76 : vector<3584x16xf32>
    %select_n3A_83 = arith.select %gt3A_79, %add3A_76, %mul3A_82 : vector<3584x16xi1>, vector<3584x16xf32>
    %get3A_84 = arith.constant 0 : index
    %get3A_85 = arith.constant 0 : index
    %get3A_86 = vector.load %arg11[%get3A_84, %get3A_85] : memref<16x8xf32, #tpu.memory_space<vmem>>, vector<16x8xf32>
    %dot_general3A_87 = arith.constant dense<0.000000e+00> : vector<3584x8xf32>
    %dot_general3A_88 = tpu.matmul %select_n3A_83, %get3A_86, %dot_general3A_87 {dimension_numbers = #tpu.dot_dimension_numbers<[1], [0], [0], [1], [0, 0, 1, 1], [], []>, transpose_lhs_hint = false} : vector<3584x16xf32>, vector<16x8xf32>, vector<3584x8xf32> -> vector<3584x8xf32>
    %get3A_89 = arith.constant 0 : index
    %get3A_90 = arith.constant 0 : index
    %get3A_91 = vector.load %arg12[%get3A_89, %get3A_90] : memref<1x8xf32, #tpu.memory_space<vmem>>, vector<1x8xf32>
    %add3A_92 = vector.broadcast %get3A_91 : vector<1x8xf32> to vector<3584x8xf32>
    %add3A_93 = arith.addf %dot_general3A_88, %add3A_92 : vector<3584x8xf32>
    %slice3A_94 = vector.extract_strided_slice %add3A_93 {offsets = [0, 0], sizes = [3584, 1], strides = [1, 1]} : vector<3584x8xf32> to vector<3584x1xf32>
    %neg3A = arith.constant 0.000000e+00 : f32
    %neg3A_95 = vector.broadcast %neg3A : f32 to vector<3584x1xf32>
    %neg3A_96 = arith.subf %neg3A_95, %slice3A_94 : vector<3584x1xf32>
    %exp3A_97 = math.exp %neg3A_96 : vector<3584x1xf32>
    %add3A_98 = arith.constant 1.000000e+00 : f32
    %add3A_99 = vector.broadcast %add3A_98 : f32 to vector<3584x1xf32>
    %add3A_100 = arith.addf %add3A_99, %exp3A_97 : vector<3584x1xf32>
    %div3A_101 = arith.constant 1.000000e+00 : f32
    %div3A_102 = vector.broadcast %div3A_101 : f32 to vector<3584x1xf32>
    %div3A_103 = arith.divf %div3A_102, %add3A_100 : vector<3584x1xf32>
    %swap3A = arith.constant 0 : index
    %swap3A_104 = arith.constant 0 : index
    %swap3A_105 = vector.load %arg13[%swap3A, %swap3A_104] : memref<3584x1xf32, #tpu.memory_space<vmem>>, vector<3584x1xf32>
    tpu.vector_store %arg13[%swap3A, %swap3A_104], %div3A_103 {strides = array<i32>} : memref<3584x1xf32, #tpu.memory_space<vmem>>, vector<3584x1xf32>,
    return
  }
  func.func @transform_0(%arg0: i32) -> (i32, i32, i32) {
    %c0_i32 = arith.constant 0 : i32
    %c0_i32_0 = arith.constant 0 : i32
    %c0_i32_1 = arith.constant 0 : i32
    return %c0_i32, %arg0, %c0_i32_0 : i32, i32, i32
  }
  func.func @transform_1(%arg0: i32) -> (i32, i32) {
    %c0_i32 = arith.constant 0 : i32
    %c0_i32_0 = arith.constant 0 : i32
    return %arg0, %c0_i32 : i32, i32
  }
  func.func @transform_2(%arg0: i32) -> (i32, i32) {
    %c0_i32 = arith.constant 0 : i32
    %c0_i32_0 = arith.constant 0 : i32
    return %arg0, %c0_i32 : i32, i32
  }
  func.func @transform_3(%arg0: i32) -> (i32, i32) {
    %c0_i32 = arith.constant 0 : i32
    %c0_i32_0 = arith.constant 0 : i32
    return %arg0, %c0_i32 : i32, i32
  }
  func.func @transform_4(%arg0: i32) -> (i32, i32) {
    %c0_i32 = arith.constant 0 : i32
    %c0_i32_0 = arith.constant 0 : i32
    %c0_i32_1 = arith.constant 0 : i32
    return %c0_i32, %c0_i32_0 : i32, i32
  }
  func.func @transform_5(%arg0: i32) -> (i32, i32) {
    %c0_i32 = arith.constant 0 : i32
    %c0_i32_0 = arith.constant 0 : i32
    %c0_i32_1 = arith.constant 0 : i32
    return %c0_i32, %c0_i32_0 : i32, i32
  }
  func.func @transform_6(%arg0: i32) -> (i32, i32) {
    %c0_i32 = arith.constant 0 : i32
    %c0_i32_0 = arith.constant 0 : i32
    %c0_i32_1 = arith.constant 0 : i32
    return %c0_i32, %c0_i32_0 : i32, i32
  }
  func.func @transform_7(%arg0: i32) -> (i32, i32) {
    %c0_i32 = arith.constant 0 : i32
    %c0_i32_0 = arith.constant 0 : i32
    %c0_i32_1 = arith.constant 0 : i32
    return %c0_i32, %c0_i32_0 : i32, i32
  }
  func.func @transform_8(%arg0: i32) -> (i32, i32) {
    %c0_i32 = arith.constant 0 : i32
    %c0_i32_0 = arith.constant 0 : i32
    %c0_i32_1 = arith.constant 0 : i32
    return %c0_i32, %c0_i32_0 : i32, i32
  }
  func.func @transform_9(%arg0: i32) -> (i32, i32) {
    %c0_i32 = arith.constant 0 : i32
    %c0_i32_0 = arith.constant 0 : i32
    %c0_i32_1 = arith.constant 0 : i32
    return %c0_i32, %c0_i32_0 : i32, i32
  }
  func.func @transform_10(%arg0: i32) -> (i32, i32) {
    %c0_i32 = arith.constant 0 : i32
    %c0_i32_0 = arith.constant 0 : i32
    %c0_i32_1 = arith.constant 0 : i32
    return %c0_i32, %c0_i32_0 : i32, i32
  }
  func.func @transform_11(%arg0: i32) -> (i32, i32) {
    %c0_i32 = arith.constant 0 : i32
    %c0_i32_0 = arith.constant 0 : i32
    %c0_i32_1 = arith.constant 0 : i32
    return %c0_i32, %c0_i32_0 : i32, i32
  }
  func.func @transform_12(%arg0: i32) -> (i32, i32) {
    %c0_i32 = arith.constant 0 : i32
    %c0_i32_0 = arith.constant 0 : i32
    return %arg0, %c0_i32 : i32, i32
  }
}

</mosaic_0001>

<sc_bundles>
// kernel: kernel.10.cloned.1.call-start
scs
__scs_entry_jumppad:
0x0: {  	(pc) =	sbr.rel $0x88, $3  }
0x1: {  	(tag) =	ssettag $0x0;
	lr =	simm.s32 $0x1  }
0x2: {  	[smem:$0x3F82] =	sst lr;
	_ =	strace $0xD0000000  }
0x3: {  	_ = 	snop  }
0x4: {  	_ = 	snop  }
0x5: {  	_ = 	snop  }
0x6: {  	_ = 	snop  }
0x7: {  	_ = 	snop  }
__scs_overlays_trampoline_lowered:
0x8: {  	[smem:$0x3F91] =	sst s0  }
0x9: {  	[smem:$0x3F92] =	sst s1  }
0xa: {  	[smem:$0x3F93] =	sst s2  }
0xb: {  	[smem:$0x3F94] =	sst s3  }
0xc: {  	[smem:$0x3F95] =	sst s4  }
0xd: {  	[smem:$0x3F96] =	sst s5  }
0xe: {  	[smem:$0x3F97] =	sst s6  }
0xf: {  	[smem:$0x3F98] =	sst s7  }
0x10: {  	[smem:$0x3F99] =	sst s8  }
0x11: {  	[smem:$0x3F9A] =	sst s9;
	s0 =	simm.s32 @!p0 $0x0  }
0x12: {  	s1 =	sld [smem:$0x3F80];
	s0 =	simm.s32 @p0 $0x1  }
0x13: {  	[smem:$0x3F9B] =	sst s0;
	s0 =	simm.s32 @!p1 $0x0  }
0x14: {  	s2 =	sld [smem:$0x3F7F];
	s0 =	simm.s32 @p1 $0x1  }
0x15: {  	[smem:$0x3F9C] =	sst s0;
	s0 =	simm.s32 @!p2 $0x0  }
0x16: {  	s3 =	sld [smem:$0x3FDB];
	s0 =	simm.s32 @p2 $0x1  }
0x17: {  	s4 =	simm.s32 $0x1BF5;
	[smem:$0x3F9E] =	sst s0  }
0x18: {  	s0 =	sld [smem:$0x3F81];
	_ =	swait.ge [sflag:s4], $0x0  }
0x19: {  	s7 =	sld [smem:$0x3F82]  }
0x1a: {  	s8 =	sadd.s32 $0xFFFFE003, lr  }
0x1b: {  	s9 =	sadd.s32 $0xFFFFFEF7, lr;
	s5 =	simm.s32 $0xFFFFFFFF;
	p2 =	slt.u32 s8, $0xFFFFF086  }
0x1c: {  	p1 =	slt.u32 s9, $0xF7A;
	s5 =	simm.s32 @!p2 $0x0  }
0x1d: {  	s5 =	simm.s32 @p1 $0x1;
	p0 =	seq.s32 s7, s2  }
0x1e: {  	s7 =	smul.u32 @!p0 $0xF7A, s2;
	p2 =	seq.s32 @!p0 s5, $0x0  }
0x1f: {  	s9 =	smul.u32 $0xF7A, s1;
	s8 =	simm.s32 @!p0 $0x1BF5;
	p2 =	por !p2, p0  }
0x20: {  	[sflag:s8] =	ssyncset.s32 @!p0 $0xFFFFF086;
	s6 =	sadd.s32 @!p0 s3, s7;
	s7 =	simm.s32 @!p0 $0x108  }
0x21: {  	s3 =	sadd.s32 s3, s9;
	s6 =	sadd.s32 @!p0 $0x88, s6;
	s7 =	simm.s32 @p2 $0x1082  }
0x22: {  	[simem:s7], [sflag:s8] =	dma.local @!p0 [hbm:s6], $0xF7A  }
0x23: {  	s9 =	sor.u32 $0xD0000000, s2;
	s6 =	simm.s32 $0x108;
	_ =	swait.ge @!p0 [sflag:s8], $0x0  }
0x24: {  	s3 =	sadd.s32 $0x88, s3;
	s6 =	simm.s32 @!p1 $0x1082;
	[sflag:s4] =	ssyncset.s32 $0xFFFFF086  }
0x25: {  	[simem:s6], [sflag:s4] =	dma.local [hbm:s3], $0xF7A  }
0x26: {  	[smem:$0x3F82] =	sst s1;
	(tag) =	ssettag s2;
	_ =	strace s9  }
0x27: {  	s1 =	sld [smem:$0x3F92]  }
0x28: {  	s2 =	sld [smem:$0x3F93]  }
0x29: {  	s4 =	sld [smem:$0x3F95]  }
0x2a: {  	p0 =	seq.s32 s5, $0x0;
	s5 =	sld [smem:$0x3F96]  }
0x2b: {  	s6 =	sld [smem:$0x3F97]  }
0x2c: {  	s7 =	sld [smem:$0x3F98]  }
0x2d: {  	s3 =	simm.s32 $0x108;
	s8 =	sld [smem:$0x3F99]  }
0x2e: {  	s3 =	simm.s32 @!p0 $0x1082;
	s9 =	sld [smem:$0x3F9A]  }
0x2f: {  	lr =	sadd.s32 s0, s3;
	s0 =	sld [smem:$0x3F91]  }
0x30: {  	s3 =	sld [smem:$0x3F94]  }
0x31: {  	[smem:$0x3F9D] =	sst s10  }
0x32: {  	s10 =	sld [smem:$0x3F9B];
	_ =	sdelay $0x3  }
0x33: {  	p0 =	seq.s32 s10, $0x1;
	s10 =	sld [smem:$0x3F9D];
	_ =	sdelay $0x3  }
0x34: {  	[smem:$0x3F9D] =	sst s10  }
0x35: {  	s10 =	sld [smem:$0x3F9C];
	_ =	sdelay $0x3  }
0x36: {  	p1 =	seq.s32 s10, $0x1;
	s10 =	sld [smem:$0x3F9D];
	_ =	sdelay $0x3  }
0x37: {  	[smem:$0x3F9D] =	sst s10  }
0x38: {  	s10 =	sld [smem:$0x3F9E]  }
0x39: {  	_ = 	snop;
	(pc) =	sbr.ind lr, $3  }
0x3a: {  	_ = 	snop  }
0x3b: {  	_ = 	snop  }
0x3c: {  	p2 =	seq.s32 s10, $0x1;
	s10 =	sld [smem:$0x3F9D]  }
0x3d: {  	_ =	shalt  }
0x3e: {  	_ =	shalt  }
0x3f: {  	_ =	shalt  }
0x40: {  	_ =	shalt  }
0x41: {  	_ =	shalt  }
0x42: {  	_ =	shalt  }
0x43: {  	_ =	shalt  }
0x44: {  	_ =	shalt  }
0x45: {  	_ =	shalt  }
0x46: {  	_ =	shalt  }
0x47: {  	_ =	shalt  }
0x48: {  	_ =	shalt  }
0x49: {  	_ =	shalt  }
0x4a: {  	_ =	shalt  }
0x4b: {  	_ =	shalt  }
0x4c: {  	_ =	shalt  }
0x4d: {  	_ =	shalt  }
0x4e: {  	_ =	shalt  }
0x4f: {  	_ =	shalt  }
0x50: {  	_ =	shalt  }
0x51: {  	_ =	shalt  }
0x52: {  	_ =	shalt  }
0x53: {  	_ =	shalt  }
0x54: {  	_ =	shalt  }
0x55: {  	_ =	shalt  }
0x56: {  	_ =	shalt  }
0x57: {  	_ =	shalt  }
0x58: {  	_ =	shalt  }
0x59: {  	_ =	shalt  }
0x5a: {  	_ =	shalt  }
0x5b: {  	_ =	shalt  }
0x5c: {  	_ =	shalt  }
0x5d: {  	_ =	shalt  }
0x5e: {  	_ =	shalt  }
0x5f: {  	_ =	shalt  }
0x60: {  	_ =	shalt  }
0x61: {  	_ =	shalt  }
0x62: {  	_ =	shalt  }
0x63: {  	_ =	shalt  }
0x64: {  	_ =	shalt  }
0x65: {  	_ =	shalt  }
0x66: {  	_ =	shalt  }
0x67: {  	_ =	shalt  }
0x68: {  	_ =	shalt  }
0x69: {  	_ =	shalt  }
0x6a: {  	_ =	shalt  }
0x6b: {  	_ =	shalt  }
0x6c: {  	_ =	shalt  }
0x6d: {  	_ =	shalt  }
0x6e: {  	_ =	shalt  }
0x6f: {  	_ =	shalt  }
0x70: {  	_ =	shalt  }
0x71: {  	_ =	shalt  }
0x72: {  	_ =	shalt  }
0x73: {  	_ =	shalt  }
0x74: {  	_ =	shalt  }
0x75: {  	_ =	shalt  }
0x76: {  	_ =	shalt  }
0x77: {  	_ =	shalt  }
0x78: {  	_ =	shalt  }
0x79: {  	_ =	shalt  }
0x7a: {  	_ =	shalt  }
0x7b: {  	_ =	shalt  }
0x7c: {  	_ =	shalt  }
0x7d: {  	_ =	shalt  }
0x7e: {  	_ =	shalt  }
0x7f: {  	_ =	shalt  }
0x80: {  	_ =	shalt  }
0x81: {  	_ =	shalt  }
0x82: {  	_ =	shalt  }
0x83: {  	_ =	shalt  }
0x84: {  	_ =	shalt  }
0x85: {  	_ =	shalt  }
0x86: {  	_ =	shalt  }
0x87: {  	_ =	shalt  }
.Lfunc_end0:
.L_simem_size_0:
called_computation.1_lowered:
.L_overlay_start_0:
0x88: {  	s2 =	sld [smem:$0x3FD9]  }
0x89: {  	s3 =	sld [smem:$0x3FFE];
	_ =	sdelay $0x1  }
0x8a: {  	s1 =	srdreg.scid  }
0x8b: {  	s0 =	sand.u32 $0x1, s1  }
0x8c: {  	s17 =	sshll.u32 s0, $0xA;
	s2 =	sadd.s32 s3, s2  }
0x8d: {  	s2 =	sadd.s32 s2, s17  }
0x8e: {  	[smem:$0x3FA9] =	sst s2  }
0x8f: {  	_ = 	snop  }
0x90: {  	s2 =	sld [smem:$0x3FD0];
	(tm) =	ssettm $0x1  }
0x91: {  	s18 =	sld [smem:$0x3FFB];
	_ =	sdelay $0x3  }
0x92: {  	_ =	strace s18  }
0x93: {  	s3 =	sld [smem:$0x3FFC];
	_ =	sdelay $0x3  }
0x94: {  	_ =	strace s3  }
0x95: {  	s3 =	sld [smem:$0x3FFD];
	_ =	sdelay $0x3  }
0x96: {  	_ =	strace s3  }
0x97: {  	_ =	strace $0x8FFFFFFF  }
0x98: {  	s19 =	sld [smem:$0x3FDB];
	_ =	sdelay $0x1  }
0x99: {  	s4 =	simm.s32 $_scs_section_size  }
0x9a: {  	s5 =	simm.s32 $_size__tile_overlayer_lowered;
	s6 =	simm.s32 $_tile_overlayer_lowered  }
0x9b: {  	s22 =	simm.s32 $0x1BFF;
	s21 =	sshll.u32 s6, $0x1;
	s3 =	sadd.s32 s4, s19  }
0x9c: {  	s7 =	simm.s32 $0x0;
	s20 =	sshll.u32 s5, $0x1;
	s5 =	sadd.s32 s21, s3  }
0x9d: {  	[timem:s7], [sflag:s22] =	dma.local [hbm:s5], s20  }
0x9e: {  	_ =	swait.ge [sflag:s22], s20  }
0x9f: {  	s4 =	ssub.s32 $0x0, s20;
	[sflag:s22] =	ssyncset.done $0x0  }
0xa0: {  	[sflag:s22] =	ssyncadd.s32 s4;
	_ =	sdelay $0x1  }
0xa1: {  	s23 =	simm.s32 $0x1B8B  }
0xa2: {  	_ =	swait.ge [sflag:s23], $0x1  }
0xa3: {  	[sflag:s23] =	ssyncset.done $0x0  }
0xa4: {  	s25 =	simm.s32 $0x1B8E;
	s24 =	sld [smem:$0x3FFE];
	[sflag:s23] =	ssyncadd.s32 $0xFFFFFFFF  }
0xa5: {  	s26 =	simm.s32 $execute0_lowered;
	[smem:$0x3FD2] =	sst s25  }
0xa6: {  	s5 =	sshll.u32 s26, $0x1;
	_ =	strace $0x80000049;
	[dreg:$0x1] =	wrdreg $0xFFFFFFFF  }
0xa7: {  	s28 =	simm.s32 $_size_execute0_lowered;
	s3 =	sadd.s32 s3, s5;
	[dreg:$0x0] =	wrdreg $0x0  }
0xa8: {  	s5 =	sshll.u32 s28, $0x1;
	[dreg:$0x2] =	wrdreg s3  }
0xa9: {  	[dreg:$0x3] =	wrdreg s5  }
0xaa: {  	[dreg:$0x4] =	wrdreg $0xC0  }
0xab: {  	_ =	task [dreg:s7], $0x5FFFF  }
0xac: {  	[dreg:$0x1] =	wrdreg $0xFFFFFFFF  }
0xad: {  	[dreg:$0x0] =	wrdreg $0x60  }
0xae: {  	[dreg:$0x2] =	wrdreg s24  }
0xaf: {  	[dreg:$0x3] =	wrdreg s2  }
0xb0: {  	[dreg:$0x4] =	wrdreg $0xB8400  }
0xb1: {  	[dreg:$0x5] =	wrdreg $0x9  }
0xb2: {  	_ =	task.clear_ibuf [dreg:s7], $0x6FFFF;
	_ =	strace $0x90000049  }
0xb3: {  	s29 =	simm.s32 $0x9;
	_ =	strace $0x8000004B  }
0xb4: {  	_ =	swait.ge [sflag:s29], $0x1  }
0xb5: {  	[sflag:s29] =	ssyncadd.s32 $0xFFFFFFFF  }
0xb6: {  	_ =	strace $0x9000004B  }
0xb7: {  	_ =	sfence  }
0xb8: {  	s30 =	sld [smem:$0x0];
	_ =	sdelay $0x2  }
0xb9: {  	s31 =	sshll.u32 s1, $0xD;
	s1 =	sshrl.u32 s1, $0x2  }
0xba: {  	s3 =	sand.u32 $0x4000, s31;
	s1 =	sadd.s32 s1, s30  }
0xbb: {  	s0 =	sor.u32 s3, s0;
	s1 =	sshll.u32 s1, $0x11  }
0xbc: {  	s0 =	sor.u32 s1, s0  }
0xbd: {  	s0 =	sadd.s32 $0x8F2B, s0  }
0xbe: {  	[sflag:s0] =	ssyncadd.remote.s32 $0x1  }
0xbf: {  	_ =	sfence.sel $0xFFFF  }
0xc0: {  	[dreg:$0x0] =	wrdreg $0xFFFFFFFF;
	(pc) =	sbr.abs _section_cstart, $3  }
0xc1: {  	[dreg:$0x1] =	wrdreg $0xFFFFFFFF  }
0xc2: {  	_ =	task.clear_ibuf [dreg:s7], $0x2FFFF;
	_ =	strace $0x9FFFFFFF  }
0xc3: {  	(tm) =	ssettm $0x7FFFFFFF  }
tec
execute0_lowered:
.L_overlay_start_1:
0x0: {  	(tag) =	ssettag $0x1  }
0x1: {  	s0 =	rddreg [dreg:$0x0]  }
0x2: {  	s2 =	rddreg [dreg:$0x2]  }
0x3: {  	s3 =	simm.s32 $0x0;
	s1 =	srdreg.scid;
	s23 =	stileid.u32  }
0x4: {  	s13 =	simm.s32 $0x4;
	s15 =	simm.s32 $0x3;
	s16 =	simm.s32 $0x2  }
0x5: {  	s17 =	simm.s32 $0x1;
	s18 =	simm.s32 $0x1800;
	s19 =	simm.s32 $0x5800  }
0x6: {  	s20 =	simm.s32 $0x9800;
	s21 =	simm.s32 $0x80;
	s22 =	simm.s32 $0x9C00  }
0x7: {  	s28 =	simm.s32 $0xAC00;
	s29 =	simm.s32 $0xB000;
	s30 =	simm.s32 $0xB400  }
0x8: {  	s31 =	simm.s32 $0x0;
	[smem:$0x7FF] =	sst s3;
	s4 =	sadd.s32 $0x18B200, s0  }
0x9: {  	s1 =	sand.u32 $0x1, s1;
	s6 =	sadd.s32 $0x1BC200, s0;
	s7 =	sadd.s32 $0x2E5400, s0  }
0xa: {  	s11 =	smul.u32 $0xC400, s23;
	s9 =	sshll.u32 s23, $0x6;
	_ =	strace $0x8000004A  }
0xb: {  	s5 =	smul.u32 $0x18800, s1;
	s24 =	sshll.u32 s1, $0x4;
	s1 =	ssub.s32 $0x2, s1  }
0xc: {  	[dreg:$0x4] =	wrdreg s7;
	s8 =	sshrl.u32 s1, $0x1;
	s12 =	sadd.s32 s11, s2  }
0xd: {  	s26 =	sshrl.u32 s11, $0x3;
	s0 =	sadd.s32 s5, s0;
	s5 =	sor.u32 s23, s24  }
.Ltmp0:
0xe: {  	s1 =	ssub.s32 s1, s8;
	s8 =	sor.u32 $0x1C04, s9;
	(pc) =	sbr.rel .LBB2_1-.Ltmp0, $4  }
0xf: {  	s12 =	sshrl.u32 s12, $0x3;
	s10 =	smul.u32 $0x6200, s5;
	s1 =	smax.u32 s1, $0x1  }
0x10: {  	v0 =	vlaneseq.u32;
	s23 =	simm.s32 $0xA000;
	s0 =	sadd.s32 $0x280200, s0;
	[dreg:$0x6] =	wrdreg s1  }
0x11: {  	v0 =	vmul.u32 $0x8, v0;
	s24 =	sadd.s32 s26, s0;
	s26 =	simm.s32 $0xA800;
	s25 =	sadd.s32 s6, s10  }
0x12: {  	v1 =	vimm.f32 $0.0e+00;
	s10 =	smul.u32 $0x31000, s5;
	[dreg:$0x5] =	wrdreg s25;
	s25 =	simm.s32 $0xA400  }
.LBB2_27:
0x13: {  	_ =	swait.ge [sflag:s15], $0x2000  }
0x14: {  	[sflag:s15] =	ssyncset.done $0x0  }
0x15: {  	[sflag:s15] =	ssyncadd.s32 $0xFFFFE000  }
0x16: {  	_ =	swait.ge [sflag:s17], $0x800  }
0x17: {  	[sflag:s17] =	ssyncset.done $0x0  }
0x18: {  	[sflag:s17] =	ssyncadd.s32 $0xFFFFF800  }
0x19: {  	[bflag:$0x0] =	sbarrier.arrive $0xFFFF  }
0x1a: {  	[hbm:s24], [sflag:s8] =	dma.local [spmem:s12], $0x1880  }
0x1b: {  	_ =	swait.ge [sflag:s13], $0x1880  }
0x1c: {  	s31 =	sadd.s32 $0x1, s31;
	s0 =	rddreg [dreg:$0x6]  }
0x1d: {  	p0 =	sne.s32 s31, s0  }
.Ltmp1:
0x1e: {  	_ = 	snop;
	(pc) =	sbr.rel @!p0 .LBB2_28-.Ltmp1, $3  }
0x1f: {  	_ =	sdelay $0x1  }
0x20: {  	[sflag:s13] =	ssyncset.done $0x0  }
0x21: {  	[sflag:s13] =	ssyncadd.s32 $0xFFFFE780  }
.LBB2_1:
0x22: {  	s0 =	rddreg [dreg:$0x1]  }
0x23: {  	[spmem:s12], [sflag:s8] =	dma.local [hbm:s0], $0x1880  }
0x24: {  	_ =	swait.ge [sflag:s13], $0x1880  }
0x25: {  	[sflag:s13] =	ssyncset.done $0x0  }
0x26: {  	s1 =	simm.s32 $0xB800;
	s11 =	rddreg [dreg:$0x4];
	[sflag:s13] =	ssyncadd.s32 $0xFFFFE780  }
0x27: {  	[tilespmem:s1], [sflag:$0x4] =	stream.linear.gather [hbm4b:s11+s3], $0x40, $0x38;
	[tilespmem:$0x17C40] =	vst v63  }
0x28: {  	_ =	swait.ge [sflag:s13], $0x40  }
0x29: {  	[sflag:s13] =	ssyncset.done $0x0  }
0x2a: {  	[sflag:s13] =	ssyncadd.s32 $0xFFFFFFC0  }
0x2b: {  	[bflag:$0x0] =	sbarrier.arrive $0xFFFF  }
.Ltmp2:
0x2c: {  	s14 =	rddreg [dreg:$0x5];
	(pc) =	sbr.rel .LBB2_2-.Ltmp2, $4  }
0x2d: {  	[tilespmem:s3], [sflag:$0x4] =	stream.linear.gather [hbm4b:s14+s3], $0x800, $0x38;
	[tilespmem:$0x17C40] =	vst v63  }
0x2e: {  	_ =	swait.ge [sflag:s13], $0x800  }
0x2f: {  	[sflag:s13] =	ssyncset.done $0x0  }
0x30: {  	s5 =	simm.s32 $0x0;
	[sflag:s13] =	ssyncadd.s32 $0xFFFFF800  }
.LBB2_25:
0x31: {  	_ =	sdelay $0x3  }
0x32: {  	[tilespmem:v11+s20+$0x0] =	vst.idx.msk $0xffff, v14  }
0x33: {  	v48 =	vor.u32 v0, v15;
	v3 =	vor.u32 $0x7, v3;
	v6 =	vmul.f32 v14, v6;
	[tilespmem:v10+s20+$0x0] =	vst.idx.msk $0xffff, v13  }
0x34: {  	v5 =	vmul.f32 v14, v5;
	v2 =	vadd.s32 v2, v48;
	[tilespmem:v9+s20+$0x0] =	vst.idx.msk $0xffff, v12  }
0x35: {  	v49 =	vor.u32 $0x5, v2;
	[tilespmem:v8+s20+$0x0] =	vst.idx.msk $0xffff, v6  }
0x36: {  	v50 =	vor.u32 $0x6, v2;
	[tilespmem:v7+s20+$0x0] =	vst.idx.msk $0xffff, v5  }
0x37: {  	v51 =	vor.u32 $0x7, v2;
	[tilespmem:v4+s20+$0x0] =	vst.idx.msk $0xffff, v1  }
0x38: {  	v52 =	vor.u32 $0x3, v2;
	[tilespmem:v3+s20+$0x0] =	vst.idx.msk $0xffff, v1  }
0x39: {  	v53 =	vor.u32 $0x1, v2;
	v7 =	vld.idx.msk [tilespmem:v2+s18+$0x0], $0xffff  }
0x3a: {  	v3 =	vor.u32 $0x4, v2;
	v9 =	vld.idx.msk [tilespmem:v49+s19+$0x0], $0xffff  }
0x3b: {  	v2 =	vor.u32 $0x2, v2;
	v6 =	vld.idx.msk [tilespmem:v50+s19+$0x0], $0xffff  }
0x3c: {  	v5 =	vld.idx.msk [tilespmem:v51+s19+$0x0], $0xffff  }
0x3d: {  	v4 =	vld.idx.msk [tilespmem:v52+s18+$0x0], $0xffff  }
0x3e: {  	v8 =	vld.idx.msk [tilespmem:v53+s18+$0x0], $0xffff  }
0x3f: {  	v3 =	vld.idx.msk [tilespmem:v3+s19+$0x0], $0xffff  }
0x40: {  	v2 =	vld.idx.msk [tilespmem:v2+s18+$0x0], $0xffff;
	_ =	sdelay $0x1  }
0x41: {  	v10 =	vld [tilespmem:$0xB830]  }
0x42: {  	v12 =	vld [tilespmem:$0xB810];
	v5 =	vadd.f32 v5, v4  }
0x43: {  	v13 =	vld [tilespmem:$0xB800];
	v9 =	vadd.f32 v9, v8;
	v3 =	vadd.f32 v3, v7  }
0x44: {  	v16 =	vld [tilespmem:$0xB820];
	v54 =	vmul.f32 $2.000000030e-01, v5;
	vm0 =	vgt.f32 v5, $0.0e+00;
	v6 =	vadd.f32 v6, v2  }
0x45: {  	v17 =	vmul.f32 $2.000000030e-01, v9;
	vm14 =	vgt.f32 v9, $0.0e+00;
	v55 =	vmul.f32 $2.000000030e-01, v3  }
0x46: {  	v5 =	vsel vm0, v5, v54;
	vm1 =	vgt.f32 v3, $0.0e+00;
	v56 =	vmul.f32 $2.000000030e-01, v6  }
0x47: {  	v9 =	vsel vm14, v9, v17;
	vm15 =	vgt.f32 v6, $0.0e+00;
	v3 =	vsel vm1, v3, v55  }
0x48: {  	v9 =	vmul.f32 v12, v9;
	v6 =	vsel vm15, v6, v56;
	v3 =	vmul.f32 v13, v3  }
0x49: {  	v5 =	vmul.f32 v10, v5;
	v6 =	vmul.f32 v16, v6  }
0x4a: {  	v3 =	vadd.f32 v9, v3  }
0x4b: {  	v5 =	vadd.f32 v5, v6  }
0x4c: {  	v3 =	vmul.f32 $1.442695020e+00, v3  }
0x4d: {  	v5 =	vmul.f32 $1.442695020e+00, v5  }
0x4e: {  	(erf) = vpow2.f32 v3  }
0x4f: {  	(erf) = vpow2.f32 v5;
	_ =	sdelay $0x4  }
0x50: {  	v3 =	vor.u32 $0x1, v48  }
0x51: {  	v57 =	vor.u32 $0x2, v48  }
0x52: {  	v58 =	vor.u32 $0x3, v48  }
0x53: {  	v59 =	vor.u32 $0x4, v48;
	v60 =	vpop (erf)  }
0x54: {  	v61 =	vor.u32 $0x5, v48;
	v7 =	vmul.f32 v60, v7;
	[tilespmem:v48+s20+$0x0] =	vst.idx.msk $0xffff, v60;
	v62 =	vpop (erf)  }
0x55: {  	v63 =	vor.u32 $0x6, v48;
	v8 =	vmul.f32 v60, v8;
	[tilespmem:v3+s20+$0x0] =	vst.idx.msk $0xffff, v62  }
0x56: {  	v3 =	vor.u32 $0x7, v48;
	v2 =	vmul.f32 v62, v2;
	[tilespmem:v57+s20+$0x0] =	vst.idx.msk $0xffff, v7  }
0x57: {  	v4 =	vmul.f32 v62, v4;
	[tilespmem:v58+s20+$0x0] =	vst.idx.msk $0xffff, v8  }
0x58: {  	[tilespmem:v59+s20+$0x0] =	vst.idx.msk $0xffff, v2  }
0x59: {  	[tilespmem:v61+s20+$0x0] =	vst.idx.msk $0xffff, v4  }
0x5a: {  	[tilespmem:v63+s20+$0x0] =	vst.idx.msk $0xffff, v1  }
0x5b: {  	s1 =	sadd.s32 $0x780, s5;
	[tilespmem:v3+s20+$0x0] =	vst.idx.msk $0xffff, v1  }
0x5c: {  	[spmem:s2] =	stream.indirect.scatter.add.f32 [tilespmem:s30], [sflag:$0x3], $0x8, s1, s21, $0xb8;
	[tilespmem:$0x17C40] =	vst v63  }
.LBB2_26:
0x5d: {  	p0 =	sne.s32 s0, $0x63  }
.Ltmp3:
0x5e: {  	_ = 	snop;
	(pc) =	sbr.rel @!p0 .LBB2_27-.Ltmp3, $2  }
0x5f: {  	_ =	sdelay $0x2  }
0x60: {  	s5 =	smov.u32 s0  }
.LBB2_2:
0x61: {  	p0 =	slt.u32 s5, $0x2  }
.Ltmp4:
0x62: {  	_ = 	snop;
	(pc) =	sbr.rel @p0 .LBB2_6-.Ltmp4, $2  }
0x63: {  	_ =	sdelay $0x2  }
0x64: {  	s1 =	sand.u32 $0x1, s5;
	s0 =	sadd.s32 $0x1, s5  }
.Ltmp5:
0x65: {  	(pc) =	sbr.rel .LBB2_4-.Ltmp5, $4  }
0x66: {  	_ = 	snop  }
0x67: {  	_ =	swait.ge [sflag:s15], $0x2000  }
0x68: {  	[sflag:s15] =	ssyncset.done $0x0  }
0x69: {  	[sflag:s15] =	ssyncadd.s32 $0xFFFFE000  }
.LBB2_6:
0x6a: {  	p0 =	seq.s32 s5, $0x0  }
.Ltmp6:
0x6b: {  	_ = 	snop;
	(pc) =	sbr.rel @p0 .LBB2_7-.Ltmp6, $1  }
0x6c: {  	_ =	sdelay $0x3  }
.LBB2_4:
0x6d: {  	_ =	swait.ge [sflag:s16], $0x2000;
	p0 =	seq.s32 s5, $0x62  }
.Ltmp7:
0x6e: {  	[sflag:s16] =	ssyncset.done $0x0;
	(pc) =	sbr.rel @p0 .LBB2_9-.Ltmp7, $4  }
0x6f: {  	[sflag:s16] =	ssyncadd.s32 $0xFFFFE000  }
0x70: {  	_ =	swait.ge [sflag:s16], $0x2000  }
0x71: {  	[sflag:s16] =	ssyncset.done $0x0  }
0x72: {  	[sflag:s16] =	ssyncadd.s32 $0xFFFFE000  }
.Ltmp8:
0x73: {  	(pc) =	sbr.rel .LBB2_8-.Ltmp8, $4  }
0x74: {  	_ = 	snop  }
0x75: {  	_ =	swait.ge [sflag:s17], $0x800  }
0x76: {  	[sflag:s17] =	ssyncset.done $0x0  }
0x77: {  	p0 =	por $0x0, $0x0;
	[sflag:s17] =	ssyncadd.s32 $0xFFFFF800  }
.LBB2_7:
0x78: {  	p0 =	por $0x1, $0x1  }
.LBB2_8:
0x79: {  	s14 =	smul.u32 $0xAB, s5;
	_ =	sdelay $0x1  }
0x7a: {  	s7 =	sadd.s32 $0xAB, s14  }
0x7b: {  	s7 =	sshrl.u32 s7, $0x9  }
0x7c: {  	s7 =	sand.u32 $0x7F, s7  }
0x7d: {  	s9 =	smin.u32 s0, $0x61;
	s14 =	sshrl.u32 s14, $0x9;
	s7 =	smul.u32 $0x3, s7  }
0x7e: {  	s9 =	sshll.u32 s9, $0xB;
	s14 =	sand.u32 $0x7F, s14  }
0x7f: {  	s9 =	sadd.s32 s10, s9;
	s14 =	smul.u32 $0x3, s14;
	s7 =	ssub.s32 s0, s7  }
0x80: {  	s9 =	sshrl.u32 s9, $0x3;
	s7 =	sand.u32 $0xFF, s7  }
0x81: {  	s9 =	sadd.s32 s6, s9;
	s14 =	ssub.s32 s5, s14;
	s7 =	sshll.u32 s7, $0xB  }
0x82: {  	[tilespmem:s7], [sflag:$0x1] =	stream.linear.gather [hbm4b:s9+s3], $0x800, $0x38;
	[tilespmem:$0x17C40] =	vst v63  }
0x83: {  	s14 =	sand.u32 $0xFF, s14;
	s9 =	sshll.u32 s1, $0xD  }
0x84: {  	s7 =	sshll.u32 s14, $0xB;
	s11 =	sor.u32 $0x1800, s9  }
0x85: {  	[tilespmem:s11], [sflag:$0x2] =	stream.indirect.gather [hbm4b:s4+s21], $0x8, s7, s21, $0xb8;
	[tilespmem:$0x17C40] =	vst v63  }
0x86: {  	s14 =	sor.u32 $0x5800, s9;
	s11 =	sor.u32 $0x80, s7  }
0x87: {  	[tilespmem:s14], [sflag:$0x2] =	stream.indirect.gather [hbm4b:s4+s21], $0x8, s11, s21, $0xb8;
	[tilespmem:$0x17C40] =	vst v63  }
0x88: {  	s11 =	sor.u32 $0x1C00, s9;
	s14 =	sor.u32 $0x100, s7  }
0x89: {  	[tilespmem:s11], [sflag:$0x2] =	stream.indirect.gather [hbm4b:s4+s21], $0x8, s14, s21, $0xb8;
	[tilespmem:$0x17C40] =	vst v63  }
0x8a: {  	s11 =	sor.u32 $0x5C00, s9;
	s14 =	sor.u32 $0x180, s7  }
0x8b: {  	[tilespmem:s11], [sflag:$0x2] =	stream.indirect.gather [hbm4b:s4+s21], $0x8, s14, s21, $0xb8;
	[tilespmem:$0x17C40] =	vst v63  }
0x8c: {  	s11 =	sadd.s32 $0x2000, s9;
	s14 =	sor.u32 $0x200, s7  }
0x8d: {  	[tilespmem:s11], [sflag:$0x2] =	stream.indirect.gather [hbm4b:s4+s21], $0x8, s14, s21, $0xb8;
	[tilespmem:$0x17C40] =	vst v63  }
0x8e: {  	s11 =	sadd.s32 $0x6000, s9;
	s14 =	sor.u32 $0x280, s7  }
0x8f: {  	[tilespmem:s11], [sflag:$0x2] =	stream.indirect.gather [hbm4b:s4+s21], $0x8, s14, s21, $0xb8;
	[tilespmem:$0x17C40] =	vst v63  }
0x90: {  	s11 =	sadd.s32 $0x2400, s9;
	s14 =	sor.u32 $0x300, s7  }
0x91: {  	[tilespmem:s11], [sflag:$0x2] =	stream.indirect.gather [hbm4b:s4+s21], $0x8, s14, s21, $0xb8;
	[tilespmem:$0x17C40] =	vst v63  }
0x92: {  	s11 =	sadd.s32 $0x6400, s9;
	s14 =	sor.u32 $0x380, s7  }
0x93: {  	[tilespmem:s11], [sflag:$0x2] =	stream.indirect.gather [hbm4b:s4+s21], $0x8, s14, s21, $0xb8;
	[tilespmem:$0x17C40] =	vst v63  }
0x94: {  	s11 =	sadd.s32 $0x2800, s9;
	s14 =	sor.u32 $0x400, s7  }
0x95: {  	[tilespmem:s11], [sflag:$0x2] =	stream.indirect.gather [hbm4b:s4+s21], $0x8, s14, s21, $0xb8;
	[tilespmem:$0x17C40] =	vst v63  }
0x96: {  	s11 =	sadd.s32 $0x6800, s9;
	s14 =	sor.u32 $0x480, s7  }
0x97: {  	[tilespmem:s11], [sflag:$0x2] =	stream.indirect.gather [hbm4b:s4+s21], $0x8, s14, s21, $0xb8;
	[tilespmem:$0x17C40] =	vst v63  }
0x98: {  	s11 =	sadd.s32 $0x2C00, s9;
	s14 =	sor.u32 $0x500, s7  }
0x99: {  	[tilespmem:s11], [sflag:$0x2] =	stream.indirect.gather [hbm4b:s4+s21], $0x8, s14, s21, $0xb8;
	[tilespmem:$0x17C40] =	vst v63  }
0x9a: {  	s11 =	sadd.s32 $0x6C00, s9;
	s14 =	sor.u32 $0x580, s7  }
0x9b: {  	[tilespmem:s11], [sflag:$0x2] =	stream.indirect.gather [hbm4b:s4+s21], $0x8, s14, s21, $0xb8;
	[tilespmem:$0x17C40] =	vst v63  }
0x9c: {  	s11 =	sadd.s32 $0x3000, s9;
	s14 =	sor.u32 $0x600, s7  }
0x9d: {  	[tilespmem:s11], [sflag:$0x2] =	stream.indirect.gather [hbm4b:s4+s21], $0x8, s14, s21, $0xb8;
	[tilespmem:$0x17C40] =	vst v63  }
0x9e: {  	s11 =	sadd.s32 $0x7000, s9;
	s14 =	sor.u32 $0x680, s7  }
0x9f: {  	[tilespmem:s11], [sflag:$0x2] =	stream.indirect.gather [hbm4b:s4+s21], $0x8, s14, s21, $0xb8;
	[tilespmem:$0x17C40] =	vst v63  }
.Ltmp9:
0xa0: {  	_ = 	snop;
	(pc) =	sbr.rel @p0 .LBB2_26-.Ltmp9, $4  }
0xa1: {  	s11 =	sadd.s32 $0x3400, s9;
	s14 =	sor.u32 $0x700, s7  }
0xa2: {  	[tilespmem:s11], [sflag:$0x2] =	stream.indirect.gather [hbm4b:s4+s21], $0x8, s14, s21, $0xb8;
	[tilespmem:$0x17C40] =	vst v63  }
0xa3: {  	s9 =	sadd.s32 $0x7400, s9;
	s7 =	sor.u32 $0x780, s7  }
0xa4: {  	[tilespmem:s9], [sflag:$0x2] =	stream.indirect.gather [hbm4b:s4+s21], $0x8, s7, s21, $0xb8;
	[tilespmem:$0x17C40] =	vst v63  }
.LBB2_9:
0xa5: {  	s1 =	sxor.u32 $0x1, s1  }
0xa6: {  	s11 =	simm.s32 $0x0;
	v2 =	vmov s1  }
0xa7: {  	v3 =	vmov s11;
	v2 =	vshll.u32 v2, $0xD  }
0xa8: {  	v3 =	vshll.u32 v3, $0x3;
	v2 =	vbroadcast v2, $0x0  }
0xa9: {  	v3 =	vor.u32 v0, v3  }
0xaa: {  	v4 =	vadd.s32 v2, v3  }
0xab: {  	v5 =	vor.u32 $0x5, v4  }
0xac: {  	v6 =	vor.u32 $0x6, v4  }
0xad: {  	v7 =	vor.u32 $0x7, v4  }
0xae: {  	v8 =	vor.u32 $0x3, v4  }
0xaf: {  	v9 =	vor.u32 $0x4, v4;
	v12 =	vld.idx.msk [tilespmem:v4+s18+$0x0], $0xffff  }
0xb0: {  	v10 =	vor.u32 $0x1, v4;
	v11 =	vld.idx.msk [tilespmem:v5+s19+$0x0], $0xffff  }
0xb1: {  	v4 =	vor.u32 $0x2, v4;
	v13 =	vld.idx.msk [tilespmem:v6+s19+$0x0], $0xffff  }
0xb2: {  	v7 =	vld.idx.msk [tilespmem:v7+s19+$0x0], $0xffff  }
0xb3: {  	v5 =	vld.idx.msk [tilespmem:v8+s18+$0x0], $0xffff  }
0xb4: {  	v8 =	vld.idx.msk [tilespmem:v9+s19+$0x0], $0xffff  }
0xb5: {  	v14 =	vld.idx.msk [tilespmem:v10+s18+$0x0], $0xffff  }
0xb6: {  	v6 =	vld.idx.msk [tilespmem:v4+s18+$0x0], $0xffff;
	_ =	sdelay $0x1  }
0xb7: {  	v17 =	vld [tilespmem:$0xB820]  }
0xb8: {  	v9 =	vld [tilespmem:$0xB810];
	v7 =	vadd.f32 v7, v5;
	v8 =	vadd.f32 v8, v12  }
0xb9: {  	v10 =	vadd.f32 v11, v14;
	v11 =	vld [tilespmem:$0xB800]  }
0xba: {  	v4 =	vld [tilespmem:$0xB830];
	v15 =	vmul.f32 $2.000000030e-01, v7;
	v16 =	vmul.f32 $2.000000030e-01, v8;
	v13 =	vadd.f32 v13, v6  }
0xbb: {  	vm0 =	vgt.f32 v7, $0.0e+00;
	vm1 =	vgt.f32 v8, $0.0e+00;
	v18 =	vmul.f32 $2.000000030e-01, v10  }
0xbc: {  	vm14 =	vgt.f32 v10, $0.0e+00;
	v7 =	vsel vm0, v7, v15;
	v15 =	vmul.f32 $2.000000030e-01, v13  }
0xbd: {  	v8 =	vsel vm1, v8, v16;
	v10 =	vsel vm14, v10, v18;
	vm15 =	vgt.f32 v13, $0.0e+00  }
0xbe: {  	v8 =	vmul.f32 v11, v8;
	v9 =	vmul.f32 v9, v10;
	v13 =	vsel vm15, v13, v15  }
0xbf: {  	v4 =	vmul.f32 v4, v7;
	v10 =	vmul.f32 v17, v13  }
0xc0: {  	v7 =	vadd.f32 v9, v8  }
0xc1: {  	v4 =	vadd.f32 v4, v10  }
0xc2: {  	v7 =	vmul.f32 $1.442695020e+00, v7  }
0xc3: {  	v4 =	vmul.f32 $1.442695020e+00, v4  }
0xc4: {  	(erf) = vpow2.f32 v7  }
0xc5: {  	(erf) = vpow2.f32 v4  }
0xc6: {  	s14 =	sadd.s32 $0x2, s5  }
0xc7: {  	s5 =	sand.u32 $0xFF, s14  }
0xc8: {  	s5 =	smul.u32 $0xAB, s5;
	_ =	sdelay $0x1  }
0xc9: {  	s5 =	sshrl.u32 s5, $0x9;
	v11 =	vor.u32 $0x1, v3  }
0xca: {  	s7 =	simm.s32 $0x10;
	s5 =	smul.u32 $0x3, s5;
	v10 =	vor.u32 $0x2, v3  }
0xcb: {  	v9 =	vor.u32 $0x3, v3;
	v13 =	vmov s7  }
0xcc: {  	s1 =	ssub.s32 s14, s5;
	v8 =	vor.u32 $0x4, v3;
	v15 =	vshll.u32 v13, $0x3;
	v7 =	vor.u32 $0x5, v3;
	v16 =	vpop (erf)  }
0xcd: {  	s5 =	sand.u32 $0xFF, s1;
	s1 =	simm.s32 $0x20;
	v4 =	vor.u32 $0x6, v3;
	v13 =	vmul.f32 v16, v12;
	v12 =	vmul.f32 v16, v14;
	[tilespmem:v3+s20+$0x0] =	vst.idx.msk $0xffff, v16;
	v14 =	vpop (erf)  }
.LBB2_10:
0xce: {  	p0 =	sne.s32 s1, $0x70;
	v5 =	vmul.f32 v14, v5;
	[tilespmem:v11+s20+$0x0] =	vst.idx.msk $0xffff, v14;
	v11 =	vor.u32 $0x7, v3;
	v3 =	vor.u32 v0, v15;
	s14 =	smov.u32 s1;
	s1 =	sadd.s32 $0x10, s1  }
0xcf: {  	v6 =	vmul.f32 v14, v6;
	v15 =	vadd.s32 v2, v3;
	v16 =	vor.u32 $0x6, v3;
	[tilespmem:v10+s20+$0x0] =	vst.idx.msk $0xffff, v13  }
0xd0: {  	v10 =	vor.u32 $0x1, v15;
	v13 =	vor.u32 $0x4, v15;
	v14 =	vor.u32 $0x5, v15;
	[tilespmem:v9+s20+$0x0] =	vst.idx.msk $0xffff, v12  }
0xd1: {  	v9 =	vor.u32 $0x2, v15;
	v12 =	vor.u32 $0x3, v15;
	v17 =	vor.u32 $0x6, v15;
	[tilespmem:v8+s20+$0x0] =	vst.idx.msk $0xffff, v6  }
0xd2: {  	v6 =	vor.u32 $0x7, v15;
	[tilespmem:v7+s20+$0x0] =	vst.idx.msk $0xffff, v5  }
0xd3: {  	[tilespmem:v4+s20+$0x0] =	vst.idx.msk $0xffff, v1;
	v4 =	vmov v16  }
0xd4: {  	[tilespmem:v11+s20+$0x0] =	vst.idx.msk $0xffff, v1  }
0xd5: {  	v16 =	vld.idx.msk [tilespmem:v15+s18+$0x0], $0xffff  }
0xd6: {  	v7 =	vld.idx.msk [tilespmem:v14+s19+$0x0], $0xffff  }
0xd7: {  	v8 =	vld.idx.msk [tilespmem:v17+s19+$0x0], $0xffff  }
0xd8: {  	v11 =	vld.idx.msk [tilespmem:v6+s19+$0x0], $0xffff  }
0xd9: {  	v5 =	vld.idx.msk [tilespmem:v12+s18+$0x0], $0xffff  }
0xda: {  	v12 =	vld.idx.msk [tilespmem:v13+s19+$0x0], $0xffff  }
0xdb: {  	v14 =	vld.idx.msk [tilespmem:v10+s18+$0x0], $0xffff  }
0xdc: {  	v6 =	vld.idx.msk [tilespmem:v9+s18+$0x0], $0xffff;
	_ =	sdelay $0x2  }
0xdd: {  	v9 =	vadd.f32 v11, v5;
	v10 =	vld [tilespmem:$0xB830]  }
0xde: {  	v11 =	vadd.f32 v12, v16;
	v12 =	vld [tilespmem:$0xB810]  }
0xdf: {  	v7 =	vadd.f32 v7, v14;
	v13 =	vmul.f32 $2.000000030e-01, v9;
	v15 =	vld [tilespmem:$0xB800]  }
0xe0: {  	vm0 =	vgt.f32 v9, $0.0e+00;
	v17 =	vmul.f32 $2.000000030e-01, v11;
	v8 =	vadd.f32 v8, v6;
	v18 =	vld [tilespmem:$0xB820]  }
0xe1: {  	vm1 =	vgt.f32 v11, $0.0e+00;
	v19 =	vmul.f32 $2.000000030e-01, v7;
	v9 =	vsel vm0, v9, v13  }
0xe2: {  	vm0 =	vgt.f32 v7, $0.0e+00;
	v11 =	vsel vm1, v11, v17;
	v13 =	vmul.f32 $2.000000030e-01, v8  }
0xe3: {  	v7 =	vsel vm0, v7, v19;
	vm0 =	vgt.f32 v8, $0.0e+00  }
0xe4: {  	v8 =	vsel vm0, v8, v13;
	v7 =	vmul.f32 v12, v7;
	v11 =	vmul.f32 v15, v11  }
0xe5: {  	v9 =	vmul.f32 v10, v9;
	v8 =	vmul.f32 v18, v8  }
0xe6: {  	v7 =	vadd.f32 v7, v11  }
0xe7: {  	v8 =	vadd.f32 v9, v8  }
0xe8: {  	v7 =	vmul.f32 $1.442695020e+00, v7  }
0xe9: {  	v8 =	vmul.f32 $1.442695020e+00, v8  }
0xea: {  	(erf) = vpow2.f32 v7  }
0xeb: {  	(erf) = vpow2.f32 v8;
	_ =	sdelay $0x4  }
.Ltmp10:
0xec: {  	v11 =	vor.u32 $0x1, v3;
	(pc) =	sbr.rel @p0 .LBB2_10-.Ltmp10, $4  }
0xed: {  	v10 =	vor.u32 $0x2, v3  }
0xee: {  	v9 =	vor.u32 $0x3, v3  }
0xef: {  	v12 =	vmov s14;
	v7 =	vor.u32 $0x5, v3;
	v8 =	vor.u32 $0x4, v3;
	v17 =	vpop (erf)  }
0xf0: {  	v15 =	vshll.u32 v12, $0x3;
	v13 =	vmul.f32 v17, v16;
	v12 =	vmul.f32 v17, v14;
	[tilespmem:v3+s20+$0x0] =	vst.idx.msk $0xffff, v17;
	v14 =	vpop (erf)  }
0xf1: {  	_ =	sdelay $0x3  }
0xf2: {  	[tilespmem:v11+s20+$0x0] =	vst.idx.msk $0xffff, v14  }
0xf3: {  	v11 =	vor.u32 v0, v15;
	v3 =	vor.u32 $0x7, v3;
	v6 =	vmul.f32 v14, v6;
	[tilespmem:v10+s20+$0x0] =	vst.idx.msk $0xffff, v13  }
0xf4: {  	v5 =	vmul.f32 v14, v5;
	v10 =	vadd.s32 v2, v11;
	[tilespmem:v9+s20+$0x0] =	vst.idx.msk $0xffff, v12  }
0xf5: {  	v9 =	vor.u32 $0x5, v10;
	[tilespmem:v8+s20+$0x0] =	vst.idx.msk $0xffff, v6  }
0xf6: {  	v6 =	vor.u32 $0x6, v10;
	[tilespmem:v7+s20+$0x0] =	vst.idx.msk $0xffff, v5  }
0xf7: {  	v8 =	vor.u32 $0x1, v10;
	[tilespmem:v4+s20+$0x0] =	vst.idx.msk $0xffff, v1  }
0xf8: {  	v5 =	vor.u32 $0x7, v10;
	[tilespmem:v3+s20+$0x0] =	vst.idx.msk $0xffff, v1  }
0xf9: {  	v4 =	vor.u32 $0x3, v10;
	v7 =	vld.idx.msk [tilespmem:v10+s18+$0x0], $0xffff  }
0xfa: {  	v3 =	vor.u32 $0x4, v10;
	v9 =	vld.idx.msk [tilespmem:v9+s19+$0x0], $0xffff  }
0xfb: {  	v10 =	vor.u32 $0x2, v10;
	v6 =	vld.idx.msk [tilespmem:v6+s19+$0x0], $0xffff  }
0xfc: {  	v8 =	vld.idx.msk [tilespmem:v8+s18+$0x0], $0xffff  }
0xfd: {  	v5 =	vld.idx.msk [tilespmem:v5+s19+$0x0], $0xffff  }
0xfe: {  	v4 =	vld.idx.msk [tilespmem:v4+s18+$0x0], $0xffff  }
0xff: {  	v3 =	vld.idx.msk [tilespmem:v3+s19+$0x0], $0xffff  }
0x100: {  	v10 =	vld.idx.msk [tilespmem:v10+s18+$0x0], $0xffff;
	_ =	sdelay $0x1  }
0x101: {  	v12 =	vld [tilespmem:$0xB830]  }
0x102: {  	v13 =	vld [tilespmem:$0xB810];
	v9 =	vadd.f32 v9, v8;
	v5 =	vadd.f32 v5, v4  }
0x103: {  	v14 =	vld [tilespmem:$0xB800];
	v3 =	vadd.f32 v3, v7  }
0x104: {  	v17 =	vld [tilespmem:$0xB820];
	v18 =	vmul.f32 $2.000000030e-01, v9;
	v15 =	vmul.f32 $2.000000030e-01, v5;
	v6 =	vadd.f32 v6, v10  }
0x105: {  	vm10 =	vgt.f32 v9, $0.0e+00;
	vm0 =	vgt.f32 v5, $0.0e+00;
	v16 =	vmul.f32 $2.000000030e-01, v3  }
0x106: {  	vm1 =	vgt.f32 v3, $0.0e+00;
	v5 =	vsel vm0, v5, v15;
	v15 =	vmul.f32 $2.000000030e-01, v6  }
0x107: {  	v9 =	vsel vm10, v9, v18;
	vm11 =	vgt.f32 v6, $0.0e+00;
	v3 =	vsel vm1, v3, v16  }
0x108: {  	v9 =	vmul.f32 v13, v9;
	v6 =	vsel vm11, v6, v15;
	v3 =	vmul.f32 v14, v3  }
0x109: {  	v5 =	vmul.f32 v12, v5;
	v6 =	vmul.f32 v17, v6  }
0x10a: {  	v3 =	vadd.f32 v9, v3  }
0x10b: {  	v5 =	vadd.f32 v5, v6  }
0x10c: {  	v3 =	vmul.f32 $1.442695020e+00, v3  }
0x10d: {  	v5 =	vmul.f32 $1.442695020e+00, v5  }
0x10e: {  	(erf) = vpow2.f32 v3  }
0x10f: {  	(erf) = vpow2.f32 v5;
	_ =	sdelay $0x4  }
0x110: {  	v3 =	vor.u32 $0x1, v11  }
0x111: {  	v5 =	vor.u32 $0x2, v11  }
0x112: {  	v6 =	vor.u32 $0x3, v11  }
0x113: {  	v9 =	vor.u32 $0x4, v11;
	v12 =	vpop (erf)  }
0x114: {  	s1 =	simm.s32 $0x80;
	v13 =	vor.u32 $0x5, v11;
	v7 =	vmul.f32 v12, v7;
	[tilespmem:v11+s20+$0x0] =	vst.idx.msk $0xffff, v12;
	v14 =	vpop (erf)  }
0x115: {  	v15 =	vor.u32 $0x6, v11;
	v8 =	vmul.f32 v12, v8;
	[tilespmem:v3+s20+$0x0] =	vst.idx.msk $0xffff, v14;
	v3 =	vmov s1  }
0x116: {  	v11 =	vor.u32 $0x7, v11;
	v10 =	vmul.f32 v14, v10;
	[tilespmem:v5+s20+$0x0] =	vst.idx.msk $0xffff, v7;
	v3 =	vshll.u32 v3, $0x3  }
0x117: {  	v4 =	vmul.f32 v14, v4;
	[tilespmem:v6+s20+$0x0] =	vst.idx.msk $0xffff, v8;
	v3 =	vor.u32 v0, v3  }
0x118: {  	[tilespmem:v9+s20+$0x0] =	vst.idx.msk $0xffff, v10;
	v5 =	vadd.s32 v2, v3  }
0x119: {  	[tilespmem:v13+s20+$0x0] =	vst.idx.msk $0xffff, v4;
	v4 =	vor.u32 $0x5, v5  }
0x11a: {  	s5 =	sshll.u32 s5, $0xB;
	v6 =	vor.u32 $0x6, v5;
	[tilespmem:v15+s20+$0x0] =	vst.idx.msk $0xffff, v1  }
0x11b: {  	s7 =	sor.u32 $0x80, s5;
	v7 =	vor.u32 $0x7, v5;
	[tilespmem:v11+s20+$0x0] =	vst.idx.msk $0xffff, v1  }
0x11c: {  	v8 =	vor.u32 $0x3, v5;
	[spmem:s2] =	stream.indirect.scatter.add.f32 [tilespmem:s20], [sflag:$0x3], $0x8, s7, s1, $0xb8;
	[tilespmem:$0x17C40] =	vst v63  }
0x11d: {  	v9 =	vor.u32 $0x4, v5;
	v12 =	vld.idx.msk [tilespmem:v5+s18+$0x0], $0xffff  }
0x11e: {  	v10 =	vor.u32 $0x1, v5;
	v4 =	vld.idx.msk [tilespmem:v4+s19+$0x0], $0xffff  }
0x11f: {  	v11 =	vor.u32 $0x2, v5;
	v13 =	vld.idx.msk [tilespmem:v6+s19+$0x0], $0xffff  }
0x120: {  	v7 =	vld.idx.msk [tilespmem:v7+s19+$0x0], $0xffff  }
0x121: {  	v5 =	vld.idx.msk [tilespmem:v8+s18+$0x0], $0xffff  }
0x122: {  	v8 =	vld.idx.msk [tilespmem:v9+s19+$0x0], $0xffff  }
0x123: {  	v14 =	vld.idx.msk [tilespmem:v10+s18+$0x0], $0xffff  }
0x124: {  	v6 =	vld.idx.msk [tilespmem:v11+s18+$0x0], $0xffff;
	_ =	sdelay $0x1  }
0x125: {  	v17 =	vld [tilespmem:$0xB820]  }
0x126: {  	v10 =	vld [tilespmem:$0xB810];
	v7 =	vadd.f32 v7, v5;
	v8 =	vadd.f32 v8, v12  }
0x127: {  	v11 =	vld [tilespmem:$0xB800];
	v4 =	vadd.f32 v4, v14  }
0x128: {  	v9 =	vld [tilespmem:$0xB830];
	v15 =	vmul.f32 $2.000000030e-01, v7;
	v16 =	vmul.f32 $2.000000030e-01, v8;
	v13 =	vadd.f32 v13, v6  }
0x129: {  	vm12 =	vgt.f32 v7, $0.0e+00;
	vm13 =	vgt.f32 v8, $0.0e+00;
	v63 =	vmul.f32 $2.000000030e-01, v4  }
0x12a: {  	vm14 =	vgt.f32 v4, $0.0e+00;
	v7 =	vsel vm12, v7, v15;
	v15 =	vmul.f32 $2.000000030e-01, v13  }
0x12b: {  	v8 =	vsel vm13, v8, v16;
	v4 =	vsel vm14, v4, v63;
	vm15 =	vgt.f32 v13, $0.0e+00  }
0x12c: {  	v8 =	vmul.f32 v11, v8;
	v4 =	vmul.f32 v10, v4;
	v13 =	vsel vm15, v13, v15  }
0x12d: {  	v7 =	vmul.f32 v9, v7;
	v10 =	vmul.f32 v17, v13  }
0x12e: {  	v4 =	vadd.f32 v4, v8  }
0x12f: {  	v7 =	vadd.f32 v7, v10  }
0x130: {  	v4 =	vmul.f32 $1.442695020e+00, v4  }
0x131: {  	v7 =	vmul.f32 $1.442695020e+00, v7  }
0x132: {  	(erf) = vpow2.f32 v4  }
0x133: {  	(erf) = vpow2.f32 v7;
	_ =	sdelay $0x4  }
0x134: {  	v11 =	vor.u32 $0x1, v3  }
0x135: {  	s14 =	simm.s32 $0x90;
	v10 =	vor.u32 $0x2, v3  }
0x136: {  	v9 =	vor.u32 $0x3, v3;
	v13 =	vmov s14  }
0x137: {  	v8 =	vor.u32 $0x4, v3;
	v15 =	vshll.u32 v13, $0x3;
	v4 =	vor.u32 $0x6, v3;
	v16 =	vpop (erf)  }
0x138: {  	s1 =	simm.s32 $0xA0;
	v7 =	vor.u32 $0x5, v3;
	v13 =	vmul.f32 v16, v12;
	v12 =	vmul.f32 v16, v14;
	[tilespmem:v3+s20+$0x0] =	vst.idx.msk $0xffff, v16;
	v14 =	vpop (erf)  }
.LBB2_12:
0x139: {  	p0 =	sne.s32 s1, $0xF0;
	v5 =	vmul.f32 v14, v5;
	[tilespmem:v11+s20+$0x0] =	vst.idx.msk $0xffff, v14;
	v11 =	vor.u32 $0x7, v3;
	v3 =	vor.u32 v0, v15;
	s14 =	smov.u32 s1;
	s1 =	sadd.s32 $0x10, s1  }
0x13a: {  	v6 =	vmul.f32 v14, v6;
	v15 =	vadd.s32 v2, v3;
	v16 =	vor.u32 $0x6, v3;
	[tilespmem:v10+s20+$0x0] =	vst.idx.msk $0xffff, v13  }
0x13b: {  	v10 =	vor.u32 $0x1, v15;
	v13 =	vor.u32 $0x4, v15;
	v14 =	vor.u32 $0x5, v15;
	[tilespmem:v9+s20+$0x0] =	vst.idx.msk $0xffff, v12  }
0x13c: {  	v9 =	vor.u32 $0x2, v15;
	v12 =	vor.u32 $0x3, v15;
	v17 =	vor.u32 $0x6, v15;
	[tilespmem:v8+s20+$0x0] =	vst.idx.msk $0xffff, v6  }
0x13d: {  	v6 =	vor.u32 $0x7, v15;
	[tilespmem:v7+s20+$0x0] =	vst.idx.msk $0xffff, v5  }
0x13e: {  	[tilespmem:v4+s20+$0x0] =	vst.idx.msk $0xffff, v1;
	v4 =	vmov v16  }
0x13f: {  	[tilespmem:v11+s20+$0x0] =	vst.idx.msk $0xffff, v1  }
0x140: {  	v16 =	vld.idx.msk [tilespmem:v15+s18+$0x0], $0xffff  }
0x141: {  	v7 =	vld.idx.msk [tilespmem:v14+s19+$0x0], $0xffff  }
0x142: {  	v8 =	vld.idx.msk [tilespmem:v17+s19+$0x0], $0xffff  }
0x143: {  	v11 =	vld.idx.msk [tilespmem:v6+s19+$0x0], $0xffff  }
0x144: {  	v5 =	vld.idx.msk [tilespmem:v12+s18+$0x0], $0xffff  }
0x145: {  	v12 =	vld.idx.msk [tilespmem:v13+s19+$0x0], $0xffff  }
0x146: {  	v14 =	vld.idx.msk [tilespmem:v10+s18+$0x0], $0xffff  }
0x147: {  	v6 =	vld.idx.msk [tilespmem:v9+s18+$0x0], $0xffff;
	_ =	sdelay $0x2  }
0x148: {  	v9 =	vadd.f32 v11, v5;
	v10 =	vld [tilespmem:$0xB830]  }
0x149: {  	v11 =	vadd.f32 v12, v16;
	v12 =	vld [tilespmem:$0xB810]  }
0x14a: {  	v7 =	vadd.f32 v7, v14;
	v13 =	vmul.f32 $2.000000030e-01, v9;
	v15 =	vld [tilespmem:$0xB800]  }
0x14b: {  	vm0 =	vgt.f32 v9, $0.0e+00;
	v17 =	vmul.f32 $2.000000030e-01, v11;
	v8 =	vadd.f32 v8, v6;
	v18 =	vld [tilespmem:$0xB820]  }
0x14c: {  	vm1 =	vgt.f32 v11, $0.0e+00;
	v19 =	vmul.f32 $2.000000030e-01, v7;
	v9 =	vsel vm0, v9, v13  }
0x14d: {  	vm0 =	vgt.f32 v7, $0.0e+00;
	v11 =	vsel vm1, v11, v17;
	v13 =	vmul.f32 $2.000000030e-01, v8  }
0x14e: {  	v7 =	vsel vm0, v7, v19;
	vm0 =	vgt.f32 v8, $0.0e+00  }
0x14f: {  	v8 =	vsel vm0, v8, v13;
	v7 =	vmul.f32 v12, v7;
	v11 =	vmul.f32 v15, v11  }
0x150: {  	v9 =	vmul.f32 v10, v9;
	v8 =	vmul.f32 v18, v8  }
0x151: {  	v7 =	vadd.f32 v7, v11  }
0x152: {  	v8 =	vadd.f32 v9, v8  }
0x153: {  	v7 =	vmul.f32 $1.442695020e+00, v7  }
0x154: {  	v8 =	vmul.f32 $1.442695020e+00, v8  }
0x155: {  	(erf) = vpow2.f32 v7  }
0x156: {  	(erf) = vpow2.f32 v8;
	_ =	sdelay $0x4  }
.Ltmp11:
0x157: {  	v11 =	vor.u32 $0x1, v3;
	(pc) =	sbr.rel @p0 .LBB2_12-.Ltmp11, $4  }
0x158: {  	v10 =	vor.u32 $0x2, v3  }
0x159: {  	v9 =	vor.u32 $0x3, v3  }
0x15a: {  	v12 =	vmov s14;
	v7 =	vor.u32 $0x5, v3;
	v8 =	vor.u32 $0x4, v3;
	v17 =	vpop (erf)  }
0x15b: {  	v15 =	vshll.u32 v12, $0x3;
	v13 =	vmul.f32 v17, v16;
	v12 =	vmul.f32 v17, v14;
	[tilespmem:v3+s20+$0x0] =	vst.idx.msk $0xffff, v17;
	v14 =	vpop (erf)  }
0x15c: {  	_ =	sdelay $0x3  }
0x15d: {  	[tilespmem:v11+s20+$0x0] =	vst.idx.msk $0xffff, v14  }
0x15e: {  	v11 =	vor.u32 v0, v15;
	v3 =	vor.u32 $0x7, v3;
	v6 =	vmul.f32 v14, v6;
	[tilespmem:v10+s20+$0x0] =	vst.idx.msk $0xffff, v13  }
0x15f: {  	v5 =	vmul.f32 v14, v5;
	v10 =	vadd.s32 v2, v11;
	[tilespmem:v9+s20+$0x0] =	vst.idx.msk $0xffff, v12  }
0x160: {  	v9 =	vor.u32 $0x5, v10;
	[tilespmem:v8+s20+$0x0] =	vst.idx.msk $0xffff, v6  }
0x161: {  	v6 =	vor.u32 $0x6, v10;
	[tilespmem:v7+s20+$0x0] =	vst.idx.msk $0xffff, v5  }
0x162: {  	v8 =	vor.u32 $0x1, v10;
	[tilespmem:v4+s20+$0x0] =	vst.idx.msk $0xffff, v1  }
0x163: {  	v5 =	vor.u32 $0x7, v10;
	[tilespmem:v3+s20+$0x0] =	vst.idx.msk $0xffff, v1  }
0x164: {  	v4 =	vor.u32 $0x3, v10;
	v7 =	vld.idx.msk [tilespmem:v10+s18+$0x0], $0xffff  }
0x165: {  	v3 =	vor.u32 $0x4, v10;
	v9 =	vld.idx.msk [tilespmem:v9+s19+$0x0], $0xffff  }
0x166: {  	v10 =	vor.u32 $0x2, v10;
	v6 =	vld.idx.msk [tilespmem:v6+s19+$0x0], $0xffff  }
0x167: {  	v8 =	vld.idx.msk [tilespmem:v8+s18+$0x0], $0xffff  }
0x168: {  	v5 =	vld.idx.msk [tilespmem:v5+s19+$0x0], $0xffff  }
0x169: {  	v4 =	vld.idx.msk [tilespmem:v4+s18+$0x0], $0xffff  }
0x16a: {  	v3 =	vld.idx.msk [tilespmem:v3+s19+$0x0], $0xffff  }
0x16b: {  	v10 =	vld.idx.msk [tilespmem:v10+s18+$0x0], $0xffff;
	_ =	sdelay $0x1  }
0x16c: {  	v12 =	vld [tilespmem:$0xB830]  }
0x16d: {  	v13 =	vld [tilespmem:$0xB810];
	v9 =	vadd.f32 v9, v8;
	v5 =	vadd.f32 v5, v4  }
0x16e: {  	v14 =	vld [tilespmem:$0xB800];
	v3 =	vadd.f32 v3, v7  }
0x16f: {  	v17 =	vld [tilespmem:$0xB820];
	v18 =	vmul.f32 $2.000000030e-01, v9;
	v15 =	vmul.f32 $2.000000030e-01, v5;
	v6 =	vadd.f32 v6, v10  }
0x170: {  	vm10 =	vgt.f32 v9, $0.0e+00;
	vm0 =	vgt.f32 v5, $0.0e+00;
	v16 =	vmul.f32 $2.000000030e-01, v3  }
0x171: {  	vm1 =	vgt.f32 v3, $0.0e+00;
	v5 =	vsel vm0, v5, v15;
	v15 =	vmul.f32 $2.000000030e-01, v6  }
0x172: {  	v9 =	vsel vm10, v9, v18;
	vm11 =	vgt.f32 v6, $0.0e+00;
	v3 =	vsel vm1, v3, v16  }
0x173: {  	v9 =	vmul.f32 v13, v9;
	v6 =	vsel vm11, v6, v15;
	v3 =	vmul.f32 v14, v3  }
0x174: {  	v5 =	vmul.f32 v12, v5;
	v6 =	vmul.f32 v17, v6  }
0x175: {  	v3 =	vadd.f32 v9, v3  }
0x176: {  	v5 =	vadd.f32 v5, v6  }
0x177: {  	v3 =	vmul.f32 $1.442695020e+00, v3  }
0x178: {  	v5 =	vmul.f32 $1.442695020e+00, v5  }
0x179: {  	(erf) = vpow2.f32 v3  }
0x17a: {  	(erf) = vpow2.f32 v5;
	_ =	sdelay $0x4  }
0x17b: {  	v3 =	vor.u32 $0x1, v11  }
0x17c: {  	v5 =	vor.u32 $0x2, v11  }
0x17d: {  	v6 =	vor.u32 $0x3, v11  }
0x17e: {  	v9 =	vor.u32 $0x4, v11;
	v12 =	vpop (erf)  }
0x17f: {  	s1 =	simm.s32 $0x100;
	v13 =	vor.u32 $0x5, v11;
	v7 =	vmul.f32 v12, v7;
	[tilespmem:v11+s20+$0x0] =	vst.idx.msk $0xffff, v12;
	v14 =	vpop (erf)  }
0x180: {  	v15 =	vor.u32 $0x6, v11;
	v8 =	vmul.f32 v12, v8;
	[tilespmem:v3+s20+$0x0] =	vst.idx.msk $0xffff, v14;
	v3 =	vmov s1  }
0x181: {  	v11 =	vor.u32 $0x7, v11;
	v10 =	vmul.f32 v14, v10;
	[tilespmem:v5+s20+$0x0] =	vst.idx.msk $0xffff, v7;
	v3 =	vshll.u32 v3, $0x3  }
0x182: {  	v4 =	vmul.f32 v14, v4;
	[tilespmem:v6+s20+$0x0] =	vst.idx.msk $0xffff, v8;
	v3 =	vor.u32 v0, v3  }
0x183: {  	[tilespmem:v9+s20+$0x0] =	vst.idx.msk $0xffff, v10;
	v5 =	vadd.s32 v2, v3  }
0x184: {  	[tilespmem:v13+s20+$0x0] =	vst.idx.msk $0xffff, v4;
	v4 =	vor.u32 $0x5, v5  }
0x185: {  	v6 =	vor.u32 $0x6, v5;
	[tilespmem:v15+s20+$0x0] =	vst.idx.msk $0xffff, v1  }
0x186: {  	s11 =	sadd.s32 $0x180, s5;
	v7 =	vor.u32 $0x7, v5;
	[tilespmem:v11+s20+$0x0] =	vst.idx.msk $0xffff, v1  }
0x187: {  	v8 =	vor.u32 $0x3, v5;
	[spmem:s2] =	stream.indirect.scatter.add.f32 [tilespmem:s22], [sflag:$0x3], $0x8, s11, s21, $0xb8;
	[tilespmem:$0x17C40] =	vst v63  }
0x188: {  	v9 =	vor.u32 $0x4, v5;
	v12 =	vld.idx.msk [tilespmem:v5+s18+$0x0], $0xffff  }
0x189: {  	v10 =	vor.u32 $0x1, v5;
	v4 =	vld.idx.msk [tilespmem:v4+s19+$0x0], $0xffff  }
0x18a: {  	v11 =	vor.u32 $0x2, v5;
	v13 =	vld.idx.msk [tilespmem:v6+s19+$0x0], $0xffff  }
0x18b: {  	v7 =	vld.idx.msk [tilespmem:v7+s19+$0x0], $0xffff  }
0x18c: {  	v5 =	vld.idx.msk [tilespmem:v8+s18+$0x0], $0xffff  }
0x18d: {  	v8 =	vld.idx.msk [tilespmem:v9+s19+$0x0], $0xffff  }
0x18e: {  	v14 =	vld.idx.msk [tilespmem:v10+s18+$0x0], $0xffff  }
0x18f: {  	v6 =	vld.idx.msk [tilespmem:v11+s18+$0x0], $0xffff;
	_ =	sdelay $0x1  }
0x190: {  	v17 =	vld [tilespmem:$0xB820]  }
0x191: {  	v10 =	vld [tilespmem:$0xB810];
	v7 =	vadd.f32 v7, v5;
	v8 =	vadd.f32 v8, v12  }
0x192: {  	v11 =	vld [tilespmem:$0xB800];
	v4 =	vadd.f32 v4, v14  }
0x193: {  	v9 =	vld [tilespmem:$0xB830];
	v15 =	vmul.f32 $2.000000030e-01, v7;
	v16 =	vmul.f32 $2.000000030e-01, v8;
	v13 =	vadd.f32 v13, v6  }
0x194: {  	vm12 =	vgt.f32 v7, $0.0e+00;
	vm13 =	vgt.f32 v8, $0.0e+00;
	v63 =	vmul.f32 $2.000000030e-01, v4  }
0x195: {  	vm14 =	vgt.f32 v4, $0.0e+00;
	v7 =	vsel vm12, v7, v15;
	v15 =	vmul.f32 $2.000000030e-01, v13  }
0x196: {  	v8 =	vsel vm13, v8, v16;
	v4 =	vsel vm14, v4, v63;
	vm15 =	vgt.f32 v13, $0.0e+00  }
0x197: {  	v8 =	vmul.f32 v11, v8;
	v4 =	vmul.f32 v10, v4;
	v13 =	vsel vm15, v13, v15  }
0x198: {  	v7 =	vmul.f32 v9, v7;
	v10 =	vmul.f32 v17, v13  }
0x199: {  	v4 =	vadd.f32 v4, v8  }
0x19a: {  	v7 =	vadd.f32 v7, v10  }
0x19b: {  	v4 =	vmul.f32 $1.442695020e+00, v4  }
0x19c: {  	v7 =	vmul.f32 $1.442695020e+00, v7  }
0x19d: {  	(erf) = vpow2.f32 v4  }
0x19e: {  	(erf) = vpow2.f32 v7;
	_ =	sdelay $0x4  }
0x19f: {  	v11 =	vor.u32 $0x1, v3  }
0x1a0: {  	s14 =	simm.s32 $0x110;
	v10 =	vor.u32 $0x2, v3  }
0x1a1: {  	v9 =	vor.u32 $0x3, v3;
	v13 =	vmov s14  }
0x1a2: {  	v8 =	vor.u32 $0x4, v3;
	v15 =	vshll.u32 v13, $0x3;
	v4 =	vor.u32 $0x6, v3;
	v16 =	vpop (erf)  }
0x1a3: {  	s1 =	simm.s32 $0x120;
	v7 =	vor.u32 $0x5, v3;
	v13 =	vmul.f32 v16, v12;
	v12 =	vmul.f32 v16, v14;
	[tilespmem:v3+s20+$0x0] =	vst.idx.msk $0xffff, v16;
	v14 =	vpop (erf)  }
.LBB2_14:
0x1a4: {  	p0 =	sne.s32 s1, $0x170;
	v5 =	vmul.f32 v14, v5;
	[tilespmem:v11+s20+$0x0] =	vst.idx.msk $0xffff, v14;
	v11 =	vor.u32 $0x7, v3;
	v3 =	vor.u32 v0, v15;
	s14 =	smov.u32 s1;
	s1 =	sadd.s32 $0x10, s1  }
0x1a5: {  	v6 =	vmul.f32 v14, v6;
	v15 =	vadd.s32 v2, v3;
	v16 =	vor.u32 $0x6, v3;
	[tilespmem:v10+s20+$0x0] =	vst.idx.msk $0xffff, v13  }
0x1a6: {  	v10 =	vor.u32 $0x1, v15;
	v13 =	vor.u32 $0x4, v15;
	v14 =	vor.u32 $0x5, v15;
	[tilespmem:v9+s20+$0x0] =	vst.idx.msk $0xffff, v12  }
0x1a7: {  	v9 =	vor.u32 $0x2, v15;
	v12 =	vor.u32 $0x3, v15;
	v17 =	vor.u32 $0x6, v15;
	[tilespmem:v8+s20+$0x0] =	vst.idx.msk $0xffff, v6  }
0x1a8: {  	v6 =	vor.u32 $0x7, v15;
	[tilespmem:v7+s20+$0x0] =	vst.idx.msk $0xffff, v5  }
0x1a9: {  	[tilespmem:v4+s20+$0x0] =	vst.idx.msk $0xffff, v1;
	v4 =	vmov v16  }
0x1aa: {  	[tilespmem:v11+s20+$0x0] =	vst.idx.msk $0xffff, v1  }
0x1ab: {  	v16 =	vld.idx.msk [tilespmem:v15+s18+$0x0], $0xffff  }
0x1ac: {  	v7 =	vld.idx.msk [tilespmem:v14+s19+$0x0], $0xffff  }
0x1ad: {  	v8 =	vld.idx.msk [tilespmem:v17+s19+$0x0], $0xffff  }
0x1ae: {  	v11 =	vld.idx.msk [tilespmem:v6+s19+$0x0], $0xffff  }
0x1af: {  	v5 =	vld.idx.msk [tilespmem:v12+s18+$0x0], $0xffff  }
0x1b0: {  	v12 =	vld.idx.msk [tilespmem:v13+s19+$0x0], $0xffff  }
0x1b1: {  	v14 =	vld.idx.msk [tilespmem:v10+s18+$0x0], $0xffff  }
0x1b2: {  	v6 =	vld.idx.msk [tilespmem:v9+s18+$0x0], $0xffff;
	_ =	sdelay $0x2  }
0x1b3: {  	v9 =	vadd.f32 v11, v5;
	v10 =	vld [tilespmem:$0xB830]  }
0x1b4: {  	v11 =	vadd.f32 v12, v16;
	v12 =	vld [tilespmem:$0xB810]  }
0x1b5: {  	v7 =	vadd.f32 v7, v14;
	v13 =	vmul.f32 $2.000000030e-01, v9;
	v15 =	vld [tilespmem:$0xB800]  }
0x1b6: {  	vm0 =	vgt.f32 v9, $0.0e+00;
	v17 =	vmul.f32 $2.000000030e-01, v11;
	v8 =	vadd.f32 v8, v6;
	v18 =	vld [tilespmem:$0xB820]  }
0x1b7: {  	vm1 =	vgt.f32 v11, $0.0e+00;
	v19 =	vmul.f32 $2.000000030e-01, v7;
	v9 =	vsel vm0, v9, v13  }
0x1b8: {  	vm0 =	vgt.f32 v7, $0.0e+00;
	v11 =	vsel vm1, v11, v17;
	v13 =	vmul.f32 $2.000000030e-01, v8  }
0x1b9: {  	v7 =	vsel vm0, v7, v19;
	vm0 =	vgt.f32 v8, $0.0e+00  }
0x1ba: {  	v8 =	vsel vm0, v8, v13;
	v7 =	vmul.f32 v12, v7;
	v11 =	vmul.f32 v15, v11  }
0x1bb: {  	v9 =	vmul.f32 v10, v9;
	v8 =	vmul.f32 v18, v8  }
0x1bc: {  	v7 =	vadd.f32 v7, v11  }
0x1bd: {  	v8 =	vadd.f32 v9, v8  }
0x1be: {  	v7 =	vmul.f32 $1.442695020e+00, v7  }
0x1bf: {  	v8 =	vmul.f32 $1.442695020e+00, v8  }
0x1c0: {  	(erf) = vpow2.f32 v7  }
0x1c1: {  	(erf) = vpow2.f32 v8;
	_ =	sdelay $0x4  }
.Ltmp12:
0x1c2: {  	v11 =	vor.u32 $0x1, v3;
	(pc) =	sbr.rel @p0 .LBB2_14-.Ltmp12, $4  }
0x1c3: {  	v10 =	vor.u32 $0x2, v3  }
0x1c4: {  	v9 =	vor.u32 $0x3, v3  }
0x1c5: {  	v12 =	vmov s14;
	v7 =	vor.u32 $0x5, v3;
	v8 =	vor.u32 $0x4, v3;
	v17 =	vpop (erf)  }
0x1c6: {  	v15 =	vshll.u32 v12, $0x3;
	v13 =	vmul.f32 v17, v16;
	v12 =	vmul.f32 v17, v14;
	[tilespmem:v3+s20+$0x0] =	vst.idx.msk $0xffff, v17;
	v14 =	vpop (erf)  }
0x1c7: {  	_ =	sdelay $0x3  }
0x1c8: {  	[tilespmem:v11+s20+$0x0] =	vst.idx.msk $0xffff, v14  }
0x1c9: {  	v11 =	vor.u32 v0, v15;
	v3 =	vor.u32 $0x7, v3;
	v6 =	vmul.f32 v14, v6;
	[tilespmem:v10+s20+$0x0] =	vst.idx.msk $0xffff, v13  }
0x1ca: {  	v5 =	vmul.f32 v14, v5;
	v10 =	vadd.s32 v2, v11;
	[tilespmem:v9+s20+$0x0] =	vst.idx.msk $0xffff, v12  }
0x1cb: {  	v9 =	vor.u32 $0x5, v10;
	[tilespmem:v8+s20+$0x0] =	vst.idx.msk $0xffff, v6  }
0x1cc: {  	v6 =	vor.u32 $0x6, v10;
	[tilespmem:v7+s20+$0x0] =	vst.idx.msk $0xffff, v5  }
0x1cd: {  	v8 =	vor.u32 $0x1, v10;
	[tilespmem:v4+s20+$0x0] =	vst.idx.msk $0xffff, v1  }
0x1ce: {  	v5 =	vor.u32 $0x7, v10;
	[tilespmem:v3+s20+$0x0] =	vst.idx.msk $0xffff, v1  }
0x1cf: {  	v4 =	vor.u32 $0x3, v10;
	v7 =	vld.idx.msk [tilespmem:v10+s18+$0x0], $0xffff  }
0x1d0: {  	v3 =	vor.u32 $0x4, v10;
	v9 =	vld.idx.msk [tilespmem:v9+s19+$0x0], $0xffff  }
0x1d1: {  	v10 =	vor.u32 $0x2, v10;
	v6 =	vld.idx.msk [tilespmem:v6+s19+$0x0], $0xffff  }
0x1d2: {  	v8 =	vld.idx.msk [tilespmem:v8+s18+$0x0], $0xffff  }
0x1d3: {  	v5 =	vld.idx.msk [tilespmem:v5+s19+$0x0], $0xffff  }
0x1d4: {  	v4 =	vld.idx.msk [tilespmem:v4+s18+$0x0], $0xffff  }
0x1d5: {  	v3 =	vld.idx.msk [tilespmem:v3+s19+$0x0], $0xffff  }
0x1d6: {  	v10 =	vld.idx.msk [tilespmem:v10+s18+$0x0], $0xffff;
	_ =	sdelay $0x1  }
0x1d7: {  	v12 =	vld [tilespmem:$0xB830]  }
0x1d8: {  	v13 =	vld [tilespmem:$0xB810];
	v9 =	vadd.f32 v9, v8;
	v5 =	vadd.f32 v5, v4  }
0x1d9: {  	v14 =	vld [tilespmem:$0xB800];
	v3 =	vadd.f32 v3, v7  }
0x1da: {  	v17 =	vld [tilespmem:$0xB820];
	v18 =	vmul.f32 $2.000000030e-01, v9;
	v15 =	vmul.f32 $2.000000030e-01, v5;
	v6 =	vadd.f32 v6, v10  }
0x1db: {  	vm10 =	vgt.f32 v9, $0.0e+00;
	vm0 =	vgt.f32 v5, $0.0e+00;
	v16 =	vmul.f32 $2.000000030e-01, v3  }
0x1dc: {  	vm1 =	vgt.f32 v3, $0.0e+00;
	v5 =	vsel vm0, v5, v15;
	v15 =	vmul.f32 $2.000000030e-01, v6  }
0x1dd: {  	v9 =	vsel vm10, v9, v18;
	vm11 =	vgt.f32 v6, $0.0e+00;
	v3 =	vsel vm1, v3, v16  }
0x1de: {  	v9 =	vmul.f32 v13, v9;
	v6 =	vsel vm11, v6, v15;
	v3 =	vmul.f32 v14, v3  }
0x1df: {  	v5 =	vmul.f32 v12, v5;
	v6 =	vmul.f32 v17, v6  }
0x1e0: {  	v3 =	vadd.f32 v9, v3  }
0x1e1: {  	v5 =	vadd.f32 v5, v6  }
0x1e2: {  	v3 =	vmul.f32 $1.442695020e+00, v3  }
0x1e3: {  	v5 =	vmul.f32 $1.442695020e+00, v5  }
0x1e4: {  	(erf) = vpow2.f32 v3  }
0x1e5: {  	(erf) = vpow2.f32 v5;
	_ =	sdelay $0x4  }
0x1e6: {  	v3 =	vor.u32 $0x1, v11  }
0x1e7: {  	v5 =	vor.u32 $0x2, v11  }
0x1e8: {  	v6 =	vor.u32 $0x3, v11  }
0x1e9: {  	v9 =	vor.u32 $0x4, v11;
	v12 =	vpop (erf)  }
0x1ea: {  	s1 =	simm.s32 $0x180;
	v13 =	vor.u32 $0x5, v11;
	v7 =	vmul.f32 v12, v7;
	[tilespmem:v11+s20+$0x0] =	vst.idx.msk $0xffff, v12;
	v14 =	vpop (erf)  }
0x1eb: {  	v15 =	vor.u32 $0x6, v11;
	v8 =	vmul.f32 v12, v8;
	[tilespmem:v3+s20+$0x0] =	vst.idx.msk $0xffff, v14;
	v3 =	vmov s1  }
0x1ec: {  	v11 =	vor.u32 $0x7, v11;
	v10 =	vmul.f32 v14, v10;
	[tilespmem:v5+s20+$0x0] =	vst.idx.msk $0xffff, v7;
	v3 =	vshll.u32 v3, $0x3  }
0x1ed: {  	v4 =	vmul.f32 v14, v4;
	[tilespmem:v6+s20+$0x0] =	vst.idx.msk $0xffff, v8;
	v3 =	vor.u32 v0, v3  }
0x1ee: {  	[tilespmem:v9+s20+$0x0] =	vst.idx.msk $0xffff, v10;
	v5 =	vadd.s32 v2, v3  }
0x1ef: {  	[tilespmem:v13+s20+$0x0] =	vst.idx.msk $0xffff, v4;
	v4 =	vor.u32 $0x5, v5  }
0x1f0: {  	v6 =	vor.u32 $0x6, v5;
	[tilespmem:v15+s20+$0x0] =	vst.idx.msk $0xffff, v1  }
0x1f1: {  	s11 =	sadd.s32 $0x280, s5;
	v7 =	vor.u32 $0x7, v5;
	[tilespmem:v11+s20+$0x0] =	vst.idx.msk $0xffff, v1  }
0x1f2: {  	v8 =	vor.u32 $0x3, v5;
	[spmem:s2] =	stream.indirect.scatter.add.f32 [tilespmem:s23], [sflag:$0x3], $0x8, s11, s21, $0xb8;
	[tilespmem:$0x17C40] =	vst v63  }
0x1f3: {  	v9 =	vor.u32 $0x4, v5;
	v12 =	vld.idx.msk [tilespmem:v5+s18+$0x0], $0xffff  }
0x1f4: {  	v10 =	vor.u32 $0x1, v5;
	v4 =	vld.idx.msk [tilespmem:v4+s19+$0x0], $0xffff  }
0x1f5: {  	v11 =	vor.u32 $0x2, v5;
	v13 =	vld.idx.msk [tilespmem:v6+s19+$0x0], $0xffff  }
0x1f6: {  	v7 =	vld.idx.msk [tilespmem:v7+s19+$0x0], $0xffff  }
0x1f7: {  	v5 =	vld.idx.msk [tilespmem:v8+s18+$0x0], $0xffff  }
0x1f8: {  	v8 =	vld.idx.msk [tilespmem:v9+s19+$0x0], $0xffff  }
0x1f9: {  	v14 =	vld.idx.msk [tilespmem:v10+s18+$0x0], $0xffff  }
0x1fa: {  	v6 =	vld.idx.msk [tilespmem:v11+s18+$0x0], $0xffff;
	_ =	sdelay $0x1  }
0x1fb: {  	v17 =	vld [tilespmem:$0xB820]  }
0x1fc: {  	v10 =	vld [tilespmem:$0xB810];
	v7 =	vadd.f32 v7, v5;
	v8 =	vadd.f32 v8, v12  }
0x1fd: {  	v11 =	vld [tilespmem:$0xB800];
	v4 =	vadd.f32 v4, v14  }
0x1fe: {  	v9 =	vld [tilespmem:$0xB830];
	v15 =	vmul.f32 $2.000000030e-01, v7;
	v16 =	vmul.f32 $2.000000030e-01, v8;
	v13 =	vadd.f32 v13, v6  }
0x1ff: {  	vm12 =	vgt.f32 v7, $0.0e+00;
	vm13 =	vgt.f32 v8, $0.0e+00;
	v63 =	vmul.f32 $2.000000030e-01, v4  }
0x200: {  	vm14 =	vgt.f32 v4, $0.0e+00;
	v7 =	vsel vm12, v7, v15;
	v15 =	vmul.f32 $2.000000030e-01, v13  }
0x201: {  	v8 =	vsel vm13, v8, v16;
	v4 =	vsel vm14, v4, v63;
	vm15 =	vgt.f32 v13, $0.0e+00  }
0x202: {  	v8 =	vmul.f32 v11, v8;
	v4 =	vmul.f32 v10, v4;
	v13 =	vsel vm15, v13, v15  }
0x203: {  	v7 =	vmul.f32 v9, v7;
	v10 =	vmul.f32 v17, v13  }
0x204: {  	v4 =	vadd.f32 v4, v8  }
0x205: {  	v7 =	vadd.f32 v7, v10  }
0x206: {  	v4 =	vmul.f32 $1.442695020e+00, v4  }
0x207: {  	v7 =	vmul.f32 $1.442695020e+00, v7  }
0x208: {  	(erf) = vpow2.f32 v4  }
0x209: {  	(erf) = vpow2.f32 v7;
	_ =	sdelay $0x4  }
0x20a: {  	v11 =	vor.u32 $0x1, v3  }
0x20b: {  	s14 =	simm.s32 $0x190;
	v10 =	vor.u32 $0x2, v3  }
0x20c: {  	v9 =	vor.u32 $0x3, v3;
	v13 =	vmov s14  }
0x20d: {  	v8 =	vor.u32 $0x4, v3;
	v15 =	vshll.u32 v13, $0x3;
	v4 =	vor.u32 $0x6, v3;
	v16 =	vpop (erf)  }
0x20e: {  	s1 =	simm.s32 $0x1A0;
	v7 =	vor.u32 $0x5, v3;
	v13 =	vmul.f32 v16, v12;
	v12 =	vmul.f32 v16, v14;
	[tilespmem:v3+s20+$0x0] =	vst.idx.msk $0xffff, v16;
	v14 =	vpop (erf)  }
.LBB2_16:
0x20f: {  	p0 =	sne.s32 s1, $0x1F0;
	v5 =	vmul.f32 v14, v5;
	[tilespmem:v11+s20+$0x0] =	vst.idx.msk $0xffff, v14;
	v11 =	vor.u32 $0x7, v3;
	v3 =	vor.u32 v0, v15;
	s14 =	smov.u32 s1;
	s1 =	sadd.s32 $0x10, s1  }
0x210: {  	v6 =	vmul.f32 v14, v6;
	v15 =	vadd.s32 v2, v3;
	v16 =	vor.u32 $0x6, v3;
	[tilespmem:v10+s20+$0x0] =	vst.idx.msk $0xffff, v13  }
0x211: {  	v10 =	vor.u32 $0x1, v15;
	v13 =	vor.u32 $0x4, v15;
	v14 =	vor.u32 $0x5, v15;
	[tilespmem:v9+s20+$0x0] =	vst.idx.msk $0xffff, v12  }
0x212: {  	v9 =	vor.u32 $0x2, v15;
	v12 =	vor.u32 $0x3, v15;
	v17 =	vor.u32 $0x6, v15;
	[tilespmem:v8+s20+$0x0] =	vst.idx.msk $0xffff, v6  }
0x213: {  	v6 =	vor.u32 $0x7, v15;
	[tilespmem:v7+s20+$0x0] =	vst.idx.msk $0xffff, v5  }
0x214: {  	[tilespmem:v4+s20+$0x0] =	vst.idx.msk $0xffff, v1;
	v4 =	vmov v16  }
0x215: {  	[tilespmem:v11+s20+$0x0] =	vst.idx.msk $0xffff, v1  }
0x216: {  	v16 =	vld.idx.msk [tilespmem:v15+s18+$0x0], $0xffff  }
0x217: {  	v7 =	vld.idx.msk [tilespmem:v14+s19+$0x0], $0xffff  }
0x218: {  	v8 =	vld.idx.msk [tilespmem:v17+s19+$0x0], $0xffff  }
0x219: {  	v11 =	vld.idx.msk [tilespmem:v6+s19+$0x0], $0xffff  }
0x21a: {  	v5 =	vld.idx.msk [tilespmem:v12+s18+$0x0], $0xffff  }
0x21b: {  	v12 =	vld.idx.msk [tilespmem:v13+s19+$0x0], $0xffff  }
0x21c: {  	v14 =	vld.idx.msk [tilespmem:v10+s18+$0x0], $0xffff  }
0x21d: {  	v6 =	vld.idx.msk [tilespmem:v9+s18+$0x0], $0xffff;
	_ =	sdelay $0x2  }
0x21e: {  	v9 =	vadd.f32 v11, v5;
	v10 =	vld [tilespmem:$0xB830]  }
0x21f: {  	v11 =	vadd.f32 v12, v16;
	v12 =	vld [tilespmem:$0xB810]  }
0x220: {  	v7 =	vadd.f32 v7, v14;
	v13 =	vmul.f32 $2.000000030e-01, v9;
	v15 =	vld [tilespmem:$0xB800]  }
0x221: {  	vm0 =	vgt.f32 v9, $0.0e+00;
	v17 =	vmul.f32 $2.000000030e-01, v11;
	v8 =	vadd.f32 v8, v6;
	v18 =	vld [tilespmem:$0xB820]  }
0x222: {  	vm1 =	vgt.f32 v11, $0.0e+00;
	v19 =	vmul.f32 $2.000000030e-01, v7;
	v9 =	vsel vm0, v9, v13  }
0x223: {  	vm0 =	vgt.f32 v7, $0.0e+00;
	v11 =	vsel vm1, v11, v17;
	v13 =	vmul.f32 $2.000000030e-01, v8  }
0x224: {  	v7 =	vsel vm0, v7, v19;
	vm0 =	vgt.f32 v8, $0.0e+00  }
0x225: {  	v8 =	vsel vm0, v8, v13;
	v7 =	vmul.f32 v12, v7;
	v11 =	vmul.f32 v15, v11  }
0x226: {  	v9 =	vmul.f32 v10, v9;
	v8 =	vmul.f32 v18, v8  }
0x227: {  	v7 =	vadd.f32 v7, v11  }
0x228: {  	v8 =	vadd.f32 v9, v8  }
0x229: {  	v7 =	vmul.f32 $1.442695020e+00, v7  }
0x22a: {  	v8 =	vmul.f32 $1.442695020e+00, v8  }
0x22b: {  	(erf) = vpow2.f32 v7  }
0x22c: {  	(erf) = vpow2.f32 v8;
	_ =	sdelay $0x4  }
.Ltmp13:
0x22d: {  	v11 =	vor.u32 $0x1, v3;
	(pc) =	sbr.rel @p0 .LBB2_16-.Ltmp13, $4  }
0x22e: {  	v10 =	vor.u32 $0x2, v3  }
0x22f: {  	v9 =	vor.u32 $0x3, v3  }
0x230: {  	v12 =	vmov s14;
	v7 =	vor.u32 $0x5, v3;
	v8 =	vor.u32 $0x4, v3;
	v17 =	vpop (erf)  }
0x231: {  	v15 =	vshll.u32 v12, $0x3;
	v13 =	vmul.f32 v17, v16;
	v12 =	vmul.f32 v17, v14;
	[tilespmem:v3+s20+$0x0] =	vst.idx.msk $0xffff, v17;
	v14 =	vpop (erf)  }
0x232: {  	_ =	sdelay $0x3  }
0x233: {  	[tilespmem:v11+s20+$0x0] =	vst.idx.msk $0xffff, v14  }
0x234: {  	v11 =	vor.u32 v0, v15;
	v3 =	vor.u32 $0x7, v3;
	v6 =	vmul.f32 v14, v6;
	[tilespmem:v10+s20+$0x0] =	vst.idx.msk $0xffff, v13  }
0x235: {  	v5 =	vmul.f32 v14, v5;
	v10 =	vadd.s32 v2, v11;
	[tilespmem:v9+s20+$0x0] =	vst.idx.msk $0xffff, v12  }
0x236: {  	v9 =	vor.u32 $0x5, v10;
	[tilespmem:v8+s20+$0x0] =	vst.idx.msk $0xffff, v6  }
0x237: {  	v6 =	vor.u32 $0x6, v10;
	[tilespmem:v7+s20+$0x0] =	vst.idx.msk $0xffff, v5  }
0x238: {  	v8 =	vor.u32 $0x1, v10;
	[tilespmem:v4+s20+$0x0] =	vst.idx.msk $0xffff, v1  }
0x239: {  	v5 =	vor.u32 $0x7, v10;
	[tilespmem:v3+s20+$0x0] =	vst.idx.msk $0xffff, v1  }
0x23a: {  	v4 =	vor.u32 $0x3, v10;
	v7 =	vld.idx.msk [tilespmem:v10+s18+$0x0], $0xffff  }
0x23b: {  	v3 =	vor.u32 $0x4, v10;
	v9 =	vld.idx.msk [tilespmem:v9+s19+$0x0], $0xffff  }
0x23c: {  	v10 =	vor.u32 $0x2, v10;
	v6 =	vld.idx.msk [tilespmem:v6+s19+$0x0], $0xffff  }
0x23d: {  	v8 =	vld.idx.msk [tilespmem:v8+s18+$0x0], $0xffff  }
0x23e: {  	v5 =	vld.idx.msk [tilespmem:v5+s19+$0x0], $0xffff  }
0x23f: {  	v4 =	vld.idx.msk [tilespmem:v4+s18+$0x0], $0xffff  }
0x240: {  	v3 =	vld.idx.msk [tilespmem:v3+s19+$0x0], $0xffff  }
0x241: {  	v10 =	vld.idx.msk [tilespmem:v10+s18+$0x0], $0xffff;
	_ =	sdelay $0x1  }
0x242: {  	v12 =	vld [tilespmem:$0xB830]  }
0x243: {  	v13 =	vld [tilespmem:$0xB810];
	v9 =	vadd.f32 v9, v8;
	v5 =	vadd.f32 v5, v4  }
0x244: {  	v14 =	vld [tilespmem:$0xB800];
	v3 =	vadd.f32 v3, v7  }
0x245: {  	v17 =	vld [tilespmem:$0xB820];
	v18 =	vmul.f32 $2.000000030e-01, v9;
	v15 =	vmul.f32 $2.000000030e-01, v5;
	v6 =	vadd.f32 v6, v10  }
0x246: {  	vm10 =	vgt.f32 v9, $0.0e+00;
	vm0 =	vgt.f32 v5, $0.0e+00;
	v16 =	vmul.f32 $2.000000030e-01, v3  }
0x247: {  	vm1 =	vgt.f32 v3, $0.0e+00;
	v5 =	vsel vm0, v5, v15;
	v15 =	vmul.f32 $2.000000030e-01, v6  }
0x248: {  	v9 =	vsel vm10, v9, v18;
	vm11 =	vgt.f32 v6, $0.0e+00;
	v3 =	vsel vm1, v3, v16  }
0x249: {  	v9 =	vmul.f32 v13, v9;
	v6 =	vsel vm11, v6, v15;
	v3 =	vmul.f32 v14, v3  }
0x24a: {  	v5 =	vmul.f32 v12, v5;
	v6 =	vmul.f32 v17, v6  }
0x24b: {  	v3 =	vadd.f32 v9, v3  }
0x24c: {  	v5 =	vadd.f32 v5, v6  }
0x24d: {  	v3 =	vmul.f32 $1.442695020e+00, v3  }
0x24e: {  	v5 =	vmul.f32 $1.442695020e+00, v5  }
0x24f: {  	(erf) = vpow2.f32 v3  }
0x250: {  	(erf) = vpow2.f32 v5;
	_ =	sdelay $0x4  }
0x251: {  	v3 =	vor.u32 $0x1, v11  }
0x252: {  	v5 =	vor.u32 $0x2, v11  }
0x253: {  	v6 =	vor.u32 $0x3, v11  }
0x254: {  	v9 =	vor.u32 $0x4, v11;
	v12 =	vpop (erf)  }
0x255: {  	s1 =	simm.s32 $0x200;
	v13 =	vor.u32 $0x5, v11;
	v7 =	vmul.f32 v12, v7;
	[tilespmem:v11+s20+$0x0] =	vst.idx.msk $0xffff, v12;
	v14 =	vpop (erf)  }
0x256: {  	v15 =	vor.u32 $0x6, v11;
	v8 =	vmul.f32 v12, v8;
	[tilespmem:v3+s20+$0x0] =	vst.idx.msk $0xffff, v14;
	v3 =	vmov s1  }
0x257: {  	v11 =	vor.u32 $0x7, v11;
	v10 =	vmul.f32 v14, v10;
	[tilespmem:v5+s20+$0x0] =	vst.idx.msk $0xffff, v7;
	v3 =	vshll.u32 v3, $0x3  }
0x258: {  	v4 =	vmul.f32 v14, v4;
	[tilespmem:v6+s20+$0x0] =	vst.idx.msk $0xffff, v8;
	v3 =	vor.u32 v0, v3  }
0x259: {  	[tilespmem:v9+s20+$0x0] =	vst.idx.msk $0xffff, v10;
	v5 =	vadd.s32 v2, v3  }
0x25a: {  	[tilespmem:v13+s20+$0x0] =	vst.idx.msk $0xffff, v4;
	v4 =	vor.u32 $0x5, v5  }
0x25b: {  	v6 =	vor.u32 $0x6, v5;
	[tilespmem:v15+s20+$0x0] =	vst.idx.msk $0xffff, v1  }
0x25c: {  	s11 =	sadd.s32 $0x380, s5;
	v7 =	vor.u32 $0x7, v5;
	[tilespmem:v11+s20+$0x0] =	vst.idx.msk $0xffff, v1  }
0x25d: {  	v8 =	vor.u32 $0x3, v5;
	[spmem:s2] =	stream.indirect.scatter.add.f32 [tilespmem:s25], [sflag:$0x3], $0x8, s11, s21, $0xb8;
	[tilespmem:$0x17C40] =	vst v63  }
0x25e: {  	v9 =	vor.u32 $0x4, v5;
	v12 =	vld.idx.msk [tilespmem:v5+s18+$0x0], $0xffff  }
0x25f: {  	v10 =	vor.u32 $0x1, v5;
	v4 =	vld.idx.msk [tilespmem:v4+s19+$0x0], $0xffff  }
0x260: {  	v11 =	vor.u32 $0x2, v5;
	v13 =	vld.idx.msk [tilespmem:v6+s19+$0x0], $0xffff  }
0x261: {  	v7 =	vld.idx.msk [tilespmem:v7+s19+$0x0], $0xffff  }
0x262: {  	v5 =	vld.idx.msk [tilespmem:v8+s18+$0x0], $0xffff  }
0x263: {  	v8 =	vld.idx.msk [tilespmem:v9+s19+$0x0], $0xffff  }
0x264: {  	v14 =	vld.idx.msk [tilespmem:v10+s18+$0x0], $0xffff  }
0x265: {  	v6 =	vld.idx.msk [tilespmem:v11+s18+$0x0], $0xffff;
	_ =	sdelay $0x1  }
0x266: {  	v17 =	vld [tilespmem:$0xB820]  }
0x267: {  	v10 =	vld [tilespmem:$0xB810];
	v7 =	vadd.f32 v7, v5;
	v8 =	vadd.f32 v8, v12  }
0x268: {  	v11 =	vld [tilespmem:$0xB800];
	v4 =	vadd.f32 v4, v14  }
0x269: {  	v9 =	vld [tilespmem:$0xB830];
	v15 =	vmul.f32 $2.000000030e-01, v7;
	v16 =	vmul.f32 $2.000000030e-01, v8;
	v13 =	vadd.f32 v13, v6  }
0x26a: {  	vm12 =	vgt.f32 v7, $0.0e+00;
	vm13 =	vgt.f32 v8, $0.0e+00;
	v63 =	vmul.f32 $2.000000030e-01, v4  }
0x26b: {  	vm14 =	vgt.f32 v4, $0.0e+00;
	v7 =	vsel vm12, v7, v15;
	v15 =	vmul.f32 $2.000000030e-01, v13  }
0x26c: {  	v8 =	vsel vm13, v8, v16;
	v4 =	vsel vm14, v4, v63;
	vm15 =	vgt.f32 v13, $0.0e+00  }
0x26d: {  	v8 =	vmul.f32 v11, v8;
	v4 =	vmul.f32 v10, v4;
	v13 =	vsel vm15, v13, v15  }
0x26e: {  	v7 =	vmul.f32 v9, v7;
	v10 =	vmul.f32 v17, v13  }
0x26f: {  	v4 =	vadd.f32 v4, v8  }
0x270: {  	v7 =	vadd.f32 v7, v10  }
0x271: {  	v4 =	vmul.f32 $1.442695020e+00, v4  }
0x272: {  	v7 =	vmul.f32 $1.442695020e+00, v7  }
0x273: {  	(erf) = vpow2.f32 v4  }
0x274: {  	(erf) = vpow2.f32 v7;
	_ =	sdelay $0x4  }
0x275: {  	v11 =	vor.u32 $0x1, v3  }
0x276: {  	s14 =	simm.s32 $0x210;
	v10 =	vor.u32 $0x2, v3  }
0x277: {  	v9 =	vor.u32 $0x3, v3;
	v13 =	vmov s14  }
0x278: {  	v8 =	vor.u32 $0x4, v3;
	v15 =	vshll.u32 v13, $0x3;
	v4 =	vor.u32 $0x6, v3;
	v16 =	vpop (erf)  }
0x279: {  	s1 =	simm.s32 $0x220;
	v7 =	vor.u32 $0x5, v3;
	v13 =	vmul.f32 v16, v12;
	v12 =	vmul.f32 v16, v14;
	[tilespmem:v3+s20+$0x0] =	vst.idx.msk $0xffff, v16;
	v14 =	vpop (erf)  }
.LBB2_18:
0x27a: {  	p0 =	sne.s32 s1, $0x270;
	v5 =	vmul.f32 v14, v5;
	[tilespmem:v11+s20+$0x0] =	vst.idx.msk $0xffff, v14;
	v11 =	vor.u32 $0x7, v3;
	v3 =	vor.u32 v0, v15;
	s14 =	smov.u32 s1;
	s1 =	sadd.s32 $0x10, s1  }
0x27b: {  	v6 =	vmul.f32 v14, v6;
	v15 =	vadd.s32 v2, v3;
	v16 =	vor.u32 $0x6, v3;
	[tilespmem:v10+s20+$0x0] =	vst.idx.msk $0xffff, v13  }
0x27c: {  	v10 =	vor.u32 $0x1, v15;
	v13 =	vor.u32 $0x4, v15;
	v14 =	vor.u32 $0x5, v15;
	[tilespmem:v9+s20+$0x0] =	vst.idx.msk $0xffff, v12  }
0x27d: {  	v9 =	vor.u32 $0x2, v15;
	v12 =	vor.u32 $0x3, v15;
	v17 =	vor.u32 $0x6, v15;
	[tilespmem:v8+s20+$0x0] =	vst.idx.msk $0xffff, v6  }
0x27e: {  	v6 =	vor.u32 $0x7, v15;
	[tilespmem:v7+s20+$0x0] =	vst.idx.msk $0xffff, v5  }
0x27f: {  	[tilespmem:v4+s20+$0x0] =	vst.idx.msk $0xffff, v1;
	v4 =	vmov v16  }
0x280: {  	[tilespmem:v11+s20+$0x0] =	vst.idx.msk $0xffff, v1  }
0x281: {  	v16 =	vld.idx.msk [tilespmem:v15+s18+$0x0], $0xffff  }
0x282: {  	v7 =	vld.idx.msk [tilespmem:v14+s19+$0x0], $0xffff  }
0x283: {  	v8 =	vld.idx.msk [tilespmem:v17+s19+$0x0], $0xffff  }
0x284: {  	v11 =	vld.idx.msk [tilespmem:v6+s19+$0x0], $0xffff  }
0x285: {  	v5 =	vld.idx.msk [tilespmem:v12+s18+$0x0], $0xffff  }
0x286: {  	v12 =	vld.idx.msk [tilespmem:v13+s19+$0x0], $0xffff  }
0x287: {  	v14 =	vld.idx.msk [tilespmem:v10+s18+$0x0], $0xffff  }
0x288: {  	v6 =	vld.idx.msk [tilespmem:v9+s18+$0x0], $0xffff;
	_ =	sdelay $0x2  }
0x289: {  	v9 =	vadd.f32 v11, v5;
	v10 =	vld [tilespmem:$0xB830]  }
0x28a: {  	v11 =	vadd.f32 v12, v16;
	v12 =	vld [tilespmem:$0xB810]  }
0x28b: {  	v7 =	vadd.f32 v7, v14;
	v13 =	vmul.f32 $2.000000030e-01, v9;
	v15 =	vld [tilespmem:$0xB800]  }
0x28c: {  	vm0 =	vgt.f32 v9, $0.0e+00;
	v17 =	vmul.f32 $2.000000030e-01, v11;
	v8 =	vadd.f32 v8, v6;
	v18 =	vld [tilespmem:$0xB820]  }
0x28d: {  	vm1 =	vgt.f32 v11, $0.0e+00;
	v19 =	vmul.f32 $2.000000030e-01, v7;
	v9 =	vsel vm0, v9, v13  }
0x28e: {  	vm0 =	vgt.f32 v7, $0.0e+00;
	v11 =	vsel vm1, v11, v17;
	v13 =	vmul.f32 $2.000000030e-01, v8  }
0x28f: {  	v7 =	vsel vm0, v7, v19;
	vm0 =	vgt.f32 v8, $0.0e+00  }
0x290: {  	v8 =	vsel vm0, v8, v13;
	v7 =	vmul.f32 v12, v7;
	v11 =	vmul.f32 v15, v11  }
0x291: {  	v9 =	vmul.f32 v10, v9;
	v8 =	vmul.f32 v18, v8  }
0x292: {  	v7 =	vadd.f32 v7, v11  }
0x293: {  	v8 =	vadd.f32 v9, v8  }
0x294: {  	v7 =	vmul.f32 $1.442695020e+00, v7  }
0x295: {  	v8 =	vmul.f32 $1.442695020e+00, v8  }
0x296: {  	(erf) = vpow2.f32 v7  }
0x297: {  	(erf) = vpow2.f32 v8;
	_ =	sdelay $0x4  }
.Ltmp14:
0x298: {  	v11 =	vor.u32 $0x1, v3;
	(pc) =	sbr.rel @p0 .LBB2_18-.Ltmp14, $4  }
0x299: {  	v10 =	vor.u32 $0x2, v3  }
0x29a: {  	v9 =	vor.u32 $0x3, v3  }
0x29b: {  	v12 =	vmov s14;
	v7 =	vor.u32 $0x5, v3;
	v8 =	vor.u32 $0x4, v3;
	v17 =	vpop (erf)  }
0x29c: {  	v15 =	vshll.u32 v12, $0x3;
	v13 =	vmul.f32 v17, v16;
	v12 =	vmul.f32 v17, v14;
	[tilespmem:v3+s20+$0x0] =	vst.idx.msk $0xffff, v17;
	v14 =	vpop (erf)  }
0x29d: {  	_ =	sdelay $0x3  }
0x29e: {  	[tilespmem:v11+s20+$0x0] =	vst.idx.msk $0xffff, v14  }
0x29f: {  	v11 =	vor.u32 v0, v15;
	v3 =	vor.u32 $0x7, v3;
	v6 =	vmul.f32 v14, v6;
	[tilespmem:v10+s20+$0x0] =	vst.idx.msk $0xffff, v13  }
0x2a0: {  	v5 =	vmul.f32 v14, v5;
	v10 =	vadd.s32 v2, v11;
	[tilespmem:v9+s20+$0x0] =	vst.idx.msk $0xffff, v12  }
0x2a1: {  	v9 =	vor.u32 $0x5, v10;
	[tilespmem:v8+s20+$0x0] =	vst.idx.msk $0xffff, v6  }
0x2a2: {  	v6 =	vor.u32 $0x6, v10;
	[tilespmem:v7+s20+$0x0] =	vst.idx.msk $0xffff, v5  }
0x2a3: {  	v8 =	vor.u32 $0x1, v10;
	[tilespmem:v4+s20+$0x0] =	vst.idx.msk $0xffff, v1  }
0x2a4: {  	v5 =	vor.u32 $0x7, v10;
	[tilespmem:v3+s20+$0x0] =	vst.idx.msk $0xffff, v1  }
0x2a5: {  	v4 =	vor.u32 $0x3, v10;
	v7 =	vld.idx.msk [tilespmem:v10+s18+$0x0], $0xffff  }
0x2a6: {  	v3 =	vor.u32 $0x4, v10;
	v9 =	vld.idx.msk [tilespmem:v9+s19+$0x0], $0xffff  }
0x2a7: {  	v10 =	vor.u32 $0x2, v10;
	v6 =	vld.idx.msk [tilespmem:v6+s19+$0x0], $0xffff  }
0x2a8: {  	v8 =	vld.idx.msk [tilespmem:v8+s18+$0x0], $0xffff  }
0x2a9: {  	v5 =	vld.idx.msk [tilespmem:v5+s19+$0x0], $0xffff  }
0x2aa: {  	v4 =	vld.idx.msk [tilespmem:v4+s18+$0x0], $0xffff  }
0x2ab: {  	v3 =	vld.idx.msk [tilespmem:v3+s19+$0x0], $0xffff  }
0x2ac: {  	v10 =	vld.idx.msk [tilespmem:v10+s18+$0x0], $0xffff;
	_ =	sdelay $0x1  }
0x2ad: {  	v12 =	vld [tilespmem:$0xB830]  }
0x2ae: {  	v13 =	vld [tilespmem:$0xB810];
	v9 =	vadd.f32 v9, v8;
	v5 =	vadd.f32 v5, v4  }
0x2af: {  	v14 =	vld [tilespmem:$0xB800];
	v3 =	vadd.f32 v3, v7  }
0x2b0: {  	v17 =	vld [tilespmem:$0xB820];
	v18 =	vmul.f32 $2.000000030e-01, v9;
	v15 =	vmul.f32 $2.000000030e-01, v5;
	v6 =	vadd.f32 v6, v10  }
0x2b1: {  	vm10 =	vgt.f32 v9, $0.0e+00;
	vm0 =	vgt.f32 v5, $0.0e+00;
	v16 =	vmul.f32 $2.000000030e-01, v3  }
0x2b2: {  	vm1 =	vgt.f32 v3, $0.0e+00;
	v5 =	vsel vm0, v5, v15;
	v15 =	vmul.f32 $2.000000030e-01, v6  }
0x2b3: {  	v9 =	vsel vm10, v9, v18;
	vm11 =	vgt.f32 v6, $0.0e+00;
	v3 =	vsel vm1, v3, v16  }
0x2b4: {  	v9 =	vmul.f32 v13, v9;
	v6 =	vsel vm11, v6, v15;
	v3 =	vmul.f32 v14, v3  }
0x2b5: {  	v5 =	vmul.f32 v12, v5;
	v6 =	vmul.f32 v17, v6  }
0x2b6: {  	v3 =	vadd.f32 v9, v3  }
0x2b7: {  	v5 =	vadd.f32 v5, v6  }
0x2b8: {  	v3 =	vmul.f32 $1.442695020e+00, v3  }
0x2b9: {  	v5 =	vmul.f32 $1.442695020e+00, v5  }
0x2ba: {  	(erf) = vpow2.f32 v3  }
0x2bb: {  	(erf) = vpow2.f32 v5;
	_ =	sdelay $0x4  }
0x2bc: {  	v3 =	vor.u32 $0x1, v11  }
0x2bd: {  	v5 =	vor.u32 $0x2, v11  }
0x2be: {  	v6 =	vor.u32 $0x3, v11  }
0x2bf: {  	v9 =	vor.u32 $0x4, v11;
	v12 =	vpop (erf)  }
0x2c0: {  	s1 =	simm.s32 $0x280;
	v13 =	vor.u32 $0x5, v11;
	v7 =	vmul.f32 v12, v7;
	[tilespmem:v11+s20+$0x0] =	vst.idx.msk $0xffff, v12;
	v14 =	vpop (erf)  }
0x2c1: {  	v15 =	vor.u32 $0x6, v11;
	v8 =	vmul.f32 v12, v8;
	[tilespmem:v3+s20+$0x0] =	vst.idx.msk $0xffff, v14;
	v3 =	vmov s1  }
0x2c2: {  	v11 =	vor.u32 $0x7, v11;
	v10 =	vmul.f32 v14, v10;
	[tilespmem:v5+s20+$0x0] =	vst.idx.msk $0xffff, v7;
	v3 =	vshll.u32 v3, $0x3  }
0x2c3: {  	v4 =	vmul.f32 v14, v4;
	[tilespmem:v6+s20+$0x0] =	vst.idx.msk $0xffff, v8;
	v3 =	vor.u32 v0, v3  }
0x2c4: {  	[tilespmem:v9+s20+$0x0] =	vst.idx.msk $0xffff, v10;
	v5 =	vadd.s32 v2, v3  }
0x2c5: {  	[tilespmem:v13+s20+$0x0] =	vst.idx.msk $0xffff, v4;
	v4 =	vor.u32 $0x5, v5  }
0x2c6: {  	v6 =	vor.u32 $0x6, v5;
	[tilespmem:v15+s20+$0x0] =	vst.idx.msk $0xffff, v1  }
0x2c7: {  	s11 =	sadd.s32 $0x480, s5;
	v7 =	vor.u32 $0x7, v5;
	[tilespmem:v11+s20+$0x0] =	vst.idx.msk $0xffff, v1  }
0x2c8: {  	v8 =	vor.u32 $0x3, v5;
	[spmem:s2] =	stream.indirect.scatter.add.f32 [tilespmem:s26], [sflag:$0x3], $0x8, s11, s21, $0xb8;
	[tilespmem:$0x17C40] =	vst v63  }
0x2c9: {  	v9 =	vor.u32 $0x4, v5;
	v12 =	vld.idx.msk [tilespmem:v5+s18+$0x0], $0xffff  }
0x2ca: {  	v10 =	vor.u32 $0x1, v5;
	v4 =	vld.idx.msk [tilespmem:v4+s19+$0x0], $0xffff  }
0x2cb: {  	v11 =	vor.u32 $0x2, v5;
	v13 =	vld.idx.msk [tilespmem:v6+s19+$0x0], $0xffff  }
0x2cc: {  	v7 =	vld.idx.msk [tilespmem:v7+s19+$0x0], $0xffff  }
0x2cd: {  	v5 =	vld.idx.msk [tilespmem:v8+s18+$0x0], $0xffff  }
0x2ce: {  	v8 =	vld.idx.msk [tilespmem:v9+s19+$0x0], $0xffff  }
0x2cf: {  	v14 =	vld.idx.msk [tilespmem:v10+s18+$0x0], $0xffff  }
0x2d0: {  	v6 =	vld.idx.msk [tilespmem:v11+s18+$0x0], $0xffff;
	_ =	sdelay $0x1  }
0x2d1: {  	v17 =	vld [tilespmem:$0xB820]  }
0x2d2: {  	v10 =	vld [tilespmem:$0xB810];
	v7 =	vadd.f32 v7, v5;
	v8 =	vadd.f32 v8, v12  }
0x2d3: {  	v11 =	vld [tilespmem:$0xB800];
	v4 =	vadd.f32 v4, v14  }
0x2d4: {  	v9 =	vld [tilespmem:$0xB830];
	v15 =	vmul.f32 $2.000000030e-01, v7;
	v16 =	vmul.f32 $2.000000030e-01, v8;
	v13 =	vadd.f32 v13, v6  }
0x2d5: {  	vm12 =	vgt.f32 v7, $0.0e+00;
	vm13 =	vgt.f32 v8, $0.0e+00;
	v63 =	vmul.f32 $2.000000030e-01, v4  }
0x2d6: {  	vm14 =	vgt.f32 v4, $0.0e+00;
	v7 =	vsel vm12, v7, v15;
	v15 =	vmul.f32 $2.000000030e-01, v13  }
0x2d7: {  	v8 =	vsel vm13, v8, v16;
	v4 =	vsel vm14, v4, v63;
	vm15 =	vgt.f32 v13, $0.0e+00  }
0x2d8: {  	v8 =	vmul.f32 v11, v8;
	v4 =	vmul.f32 v10, v4;
	v13 =	vsel vm15, v13, v15  }
0x2d9: {  	v7 =	vmul.f32 v9, v7;
	v10 =	vmul.f32 v17, v13  }
0x2da: {  	v4 =	vadd.f32 v4, v8  }
0x2db: {  	v7 =	vadd.f32 v7, v10  }
0x2dc: {  	v4 =	vmul.f32 $1.442695020e+00, v4  }
0x2dd: {  	v7 =	vmul.f32 $1.442695020e+00, v7  }
0x2de: {  	(erf) = vpow2.f32 v4  }
0x2df: {  	(erf) = vpow2.f32 v7;
	_ =	sdelay $0x4  }
0x2e0: {  	v11 =	vor.u32 $0x1, v3  }
0x2e1: {  	s14 =	simm.s32 $0x290;
	v10 =	vor.u32 $0x2, v3  }
0x2e2: {  	v9 =	vor.u32 $0x3, v3;
	v13 =	vmov s14  }
0x2e3: {  	v8 =	vor.u32 $0x4, v3;
	v15 =	vshll.u32 v13, $0x3;
	v4 =	vor.u32 $0x6, v3;
	v16 =	vpop (erf)  }
0x2e4: {  	s1 =	simm.s32 $0x2A0;
	v7 =	vor.u32 $0x5, v3;
	v13 =	vmul.f32 v16, v12;
	v12 =	vmul.f32 v16, v14;
	[tilespmem:v3+s20+$0x0] =	vst.idx.msk $0xffff, v16;
	v14 =	vpop (erf)  }
.LBB2_20:
0x2e5: {  	p0 =	sne.s32 s1, $0x2F0;
	v5 =	vmul.f32 v14, v5;
	[tilespmem:v11+s20+$0x0] =	vst.idx.msk $0xffff, v14;
	v11 =	vor.u32 $0x7, v3;
	v3 =	vor.u32 v0, v15;
	s14 =	smov.u32 s1;
	s1 =	sadd.s32 $0x10, s1  }
0x2e6: {  	v6 =	vmul.f32 v14, v6;
	v15 =	vadd.s32 v2, v3;
	v16 =	vor.u32 $0x6, v3;
	[tilespmem:v10+s20+$0x0] =	vst.idx.msk $0xffff, v13  }
0x2e7: {  	v10 =	vor.u32 $0x1, v15;
	v13 =	vor.u32 $0x4, v15;
	v14 =	vor.u32 $0x5, v15;
	[tilespmem:v9+s20+$0x0] =	vst.idx.msk $0xffff, v12  }
0x2e8: {  	v9 =	vor.u32 $0x2, v15;
	v12 =	vor.u32 $0x3, v15;
	v17 =	vor.u32 $0x6, v15;
	[tilespmem:v8+s20+$0x0] =	vst.idx.msk $0xffff, v6  }
0x2e9: {  	v6 =	vor.u32 $0x7, v15;
	[tilespmem:v7+s20+$0x0] =	vst.idx.msk $0xffff, v5  }
0x2ea: {  	[tilespmem:v4+s20+$0x0] =	vst.idx.msk $0xffff, v1;
	v4 =	vmov v16  }
0x2eb: {  	[tilespmem:v11+s20+$0x0] =	vst.idx.msk $0xffff, v1  }
0x2ec: {  	v16 =	vld.idx.msk [tilespmem:v15+s18+$0x0], $0xffff  }
0x2ed: {  	v7 =	vld.idx.msk [tilespmem:v14+s19+$0x0], $0xffff  }
0x2ee: {  	v8 =	vld.idx.msk [tilespmem:v17+s19+$0x0], $0xffff  }
0x2ef: {  	v11 =	vld.idx.msk [tilespmem:v6+s19+$0x0], $0xffff  }
0x2f0: {  	v5 =	vld.idx.msk [tilespmem:v12+s18+$0x0], $0xffff  }
0x2f1: {  	v12 =	vld.idx.msk [tilespmem:v13+s19+$0x0], $0xffff  }
0x2f2: {  	v14 =	vld.idx.msk [tilespmem:v10+s18+$0x0], $0xffff  }
0x2f3: {  	v6 =	vld.idx.msk [tilespmem:v9+s18+$0x0], $0xffff;
	_ =	sdelay $0x2  }
0x2f4: {  	v9 =	vadd.f32 v11, v5;
	v10 =	vld [tilespmem:$0xB830]  }
0x2f5: {  	v11 =	vadd.f32 v12, v16;
	v12 =	vld [tilespmem:$0xB810]  }
0x2f6: {  	v7 =	vadd.f32 v7, v14;
	v13 =	vmul.f32 $2.000000030e-01, v9;
	v15 =	vld [tilespmem:$0xB800]  }
0x2f7: {  	vm0 =	vgt.f32 v9, $0.0e+00;
	v17 =	vmul.f32 $2.000000030e-01, v11;
	v8 =	vadd.f32 v8, v6;
	v18 =	vld [tilespmem:$0xB820]  }
0x2f8: {  	vm1 =	vgt.f32 v11, $0.0e+00;
	v19 =	vmul.f32 $2.000000030e-01, v7;
	v9 =	vsel vm0, v9, v13  }
0x2f9: {  	vm0 =	vgt.f32 v7, $0.0e+00;
	v11 =	vsel vm1, v11, v17;
	v13 =	vmul.f32 $2.000000030e-01, v8  }
0x2fa: {  	v7 =	vsel vm0, v7, v19;
	vm0 =	vgt.f32 v8, $0.0e+00  }
0x2fb: {  	v8 =	vsel vm0, v8, v13;
	v7 =	vmul.f32 v12, v7;
	v11 =	vmul.f32 v15, v11  }
0x2fc: {  	v9 =	vmul.f32 v10, v9;
	v8 =	vmul.f32 v18, v8  }
0x2fd: {  	v7 =	vadd.f32 v7, v11  }
0x2fe: {  	v8 =	vadd.f32 v9, v8  }
0x2ff: {  	v7 =	vmul.f32 $1.442695020e+00, v7  }
0x300: {  	v8 =	vmul.f32 $1.442695020e+00, v8  }
0x301: {  	(erf) = vpow2.f32 v7  }
0x302: {  	(erf) = vpow2.f32 v8;
	_ =	sdelay $0x4  }
.Ltmp15:
0x303: {  	v11 =	vor.u32 $0x1, v3;
	(pc) =	sbr.rel @p0 .LBB2_20-.Ltmp15, $4  }
0x304: {  	v10 =	vor.u32 $0x2, v3  }
0x305: {  	v9 =	vor.u32 $0x3, v3  }
0x306: {  	v12 =	vmov s14;
	v7 =	vor.u32 $0x5, v3;
	v8 =	vor.u32 $0x4, v3;
	v17 =	vpop (erf)  }
0x307: {  	v15 =	vshll.u32 v12, $0x3;
	v13 =	vmul.f32 v17, v16;
	v12 =	vmul.f32 v17, v14;
	[tilespmem:v3+s20+$0x0] =	vst.idx.msk $0xffff, v17;
	v14 =	vpop (erf)  }
0x308: {  	_ =	sdelay $0x3  }
0x309: {  	[tilespmem:v11+s20+$0x0] =	vst.idx.msk $0xffff, v14  }
0x30a: {  	v11 =	vor.u32 v0, v15;
	v3 =	vor.u32 $0x7, v3;
	v6 =	vmul.f32 v14, v6;
	[tilespmem:v10+s20+$0x0] =	vst.idx.msk $0xffff, v13  }
0x30b: {  	v5 =	vmul.f32 v14, v5;
	v10 =	vadd.s32 v2, v11;
	[tilespmem:v9+s20+$0x0] =	vst.idx.msk $0xffff, v12  }
0x30c: {  	v9 =	vor.u32 $0x5, v10;
	[tilespmem:v8+s20+$0x0] =	vst.idx.msk $0xffff, v6  }
0x30d: {  	v6 =	vor.u32 $0x6, v10;
	[tilespmem:v7+s20+$0x0] =	vst.idx.msk $0xffff, v5  }
0x30e: {  	v8 =	vor.u32 $0x1, v10;
	[tilespmem:v4+s20+$0x0] =	vst.idx.msk $0xffff, v1  }
0x30f: {  	v5 =	vor.u32 $0x7, v10;
	[tilespmem:v3+s20+$0x0] =	vst.idx.msk $0xffff, v1  }
0x310: {  	v4 =	vor.u32 $0x3, v10;
	v7 =	vld.idx.msk [tilespmem:v10+s18+$0x0], $0xffff  }
0x311: {  	v3 =	vor.u32 $0x4, v10;
	v9 =	vld.idx.msk [tilespmem:v9+s19+$0x0], $0xffff  }
0x312: {  	v10 =	vor.u32 $0x2, v10;
	v6 =	vld.idx.msk [tilespmem:v6+s19+$0x0], $0xffff  }
0x313: {  	v8 =	vld.idx.msk [tilespmem:v8+s18+$0x0], $0xffff  }
0x314: {  	v5 =	vld.idx.msk [tilespmem:v5+s19+$0x0], $0xffff  }
0x315: {  	v4 =	vld.idx.msk [tilespmem:v4+s18+$0x0], $0xffff  }
0x316: {  	v3 =	vld.idx.msk [tilespmem:v3+s19+$0x0], $0xffff  }
0x317: {  	v10 =	vld.idx.msk [tilespmem:v10+s18+$0x0], $0xffff;
	_ =	sdelay $0x1  }
0x318: {  	v12 =	vld [tilespmem:$0xB830]  }
0x319: {  	v13 =	vld [tilespmem:$0xB810];
	v9 =	vadd.f32 v9, v8;
	v5 =	vadd.f32 v5, v4  }
0x31a: {  	v14 =	vld [tilespmem:$0xB800];
	v3 =	vadd.f32 v3, v7  }
0x31b: {  	v17 =	vld [tilespmem:$0xB820];
	v18 =	vmul.f32 $2.000000030e-01, v9;
	v15 =	vmul.f32 $2.000000030e-01, v5;
	v6 =	vadd.f32 v6, v10  }
0x31c: {  	vm10 =	vgt.f32 v9, $0.0e+00;
	vm0 =	vgt.f32 v5, $0.0e+00;
	v16 =	vmul.f32 $2.000000030e-01, v3  }
0x31d: {  	vm1 =	vgt.f32 v3, $0.0e+00;
	v5 =	vsel vm0, v5, v15;
	v15 =	vmul.f32 $2.000000030e-01, v6  }
0x31e: {  	v9 =	vsel vm10, v9, v18;
	vm11 =	vgt.f32 v6, $0.0e+00;
	v3 =	vsel vm1, v3, v16  }
0x31f: {  	v9 =	vmul.f32 v13, v9;
	v6 =	vsel vm11, v6, v15;
	v3 =	vmul.f32 v14, v3  }
0x320: {  	v5 =	vmul.f32 v12, v5;
	v6 =	vmul.f32 v17, v6  }
0x321: {  	v3 =	vadd.f32 v9, v3  }
0x322: {  	v5 =	vadd.f32 v5, v6  }
0x323: {  	v3 =	vmul.f32 $1.442695020e+00, v3  }
0x324: {  	v5 =	vmul.f32 $1.442695020e+00, v5  }
0x325: {  	(erf) = vpow2.f32 v3  }
0x326: {  	(erf) = vpow2.f32 v5;
	_ =	sdelay $0x4  }
0x327: {  	v3 =	vor.u32 $0x1, v11  }
0x328: {  	v5 =	vor.u32 $0x2, v11  }
0x329: {  	v6 =	vor.u32 $0x3, v11  }
0x32a: {  	v9 =	vor.u32 $0x4, v11;
	v12 =	vpop (erf)  }
0x32b: {  	s1 =	simm.s32 $0x300;
	v13 =	vor.u32 $0x5, v11;
	v7 =	vmul.f32 v12, v7;
	[tilespmem:v11+s20+$0x0] =	vst.idx.msk $0xffff, v12;
	v14 =	vpop (erf)  }
0x32c: {  	v15 =	vor.u32 $0x6, v11;
	v8 =	vmul.f32 v12, v8;
	[tilespmem:v3+s20+$0x0] =	vst.idx.msk $0xffff, v14;
	v3 =	vmov s1  }
0x32d: {  	v11 =	vor.u32 $0x7, v11;
	v10 =	vmul.f32 v14, v10;
	[tilespmem:v5+s20+$0x0] =	vst.idx.msk $0xffff, v7;
	v3 =	vshll.u32 v3, $0x3  }
0x32e: {  	v4 =	vmul.f32 v14, v4;
	[tilespmem:v6+s20+$0x0] =	vst.idx.msk $0xffff, v8;
	v3 =	vor.u32 v0, v3  }
0x32f: {  	[tilespmem:v9+s20+$0x0] =	vst.idx.msk $0xffff, v10;
	v5 =	vadd.s32 v2, v3  }
0x330: {  	[tilespmem:v13+s20+$0x0] =	vst.idx.msk $0xffff, v4;
	v4 =	vor.u32 $0x5, v5  }
0x331: {  	v6 =	vor.u32 $0x6, v5;
	[tilespmem:v15+s20+$0x0] =	vst.idx.msk $0xffff, v1  }
0x332: {  	s11 =	sadd.s32 $0x580, s5;
	v7 =	vor.u32 $0x7, v5;
	[tilespmem:v11+s20+$0x0] =	vst.idx.msk $0xffff, v1  }
0x333: {  	v8 =	vor.u32 $0x3, v5;
	[spmem:s2] =	stream.indirect.scatter.add.f32 [tilespmem:s28], [sflag:$0x3], $0x8, s11, s21, $0xb8;
	[tilespmem:$0x17C40] =	vst v63  }
0x334: {  	v9 =	vor.u32 $0x4, v5;
	v12 =	vld.idx.msk [tilespmem:v5+s18+$0x0], $0xffff  }
0x335: {  	v10 =	vor.u32 $0x1, v5;
	v4 =	vld.idx.msk [tilespmem:v4+s19+$0x0], $0xffff  }
0x336: {  	v11 =	vor.u32 $0x2, v5;
	v13 =	vld.idx.msk [tilespmem:v6+s19+$0x0], $0xffff  }
0x337: {  	v7 =	vld.idx.msk [tilespmem:v7+s19+$0x0], $0xffff  }
0x338: {  	v5 =	vld.idx.msk [tilespmem:v8+s18+$0x0], $0xffff  }
0x339: {  	v8 =	vld.idx.msk [tilespmem:v9+s19+$0x0], $0xffff  }
0x33a: {  	v14 =	vld.idx.msk [tilespmem:v10+s18+$0x0], $0xffff  }
0x33b: {  	v6 =	vld.idx.msk [tilespmem:v11+s18+$0x0], $0xffff;
	_ =	sdelay $0x1  }
0x33c: {  	v17 =	vld [tilespmem:$0xB820]  }
0x33d: {  	v10 =	vld [tilespmem:$0xB810];
	v7 =	vadd.f32 v7, v5;
	v8 =	vadd.f32 v8, v12  }
0x33e: {  	v11 =	vld [tilespmem:$0xB800];
	v4 =	vadd.f32 v4, v14  }
0x33f: {  	v9 =	vld [tilespmem:$0xB830];
	v15 =	vmul.f32 $2.000000030e-01, v7;
	v16 =	vmul.f32 $2.000000030e-01, v8;
	v13 =	vadd.f32 v13, v6  }
0x340: {  	vm12 =	vgt.f32 v7, $0.0e+00;
	vm13 =	vgt.f32 v8, $0.0e+00;
	v63 =	vmul.f32 $2.000000030e-01, v4  }
0x341: {  	vm14 =	vgt.f32 v4, $0.0e+00;
	v7 =	vsel vm12, v7, v15;
	v15 =	vmul.f32 $2.000000030e-01, v13  }
0x342: {  	v8 =	vsel vm13, v8, v16;
	v4 =	vsel vm14, v4, v63;
	vm15 =	vgt.f32 v13, $0.0e+00  }
0x343: {  	v8 =	vmul.f32 v11, v8;
	v4 =	vmul.f32 v10, v4;
	v13 =	vsel vm15, v13, v15  }
0x344: {  	v7 =	vmul.f32 v9, v7;
	v10 =	vmul.f32 v17, v13  }
0x345: {  	v4 =	vadd.f32 v4, v8  }
0x346: {  	v7 =	vadd.f32 v7, v10  }
0x347: {  	v4 =	vmul.f32 $1.442695020e+00, v4  }
0x348: {  	v7 =	vmul.f32 $1.442695020e+00, v7  }
0x349: {  	(erf) = vpow2.f32 v4  }
0x34a: {  	(erf) = vpow2.f32 v7;
	_ =	sdelay $0x4  }
0x34b: {  	v11 =	vor.u32 $0x1, v3  }
0x34c: {  	s14 =	simm.s32 $0x310;
	v10 =	vor.u32 $0x2, v3  }
0x34d: {  	v9 =	vor.u32 $0x3, v3;
	v13 =	vmov s14  }
0x34e: {  	v8 =	vor.u32 $0x4, v3;
	v15 =	vshll.u32 v13, $0x3;
	v4 =	vor.u32 $0x6, v3;
	v16 =	vpop (erf)  }
0x34f: {  	s1 =	simm.s32 $0x320;
	v7 =	vor.u32 $0x5, v3;
	v13 =	vmul.f32 v16, v12;
	v12 =	vmul.f32 v16, v14;
	[tilespmem:v3+s20+$0x0] =	vst.idx.msk $0xffff, v16;
	v14 =	vpop (erf)  }
.LBB2_22:
0x350: {  	p0 =	sne.s32 s1, $0x370;
	v5 =	vmul.f32 v14, v5;
	[tilespmem:v11+s20+$0x0] =	vst.idx.msk $0xffff, v14;
	v11 =	vor.u32 $0x7, v3;
	v3 =	vor.u32 v0, v15;
	s14 =	smov.u32 s1;
	s1 =	sadd.s32 $0x10, s1  }
0x351: {  	v6 =	vmul.f32 v14, v6;
	v15 =	vadd.s32 v2, v3;
	v16 =	vor.u32 $0x6, v3;
	[tilespmem:v10+s20+$0x0] =	vst.idx.msk $0xffff, v13  }
0x352: {  	v10 =	vor.u32 $0x1, v15;
	v13 =	vor.u32 $0x4, v15;
	v14 =	vor.u32 $0x5, v15;
	[tilespmem:v9+s20+$0x0] =	vst.idx.msk $0xffff, v12  }
0x353: {  	v9 =	vor.u32 $0x2, v15;
	v12 =	vor.u32 $0x3, v15;
	v17 =	vor.u32 $0x6, v15;
	[tilespmem:v8+s20+$0x0] =	vst.idx.msk $0xffff, v6  }
0x354: {  	v6 =	vor.u32 $0x7, v15;
	[tilespmem:v7+s20+$0x0] =	vst.idx.msk $0xffff, v5  }
0x355: {  	[tilespmem:v4+s20+$0x0] =	vst.idx.msk $0xffff, v1;
	v4 =	vmov v16  }
0x356: {  	[tilespmem:v11+s20+$0x0] =	vst.idx.msk $0xffff, v1  }
0x357: {  	v16 =	vld.idx.msk [tilespmem:v15+s18+$0x0], $0xffff  }
0x358: {  	v7 =	vld.idx.msk [tilespmem:v14+s19+$0x0], $0xffff  }
0x359: {  	v8 =	vld.idx.msk [tilespmem:v17+s19+$0x0], $0xffff  }
0x35a: {  	v11 =	vld.idx.msk [tilespmem:v6+s19+$0x0], $0xffff  }
0x35b: {  	v5 =	vld.idx.msk [tilespmem:v12+s18+$0x0], $0xffff  }
0x35c: {  	v12 =	vld.idx.msk [tilespmem:v13+s19+$0x0], $0xffff  }
0x35d: {  	v14 =	vld.idx.msk [tilespmem:v10+s18+$0x0], $0xffff  }
0x35e: {  	v6 =	vld.idx.msk [tilespmem:v9+s18+$0x0], $0xffff;
	_ =	sdelay $0x2  }
0x35f: {  	v9 =	vadd.f32 v11, v5;
	v10 =	vld [tilespmem:$0xB830]  }
0x360: {  	v11 =	vadd.f32 v12, v16;
	v12 =	vld [tilespmem:$0xB810]  }
0x361: {  	v7 =	vadd.f32 v7, v14;
	v13 =	vmul.f32 $2.000000030e-01, v9;
	v15 =	vld [tilespmem:$0xB800]  }
0x362: {  	vm0 =	vgt.f32 v9, $0.0e+00;
	v17 =	vmul.f32 $2.000000030e-01, v11;
	v8 =	vadd.f32 v8, v6;
	v18 =	vld [tilespmem:$0xB820]  }
0x363: {  	vm1 =	vgt.f32 v11, $0.0e+00;
	v19 =	vmul.f32 $2.000000030e-01, v7;
	v9 =	vsel vm0, v9, v13  }
0x364: {  	vm0 =	vgt.f32 v7, $0.0e+00;
	v11 =	vsel vm1, v11, v17;
	v13 =	vmul.f32 $2.000000030e-01, v8  }
0x365: {  	v7 =	vsel vm0, v7, v19;
	vm0 =	vgt.f32 v8, $0.0e+00  }
0x366: {  	v8 =	vsel vm0, v8, v13;
	v7 =	vmul.f32 v12, v7;
	v11 =	vmul.f32 v15, v11  }
0x367: {  	v9 =	vmul.f32 v10, v9;
	v8 =	vmul.f32 v18, v8  }
0x368: {  	v7 =	vadd.f32 v7, v11  }
0x369: {  	v8 =	vadd.f32 v9, v8  }
0x36a: {  	v7 =	vmul.f32 $1.442695020e+00, v7  }
0x36b: {  	v8 =	vmul.f32 $1.442695020e+00, v8  }
0x36c: {  	(erf) = vpow2.f32 v7  }
0x36d: {  	(erf) = vpow2.f32 v8;
	_ =	sdelay $0x4  }
.Ltmp16:
0x36e: {  	v11 =	vor.u32 $0x1, v3;
	(pc) =	sbr.rel @p0 .LBB2_22-.Ltmp16, $4  }
0x36f: {  	v10 =	vor.u32 $0x2, v3  }
0x370: {  	v9 =	vor.u32 $0x3, v3  }
0x371: {  	v12 =	vmov s14;
	v7 =	vor.u32 $0x5, v3;
	v8 =	vor.u32 $0x4, v3;
	v17 =	vpop (erf)  }
0x372: {  	v15 =	vshll.u32 v12, $0x3;
	v13 =	vmul.f32 v17, v16;
	v12 =	vmul.f32 v17, v14;
	[tilespmem:v3+s20+$0x0] =	vst.idx.msk $0xffff, v17;
	v14 =	vpop (erf)  }
0x373: {  	_ =	sdelay $0x3  }
0x374: {  	[tilespmem:v11+s20+$0x0] =	vst.idx.msk $0xffff, v14  }
0x375: {  	v11 =	vor.u32 v0, v15;
	v3 =	vor.u32 $0x7, v3;
	v6 =	vmul.f32 v14, v6;
	[tilespmem:v10+s20+$0x0] =	vst.idx.msk $0xffff, v13  }
0x376: {  	v5 =	vmul.f32 v14, v5;
	v10 =	vadd.s32 v2, v11;
	[tilespmem:v9+s20+$0x0] =	vst.idx.msk $0xffff, v12  }
0x377: {  	v9 =	vor.u32 $0x5, v10;
	[tilespmem:v8+s20+$0x0] =	vst.idx.msk $0xffff, v6  }
0x378: {  	v6 =	vor.u32 $0x6, v10;
	[tilespmem:v7+s20+$0x0] =	vst.idx.msk $0xffff, v5  }
0x379: {  	v8 =	vor.u32 $0x1, v10;
	[tilespmem:v4+s20+$0x0] =	vst.idx.msk $0xffff, v1  }
0x37a: {  	v5 =	vor.u32 $0x7, v10;
	[tilespmem:v3+s20+$0x0] =	vst.idx.msk $0xffff, v1  }
0x37b: {  	v4 =	vor.u32 $0x3, v10;
	v7 =	vld.idx.msk [tilespmem:v10+s18+$0x0], $0xffff  }
0x37c: {  	v3 =	vor.u32 $0x4, v10;
	v9 =	vld.idx.msk [tilespmem:v9+s19+$0x0], $0xffff  }
0x37d: {  	v10 =	vor.u32 $0x2, v10;
	v6 =	vld.idx.msk [tilespmem:v6+s19+$0x0], $0xffff  }
0x37e: {  	v8 =	vld.idx.msk [tilespmem:v8+s18+$0x0], $0xffff  }
0x37f: {  	v5 =	vld.idx.msk [tilespmem:v5+s19+$0x0], $0xffff  }
0x380: {  	v4 =	vld.idx.msk [tilespmem:v4+s18+$0x0], $0xffff  }
0x381: {  	v3 =	vld.idx.msk [tilespmem:v3+s19+$0x0], $0xffff  }
0x382: {  	v10 =	vld.idx.msk [tilespmem:v10+s18+$0x0], $0xffff;
	_ =	sdelay $0x1  }
0x383: {  	v12 =	vld [tilespmem:$0xB830]  }
0x384: {  	v13 =	vld [tilespmem:$0xB810];
	v9 =	vadd.f32 v9, v8;
	v5 =	vadd.f32 v5, v4  }
0x385: {  	v14 =	vld [tilespmem:$0xB800];
	v3 =	vadd.f32 v3, v7  }
0x386: {  	v17 =	vld [tilespmem:$0xB820];
	v18 =	vmul.f32 $2.000000030e-01, v9;
	v15 =	vmul.f32 $2.000000030e-01, v5;
	v6 =	vadd.f32 v6, v10  }
0x387: {  	vm10 =	vgt.f32 v9, $0.0e+00;
	vm0 =	vgt.f32 v5, $0.0e+00;
	v16 =	vmul.f32 $2.000000030e-01, v3  }
0x388: {  	vm1 =	vgt.f32 v3, $0.0e+00;
	v5 =	vsel vm0, v5, v15;
	v15 =	vmul.f32 $2.000000030e-01, v6  }
0x389: {  	v9 =	vsel vm10, v9, v18;
	vm11 =	vgt.f32 v6, $0.0e+00;
	v3 =	vsel vm1, v3, v16  }
0x38a: {  	v9 =	vmul.f32 v13, v9;
	v6 =	vsel vm11, v6, v15;
	v3 =	vmul.f32 v14, v3  }
0x38b: {  	v5 =	vmul.f32 v12, v5;
	v6 =	vmul.f32 v17, v6  }
0x38c: {  	v3 =	vadd.f32 v9, v3  }
0x38d: {  	v5 =	vadd.f32 v5, v6  }
0x38e: {  	v3 =	vmul.f32 $1.442695020e+00, v3  }
0x38f: {  	v5 =	vmul.f32 $1.442695020e+00, v5  }
0x390: {  	(erf) = vpow2.f32 v3  }
0x391: {  	(erf) = vpow2.f32 v5;
	_ =	sdelay $0x4  }
0x392: {  	v3 =	vor.u32 $0x1, v11  }
0x393: {  	v5 =	vor.u32 $0x2, v11  }
0x394: {  	v6 =	vor.u32 $0x3, v11  }
0x395: {  	v9 =	vor.u32 $0x4, v11;
	v12 =	vpop (erf)  }
0x396: {  	s1 =	simm.s32 $0x380;
	v13 =	vor.u32 $0x5, v11;
	v7 =	vmul.f32 v12, v7;
	[tilespmem:v11+s20+$0x0] =	vst.idx.msk $0xffff, v12;
	v14 =	vpop (erf)  }
0x397: {  	v15 =	vor.u32 $0x6, v11;
	v8 =	vmul.f32 v12, v8;
	[tilespmem:v3+s20+$0x0] =	vst.idx.msk $0xffff, v14;
	v3 =	vmov s1  }
0x398: {  	v11 =	vor.u32 $0x7, v11;
	v10 =	vmul.f32 v14, v10;
	[tilespmem:v5+s20+$0x0] =	vst.idx.msk $0xffff, v7;
	v3 =	vshll.u32 v3, $0x3  }
0x399: {  	v4 =	vmul.f32 v14, v4;
	[tilespmem:v6+s20+$0x0] =	vst.idx.msk $0xffff, v8;
	v3 =	vor.u32 v0, v3  }
0x39a: {  	[tilespmem:v9+s20+$0x0] =	vst.idx.msk $0xffff, v10;
	v5 =	vadd.s32 v2, v3  }
0x39b: {  	[tilespmem:v13+s20+$0x0] =	vst.idx.msk $0xffff, v4;
	v4 =	vor.u32 $0x5, v5  }
0x39c: {  	v6 =	vor.u32 $0x6, v5;
	[tilespmem:v15+s20+$0x0] =	vst.idx.msk $0xffff, v1  }
0x39d: {  	s11 =	sadd.s32 $0x680, s5;
	v7 =	vor.u32 $0x7, v5;
	[tilespmem:v11+s20+$0x0] =	vst.idx.msk $0xffff, v1  }
0x39e: {  	v8 =	vor.u32 $0x3, v5;
	[spmem:s2] =	stream.indirect.scatter.add.f32 [tilespmem:s29], [sflag:$0x3], $0x8, s11, s21, $0xb8;
	[tilespmem:$0x17C40] =	vst v63  }
0x39f: {  	v9 =	vor.u32 $0x4, v5;
	v12 =	vld.idx.msk [tilespmem:v5+s18+$0x0], $0xffff  }
0x3a0: {  	v10 =	vor.u32 $0x1, v5;
	v4 =	vld.idx.msk [tilespmem:v4+s19+$0x0], $0xffff  }
0x3a1: {  	v11 =	vor.u32 $0x2, v5;
	v13 =	vld.idx.msk [tilespmem:v6+s19+$0x0], $0xffff  }
0x3a2: {  	v7 =	vld.idx.msk [tilespmem:v7+s19+$0x0], $0xffff  }
0x3a3: {  	v5 =	vld.idx.msk [tilespmem:v8+s18+$0x0], $0xffff  }
0x3a4: {  	v8 =	vld.idx.msk [tilespmem:v9+s19+$0x0], $0xffff  }
0x3a5: {  	v14 =	vld.idx.msk [tilespmem:v10+s18+$0x0], $0xffff  }
0x3a6: {  	v6 =	vld.idx.msk [tilespmem:v11+s18+$0x0], $0xffff;
	_ =	sdelay $0x1  }
0x3a7: {  	v17 =	vld [tilespmem:$0xB820]  }
0x3a8: {  	v10 =	vld [tilespmem:$0xB810];
	v7 =	vadd.f32 v7, v5;
	v8 =	vadd.f32 v8, v12  }
0x3a9: {  	v11 =	vld [tilespmem:$0xB800];
	v4 =	vadd.f32 v4, v14  }
0x3aa: {  	v9 =	vld [tilespmem:$0xB830];
	v15 =	vmul.f32 $2.000000030e-01, v7;
	v16 =	vmul.f32 $2.000000030e-01, v8;
	v13 =	vadd.f32 v13, v6  }
0x3ab: {  	vm12 =	vgt.f32 v7, $0.0e+00;
	vm13 =	vgt.f32 v8, $0.0e+00;
	v63 =	vmul.f32 $2.000000030e-01, v4  }
0x3ac: {  	vm14 =	vgt.f32 v4, $0.0e+00;
	v7 =	vsel vm12, v7, v15;
	v15 =	vmul.f32 $2.000000030e-01, v13  }
0x3ad: {  	v8 =	vsel vm13, v8, v16;
	v4 =	vsel vm14, v4, v63;
	vm15 =	vgt.f32 v13, $0.0e+00  }
0x3ae: {  	v8 =	vmul.f32 v11, v8;
	v4 =	vmul.f32 v10, v4;
	v13 =	vsel vm15, v13, v15  }
0x3af: {  	v7 =	vmul.f32 v9, v7;
	v10 =	vmul.f32 v17, v13  }
0x3b0: {  	v4 =	vadd.f32 v4, v8  }
0x3b1: {  	v7 =	vadd.f32 v7, v10  }
0x3b2: {  	v4 =	vmul.f32 $1.442695020e+00, v4  }
0x3b3: {  	v7 =	vmul.f32 $1.442695020e+00, v7  }
0x3b4: {  	(erf) = vpow2.f32 v4  }
0x3b5: {  	(erf) = vpow2.f32 v7;
	_ =	sdelay $0x4  }
0x3b6: {  	v11 =	vor.u32 $0x1, v3  }
0x3b7: {  	s14 =	simm.s32 $0x390;
	v10 =	vor.u32 $0x2, v3  }
0x3b8: {  	v9 =	vor.u32 $0x3, v3;
	v13 =	vmov s14  }
0x3b9: {  	v8 =	vor.u32 $0x4, v3;
	v15 =	vshll.u32 v13, $0x3;
	v4 =	vor.u32 $0x6, v3;
	v16 =	vpop (erf)  }
0x3ba: {  	s1 =	simm.s32 $0x3A0;
	v7 =	vor.u32 $0x5, v3;
	v13 =	vmul.f32 v16, v12;
	v12 =	vmul.f32 v16, v14;
	[tilespmem:v3+s20+$0x0] =	vst.idx.msk $0xffff, v16;
	v14 =	vpop (erf)  }
.LBB2_24:
0x3bb: {  	p0 =	sne.s32 s1, $0x3F0;
	v5 =	vmul.f32 v14, v5;
	[tilespmem:v11+s20+$0x0] =	vst.idx.msk $0xffff, v14;
	v11 =	vor.u32 $0x7, v3;
	v3 =	vor.u32 v0, v15;
	s14 =	smov.u32 s1;
	s1 =	sadd.s32 $0x10, s1  }
0x3bc: {  	v6 =	vmul.f32 v14, v6;
	v15 =	vadd.s32 v2, v3;
	v16 =	vor.u32 $0x6, v3;
	[tilespmem:v10+s20+$0x0] =	vst.idx.msk $0xffff, v13  }
0x3bd: {  	v10 =	vor.u32 $0x1, v15;
	v13 =	vor.u32 $0x4, v15;
	v14 =	vor.u32 $0x5, v15;
	[tilespmem:v9+s20+$0x0] =	vst.idx.msk $0xffff, v12  }
0x3be: {  	v9 =	vor.u32 $0x2, v15;
	v12 =	vor.u32 $0x3, v15;
	v17 =	vor.u32 $0x6, v15;
	[tilespmem:v8+s20+$0x0] =	vst.idx.msk $0xffff, v6  }
0x3bf: {  	v6 =	vor.u32 $0x7, v15;
	[tilespmem:v7+s20+$0x0] =	vst.idx.msk $0xffff, v5  }
0x3c0: {  	[tilespmem:v4+s20+$0x0] =	vst.idx.msk $0xffff, v1;
	v4 =	vmov v16  }
0x3c1: {  	[tilespmem:v11+s20+$0x0] =	vst.idx.msk $0xffff, v1  }
0x3c2: {  	v16 =	vld.idx.msk [tilespmem:v15+s18+$0x0], $0xffff  }
0x3c3: {  	v7 =	vld.idx.msk [tilespmem:v14+s19+$0x0], $0xffff  }
0x3c4: {  	v8 =	vld.idx.msk [tilespmem:v17+s19+$0x0], $0xffff  }
0x3c5: {  	v11 =	vld.idx.msk [tilespmem:v6+s19+$0x0], $0xffff  }
0x3c6: {  	v5 =	vld.idx.msk [tilespmem:v12+s18+$0x0], $0xffff  }
0x3c7: {  	v12 =	vld.idx.msk [tilespmem:v13+s19+$0x0], $0xffff  }
0x3c8: {  	v14 =	vld.idx.msk [tilespmem:v10+s18+$0x0], $0xffff  }
0x3c9: {  	v6 =	vld.idx.msk [tilespmem:v9+s18+$0x0], $0xffff;
	_ =	sdelay $0x2  }
0x3ca: {  	v9 =	vadd.f32 v11, v5;
	v10 =	vld [tilespmem:$0xB830]  }
0x3cb: {  	v11 =	vadd.f32 v12, v16;
	v12 =	vld [tilespmem:$0xB810]  }
0x3cc: {  	v7 =	vadd.f32 v7, v14;
	v13 =	vmul.f32 $2.000000030e-01, v9;
	v15 =	vld [tilespmem:$0xB800]  }
0x3cd: {  	vm0 =	vgt.f32 v9, $0.0e+00;
	v17 =	vmul.f32 $2.000000030e-01, v11;
	v8 =	vadd.f32 v8, v6;
	v18 =	vld [tilespmem:$0xB820]  }
0x3ce: {  	vm1 =	vgt.f32 v11, $0.0e+00;
	v19 =	vmul.f32 $2.000000030e-01, v7;
	v9 =	vsel vm0, v9, v13  }
0x3cf: {  	vm0 =	vgt.f32 v7, $0.0e+00;
	v11 =	vsel vm1, v11, v17;
	v13 =	vmul.f32 $2.000000030e-01, v8  }
0x3d0: {  	v7 =	vsel vm0, v7, v19;
	vm0 =	vgt.f32 v8, $0.0e+00  }
0x3d1: {  	v8 =	vsel vm0, v8, v13;
	v7 =	vmul.f32 v12, v7;
	v11 =	vmul.f32 v15, v11  }
0x3d2: {  	v9 =	vmul.f32 v10, v9;
	v8 =	vmul.f32 v18, v8  }
0x3d3: {  	v7 =	vadd.f32 v7, v11  }
0x3d4: {  	v8 =	vadd.f32 v9, v8  }
0x3d5: {  	v7 =	vmul.f32 $1.442695020e+00, v7  }
0x3d6: {  	v8 =	vmul.f32 $1.442695020e+00, v8  }
0x3d7: {  	(erf) = vpow2.f32 v7  }
0x3d8: {  	(erf) = vpow2.f32 v8;
	_ =	sdelay $0x4  }
.Ltmp17:
0x3d9: {  	v11 =	vor.u32 $0x1, v3;
	(pc) =	sbr.rel @p0 .LBB2_24-.Ltmp17, $4  }
0x3da: {  	v10 =	vor.u32 $0x2, v3  }
0x3db: {  	v9 =	vor.u32 $0x3, v3  }
0x3dc: {  	v12 =	vmov s14;
	v7 =	vor.u32 $0x5, v3;
	v8 =	vor.u32 $0x4, v3;
	v17 =	vpop (erf)  }
0x3dd: {  	v15 =	vshll.u32 v12, $0x3;
	v13 =	vmul.f32 v17, v16;
	v12 =	vmul.f32 v17, v14;
	[tilespmem:v3+s20+$0x0] =	vst.idx.msk $0xffff, v17;
	v14 =	vpop (erf)  }
.Ltmp18:
0x3de: {  	_ = 	snop;
	(pc) =	sbr.rel .LBB2_25-.Ltmp18, $1  }
0x3df: {  	_ =	sdelay $0x3  }
.LBB2_28:
0x3e0: {  	_ =	sfence.sel $0x180000  }
0x3e1: {  	[bflag:$0x0] =	sbarrier.arrive $0xFFFF  }
0x3e2: {  	_ =	strace $0x9000004A  }
0x3e3: {  	s0 =	stileid.u32;
	[bflag:$0x2] =	sbarrier.arrive $0xFFFF  }
0x3e4: {  	p0 =	sne.s32 s0, $0x0;
	s0 =	rddreg [dreg:$0x3]  }
0x3e5: {  	s0 =	sadd.s32 @!p0 $0x100000, s0  }
0x3e6: {  	[sflag:s0] =	ssyncadd.tile.s32 @!p0 $0x1;
	_ =	shalt  }
.Lfunc_end2:
_tile_overlayer_lowered:
.L_overlay_start_2:
0x3e7: {  	(tag) =	ssettag $0x2  }
0x3e8: {  	s0 =	rddreg [dreg:$0x0];
	s2 =	stileid.u32  }
0x3e9: {  	s1 =	rddreg [dreg:$0x1];
	p0 =	sne.s32 s2, $0x0  }
0x3ea: {  	s3 =	rddreg [dreg:$0x2];
	[bflag:$0x3] =	sbarrier.arrive $0xFFFF;
	s2 =	simm.s32 @!p0 $0x1C04  }
0x3eb: {  	[timem:s3], [sflag:s2] =	dma.local @!p0 [hbm:s0], s1  }
0x3ec: {  	s0 =	simm.s32 @!p0 $0x4  }
0x3ed: {  	_ =	swait.ge @!p0 [sflag:s0], s1  }
0x3ee: {  	s1 =	ssub.s32 @!p0 $0x0, s1;
	[sflag:s0] =	ssyncset.done @!p0 $0x0  }
0x3ef: {  	[sflag:s0] =	ssyncadd.s32 @!p0 s1  }
0x3f0: {  	[bflag:$0x3] =	sbarrier.arrive $0xFFFF  }
0x3f1: {  	_ =	shalt  }

// kernel: kernel.7.cloned.1.call-start
scs
__scs_entry_jumppad:
0x0: {  	(pc) =	sbr.rel $0x88, $3  }
0x1: {  	(tag) =	ssettag $0x0;
	lr =	simm.s32 $0x1  }
0x2: {  	[smem:$0x3F82] =	sst lr;
	_ =	strace $0xD0000000  }
0x3: {  	_ = 	snop  }
0x4: {  	_ = 	snop  }
0x5: {  	_ = 	snop  }
0x6: {  	_ = 	snop  }
0x7: {  	_ = 	snop  }
__scs_overlays_trampoline_lowered:
0x8: {  	[smem:$0x3F91] =	sst s0  }
0x9: {  	[smem:$0x3F92] =	sst s1  }
0xa: {  	[smem:$0x3F93] =	sst s2  }
0xb: {  	[smem:$0x3F94] =	sst s3  }
0xc: {  	[smem:$0x3F95] =	sst s4  }
0xd: {  	[smem:$0x3F96] =	sst s5  }
0xe: {  	[smem:$0x3F97] =	sst s6  }
0xf: {  	[smem:$0x3F98] =	sst s7  }
0x10: {  	[smem:$0x3F99] =	sst s8  }
0x11: {  	[smem:$0x3F9A] =	sst s9;
	s0 =	simm.s32 @!p0 $0x0  }
0x12: {  	s1 =	sld [smem:$0x3F80];
	s0 =	simm.s32 @p0 $0x1  }
0x13: {  	[smem:$0x3F9B] =	sst s0;
	s0 =	simm.s32 @!p1 $0x0  }
0x14: {  	s2 =	sld [smem:$0x3F7F];
	s0 =	simm.s32 @p1 $0x1  }
0x15: {  	[smem:$0x3F9C] =	sst s0;
	s0 =	simm.s32 @!p2 $0x0  }
0x16: {  	s3 =	sld [smem:$0x3FDB];
	s0 =	simm.s32 @p2 $0x1  }
0x17: {  	s4 =	simm.s32 $0x1BF5;
	[smem:$0x3F9E] =	sst s0  }
0x18: {  	s0 =	sld [smem:$0x3F81];
	_ =	swait.ge [sflag:s4], $0x0  }
0x19: {  	s7 =	sld [smem:$0x3F82]  }
0x1a: {  	s8 =	sadd.s32 $0xFFFFE003, lr  }
0x1b: {  	s9 =	sadd.s32 $0xFFFFFEF7, lr;
	s5 =	simm.s32 $0xFFFFFFFF;
	p2 =	slt.u32 s8, $0xFFFFF086  }
0x1c: {  	p1 =	slt.u32 s9, $0xF7A;
	s5 =	simm.s32 @!p2 $0x0  }
0x1d: {  	s5 =	simm.s32 @p1 $0x1;
	p0 =	seq.s32 s7, s2  }
0x1e: {  	s7 =	smul.u32 @!p0 $0xF7A, s2;
	p2 =	seq.s32 @!p0 s5, $0x0  }
0x1f: {  	s9 =	smul.u32 $0xF7A, s1;
	s8 =	simm.s32 @!p0 $0x1BF5;
	p2 =	por !p2, p0  }
0x20: {  	[sflag:s8] =	ssyncset.s32 @!p0 $0xFFFFF086;
	s6 =	sadd.s32 @!p0 s3, s7;
	s7 =	simm.s32 @!p0 $0x108  }
0x21: {  	s3 =	sadd.s32 s3, s9;
	s6 =	sadd.s32 @!p0 $0x88, s6;
	s7 =	simm.s32 @p2 $0x1082  }
0x22: {  	[simem:s7], [sflag:s8] =	dma.local @!p0 [hbm:s6], $0xF7A  }
0x23: {  	s9 =	sor.u32 $0xD0000000, s2;
	s6 =	simm.s32 $0x108;
	_ =	swait.ge @!p0 [sflag:s8], $0x0  }
0x24: {  	s3 =	sadd.s32 $0x88, s3;
	s6 =	simm.s32 @!p1 $0x1082;
	[sflag:s4] =	ssyncset.s32 $0xFFFFF086  }
0x25: {  	[simem:s6], [sflag:s4] =	dma.local [hbm:s3], $0xF7A  }
0x26: {  	[smem:$0x3F82] =	sst s1;
	(tag) =	ssettag s2;
	_ =	strace s9  }
0x27: {  	s1 =	sld [smem:$0x3F92]  }
0x28: {  	s2 =	sld [smem:$0x3F93]  }
0x29: {  	s4 =	sld [smem:$0x3F95]  }
0x2a: {  	p0 =	seq.s32 s5, $0x0;
	s5 =	sld [smem:$0x3F96]  }
0x2b: {  	s6 =	sld [smem:$0x3F97]  }
0x2c: {  	s7 =	sld [smem:$0x3F98]  }
0x2d: {  	s3 =	simm.s32 $0x108;
	s8 =	sld [smem:$0x3F99]  }
0x2e: {  	s3 =	simm.s32 @!p0 $0x1082;
	s9 =	sld [smem:$0x3F9A]  }
0x2f: {  	lr =	sadd.s32 s0, s3;
	s0 =	sld [smem:$0x3F91]  }
0x30: {  	s3 =	sld [smem:$0x3F94]  }
0x31: {  	[smem:$0x3F9D] =	sst s10  }
0x32: {  	s10 =	sld [smem:$0x3F9B];
	_ =	sdelay $0x3  }
0x33: {  	p0 =	seq.s32 s10, $0x1;
	s10 =	sld [smem:$0x3F9D];
	_ =	sdelay $0x3  }
0x34: {  	[smem:$0x3F9D] =	sst s10  }
0x35: {  	s10 =	sld [smem:$0x3F9C];
	_ =	sdelay $0x3  }
0x36: {  	p1 =	seq.s32 s10, $0x1;
	s10 =	sld [smem:$0x3F9D];
	_ =	sdelay $0x3  }
0x37: {  	[smem:$0x3F9D] =	sst s10  }
0x38: {  	s10 =	sld [smem:$0x3F9E]  }
0x39: {  	_ = 	snop;
	(pc) =	sbr.ind lr, $3  }
0x3a: {  	_ = 	snop  }
0x3b: {  	_ = 	snop  }
0x3c: {  	p2 =	seq.s32 s10, $0x1;
	s10 =	sld [smem:$0x3F9D]  }
0x3d: {  	_ =	shalt  }
0x3e: {  	_ =	shalt  }
0x3f: {  	_ =	shalt  }
0x40: {  	_ =	shalt  }
0x41: {  	_ =	shalt  }
0x42: {  	_ =	shalt  }
0x43: {  	_ =	shalt  }
0x44: {  	_ =	shalt  }
0x45: {  	_ =	shalt  }
0x46: {  	_ =	shalt  }
0x47: {  	_ =	shalt  }
0x48: {  	_ =	shalt  }
0x49: {  	_ =	shalt  }
0x4a: {  	_ =	shalt  }
0x4b: {  	_ =	shalt  }
0x4c: {  	_ =	shalt  }
0x4d: {  	_ =	shalt  }
0x4e: {  	_ =	shalt  }
0x4f: {  	_ =	shalt  }
0x50: {  	_ =	shalt  }
0x51: {  	_ =	shalt  }
0x52: {  	_ =	shalt  }
0x53: {  	_ =	shalt  }
0x54: {  	_ =	shalt  }
0x55: {  	_ =	shalt  }
0x56: {  	_ =	shalt  }
0x57: {  	_ =	shalt  }
0x58: {  	_ =	shalt  }
0x59: {  	_ =	shalt  }
0x5a: {  	_ =	shalt  }
0x5b: {  	_ =	shalt  }
0x5c: {  	_ =	shalt  }
0x5d: {  	_ =	shalt  }
0x5e: {  	_ =	shalt  }
0x5f: {  	_ =	shalt  }
0x60: {  	_ =	shalt  }
0x61: {  	_ =	shalt  }
0x62: {  	_ =	shalt  }
0x63: {  	_ =	shalt  }
0x64: {  	_ =	shalt  }
0x65: {  	_ =	shalt  }
0x66: {  	_ =	shalt  }
0x67: {  	_ =	shalt  }
0x68: {  	_ =	shalt  }
0x69: {  	_ =	shalt  }
0x6a: {  	_ =	shalt  }
0x6b: {  	_ =	shalt  }
0x6c: {  	_ =	shalt  }
0x6d: {  	_ =	shalt  }
0x6e: {  	_ =	shalt  }
0x6f: {  	_ =	shalt  }
0x70: {  	_ =	shalt  }
0x71: {  	_ =	shalt  }
0x72: {  	_ =	shalt  }
0x73: {  	_ =	shalt  }
0x74: {  	_ =	shalt  }
0x75: {  	_ =	shalt  }
0x76: {  	_ =	shalt  }
0x77: {  	_ =	shalt  }
0x78: {  	_ =	shalt  }
0x79: {  	_ =	shalt  }
0x7a: {  	_ =	shalt  }
0x7b: {  	_ =	shalt  }
0x7c: {  	_ =	shalt  }
0x7d: {  	_ =	shalt  }
0x7e: {  	_ =	shalt  }
0x7f: {  	_ =	shalt  }
0x80: {  	_ =	shalt  }
0x81: {  	_ =	shalt  }
0x82: {  	_ =	shalt  }
0x83: {  	_ =	shalt  }
0x84: {  	_ =	shalt  }
0x85: {  	_ =	shalt  }
0x86: {  	_ =	shalt  }
0x87: {  	_ =	shalt  }
.Lfunc_end0:
.L_simem_size_0:
called_computation_lowered:
.L_overlay_start_0:
0x88: {  	s2 =	sld [smem:$0x3FD9]  }
0x89: {  	s3 =	sld [smem:$0x3FFE];
	_ =	sdelay $0x1  }
0x8a: {  	s1 =	srdreg.scid  }
0x8b: {  	s0 =	sand.u32 $0x1, s1  }
0x8c: {  	s17 =	sshll.u32 s0, $0xA;
	s2 =	sadd.s32 s3, s2  }
0x8d: {  	s2 =	sadd.s32 s2, s17  }
0x8e: {  	[smem:$0x3FA9] =	sst s2  }
0x8f: {  	_ = 	snop  }
0x90: {  	s2 =	sld [smem:$0x3FD0];
	(tm) =	ssettm $0x1  }
0x91: {  	s18 =	sld [smem:$0x3FFB];
	_ =	sdelay $0x3  }
0x92: {  	_ =	strace s18  }
0x93: {  	s3 =	sld [smem:$0x3FFC];
	_ =	sdelay $0x3  }
0x94: {  	_ =	strace s3  }
0x95: {  	s3 =	sld [smem:$0x3FFD];
	_ =	sdelay $0x3  }
0x96: {  	_ =	strace s3  }
0x97: {  	_ =	strace $0x8FFFFFFF  }
0x98: {  	s19 =	sld [smem:$0x3FDB];
	_ =	sdelay $0x1  }
0x99: {  	s4 =	simm.s32 $_scs_section_size  }
0x9a: {  	s5 =	simm.s32 $_size__tile_overlayer_lowered;
	s6 =	simm.s32 $_tile_overlayer_lowered  }
0x9b: {  	s22 =	simm.s32 $0x1BFF;
	s21 =	sshll.u32 s6, $0x1;
	s3 =	sadd.s32 s4, s19  }
0x9c: {  	s7 =	simm.s32 $0x0;
	s20 =	sshll.u32 s5, $0x1;
	s5 =	sadd.s32 s21, s3  }
0x9d: {  	[timem:s7], [sflag:s22] =	dma.local [hbm:s5], s20  }
0x9e: {  	_ =	swait.ge [sflag:s22], s20  }
0x9f: {  	s4 =	ssub.s32 $0x0, s20;
	[sflag:s22] =	ssyncset.done $0x0  }
0xa0: {  	[sflag:s22] =	ssyncadd.s32 s4;
	_ =	sdelay $0x1  }
0xa1: {  	s23 =	simm.s32 $0x1B8B  }
0xa2: {  	_ =	swait.ge [sflag:s23], $0x1  }
0xa3: {  	[sflag:s23] =	ssyncset.done $0x0  }
0xa4: {  	s25 =	simm.s32 $0x1B8E;
	s24 =	sld [smem:$0x3FFE];
	[sflag:s23] =	ssyncadd.s32 $0xFFFFFFFF  }
0xa5: {  	s26 =	simm.s32 $execute0_lowered;
	[smem:$0x3FD2] =	sst s25  }
0xa6: {  	s5 =	sshll.u32 s26, $0x1;
	_ =	strace $0x80000046;
	[dreg:$0x1] =	wrdreg $0xFFFFFFFF  }
0xa7: {  	s28 =	simm.s32 $_size_execute0_lowered;
	s3 =	sadd.s32 s3, s5;
	[dreg:$0x0] =	wrdreg $0x0  }
0xa8: {  	s5 =	sshll.u32 s28, $0x1;
	[dreg:$0x2] =	wrdreg s3  }
0xa9: {  	[dreg:$0x3] =	wrdreg s5  }
0xaa: {  	[dreg:$0x4] =	wrdreg $0xC0  }
0xab: {  	_ =	task [dreg:s7], $0x5FFFF  }
0xac: {  	[dreg:$0x1] =	wrdreg $0xFFFFFFFF  }
0xad: {  	[dreg:$0x0] =	wrdreg $0x60  }
0xae: {  	[dreg:$0x2] =	wrdreg s24  }
0xaf: {  	[dreg:$0x3] =	wrdreg s2  }
0xb0: {  	[dreg:$0x4] =	wrdreg $0x56C00  }
0xb1: {  	[dreg:$0x5] =	wrdreg $0x9  }
0xb2: {  	_ =	task.clear_ibuf [dreg:s7], $0x6FFFF;
	_ =	strace $0x90000046  }
0xb3: {  	s29 =	simm.s32 $0x9;
	_ =	strace $0x80000048  }
0xb4: {  	_ =	swait.ge [sflag:s29], $0x1  }
0xb5: {  	[sflag:s29] =	ssyncadd.s32 $0xFFFFFFFF  }
0xb6: {  	_ =	strace $0x90000048  }
0xb7: {  	_ =	sfence  }
0xb8: {  	s30 =	sld [smem:$0x0];
	_ =	sdelay $0x2  }
0xb9: {  	s31 =	sshll.u32 s1, $0xD;
	s1 =	sshrl.u32 s1, $0x2  }
0xba: {  	s3 =	sand.u32 $0x4000, s31;
	s1 =	sadd.s32 s1, s30  }
0xbb: {  	s0 =	sor.u32 s3, s0;
	s1 =	sshll.u32 s1, $0x11  }
0xbc: {  	s0 =	sor.u32 s1, s0  }
0xbd: {  	s0 =	sadd.s32 $0x8F2B, s0  }
0xbe: {  	[sflag:s0] =	ssyncadd.remote.s32 $0x1  }
0xbf: {  	_ =	sfence.sel $0xFFFF  }
0xc0: {  	[dreg:$0x0] =	wrdreg $0xFFFFFFFF;
	(pc) =	sbr.abs _section_cstart, $3  }
0xc1: {  	[dreg:$0x1] =	wrdreg $0xFFFFFFFF  }
0xc2: {  	_ =	task.clear_ibuf [dreg:s7], $0x2FFFF;
	_ =	strace $0x9FFFFFFF  }
0xc3: {  	(tm) =	ssettm $0x7FFFFFFF  }
tec
execute0_lowered:
.L_overlay_start_1:
0x0: {  	(tag) =	ssettag $0x1  }
0x1: {  	s6 =	rddreg [dreg:$0x0]  }
0x2: {  	s1 =	rddreg [dreg:$0x1]  }
0x3: {  	s2 =	rddreg [dreg:$0x2];
	s3 =	simm.s32 $0x0;
	s5 =	srdreg.scid  }
0x4: {  	s0 =	stileid.u32;
	s18 =	simm.s32 $0x1;
	s19 =	simm.s32 $0x600  }
0x5: {  	s20 =	simm.s32 $0x2600;
	s21 =	simm.s32 $0x4600;
	s22 =	simm.s32 $0x80  }
0x6: {  	s23 =	simm.s32 $0x4E00;
	[smem:$0x7FF] =	sst s3;
	s4 =	sadd.s32 $0x18B200, s6  }
0x7: {  	s9 =	sand.u32 $0x1, s5;
	s5 =	sadd.s32 $0x621C00, s6;
	s7 =	sadd.s32 $0x1BC200, s6  }
0x8: {  	s8 =	sadd.s32 $0x280200, s6;
	s13 =	smul.u32 $0x18800, s0;
	s14 =	sshll.u32 s0, $0x6  }
0x9: {  	s10 =	smul.u32 $0x31000, s9;
	s30 =	sshll.u32 s9, $0x4;
	s9 =	ssub.s32 $0x2, s9  }
0xa: {  	_ =	strace $0x80000047;
	s11 =	sor.u32 s0, s30;
	s31 =	sshrl.u32 s9, $0x1  }
0xb: {  	s17 =	sadd.s32 s13, s2;
	s25 =	sshrl.u32 s13, $0x3;
	s15 =	smul.u32 $0x6200, s11  }
.Ltmp0:
0xc: {  	s12 =	sadd.s32 s10, s6;
	s16 =	ssub.s32 s9, s31;
	(pc) =	sbr.rel .LBB2_1-.Ltmp0, $4  }
0xd: {  	s9 =	sor.u32 $0x1C04, s14;
	s11 =	smul.u32 $0x31000, s11;
	s13 =	sshrl.u32 s17, $0x3  }
0xe: {  	s14 =	simm.s32 $0x4;
	s17 =	simm.s32 $0x2;
	s24 =	sadd.s32 $0x283400, s12  }
0xf: {  	v0 =	vlaneseq.u32;
	s12 =	smax.u32 s16, $0x1;
	s16 =	simm.s32 $0x3;
	s10 =	sadd.s32 s7, s15  }
0x10: {  	v0 =	vmul.u32 $0x10, v0;
	s15 =	simm.s32 $0x5600;
	s24 =	sadd.s32 s25, s24;
	s25 =	simm.s32 $0x0  }
.LBB2_15:
0x11: {  	_ =	swait.ge [sflag:s16], $0x1000  }
0x12: {  	[sflag:s16] =	ssyncset.done $0x0  }
0x13: {  	[sflag:s16] =	ssyncadd.s32 $0xFFFFF000  }
0x14: {  	_ =	swait.ge [sflag:s18], $0x200  }
0x15: {  	s25 =	sadd.s32 $0x1, s25;
	[sflag:s18] =	ssyncset.done $0x0  }
0x16: {  	p0 =	sne.s32 s25, s12;
	[sflag:s18] =	ssyncadd.s32 $0xFFFFFE00  }
.Ltmp1:
0x17: {  	[bflag:$0x0] =	sbarrier.arrive $0xFFFF;
	(pc) =	sbr.rel @!p0 .LBB2_16-.Ltmp1, $4  }
0x18: {  	[hbm:s24], [sflag:s9] =	dma.local [spmem:s13], $0x3100  }
0x19: {  	_ =	swait.ge [sflag:s14], $0x3100  }
0x1a: {  	[sflag:s14] =	ssyncset.done $0x0  }
0x1b: {  	[sflag:s14] =	ssyncadd.s32 $0xFFFFCF00  }
.LBB2_1:
0x1c: {  	[spmem:s13], [sflag:s9] =	dma.local [hbm:s8], $0x3100  }
0x1d: {  	_ =	swait.ge [sflag:s14], $0x3100  }
0x1e: {  	[sflag:s14] =	ssyncset.done $0x0  }
0x1f: {  	[sflag:s14] =	ssyncadd.s32 $0xFFFFCF00  }
0x20: {  	[tilespmem:s15], [sflag:$0x4] =	stream.linear.gather [hbm4b:s1+s3], $0xC0, $0x38;
	[tilespmem:$0x1DEC0] =	vst v63  }
0x21: {  	_ =	swait.ge [sflag:s14], $0xC0  }
0x22: {  	[sflag:s14] =	ssyncset.done $0x0  }
0x23: {  	[sflag:s14] =	ssyncadd.s32 $0xFFFFFF40  }
.Ltmp2:
0x24: {  	[bflag:$0x0] =	sbarrier.arrive $0xFFFF;
	(pc) =	sbr.rel .LBB2_2-.Ltmp2, $4  }
0x25: {  	[tilespmem:s3], [sflag:$0x4] =	stream.linear.gather [hbm4b:s10+s3], $0x200, $0x38;
	[tilespmem:$0x1DEC0] =	vst v63  }
0x26: {  	_ =	swait.ge [sflag:s14], $0x200  }
0x27: {  	[sflag:s14] =	ssyncset.done $0x0  }
0x28: {  	s28 =	simm.s32 $0x0;
	[sflag:s14] =	ssyncadd.s32 $0xFFFFFE00  }
.LBB2_13:
0x29: {  	_ = 	snop  }
0x2a: {  	v1 =	vor.u32 $0x2, v2  }
0x2b: {  	v16 =	vor.u32 $0x3, v2  }
0x2c: {  	v17 =	vpop (erf);
	v18 =	vor.u32 $0x4, v2  }
0x2d: {  	v53 =	vor.u32 $0x5, v2;
	v14 =	vmul.f32 v17, v14;
	[tilespmem:v2+s21+$0x0] =	vst.idx.msk $0xffff, v17;
	v19 =	vpop (erf)  }
0x2e: {  	v54 =	vor.u32 $0x6, v2;
	v15 =	vmul.f32 v19, v15;
	[tilespmem:v12+s21+$0x0] =	vst.idx.msk $0xffff, v19  }
0x2f: {  	v55 =	vpop (erf);
	[tilespmem:v1+s21+$0x0] =	vst.idx.msk $0xffff, v14;
	v1 =	vor.u32 $0x7, v2  }
0x30: {  	v56 =	vor.u32 $0x8, v2;
	v57 =	vpop (erf);
	[tilespmem:v16+s21+$0x0] =	vst.idx.msk $0xffff, v15  }
0x31: {  	v58 =	vor.u32 $0x9, v2;
	v8 =	vmul.f32 v57, v8;
	[tilespmem:v18+s21+$0x0] =	vst.idx.msk $0xffff, v57  }
0x32: {  	v59 =	vor.u32 $0xA, v2;
	v7 =	vmul.f32 v57, v7;
	[tilespmem:v53+s21+$0x0] =	vst.idx.msk $0xffff, v55  }
0x33: {  	v60 =	vor.u32 $0xB, v2;
	v6 =	vmul.f32 v57, v6;
	[tilespmem:v54+s21+$0x0] =	vst.idx.msk $0xffff, v8  }
0x34: {  	v11 =	vmul.f32 v57, v11;
	[tilespmem:v1+s21+$0x0] =	vst.idx.msk $0xffff, v7;
	v1 =	vor.u32 $0xC, v2  }
0x35: {  	v62 =	vor.u32 $0xD, v2;
	v61 =	vmul.f32 v57, v13;
	[tilespmem:v56+s21+$0x0] =	vst.idx.msk $0xffff, v6  }
0x36: {  	v63 =	vor.u32 $0xE, v2;
	v3 =	vmul.f32 v55, v3;
	[tilespmem:v58+s21+$0x0] =	vst.idx.msk $0xffff, v11  }
0x37: {  	v5 =	vmul.f32 v55, v5;
	v2 =	vor.u32 $0xF, v2;
	[tilespmem:v59+s21+$0x0] =	vst.idx.msk $0xffff, v61  }
0x38: {  	v4 =	vmul.f32 v55, v4;
	[tilespmem:v60+s21+$0x0] =	vst.idx.msk $0xffff, v3  }
0x39: {  	v3 =	vmul.f32 v55, v9;
	[tilespmem:v1+s21+$0x0] =	vst.idx.msk $0xffff, v5  }
0x3a: {  	v1 =	vmul.f32 v55, v10;
	[tilespmem:v62+s21+$0x0] =	vst.idx.msk $0xffff, v4  }
0x3b: {  	[tilespmem:v63+s21+$0x0] =	vst.idx.msk $0xffff, v3  }
0x3c: {  	s0 =	sadd.s32 $0x180, s28;
	[tilespmem:v2+s21+$0x0] =	vst.idx.msk $0xffff, v1  }
0x3d: {  	[spmem:s2] =	stream.indirect.scatter.add.f32 [tilespmem:s23], [sflag:$0x3], $0x10, s0, s22, $0xb8;
	[tilespmem:$0x1DEC0] =	vst v63  }
.LBB2_14:
0x3e: {  	p0 =	sne.s32 s26, $0x189  }
.Ltmp3:
0x3f: {  	_ = 	snop;
	(pc) =	sbr.rel @!p0 .LBB2_15-.Ltmp3, $2  }
0x40: {  	_ =	sdelay $0x2  }
0x41: {  	s28 =	smov.u32 s26  }
.LBB2_2:
0x42: {  	p0 =	slt.u32 s28, $0x2  }
.Ltmp4:
0x43: {  	_ = 	snop;
	(pc) =	sbr.rel @p0 .LBB2_6-.Ltmp4, $2  }
0x44: {  	_ =	sdelay $0x2  }
0x45: {  	s29 =	sand.u32 $0x1, s28;
	s26 =	sadd.s32 $0x1, s28  }
.Ltmp5:
0x46: {  	(pc) =	sbr.rel .LBB2_4-.Ltmp5, $4  }
0x47: {  	_ = 	snop  }
0x48: {  	_ =	swait.ge [sflag:s16], $0x1000  }
0x49: {  	[sflag:s16] =	ssyncset.done $0x0  }
0x4a: {  	[sflag:s16] =	ssyncadd.s32 $0xFFFFF000  }
.LBB2_6:
0x4b: {  	p0 =	seq.s32 s28, $0x0  }
.Ltmp6:
0x4c: {  	_ = 	snop;
	(pc) =	sbr.rel @p0 .LBB2_7-.Ltmp6, $1  }
0x4d: {  	_ =	sdelay $0x3  }
.LBB2_4:
0x4e: {  	_ =	swait.ge [sflag:s17], $0x1000;
	p0 =	seq.s32 s28, $0x188  }
.Ltmp7:
0x4f: {  	[sflag:s17] =	ssyncset.done $0x0;
	(pc) =	sbr.rel @p0 .LBB2_9-.Ltmp7, $4  }
0x50: {  	[sflag:s17] =	ssyncadd.s32 $0xFFFFF000  }
0x51: {  	_ =	swait.ge [sflag:s17], $0x1000  }
0x52: {  	[sflag:s17] =	ssyncset.done $0x0  }
0x53: {  	[sflag:s17] =	ssyncadd.s32 $0xFFFFF000  }
.Ltmp8:
0x54: {  	(pc) =	sbr.rel .LBB2_8-.Ltmp8, $4  }
0x55: {  	_ = 	snop  }
0x56: {  	_ =	swait.ge [sflag:s18], $0x200  }
0x57: {  	[sflag:s18] =	ssyncset.done $0x0  }
0x58: {  	p0 =	por $0x0, $0x0;
	[sflag:s18] =	ssyncadd.s32 $0xFFFFFE00  }
.LBB2_7:
0x59: {  	p0 =	por $0x1, $0x1  }
.LBB2_8:
0x5a: {  	s30 =	smul.u32 $0xAAAB, s28;
	_ =	sdelay $0x1  }
0x5b: {  	s31 =	sadd.s32 $0xAAAB, s30  }
0x5c: {  	s31 =	sshrl.u32 s31, $0x11  }
0x5d: {  	s0 =	smin.u32 s26, $0x187;
	s31 =	smul.u32 $0x3, s31  }
0x5e: {  	s0 =	sshll.u32 s0, $0x9;
	s30 =	sshrl.u32 s30, $0x11  }
0x5f: {  	s0 =	sadd.s32 s11, s0;
	s30 =	smul.u32 $0x3, s30;
	s31 =	ssub.s32 s26, s31  }
0x60: {  	s0 =	sshrl.u32 s0, $0x3;
	s31 =	sshll.u32 s31, $0x9  }
0x61: {  	s0 =	sadd.s32 s7, s0;
	s30 =	ssub.s32 s28, s30;
	s31 =	sand.u32 $0x3E00, s31  }
0x62: {  	[tilespmem:s31], [sflag:$0x1] =	stream.linear.gather [hbm4b:s0+s3], $0x200, $0x38;
	[tilespmem:$0x1DEC0] =	vst v63  }
0x63: {  	s30 =	sshll.u32 s30, $0x9;
	s0 =	sshll.u32 s29, $0xC  }
0x64: {  	s30 =	sand.u32 $0xFE00, s30;
	s6 =	sor.u32 $0x600, s0  }
0x65: {  	[tilespmem:s6], [sflag:$0x2] =	stream.indirect.gather [hbm4b:s4+s22], $0x10, s30, s22, $0xb8;
	[tilespmem:$0x1DEC0] =	vst v63  }
0x66: {  	s31 =	sor.u32 $0x2600, s0;
	s6 =	sor.u32 $0x80, s30  }
0x67: {  	[tilespmem:s31], [sflag:$0x2] =	stream.indirect.gather [hbm4b:s5+s22], $0x10, s6, s22, $0xb8;
	[tilespmem:$0x1DEC0] =	vst v63  }
.Ltmp9:
0x68: {  	_ = 	snop;
	(pc) =	sbr.rel @p0 .LBB2_14-.Ltmp9, $4  }
0x69: {  	s6 =	sor.u32 $0xE00, s0;
	s31 =	sor.u32 $0x100, s30  }
0x6a: {  	[tilespmem:s6], [sflag:$0x2] =	stream.indirect.gather [hbm4b:s4+s22], $0x10, s31, s22, $0xb8;
	[tilespmem:$0x1DEC0] =	vst v63  }
0x6b: {  	s0 =	sor.u32 $0x2E00, s0;
	s31 =	sor.u32 $0x180, s30  }
0x6c: {  	[tilespmem:s0], [sflag:$0x2] =	stream.indirect.gather [hbm4b:s5+s22], $0x10, s31, s22, $0xb8;
	[tilespmem:$0x1DEC0] =	vst v63  }
.LBB2_9:
0x6d: {  	s0 =	sxor.u32 $0x1, s29  }
0x6e: {  	s30 =	simm.s32 $0x0;
	v1 =	vmov s0  }
0x6f: {  	v2 =	vmov s30;
	v1 =	vshll.u32 v1, $0xC  }
0x70: {  	v2 =	vshll.u32 v2, $0x4;
	v1 =	vbroadcast v1, $0x0  }
0x71: {  	v2 =	vor.u32 v0, v2  }
0x72: {  	v12 =	vadd.s32 v1, v2  }
0x73: {  	v5 =	vor.u32 $0x7, v12  }
0x74: {  	v6 =	vor.u32 $0x3, v12  }
0x75: {  	v13 =	vld [tilespmem:$0x5650];
	v10 =	vor.u32 $0xB, v12  }
0x76: {  	v16 =	vld [tilespmem:$0x56B0];
	v4 =	vor.u32 $0x9, v12  }
0x77: {  	v17 =	vld [tilespmem:$0x5640]  }
0x78: {  	v3 =	vld.idx.msk [tilespmem:v5+s19+$0x0], $0xffff  }
0x79: {  	v7 =	vor.u32 $0x8, v12;
	v11 =	vld.idx.msk [tilespmem:v6+s20+$0x0], $0xffff  }
0x7a: {  	v21 =	vld.idx.msk [tilespmem:v10+s20+$0x0], $0xffff  }
0x7b: {  	v8 =	vor.u32 $0x2, v12;
	v9 =	vld.idx.msk [tilespmem:v4+s20+$0x0], $0xffff  }
0x7c: {  	v4 =	vld.idx.msk [tilespmem:v4+s19+$0x0], $0xffff  }
0x7d: {  	v14 =	vld.idx.msk [tilespmem:v5+s20+$0x0], $0xffff  }
0x7e: {  	v22 =	vor.u32 $0x4, v12;
	v23 =	vld.idx.msk [tilespmem:v7+s20+$0x0], $0xffff  }
0x7f: {  	v5 =	vld.idx.msk [tilespmem:v7+s19+$0x0], $0xffff  }
0x80: {  	v25 =	vld.idx.msk [tilespmem:v8+s20+$0x0], $0xffff  }
0x81: {  	v8 =	vld.idx.msk [tilespmem:v8+s19+$0x0], $0xffff  }
0x82: {  	v7 =	vld.idx.msk [tilespmem:v6+s19+$0x0], $0xffff  }
0x83: {  	v6 =	vld.idx.msk [tilespmem:v22+s19+$0x0], $0xffff  }
0x84: {  	v22 =	vld.idx.msk [tilespmem:v22+s20+$0x0], $0xffff  }
0x85: {  	v10 =	vld.idx.msk [tilespmem:v10+s19+$0x0], $0xffff  }
0x86: {  	v18 =	vld [tilespmem:$0x5620];
	v24 =	vor.u32 $0xA, v12  }
0x87: {  	v15 =	vld [tilespmem:$0x5680];
	v26 =	vor.u32 $0x5, v12;
	v14 =	vadd.f32 v14, v3  }
0x88: {  	v19 =	vld [tilespmem:$0x5670];
	v27 =	vor.u32 $0x1, v12;
	v31 =	vadd.f32 v9, v4;
	v23 =	vadd.f32 v23, v5  }
0x89: {  	v20 =	vld [tilespmem:$0x5690];
	v29 =	vor.u32 $0x6, v12;
	v37 =	vadd.f32 v25, v8;
	v33 =	vadd.f32 v11, v7  }
0x8a: {  	v41 =	vld [tilespmem:$0x5630];
	v22 =	vadd.f32 v22, v6;
	v21 =	vadd.f32 v21, v10;
	v30 =	vmul.f32 $2.000000030e-01, v14  }
0x8b: {  	v28 =	vld.idx.msk [tilespmem:v24+s20+$0x0], $0xffff;
	vm0 =	vgt.f32 v14, $0.0e+00;
	v32 =	vmul.f32 $2.000000030e-01, v31;
	v39 =	vmul.f32 $2.000000030e-01, v23  }
0x8c: {  	v38 =	vld.idx.msk [tilespmem:v26+s20+$0x0], $0xffff;
	v34 =	vmul.f32 $2.000000030e-01, v37;
	vm8 =	vgt.f32 v23, $0.0e+00;
	vm1 =	vgt.f32 v31, $0.0e+00  }
0x8d: {  	v9 =	vld.idx.msk [tilespmem:v24+s19+$0x0], $0xffff;
	vm2 =	vgt.f32 v37, $0.0e+00;
	v35 =	vmul.f32 $2.000000030e-01, v33;
	vm9 =	vgt.f32 v33, $0.0e+00  }
0x8e: {  	v11 =	vld.idx.msk [tilespmem:v26+s19+$0x0], $0xffff;
	vm10 =	vgt.f32 v22, $0.0e+00;
	v46 =	vmul.f32 $2.000000030e-01, v22;
	vm3 =	vgt.f32 v21, $0.0e+00  }
0x8f: {  	v42 =	vld.idx.msk [tilespmem:v12+s20+$0x0], $0xffff;
	v47 =	vmul.f32 $2.000000030e-01, v21;
	v30 =	vsel vm0, v14, v30;
	v23 =	vsel vm8, v23, v39  }
0x90: {  	v14 =	vld.idx.msk [tilespmem:v12+s19+$0x0], $0xffff;
	v24 =	vsel vm2, v37, v34;
	v40 =	vsel vm1, v31, v32;
	v43 =	vsel vm9, v33, v35  }
0x91: {  	v44 =	vld.idx.msk [tilespmem:v27+s20+$0x0], $0xffff;
	v22 =	vsel vm10, v22, v46;
	v21 =	vsel vm3, v21, v47;
	v20 =	vmul.f32 v20, v40  }
0x92: {  	v45 =	vld.idx.msk [tilespmem:v29+s20+$0x0], $0xffff;
	v28 =	vadd.f32 v28, v9;
	v12 =	vmul.f32 v19, v30;
	v23 =	vmul.f32 v15, v23  }
0x93: {  	v25 =	vadd.f32 v38, v11;
	v15 =	vld.idx.msk [tilespmem:v27+s19+$0x0], $0xffff;
	v18 =	vmul.f32 v18, v24;
	v26 =	vmul.f32 v41, v43  }
0x94: {  	v17 =	vmul.f32 v17, v22;
	v16 =	vmul.f32 v16, v21;
	v23 =	vadd.f32 v23, v12;
	v12 =	vld.idx.msk [tilespmem:v29+s19+$0x0], $0xffff  }
0x95: {  	v52 =	vld [tilespmem:$0x5600];
	vm11 =	vgt.f32 v28, $0.0e+00;
	v49 =	vmul.f32 $2.000000030e-01, v25;
	v51 =	vadd.f32 v42, v14  }
0x96: {  	v48 =	vld [tilespmem:$0x56A0];
	vm12 =	vgt.f32 v25, $0.0e+00;
	v50 =	vmul.f32 $2.000000030e-01, v28;
	v18 =	vadd.f32 v26, v18  }
0x97: {  	v20 =	vadd.f32 v20, v23;
	v53 =	vsel vm12, v25, v49;
	v54 =	vmul.f32 $2.000000030e-01, v51  }
0x98: {  	v56 =	vld [tilespmem:$0x5610];
	v55 =	vsel vm11, v28, v50;
	v19 =	vadd.f32 v44, v15;
	vm13 =	vgt.f32 v51, $0.0e+00  }
0x99: {  	v58 =	vld [tilespmem:$0x5660];
	v13 =	vmul.f32 v13, v53;
	v57 =	vadd.f32 v45, v12;
	v21 =	vsel vm13, v51, v54  }
0x9a: {  	v17 =	vadd.f32 v17, v18;
	v59 =	vmul.f32 $2.000000030e-01, v19;
	v21 =	vmul.f32 v52, v21  }
0x9b: {  	v23 =	vmul.f32 v48, v55;
	vm14 =	vgt.f32 v19, $0.0e+00;
	v60 =	vmul.f32 $2.000000030e-01, v57  }
0x9c: {  	vm15 =	vgt.f32 v57, $0.0e+00;
	v19 =	vsel vm14, v19, v59;
	v63 =	vmul.f32 $1.442695020e+00, v21  }
0x9d: {  	s31 =	sadd.s32 $0x2, s28;
	v61 =	vadd.f32 v23, v20;
	v19 =	vmul.f32 v56, v19;
	v62 =	vsel vm15, v57, v60  }
0x9e: {  	s6 =	sand.u32 $0xFFFF, s31;
	v13 =	vadd.f32 v13, v17;
	v17 =	vmul.f32 v58, v62;
	(erf) = vpow2.f32 v63  }
0x9f: {  	s6 =	smul.u32 $0xAAAB, s6;
	v16 =	vadd.f32 v16, v61;
	v19 =	vmul.f32 $1.442695020e+00, v19  }
0xa0: {  	v13 =	vadd.f32 v17, v13  }
0xa1: {  	s6 =	sshrl.u32 s6, $0x11;
	v16 =	vmul.f32 $1.442695020e+00, v16;
	(erf) = vpow2.f32 v19  }
0xa2: {  	s6 =	smul.u32 $0x3, s6;
	v17 =	vmul.f32 $1.442695020e+00, v13  }
0xa3: {  	(erf) = vpow2.f32 v16  }
0xa4: {  	s29 =	simm.s32 $0x10;
	s28 =	ssub.s32 s31, s6;
	v13 =	vor.u32 $0x1, v2;
	(erf) = vpow2.f32 v17  }
.LBB2_10:
0xa5: {  	_ = 	snop  }
0xa6: {  	p0 =	sne.s32 s29, $0x70;
	s30 =	smov.u32 s29;
	s29 =	sadd.s32 $0x10, s29  }
0xa7: {  	v16 =	vor.u32 $0x2, v2;
	v17 =	vpop (erf)  }
0xa8: {  	v14 =	vmul.f32 v17, v14;
	[tilespmem:v2+s21+$0x0] =	vst.idx.msk $0xffff, v17;
	v17 =	vor.u32 $0x3, v2  }
0xa9: {  	v18 =	vor.u32 $0x4, v2  }
0xaa: {  	v19 =	vor.u32 $0x5, v2;
	v20 =	vpop (erf)  }
0xab: {  	v15 =	vmul.f32 v20, v15;
	[tilespmem:v13+s21+$0x0] =	vst.idx.msk $0xffff, v20;
	v13 =	vor.u32 $0x6, v2  }
0xac: {  	[tilespmem:v16+s21+$0x0] =	vst.idx.msk $0xffff, v14;
	v14 =	vor.u32 $0x7, v2;
	v16 =	vpop (erf)  }
0xad: {  	v9 =	vmul.f32 v16, v9;
	[tilespmem:v17+s21+$0x0] =	vst.idx.msk $0xffff, v15;
	v15 =	vor.u32 $0x8, v2;
	v17 =	vpop (erf)  }
0xae: {  	v3 =	vmul.f32 v16, v3;
	v8 =	vmul.f32 v17, v8;
	[tilespmem:v18+s21+$0x0] =	vst.idx.msk $0xffff, v17;
	v18 =	vor.u32 $0x9, v2  }
0xaf: {  	v4 =	vmul.f32 v16, v4;
	v7 =	vmul.f32 v17, v7;
	[tilespmem:v19+s21+$0x0] =	vst.idx.msk $0xffff, v16;
	v19 =	vor.u32 $0xA, v2  }
0xb0: {  	v10 =	vmul.f32 v16, v10;
	v6 =	vmul.f32 v17, v6;
	[tilespmem:v13+s21+$0x0] =	vst.idx.msk $0xffff, v8;
	v8 =	vor.u32 $0xB, v2  }
0xb1: {  	v5 =	vmul.f32 v16, v5;
	v11 =	vmul.f32 v17, v11;
	[tilespmem:v14+s21+$0x0] =	vst.idx.msk $0xffff, v7;
	v7 =	vor.u32 $0xC, v2  }
0xb2: {  	v12 =	vmul.f32 v17, v12;
	[tilespmem:v15+s21+$0x0] =	vst.idx.msk $0xffff, v6;
	v6 =	vor.u32 $0xD, v2  }
0xb3: {  	[tilespmem:v18+s21+$0x0] =	vst.idx.msk $0xffff, v11;
	v11 =	vor.u32 $0xE, v2  }
0xb4: {  	v2 =	vor.u32 $0xF, v2;
	[tilespmem:v19+s21+$0x0] =	vst.idx.msk $0xffff, v12  }
0xb5: {  	[tilespmem:v8+s21+$0x0] =	vst.idx.msk $0xffff, v3  }
0xb6: {  	[tilespmem:v7+s21+$0x0] =	vst.idx.msk $0xffff, v5  }
0xb7: {  	[tilespmem:v6+s21+$0x0] =	vst.idx.msk $0xffff, v4  }
0xb8: {  	v3 =	vmov s30;
	[tilespmem:v11+s21+$0x0] =	vst.idx.msk $0xffff, v9  }
0xb9: {  	v3 =	vshll.u32 v3, $0x4;
	[tilespmem:v2+s21+$0x0] =	vst.idx.msk $0xffff, v10  }
0xba: {  	v2 =	vor.u32 v0, v3;
	v16 =	vld [tilespmem:$0x5650]  }
0xbb: {  	v12 =	vadd.s32 v1, v2;
	v13 =	vor.u32 $0x1, v2;
	v17 =	vld [tilespmem:$0x56B0]  }
0xbc: {  	v6 =	vor.u32 $0x2, v12;
	v7 =	vor.u32 $0x3, v12;
	v5 =	vor.u32 $0x7, v12;
	v18 =	vld [tilespmem:$0x5640]  }
0xbd: {  	v9 =	vor.u32 $0x4, v12;
	v8 =	vor.u32 $0x8, v12;
	v4 =	vor.u32 $0x9, v12;
	v19 =	vld [tilespmem:$0x5620]  }
0xbe: {  	v15 =	vor.u32 $0x1, v12;
	v10 =	vor.u32 $0xA, v12;
	v14 =	vor.u32 $0xB, v12;
	v20 =	vld [tilespmem:$0x5680]  }
0xbf: {  	v21 =	vor.u32 $0x6, v12;
	v22 =	vld [tilespmem:$0x5670]  }
0xc0: {  	v23 =	vld [tilespmem:$0x5690]  }
0xc1: {  	v3 =	vld.idx.msk [tilespmem:v5+s19+$0x0], $0xffff  }
0xc2: {  	v24 =	vld.idx.msk [tilespmem:v7+s20+$0x0], $0xffff  }
0xc3: {  	v25 =	vld.idx.msk [tilespmem:v14+s20+$0x0], $0xffff  }
0xc4: {  	v11 =	vld.idx.msk [tilespmem:v4+s20+$0x0], $0xffff  }
0xc5: {  	v4 =	vld.idx.msk [tilespmem:v4+s19+$0x0], $0xffff  }
0xc6: {  	v26 =	vld.idx.msk [tilespmem:v5+s20+$0x0], $0xffff  }
0xc7: {  	v27 =	vld.idx.msk [tilespmem:v8+s20+$0x0], $0xffff  }
0xc8: {  	v5 =	vld.idx.msk [tilespmem:v8+s19+$0x0], $0xffff  }
0xc9: {  	v28 =	vld.idx.msk [tilespmem:v6+s20+$0x0], $0xffff  }
0xca: {  	v8 =	vld.idx.msk [tilespmem:v6+s19+$0x0], $0xffff  }
0xcb: {  	v29 =	vor.u32 $0x5, v12;
	v7 =	vld.idx.msk [tilespmem:v7+s19+$0x0], $0xffff  }
0xcc: {  	v26 =	vadd.f32 v26, v3;
	v6 =	vld.idx.msk [tilespmem:v9+s19+$0x0], $0xffff  }
0xcd: {  	v30 =	vld.idx.msk [tilespmem:v10+s20+$0x0], $0xffff  }
0xce: {  	v33 =	vadd.f32 v11, v4;
	v32 =	vmul.f32 $2.000000030e-01, v26;
	v27 =	vadd.f32 v27, v5;
	v31 =	vld.idx.msk [tilespmem:v9+s20+$0x0], $0xffff  }
0xcf: {  	vm0 =	vgt.f32 v26, $0.0e+00;
	v9 =	vld.idx.msk [tilespmem:v10+s19+$0x0], $0xffff  }
0xd0: {  	v35 =	vmul.f32 $2.000000030e-01, v33;
	v28 =	vadd.f32 v28, v8;
	v34 =	vld.idx.msk [tilespmem:v29+s20+$0x0], $0xffff  }
0xd1: {  	v26 =	vsel vm0, v26, v32;
	v24 =	vadd.f32 v24, v7;
	v11 =	vld.idx.msk [tilespmem:v29+s19+$0x0], $0xffff;
	v29 =	vmul.f32 $2.000000030e-01, v27  }
0xd2: {  	vm1 =	vgt.f32 v33, $0.0e+00;
	vm0 =	vgt.f32 v27, $0.0e+00;
	v32 =	vmul.f32 $2.000000030e-01, v28;
	v10 =	vld.idx.msk [tilespmem:v14+s19+$0x0], $0xffff  }
0xd3: {  	vm2 =	vgt.f32 v28, $0.0e+00;
	v36 =	vmul.f32 $2.000000030e-01, v24;
	v14 =	vld.idx.msk [tilespmem:v12+s19+$0x0], $0xffff;
	v27 =	vsel vm0, v27, v29  }
0xd4: {  	v28 =	vsel vm2, v28, v32;
	vm0 =	vgt.f32 v24, $0.0e+00;
	v29 =	vsel vm1, v33, v35;
	v32 =	vld [tilespmem:$0x5630]  }
0xd5: {  	v31 =	vadd.f32 v31, v6;
	v30 =	vadd.f32 v30, v9;
	v23 =	vmul.f32 v23, v29;
	v33 =	vld.idx.msk [tilespmem:v12+s20+$0x0], $0xffff  }
0xd6: {  	v24 =	vsel vm0, v24, v36;
	v20 =	vmul.f32 v20, v27;
	v12 =	vmul.f32 v22, v26;
	v29 =	vld.idx.msk [tilespmem:v15+s20+$0x0], $0xffff  }
0xd7: {  	v19 =	vmul.f32 v19, v28;
	vm0 =	vgt.f32 v31, $0.0e+00;
	v22 =	vadd.f32 v34, v11;
	v15 =	vld.idx.msk [tilespmem:v15+s19+$0x0], $0xffff  }
0xd8: {  	vm1 =	vgt.f32 v30, $0.0e+00;
	v25 =	vadd.f32 v25, v10;
	v20 =	vadd.f32 v20, v12;
	v26 =	vld.idx.msk [tilespmem:v21+s20+$0x0], $0xffff  }
0xd9: {  	vm2 =	vgt.f32 v22, $0.0e+00;
	v12 =	vld.idx.msk [tilespmem:v21+s19+$0x0], $0xffff;
	v21 =	vmul.f32 $2.000000030e-01, v31;
	v24 =	vmul.f32 v32, v24  }
0xda: {  	vm3 =	vgt.f32 v25, $0.0e+00;
	v27 =	vmul.f32 $2.000000030e-01, v25;
	v20 =	vadd.f32 v23, v20;
	v23 =	vld [tilespmem:$0x56A0]  }
0xdb: {  	v28 =	vmul.f32 $2.000000030e-01, v22;
	v21 =	vsel vm0, v31, v21;
	v31 =	vmul.f32 $2.000000030e-01, v30  }
0xdc: {  	v32 =	vadd.f32 v33, v14;
	v25 =	vsel vm3, v25, v27;
	v27 =	vld [tilespmem:$0x5600];
	v18 =	vmul.f32 v18, v21  }
0xdd: {  	v22 =	vsel vm2, v22, v28;
	v21 =	vadd.f32 v29, v15;
	v17 =	vmul.f32 v17, v25  }
0xde: {  	v16 =	vmul.f32 v16, v22;
	v25 =	vmul.f32 $2.000000030e-01, v32;
	v28 =	vsel vm1, v30, v31  }
0xdf: {  	vm0 =	vgt.f32 v32, $0.0e+00;
	v22 =	vadd.f32 v26, v12;
	v26 =	vld [tilespmem:$0x5610];
	v23 =	vmul.f32 v23, v28  }
0xe0: {  	v19 =	vadd.f32 v24, v19;
	v25 =	vsel vm0, v32, v25;
	vm0 =	vgt.f32 v21, $0.0e+00;
	v24 =	vld [tilespmem:$0x5660]  }
0xe1: {  	v28 =	vmul.f32 $2.000000030e-01, v21;
	v25 =	vmul.f32 v27, v25;
	v20 =	vadd.f32 v23, v20  }
0xe2: {  	v18 =	vadd.f32 v18, v19;
	vm1 =	vgt.f32 v22, $0.0e+00;
	v23 =	vmul.f32 $2.000000030e-01, v22  }
0xe3: {  	v19 =	vsel vm0, v21, v28;
	v17 =	vadd.f32 v17, v20;
	v20 =	vmul.f32 $1.442695020e+00, v25  }
0xe4: {  	v16 =	vadd.f32 v16, v18;
	v21 =	vsel vm1, v22, v23;
	v19 =	vmul.f32 v26, v19  }
0xe5: {  	v18 =	vmul.f32 v24, v21;
	(erf) = vpow2.f32 v20  }
0xe6: {  	v17 =	vmul.f32 $1.442695020e+00, v17;
	v19 =	vmul.f32 $1.442695020e+00, v19  }
.Ltmp10:
0xe7: {  	v16 =	vadd.f32 v18, v16;
	(pc) =	sbr.rel @p0 .LBB2_10-.Ltmp10, $4  }
0xe8: {  	(erf) = vpow2.f32 v19  }
0xe9: {  	v16 =	vmul.f32 $1.442695020e+00, v16  }
0xea: {  	(erf) = vpow2.f32 v17  }
0xeb: {  	(erf) = vpow2.f32 v16  }
0xec: {  	_ =	sdelay $0x1  }
0xed: {  	v16 =	vor.u32 $0x2, v2  }
0xee: {  	v17 =	vor.u32 $0x3, v2  }
0xef: {  	v19 =	vor.u32 $0x4, v2;
	v18 =	vpop (erf)  }
0xf0: {  	v34 =	vor.u32 $0x5, v2;
	v14 =	vmul.f32 v18, v14;
	[tilespmem:v2+s21+$0x0] =	vst.idx.msk $0xffff, v18;
	v20 =	vpop (erf)  }
0xf1: {  	v15 =	vmul.f32 v20, v15;
	[tilespmem:v13+s21+$0x0] =	vst.idx.msk $0xffff, v20;
	v13 =	vor.u32 $0x6, v2  }
0xf2: {  	[tilespmem:v16+s21+$0x0] =	vst.idx.msk $0xffff, v14;
	v14 =	vor.u32 $0x7, v2;
	v16 =	vpop (erf)  }
0xf3: {  	[tilespmem:v17+s21+$0x0] =	vst.idx.msk $0xffff, v15;
	v15 =	vor.u32 $0x8, v2;
	v17 =	vpop (erf)  }
0xf4: {  	v35 =	vor.u32 $0x9, v2;
	v8 =	vmul.f32 v17, v8;
	[tilespmem:v19+s21+$0x0] =	vst.idx.msk $0xffff, v17  }
0xf5: {  	v36 =	vor.u32 $0xA, v2;
	v7 =	vmul.f32 v17, v7;
	[tilespmem:v34+s21+$0x0] =	vst.idx.msk $0xffff, v16  }
0xf6: {  	v6 =	vmul.f32 v17, v6;
	[tilespmem:v13+s21+$0x0] =	vst.idx.msk $0xffff, v8;
	v8 =	vor.u32 $0xB, v2  }
0xf7: {  	v11 =	vmul.f32 v17, v11;
	[tilespmem:v14+s21+$0x0] =	vst.idx.msk $0xffff, v7;
	v7 =	vor.u32 $0xC, v2  }
0xf8: {  	v12 =	vmul.f32 v17, v12;
	[tilespmem:v15+s21+$0x0] =	vst.idx.msk $0xffff, v6;
	v6 =	vor.u32 $0xD, v2  }
0xf9: {  	v3 =	vmul.f32 v16, v3;
	[tilespmem:v35+s21+$0x0] =	vst.idx.msk $0xffff, v11;
	v11 =	vor.u32 $0xE, v2  }
0xfa: {  	v5 =	vmul.f32 v16, v5;
	v2 =	vor.u32 $0xF, v2;
	[tilespmem:v36+s21+$0x0] =	vst.idx.msk $0xffff, v12  }
0xfb: {  	v4 =	vmul.f32 v16, v4;
	[tilespmem:v8+s21+$0x0] =	vst.idx.msk $0xffff, v3  }
0xfc: {  	v3 =	vmul.f32 v16, v9;
	[tilespmem:v7+s21+$0x0] =	vst.idx.msk $0xffff, v5  }
0xfd: {  	v5 =	vmul.f32 v16, v10;
	[tilespmem:v6+s21+$0x0] =	vst.idx.msk $0xffff, v4  }
0xfe: {  	s31 =	simm.s32 $0x80;
	[tilespmem:v11+s21+$0x0] =	vst.idx.msk $0xffff, v3  }
0xff: {  	[tilespmem:v2+s21+$0x0] =	vst.idx.msk $0xffff, v5;
	v2 =	vmov s31  }
0x100: {  	v2 =	vshll.u32 v2, $0x4  }
0x101: {  	s0 =	sshll.u32 s28, $0x9;
	v2 =	vor.u32 v0, v2  }
0x102: {  	s28 =	sand.u32 $0xFE00, s0;
	v13 =	vadd.s32 v1, v2  }
0x103: {  	s6 =	sor.u32 $0x80, s28;
	v5 =	vor.u32 $0x7, v13  }
0x104: {  	[spmem:s2] =	stream.indirect.scatter.add.f32 [tilespmem:s21], [sflag:$0x3], $0x10, s6, s31, $0xb8;
	v6 =	vor.u32 $0x3, v13;
	[tilespmem:$0x1DEC0] =	vst v63  }
0x105: {  	v12 =	vld [tilespmem:$0x5650];
	v10 =	vor.u32 $0xB, v13  }
0x106: {  	v16 =	vld [tilespmem:$0x56B0];
	v4 =	vor.u32 $0x9, v13  }
0x107: {  	v17 =	vld [tilespmem:$0x5640]  }
0x108: {  	v3 =	vld.idx.msk [tilespmem:v5+s19+$0x0], $0xffff  }
0x109: {  	v7 =	vor.u32 $0x8, v13;
	v11 =	vld.idx.msk [tilespmem:v6+s20+$0x0], $0xffff  }
0x10a: {  	v21 =	vld.idx.msk [tilespmem:v10+s20+$0x0], $0xffff  }
0x10b: {  	v8 =	vor.u32 $0x2, v13;
	v9 =	vld.idx.msk [tilespmem:v4+s20+$0x0], $0xffff  }
0x10c: {  	v4 =	vld.idx.msk [tilespmem:v4+s19+$0x0], $0xffff  }
0x10d: {  	v14 =	vld.idx.msk [tilespmem:v5+s20+$0x0], $0xffff  }
0x10e: {  	v22 =	vor.u32 $0x4, v13;
	v23 =	vld.idx.msk [tilespmem:v7+s20+$0x0], $0xffff  }
0x10f: {  	v5 =	vld.idx.msk [tilespmem:v7+s19+$0x0], $0xffff  }
0x110: {  	v25 =	vld.idx.msk [tilespmem:v8+s20+$0x0], $0xffff  }
0x111: {  	v8 =	vld.idx.msk [tilespmem:v8+s19+$0x0], $0xffff  }
0x112: {  	v7 =	vld.idx.msk [tilespmem:v6+s19+$0x0], $0xffff  }
0x113: {  	v6 =	vld.idx.msk [tilespmem:v22+s19+$0x0], $0xffff  }
0x114: {  	v22 =	vld.idx.msk [tilespmem:v22+s20+$0x0], $0xffff  }
0x115: {  	v10 =	vld.idx.msk [tilespmem:v10+s19+$0x0], $0xffff  }
0x116: {  	v18 =	vld [tilespmem:$0x5620];
	v24 =	vor.u32 $0xA, v13  }
0x117: {  	v15 =	vld [tilespmem:$0x5680];
	v26 =	vor.u32 $0x5, v13;
	v14 =	vadd.f32 v14, v3  }
0x118: {  	v19 =	vld [tilespmem:$0x5670];
	v27 =	vor.u32 $0x1, v13;
	v31 =	vadd.f32 v9, v4;
	v23 =	vadd.f32 v23, v5  }
0x119: {  	v20 =	vld [tilespmem:$0x5690];
	v29 =	vor.u32 $0x6, v13;
	v37 =	vadd.f32 v25, v8;
	v33 =	vadd.f32 v11, v7  }
0x11a: {  	v41 =	vld [tilespmem:$0x5630];
	v22 =	vadd.f32 v22, v6;
	v21 =	vadd.f32 v21, v10;
	v30 =	vmul.f32 $2.000000030e-01, v14  }
0x11b: {  	v28 =	vld.idx.msk [tilespmem:v24+s20+$0x0], $0xffff;
	vm0 =	vgt.f32 v14, $0.0e+00;
	v32 =	vmul.f32 $2.000000030e-01, v31;
	v39 =	vmul.f32 $2.000000030e-01, v23  }
0x11c: {  	v38 =	vld.idx.msk [tilespmem:v26+s20+$0x0], $0xffff;
	v34 =	vmul.f32 $2.000000030e-01, v37;
	vm8 =	vgt.f32 v23, $0.0e+00;
	vm1 =	vgt.f32 v31, $0.0e+00  }
0x11d: {  	v9 =	vld.idx.msk [tilespmem:v24+s19+$0x0], $0xffff;
	vm2 =	vgt.f32 v37, $0.0e+00;
	v35 =	vmul.f32 $2.000000030e-01, v33;
	vm9 =	vgt.f32 v33, $0.0e+00  }
0x11e: {  	v11 =	vld.idx.msk [tilespmem:v26+s19+$0x0], $0xffff;
	vm10 =	vgt.f32 v22, $0.0e+00;
	v46 =	vmul.f32 $2.000000030e-01, v22;
	vm3 =	vgt.f32 v21, $0.0e+00  }
0x11f: {  	v42 =	vld.idx.msk [tilespmem:v13+s20+$0x0], $0xffff;
	v47 =	vmul.f32 $2.000000030e-01, v21;
	v30 =	vsel vm0, v14, v30;
	v23 =	vsel vm8, v23, v39  }
0x120: {  	v14 =	vld.idx.msk [tilespmem:v13+s19+$0x0], $0xffff;
	v24 =	vsel vm2, v37, v34;
	v40 =	vsel vm1, v31, v32;
	v43 =	vsel vm9, v33, v35  }
0x121: {  	v44 =	vld.idx.msk [tilespmem:v27+s20+$0x0], $0xffff;
	v22 =	vsel vm10, v22, v46;
	v21 =	vsel vm3, v21, v47;
	v20 =	vmul.f32 v20, v40  }
0x122: {  	v45 =	vld.idx.msk [tilespmem:v29+s20+$0x0], $0xffff;
	v28 =	vadd.f32 v28, v9;
	v13 =	vmul.f32 v19, v30;
	v23 =	vmul.f32 v15, v23  }
0x123: {  	v25 =	vadd.f32 v38, v11;
	v15 =	vld.idx.msk [tilespmem:v27+s19+$0x0], $0xffff;
	v18 =	vmul.f32 v18, v24;
	v26 =	vmul.f32 v41, v43  }
0x124: {  	v17 =	vmul.f32 v17, v22;
	v16 =	vmul.f32 v16, v21;
	v23 =	vadd.f32 v23, v13;
	v13 =	vld.idx.msk [tilespmem:v29+s19+$0x0], $0xffff  }
0x125: {  	v52 =	vld [tilespmem:$0x5600];
	vm11 =	vgt.f32 v28, $0.0e+00;
	v49 =	vmul.f32 $2.000000030e-01, v25;
	v51 =	vadd.f32 v42, v14  }
0x126: {  	v48 =	vld [tilespmem:$0x56A0];
	vm12 =	vgt.f32 v25, $0.0e+00;
	v50 =	vmul.f32 $2.000000030e-01, v28;
	v18 =	vadd.f32 v26, v18  }
0x127: {  	v20 =	vadd.f32 v20, v23;
	v53 =	vsel vm12, v25, v49;
	v54 =	vmul.f32 $2.000000030e-01, v51  }
0x128: {  	v56 =	vld [tilespmem:$0x5610];
	v55 =	vsel vm11, v28, v50;
	v19 =	vadd.f32 v44, v15;
	vm13 =	vgt.f32 v51, $0.0e+00  }
0x129: {  	v58 =	vld [tilespmem:$0x5660];
	v12 =	vmul.f32 v12, v53;
	v57 =	vadd.f32 v45, v13;
	v21 =	vsel vm13, v51, v54  }
0x12a: {  	v17 =	vadd.f32 v17, v18;
	v59 =	vmul.f32 $2.000000030e-01, v19;
	v21 =	vmul.f32 v52, v21  }
0x12b: {  	v23 =	vmul.f32 v48, v55;
	vm14 =	vgt.f32 v19, $0.0e+00;
	v60 =	vmul.f32 $2.000000030e-01, v57  }
0x12c: {  	vm15 =	vgt.f32 v57, $0.0e+00;
	v19 =	vsel vm14, v19, v59;
	v63 =	vmul.f32 $1.442695020e+00, v21  }
0x12d: {  	v61 =	vadd.f32 v23, v20;
	v19 =	vmul.f32 v56, v19;
	v62 =	vsel vm15, v57, v60  }
0x12e: {  	v12 =	vadd.f32 v12, v17;
	v17 =	vmul.f32 v58, v62;
	(erf) = vpow2.f32 v63  }
0x12f: {  	v16 =	vadd.f32 v16, v61;
	v19 =	vmul.f32 $1.442695020e+00, v19  }
0x130: {  	v12 =	vadd.f32 v17, v12  }
0x131: {  	v16 =	vmul.f32 $1.442695020e+00, v16;
	(erf) = vpow2.f32 v19  }
0x132: {  	v17 =	vmul.f32 $1.442695020e+00, v12  }
0x133: {  	(erf) = vpow2.f32 v16  }
0x134: {  	(erf) = vpow2.f32 v17  }
0x135: {  	s29 =	simm.s32 $0x90;
	v12 =	vor.u32 $0x1, v2  }
.LBB2_12:
0x136: {  	p0 =	sne.s32 s29, $0xF0;
	s30 =	smov.u32 s29;
	s29 =	sadd.s32 $0x10, s29  }
0x137: {  	v16 =	vor.u32 $0x2, v2;
	v17 =	vpop (erf)  }
0x138: {  	v14 =	vmul.f32 v17, v14;
	[tilespmem:v2+s21+$0x0] =	vst.idx.msk $0xffff, v17;
	v17 =	vor.u32 $0x3, v2  }
0x139: {  	v18 =	vor.u32 $0x4, v2  }
0x13a: {  	v19 =	vor.u32 $0x5, v2;
	v20 =	vpop (erf)  }
0x13b: {  	v15 =	vmul.f32 v20, v15;
	[tilespmem:v12+s21+$0x0] =	vst.idx.msk $0xffff, v20;
	v12 =	vor.u32 $0x6, v2  }
0x13c: {  	[tilespmem:v16+s21+$0x0] =	vst.idx.msk $0xffff, v14;
	v14 =	vor.u32 $0x7, v2;
	v16 =	vpop (erf)  }
0x13d: {  	v9 =	vmul.f32 v16, v9;
	[tilespmem:v17+s21+$0x0] =	vst.idx.msk $0xffff, v15;
	v15 =	vor.u32 $0x8, v2;
	v17 =	vpop (erf)  }
0x13e: {  	v3 =	vmul.f32 v16, v3;
	v8 =	vmul.f32 v17, v8;
	[tilespmem:v18+s21+$0x0] =	vst.idx.msk $0xffff, v17;
	v18 =	vor.u32 $0x9, v2  }
0x13f: {  	v4 =	vmul.f32 v16, v4;
	v7 =	vmul.f32 v17, v7;
	[tilespmem:v19+s21+$0x0] =	vst.idx.msk $0xffff, v16;
	v19 =	vor.u32 $0xA, v2  }
0x140: {  	v10 =	vmul.f32 v16, v10;
	v6 =	vmul.f32 v17, v6;
	[tilespmem:v12+s21+$0x0] =	vst.idx.msk $0xffff, v8;
	v8 =	vor.u32 $0xB, v2  }
0x141: {  	v5 =	vmul.f32 v16, v5;
	v11 =	vmul.f32 v17, v11;
	[tilespmem:v14+s21+$0x0] =	vst.idx.msk $0xffff, v7;
	v7 =	vor.u32 $0xC, v2  }
0x142: {  	v12 =	vmul.f32 v17, v13;
	[tilespmem:v15+s21+$0x0] =	vst.idx.msk $0xffff, v6;
	v6 =	vor.u32 $0xD, v2  }
0x143: {  	[tilespmem:v18+s21+$0x0] =	vst.idx.msk $0xffff, v11;
	v11 =	vor.u32 $0xE, v2  }
0x144: {  	v2 =	vor.u32 $0xF, v2;
	[tilespmem:v19+s21+$0x0] =	vst.idx.msk $0xffff, v12  }
0x145: {  	[tilespmem:v8+s21+$0x0] =	vst.idx.msk $0xffff, v3  }
0x146: {  	[tilespmem:v7+s21+$0x0] =	vst.idx.msk $0xffff, v5  }
0x147: {  	[tilespmem:v6+s21+$0x0] =	vst.idx.msk $0xffff, v4  }
0x148: {  	v3 =	vmov s30;
	[tilespmem:v11+s21+$0x0] =	vst.idx.msk $0xffff, v9  }
0x149: {  	v3 =	vshll.u32 v3, $0x4;
	[tilespmem:v2+s21+$0x0] =	vst.idx.msk $0xffff, v10  }
0x14a: {  	v2 =	vor.u32 v0, v3;
	v16 =	vld [tilespmem:$0x5650]  }
0x14b: {  	v13 =	vadd.s32 v1, v2;
	v12 =	vor.u32 $0x1, v2;
	v17 =	vld [tilespmem:$0x56B0]  }
0x14c: {  	v6 =	vor.u32 $0x2, v13;
	v7 =	vor.u32 $0x3, v13;
	v5 =	vor.u32 $0x7, v13;
	v18 =	vld [tilespmem:$0x5640]  }
0x14d: {  	v9 =	vor.u32 $0x4, v13;
	v8 =	vor.u32 $0x8, v13;
	v4 =	vor.u32 $0x9, v13;
	v19 =	vld [tilespmem:$0x5620]  }
0x14e: {  	v15 =	vor.u32 $0x1, v13;
	v10 =	vor.u32 $0xA, v13;
	v14 =	vor.u32 $0xB, v13;
	v20 =	vld [tilespmem:$0x5680]  }
0x14f: {  	v21 =	vor.u32 $0x6, v13;
	v22 =	vld [tilespmem:$0x5670]  }
0x150: {  	v23 =	vld [tilespmem:$0x5690]  }
0x151: {  	v3 =	vld.idx.msk [tilespmem:v5+s19+$0x0], $0xffff  }
0x152: {  	v24 =	vld.idx.msk [tilespmem:v7+s20+$0x0], $0xffff  }
0x153: {  	v25 =	vld.idx.msk [tilespmem:v14+s20+$0x0], $0xffff  }
0x154: {  	v11 =	vld.idx.msk [tilespmem:v4+s20+$0x0], $0xffff  }
0x155: {  	v4 =	vld.idx.msk [tilespmem:v4+s19+$0x0], $0xffff  }
0x156: {  	v26 =	vld.idx.msk [tilespmem:v5+s20+$0x0], $0xffff  }
0x157: {  	v27 =	vld.idx.msk [tilespmem:v8+s20+$0x0], $0xffff  }
0x158: {  	v5 =	vld.idx.msk [tilespmem:v8+s19+$0x0], $0xffff  }
0x159: {  	v28 =	vld.idx.msk [tilespmem:v6+s20+$0x0], $0xffff  }
0x15a: {  	v8 =	vld.idx.msk [tilespmem:v6+s19+$0x0], $0xffff  }
0x15b: {  	v29 =	vor.u32 $0x5, v13;
	v7 =	vld.idx.msk [tilespmem:v7+s19+$0x0], $0xffff  }
0x15c: {  	v26 =	vadd.f32 v26, v3;
	v6 =	vld.idx.msk [tilespmem:v9+s19+$0x0], $0xffff  }
0x15d: {  	v30 =	vld.idx.msk [tilespmem:v10+s20+$0x0], $0xffff  }
0x15e: {  	v33 =	vadd.f32 v11, v4;
	v32 =	vmul.f32 $2.000000030e-01, v26;
	v27 =	vadd.f32 v27, v5;
	v31 =	vld.idx.msk [tilespmem:v9+s20+$0x0], $0xffff  }
0x15f: {  	vm0 =	vgt.f32 v26, $0.0e+00;
	v9 =	vld.idx.msk [tilespmem:v10+s19+$0x0], $0xffff  }
0x160: {  	v35 =	vmul.f32 $2.000000030e-01, v33;
	v28 =	vadd.f32 v28, v8;
	v34 =	vld.idx.msk [tilespmem:v29+s20+$0x0], $0xffff  }
0x161: {  	v26 =	vsel vm0, v26, v32;
	v24 =	vadd.f32 v24, v7;
	v11 =	vld.idx.msk [tilespmem:v29+s19+$0x0], $0xffff;
	v29 =	vmul.f32 $2.000000030e-01, v27  }
0x162: {  	vm1 =	vgt.f32 v33, $0.0e+00;
	vm0 =	vgt.f32 v27, $0.0e+00;
	v32 =	vmul.f32 $2.000000030e-01, v28;
	v10 =	vld.idx.msk [tilespmem:v14+s19+$0x0], $0xffff  }
0x163: {  	vm2 =	vgt.f32 v28, $0.0e+00;
	v36 =	vmul.f32 $2.000000030e-01, v24;
	v14 =	vld.idx.msk [tilespmem:v13+s19+$0x0], $0xffff;
	v27 =	vsel vm0, v27, v29  }
0x164: {  	v28 =	vsel vm2, v28, v32;
	vm0 =	vgt.f32 v24, $0.0e+00;
	v29 =	vsel vm1, v33, v35;
	v32 =	vld [tilespmem:$0x5630]  }
0x165: {  	v31 =	vadd.f32 v31, v6;
	v30 =	vadd.f32 v30, v9;
	v23 =	vmul.f32 v23, v29;
	v33 =	vld.idx.msk [tilespmem:v13+s20+$0x0], $0xffff  }
0x166: {  	v24 =	vsel vm0, v24, v36;
	v20 =	vmul.f32 v20, v27;
	v13 =	vmul.f32 v22, v26;
	v29 =	vld.idx.msk [tilespmem:v15+s20+$0x0], $0xffff  }
0x167: {  	v19 =	vmul.f32 v19, v28;
	vm0 =	vgt.f32 v31, $0.0e+00;
	v22 =	vadd.f32 v34, v11;
	v15 =	vld.idx.msk [tilespmem:v15+s19+$0x0], $0xffff  }
0x168: {  	vm1 =	vgt.f32 v30, $0.0e+00;
	v25 =	vadd.f32 v25, v10;
	v20 =	vadd.f32 v20, v13;
	v26 =	vld.idx.msk [tilespmem:v21+s20+$0x0], $0xffff  }
0x169: {  	vm2 =	vgt.f32 v22, $0.0e+00;
	v13 =	vld.idx.msk [tilespmem:v21+s19+$0x0], $0xffff;
	v21 =	vmul.f32 $2.000000030e-01, v31;
	v24 =	vmul.f32 v32, v24  }
0x16a: {  	vm3 =	vgt.f32 v25, $0.0e+00;
	v27 =	vmul.f32 $2.000000030e-01, v25;
	v20 =	vadd.f32 v23, v20;
	v23 =	vld [tilespmem:$0x56A0]  }
0x16b: {  	v28 =	vmul.f32 $2.000000030e-01, v22;
	v21 =	vsel vm0, v31, v21;
	v31 =	vmul.f32 $2.000000030e-01, v30  }
0x16c: {  	v32 =	vadd.f32 v33, v14;
	v25 =	vsel vm3, v25, v27;
	v27 =	vld [tilespmem:$0x5600];
	v18 =	vmul.f32 v18, v21  }
0x16d: {  	v22 =	vsel vm2, v22, v28;
	v21 =	vadd.f32 v29, v15;
	v17 =	vmul.f32 v17, v25  }
0x16e: {  	v16 =	vmul.f32 v16, v22;
	v25 =	vmul.f32 $2.000000030e-01, v32;
	v28 =	vsel vm1, v30, v31  }
0x16f: {  	vm0 =	vgt.f32 v32, $0.0e+00;
	v22 =	vadd.f32 v26, v13;
	v26 =	vld [tilespmem:$0x5610];
	v23 =	vmul.f32 v23, v28  }
0x170: {  	v19 =	vadd.f32 v24, v19;
	v25 =	vsel vm0, v32, v25;
	vm0 =	vgt.f32 v21, $0.0e+00;
	v24 =	vld [tilespmem:$0x5660]  }
0x171: {  	v28 =	vmul.f32 $2.000000030e-01, v21;
	v25 =	vmul.f32 v27, v25;
	v20 =	vadd.f32 v23, v20  }
0x172: {  	v18 =	vadd.f32 v18, v19;
	vm1 =	vgt.f32 v22, $0.0e+00;
	v23 =	vmul.f32 $2.000000030e-01, v22  }
0x173: {  	v19 =	vsel vm0, v21, v28;
	v17 =	vadd.f32 v17, v20;
	v20 =	vmul.f32 $1.442695020e+00, v25  }
0x174: {  	v16 =	vadd.f32 v16, v18;
	v21 =	vsel vm1, v22, v23;
	v19 =	vmul.f32 v26, v19  }
0x175: {  	v18 =	vmul.f32 v24, v21;
	(erf) = vpow2.f32 v20  }
0x176: {  	v17 =	vmul.f32 $1.442695020e+00, v17;
	v19 =	vmul.f32 $1.442695020e+00, v19  }
.Ltmp11:
0x177: {  	v16 =	vadd.f32 v18, v16;
	(pc) =	sbr.rel @p0 .LBB2_12-.Ltmp11, $4  }
0x178: {  	(erf) = vpow2.f32 v19  }
0x179: {  	v16 =	vmul.f32 $1.442695020e+00, v16  }
0x17a: {  	(erf) = vpow2.f32 v17  }
0x17b: {  	(erf) = vpow2.f32 v16  }
.Ltmp12:
0x17c: {  	_ = 	snop;
	(pc) =	sbr.rel .LBB2_13-.Ltmp12, $1  }
0x17d: {  	_ =	sdelay $0x3  }
.LBB2_16:
0x17e: {  	_ =	sfence.sel $0x180000  }
0x17f: {  	[bflag:$0x0] =	sbarrier.arrive $0xFFFF  }
0x180: {  	_ =	strace $0x90000047  }
0x181: {  	s0 =	stileid.u32;
	[bflag:$0x2] =	sbarrier.arrive $0xFFFF  }
0x182: {  	p0 =	sne.s32 s0, $0x0;
	s0 =	rddreg [dreg:$0x3]  }
0x183: {  	s0 =	sadd.s32 @!p0 $0x100000, s0  }
0x184: {  	[sflag:s0] =	ssyncadd.tile.s32 @!p0 $0x1;
	_ =	shalt  }
.Lfunc_end2:
_tile_overlayer_lowered:
.L_overlay_start_2:
0x185: {  	(tag) =	ssettag $0x2  }
0x186: {  	s0 =	rddreg [dreg:$0x0];
	s2 =	stileid.u32  }
0x187: {  	s1 =	rddreg [dreg:$0x1];
	p0 =	sne.s32 s2, $0x0  }
0x188: {  	s3 =	rddreg [dreg:$0x2];
	[bflag:$0x3] =	sbarrier.arrive $0xFFFF;
	s2 =	simm.s32 @!p0 $0x1C04  }
0x189: {  	[timem:s3], [sflag:s2] =	dma.local @!p0 [hbm:s0], s1  }
0x18a: {  	s0 =	simm.s32 @!p0 $0x4  }
0x18b: {  	_ =	swait.ge @!p0 [sflag:s0], s1  }
0x18c: {  	s1 =	ssub.s32 @!p0 $0x0, s1;
	[sflag:s0] =	ssyncset.done @!p0 $0x0  }
0x18d: {  	[sflag:s0] =	ssyncadd.s32 @!p0 s1  }
0x18e: {  	[bflag:$0x3] =	sbarrier.arrive $0xFFFF  }
0x18f: {  	_ =	shalt  }

</sc_bundles>
